<compile_context>
chip_gen: v7x
topology: tpu7x:2x2x1
jax: 0.10.2.dev20260603
libtpu: 0.0.44.dev20260713+nightly
codegen_flags: <defaults>
</compile_context>

<pallas_src>
import functools

import jax
import jax.numpy as jnp
from jax import lax
from jax.experimental import pallas as pl
from jax.experimental.pallas import tpu as pltpu
from jax.experimental.pallas import tpu_sc as plsc

D = 64
BATCH = 4096
HIST = 200
HB = BATCH // 2
B = BATCH * HIST
SPLITS = (50, 50, 50, 50)
assert sum(SPLITS) == HIST and all(s % 2 == 0 for s in SPLITS)
NSPLIT = len(SPLITS)
H0S = tuple(sum(SPLITS[:i]) for i in range(NSPLIT))
NC, NS = 2, 16
NW = NC * NS
CH = 256
assert HB % CH == 0


def _ring_depth(nch):
    for nb in (6, 5, 4, 3, 2):
        if nch % nb == 0:
            return nb
    return 1

_mesh = plsc.VectorSubcoreMesh(core_axis_name="c", subcore_axis_name="s")


def _make_sc_gather(h0, hn):
    bs = hn * BATCH
    b_per_w = bs // NW
    nch = b_per_w // CH
    assert b_per_w % CH == 0
    nb = _ring_depth(nch)

    @functools.partial(
        pl.kernel,
        mesh=_mesh,
        out_type=jax.ShapeDtypeStruct((bs // 2, 2 * D), jnp.float32),
        scratch_types=[
            pltpu.VMEM((b_per_w,), jnp.int32),
        ]
        + [pltpu.VMEM((CH, D), jnp.float32)] * nb
        + [pltpu.SemaphoreType.DMA] * (2 * nb),
        compiler_params=pltpu.CompilerParams(use_tc_tiling_on_sc=False),
    )
    def _sc_gather(idx_hbm, table_hbm, out_hbm, idx_all, *bufs):
        rows = bufs[:nb]
        sg = bufs[nb:2 * nb]
        sw = bufs[2 * nb:3 * nb]

        wid = lax.axis_index("s") * NC + lax.axis_index("c")
        base = h0 * BATCH + wid * b_per_w

        pltpu.sync_copy(idx_hbm.at[pl.ds(base, b_per_w)], idx_all)

        def gather_desc(c, b):
            return pltpu.make_async_copy(
                table_hbm.at[idx_all.at[pl.ds(c * CH, CH)]], rows[b], sg[b])

        def write_desc(c, b):
            q0 = base + c * CH
            h = q0 // BATCH - h0
            p0 = q0 % BATCH
            s = p0 // HB
            r0_ = p0 % HB
            drow = pl.multiple_of(h * HB + r0_, CH)
            dcol = pl.multiple_of(s * D, D)
            return pltpu.make_async_copy(
                rows[b], out_hbm.at[pl.ds(drow, CH), pl.ds(dcol, D)], sw[b])

        for b in range(nb):
            gather_desc(b, b).start()

        def body(it, carry):
            g = it * nb
            for b in range(nb):
                c = g + b
                gather_desc(c, b).wait()
                write_desc(c, b).start()
            for b in range(nb):
                c = g + b
                write_desc(c, b).wait()

                @pl.when(c + nb < nch)
                def _():
                    gather_desc(c + nb, b).start()

            return carry

        lax.fori_loop(0, nch // nb, body, 0)

    return _sc_gather


_sc_gather_halves = tuple(_make_sc_gather(H0S[i], SPLITS[i]) for i in range(NSPLIT))


def _tc_transpose_body_first(g_ref, o_ref):
    xt = g_ref[...].T
    o_ref[0, :, 0:HB] = xt[0:D, 0:HB]
    o_ref[0, :, HB:BATCH] = xt[D:2 * D, 0:HB]
    o_ref[1, :, 0:HB] = xt[0:D, HB:BATCH]
    o_ref[1, :, HB:BATCH] = xt[D:2 * D, HB:BATCH]


def _tc_transpose_body_rest(g_ref, _prev_ref, o_ref):
    _tc_transpose_body_first(g_ref, o_ref)


def _make_tc_transpose(split, first):
    kb = H0S[split] // 2
    grid = SPLITS[split] // 2
    if first:
        return pl.pallas_call(
            _tc_transpose_body_first,
            grid=(grid,),
            in_specs=[pl.BlockSpec((BATCH, 2 * D), lambda k: (k, 0))],
            out_specs=pl.BlockSpec((2, D, BATCH), lambda k: (k + kb, 0, 0)),
            out_shape=jax.ShapeDtypeStruct((HIST, D, BATCH), jnp.float32),
        )
    return pl.pallas_call(
        _tc_transpose_body_rest,
        grid=(grid,),
        in_specs=[
            pl.BlockSpec((BATCH, 2 * D), lambda k: (k, 0)),
            pl.BlockSpec(memory_space=pl.ANY),
        ],
        out_specs=pl.BlockSpec((2, D, BATCH), lambda k: (k + kb, 0, 0)),
        out_shape=jax.ShapeDtypeStruct((HIST, D, BATCH), jnp.float32),
        input_output_aliases={1: 0},
    )


_tc_first = _make_tc_transpose(0, True)
_tc_rest = tuple(_make_tc_transpose(i, False) for i in range(1, NSPLIT))


def kernel(matched_word_ids, word_embedding_weight):
    idx_t = matched_word_ids.T.reshape(-1).astype(jnp.int32)
    g2s = [f(idx_t, word_embedding_weight) for f in _sc_gather_halves]
    out_t = _tc_first(g2s[0])
    for i in range(1, NSPLIT):
        out_t = _tc_rest[i - 1](g2s[i], out_t)
    return jnp.transpose(out_t, (2, 0, 1))

# --- scband reference (transcript-rebuilt; emitter-appended) ---
"""Pipeline reference for scband-word-embeddings-33938831573322 (READ-ONLY COPY).

The authoritative reference and input builder live on the scoring server;
editing this copy changes nothing except your own understanding.
"""

import jax, jax.numpy as jnp
import numpy as np

VOCAB = 100000
EMBED_DIM = 64
BATCH = 4096
HIST = 200

def setup_inputs(seed: int = 0) -> dict:
    key = jax.random.key(seed)
    k1, k2 = jax.random.split(key)
    word_embedding_weight = jax.random.normal(k1, (VOCAB, EMBED_DIM), dtype=jnp.float32)
    matched_word_ids = jax.random.randint(k2, (BATCH, HIST), 0, VOCAB, dtype=jnp.int64 if jax.config.read('jax_enable_x64') else jnp.int32)
    return {"matched_word_ids": matched_word_ids, "word_embedding_weight": word_embedding_weight}

def reference(matched_word_ids, word_embedding_weight):
    # Faithful translation of nn.Embedding lookup: table[idx]
    word_embedding = jnp.take(word_embedding_weight, matched_word_ids, axis=0)
    return word_embedding

if __name__ == "__main__":
    import jax
    _d = setup_inputs()
    print(jax.jit(kernel)(*tuple(_d.values())))

</pallas_src>

<mosaic_0001>
#map = affine_map<(d0, d1) -> (0)>
#map1 = affine_map<(d0, d1) -> (0, 0)>
module attributes {stable_mosaic.version = 14 : i64} {
  func.func @_sc_gather(%arg0: i32, %arg1: i32, %arg2: memref<819200xi32, #tpu.memory_space<hbm>>, %arg3: memref<100000x64xf32, #tpu.memory_space<hbm>>, %arg4: memref<102400x128xf32, #tpu.memory_space<hbm>>, %arg5: memref<6400xi32, #tpu.memory_space<vmem>>, %arg6: memref<256x64xf32, #tpu.memory_space<vmem>>, %arg7: memref<256x64xf32, #tpu.memory_space<vmem>>, %arg8: memref<256x64xf32, #tpu.memory_space<vmem>>, %arg9: memref<256x64xf32, #tpu.memory_space<vmem>>, %arg10: memref<256x64xf32, #tpu.memory_space<vmem>>, %arg11: memref<!tpu.dma_semaphore, #tpu.memory_space<semaphore_mem>>, %arg12: memref<!tpu.dma_semaphore, #tpu.memory_space<semaphore_mem>>, %arg13: memref<!tpu.dma_semaphore, #tpu.memory_space<semaphore_mem>>, %arg14: memref<!tpu.dma_semaphore, #tpu.memory_space<semaphore_mem>>, %arg15: memref<!tpu.dma_semaphore, #tpu.memory_space<semaphore_mem>>, %arg16: memref<!tpu.dma_semaphore, #tpu.memory_space<semaphore_mem>>, %arg17: memref<!tpu.dma_semaphore, #tpu.memory_space<semaphore_mem>>, %arg18: memref<!tpu.dma_semaphore, #tpu.memory_space<semaphore_mem>>, %arg19: memref<!tpu.dma_semaphore, #tpu.memory_space<semaphore_mem>>, %arg20: memref<!tpu.dma_semaphore, #tpu.memory_space<semaphore_mem>>) attributes {dimension_semantics = [#tpu.dimension_semantics<core_parallel>, #tpu.dimension_semantics<subcore_parallel>], iteration_bounds = array<i64: 2, 16>, scalar_prefetch = 0 : i64, scratch_operands = 16 : i64, tpu.core_type = #tpu.core_type<sc_vector_subcore>, window_params = [{transform_indices = #map}, {transform_indices = #map1}, {transform_indices = #map1}]} {
    %mul3A = arith.constant 2 : i32
    %mul3A_0 = arith.muli %arg1, %mul3A : i32
    %add3A = arith.addi %mul3A_0, %arg0 : i32
    %mul3A_1 = arith.constant 6400 : i32
    %mul3A_2 = arith.muli %add3A, %mul3A_1 : i32
    %add3A_3 = arith.constant 204800 : i32
    %add3A_4 = arith.addi %add3A_3, %mul3A_2 : i32
    "tpu.region"() ({
      %run_scoped3A = tpu.sem_alloc : memref<!tpu.dma_semaphore, #tpu.memory_space<semaphore_mem>>
      %dma_start3A_34 = tpu.memref_slice %arg2[%add3A_4] : memref<819200xi32, #tpu.memory_space<hbm>> -> memref<6400xi32, #tpu.memory_space<hbm>>
      %dma_start3A_35 = tpu.memref_slice %arg2[%add3A_4] : memref<819200xi32, #tpu.memory_space<hbm>> -> memref<6400xi32, #tpu.memory_space<hbm>>
      tpu.enqueue_dma source(%dma_start3A_35 : memref<6400xi32, #tpu.memory_space<hbm>>) target(%arg5 : memref<6400xi32, #tpu.memory_space<vmem>>) target_semaphore(%run_scoped3A : memref<!tpu.dma_semaphore, #tpu.memory_space<semaphore_mem>>)
      %dma_wait3A = tpu.memref_slice %arg2[%add3A_4] : memref<819200xi32, #tpu.memory_space<hbm>> -> memref<6400xi32, #tpu.memory_space<hbm>>
      %dma_wait3A_36 = tpu.memref_slice %arg2[%add3A_4] : memref<819200xi32, #tpu.memory_space<hbm>> -> memref<6400xi32, #tpu.memory_space<hbm>>
      tpu.wait_dma2 semaphore(%run_scoped3A : memref<!tpu.dma_semaphore, #tpu.memory_space<semaphore_mem>>) src(%dma_wait3A_36 : memref<6400xi32, #tpu.memory_space<hbm>>) dst(%arg5 : memref<6400xi32, #tpu.memory_space<vmem>>)
      tpu.yield
    }) : () -> ()
    %dma_start3A = arith.constant 0 : i32
    %dma_start3A_5 = tpu.memref_slice %arg5[%dma_start3A] : memref<6400xi32, #tpu.memory_space<vmem>> -> memref<256xi32, #tpu.memory_space<vmem>>
    %dma_start3A_6 = arith.constant 0 : i32
    %dma_start3A_7 = arith.constant 0 : i32
    %dma_start3A_8 = tpu.memref_slice %arg3[%dma_start3A_6, %dma_start3A_7] : memref<100000x64xf32, #tpu.memory_space<hbm>> -> memref<100000x64xf32, #tpu.memory_space<hbm>>
    tpu.enqueue_indirect_dma source(%dma_start3A_8 : memref<100000x64xf32, #tpu.memory_space<hbm>>) target(%arg6 : memref<256x64xf32, #tpu.memory_space<vmem>>) offsets(%dma_start3A_5 : memref<256xi32, #tpu.memory_space<vmem>>) semaphore(%arg11 : memref<!tpu.dma_semaphore, #tpu.memory_space<semaphore_mem>>)
    %dma_start3A_9 = arith.constant 256 : i32
    %dma_start3A_10 = tpu.memref_slice %arg5[%dma_start3A_9] : memref<6400xi32, #tpu.memory_space<vmem>> -> memref<256xi32, #tpu.memory_space<vmem>>
    %dma_start3A_11 = arith.constant 0 : i32
    %dma_start3A_12 = arith.constant 0 : i32
    %dma_start3A_13 = tpu.memref_slice %arg3[%dma_start3A_11, %dma_start3A_12] : memref<100000x64xf32, #tpu.memory_space<hbm>> -> memref<100000x64xf32, #tpu.memory_space<hbm>>
    tpu.enqueue_indirect_dma source(%dma_start3A_13 : memref<100000x64xf32, #tpu.memory_space<hbm>>) target(%arg7 : memref<256x64xf32, #tpu.memory_space<vmem>>) offsets(%dma_start3A_10 : memref<256xi32, #tpu.memory_space<vmem>>) semaphore(%arg12 : memref<!tpu.dma_semaphore, #tpu.memory_space<semaphore_mem>>)
    %dma_start3A_14 = arith.constant 512 : i32
    %dma_start3A_15 = tpu.memref_slice %arg5[%dma_start3A_14] : memref<6400xi32, #tpu.memory_space<vmem>> -> memref<256xi32, #tpu.memory_space<vmem>>
    %dma_start3A_16 = arith.constant 0 : i32
    %dma_start3A_17 = arith.constant 0 : i32
    %dma_start3A_18 = tpu.memref_slice %arg3[%dma_start3A_16, %dma_start3A_17] : memref<100000x64xf32, #tpu.memory_space<hbm>> -> memref<100000x64xf32, #tpu.memory_space<hbm>>
    tpu.enqueue_indirect_dma source(%dma_start3A_18 : memref<100000x64xf32, #tpu.memory_space<hbm>>) target(%arg8 : memref<256x64xf32, #tpu.memory_space<vmem>>) offsets(%dma_start3A_15 : memref<256xi32, #tpu.memory_space<vmem>>) semaphore(%arg13 : memref<!tpu.dma_semaphore, #tpu.memory_space<semaphore_mem>>)
    %dma_start3A_19 = arith.constant 768 : i32
    %dma_start3A_20 = tpu.memref_slice %arg5[%dma_start3A_19] : memref<6400xi32, #tpu.memory_space<vmem>> -> memref<256xi32, #tpu.memory_space<vmem>>
    %dma_start3A_21 = arith.constant 0 : i32
    %dma_start3A_22 = arith.constant 0 : i32
    %dma_start3A_23 = tpu.memref_slice %arg3[%dma_start3A_21, %dma_start3A_22] : memref<100000x64xf32, #tpu.memory_space<hbm>> -> memref<100000x64xf32, #tpu.memory_space<hbm>>
    tpu.enqueue_indirect_dma source(%dma_start3A_23 : memref<100000x64xf32, #tpu.memory_space<hbm>>) target(%arg9 : memref<256x64xf32, #tpu.memory_space<vmem>>) offsets(%dma_start3A_20 : memref<256xi32, #tpu.memory_space<vmem>>) semaphore(%arg14 : memref<!tpu.dma_semaphore, #tpu.memory_space<semaphore_mem>>)
    %dma_start3A_24 = arith.constant 1024 : i32
    %dma_start3A_25 = tpu.memref_slice %arg5[%dma_start3A_24] : memref<6400xi32, #tpu.memory_space<vmem>> -> memref<256xi32, #tpu.memory_space<vmem>>
    %dma_start3A_26 = arith.constant 0 : i32
    %dma_start3A_27 = arith.constant 0 : i32
    %dma_start3A_28 = tpu.memref_slice %arg3[%dma_start3A_26, %dma_start3A_27] : memref<100000x64xf32, #tpu.memory_space<hbm>> -> memref<100000x64xf32, #tpu.memory_space<hbm>>
    tpu.enqueue_indirect_dma source(%dma_start3A_28 : memref<100000x64xf32, #tpu.memory_space<hbm>>) target(%arg10 : memref<256x64xf32, #tpu.memory_space<vmem>>) offsets(%dma_start3A_25 : memref<256xi32, #tpu.memory_space<vmem>>) semaphore(%arg15 : memref<!tpu.dma_semaphore, #tpu.memory_space<semaphore_mem>>)
    %scan3A = arith.constant 0 : i32
    %scan3A_29 = arith.constant 0 : i32
    %scan3A_30 = arith.constant 5 : i32
    %scan3A_31 = arith.addi %scan3A_29, %scan3A_30 : i32
    %scan3A_32 = arith.constant 1 : i32
    scf.for %scan3A_34 = %scan3A_29 to %scan3A_31 step %scan3A_32  : i32 {
      %mul3A_35 = arith.constant 5 : i32
      %mul3A_36 = arith.muli %scan3A_34, %mul3A_35 : i32
      %add3A_37 = arith.constant 0 : i32
      %add3A_38 = arith.addi %mul3A_36, %add3A_37 : i32
      %mul3A_39 = arith.constant 256 : i32
      %mul3A_40 = arith.muli %add3A_38, %mul3A_39 : i32
      %dma_wait3A = tpu.memref_slice %arg5[%mul3A_40] : memref<6400xi32, #tpu.memory_space<vmem>> -> memref<256xi32, #tpu.memory_space<vmem>>
      %dma_wait3A_41 = arith.constant 0 : i32
      %dma_wait3A_42 = arith.constant 0 : i32
      %dma_wait3A_43 = tpu.memref_slice %arg3[%dma_wait3A_41, %dma_wait3A_42] : memref<100000x64xf32, #tpu.memory_space<hbm>> -> memref<100000x64xf32, #tpu.memory_space<hbm>>
      tpu.wait_indirect_dma semaphore(%arg11 : memref<!tpu.dma_semaphore, #tpu.memory_space<semaphore_mem>>) src(%dma_wait3A_43 : memref<100000x64xf32, #tpu.memory_space<hbm>>) dst(%arg6 : memref<256x64xf32, #tpu.memory_space<vmem>>)
      %mul3A_44 = arith.constant 256 : i32
      %mul3A_45 = arith.muli %add3A_38, %mul3A_44 : i32
      %add3A_46 = arith.addi %add3A_4, %mul3A_45 : i32
      %jit3A = arith.constant 4096 : i32
      %div3A = arith.divsi %add3A_46, %jit3A : i32
      %sign3A = arith.constant 0 : i32
      %sign3A_47 = arith.cmpi sgt, %add3A_46, %sign3A : i32
      %sign3A_48 = arith.extui %sign3A_47 : i1 to i32
      %sign3A_49 = arith.constant 0 : i32
      %sign3A_50 = arith.cmpi slt, %add3A_46, %sign3A_49 : i32
      %sign3A_51 = arith.extui %sign3A_50 : i1 to i32
      %sign3A_52 = arith.subi %sign3A_48, %sign3A_51 : i32
      %sign3A_53 = arith.constant 0 : i32
      %sign3A_54 = arith.cmpi sgt, %jit3A, %sign3A_53 : i32
      %sign3A_55 = arith.extui %sign3A_54 : i1 to i32
      %sign3A_56 = arith.constant 0 : i32
      %sign3A_57 = arith.cmpi slt, %jit3A, %sign3A_56 : i32
      %sign3A_58 = arith.extui %sign3A_57 : i1 to i32
      %sign3A_59 = arith.subi %sign3A_55, %sign3A_58 : i32
      %ne3A = arith.cmpi ne, %sign3A_52, %sign3A_59 : i32
      %rem3A = arith.remsi %add3A_46, %jit3A : i32
      %ne3A_60 = arith.constant 0 : i32
      %ne3A_61 = arith.cmpi ne, %rem3A, %ne3A_60 : i32
      %and3A = arith.andi %ne3A, %ne3A_61 : i1
      %sub3A = arith.constant 1 : i32
      %sub3A_62 = arith.subi %div3A, %sub3A : i32
      %select_n3A = arith.select %and3A, %sub3A_62, %div3A : i32
      %sub3A_63 = arith.constant 50 : i32
      %sub3A_64 = arith.subi %select_n3A, %sub3A_63 : i32
      %jit3A_65 = arith.constant 4096 : i32
      %eq3A = arith.constant 0 : i32
      %eq3A_66 = arith.cmpi eq, %jit3A_65, %eq3A : i32
      %jit3A_67 = arith.constant 1 : i32
      %select_n3A_68 = arith.select %eq3A_66, %jit3A_67, %jit3A_65 : i32
      %rem3A_69 = arith.remsi %add3A_46, %select_n3A_68 : i32
      %ne3A_70 = arith.constant 0 : i32
      %ne3A_71 = arith.cmpi ne, %rem3A_69, %ne3A_70 : i32
      %lt3A = arith.constant 0 : i32
      %lt3A_72 = arith.cmpi slt, %rem3A_69, %lt3A : i32
      %lt3A_73 = arith.constant 0 : i32
      %lt3A_74 = arith.cmpi slt, %select_n3A_68, %lt3A_73 : i32
      %ne3A_75 = arith.xori %lt3A_72, %lt3A_74 : i1
      %and3A_76 = arith.andi %ne3A_75, %ne3A_71 : i1
      %add3A_77 = arith.addi %rem3A_69, %select_n3A_68 : i32
      %select_n3A_78 = arith.select %and3A_76, %add3A_77, %rem3A_69 : i32
      %jit3A_79 = arith.constant 2048 : i32
      %div3A_80 = arith.divsi %select_n3A_78, %jit3A_79 : i32
      %sign3A_81 = arith.constant 0 : i32
      %sign3A_82 = arith.cmpi sgt, %select_n3A_78, %sign3A_81 : i32
      %sign3A_83 = arith.extui %sign3A_82 : i1 to i32
      %sign3A_84 = arith.constant 0 : i32
      %sign3A_85 = arith.cmpi slt, %select_n3A_78, %sign3A_84 : i32
      %sign3A_86 = arith.extui %sign3A_85 : i1 to i32
      %sign3A_87 = arith.subi %sign3A_83, %sign3A_86 : i32
      %sign3A_88 = arith.constant 0 : i32
      %sign3A_89 = arith.cmpi sgt, %jit3A_79, %sign3A_88 : i32
      %sign3A_90 = arith.extui %sign3A_89 : i1 to i32
      %sign3A_91 = arith.constant 0 : i32
      %sign3A_92 = arith.cmpi slt, %jit3A_79, %sign3A_91 : i32
      %sign3A_93 = arith.extui %sign3A_92 : i1 to i32
      %sign3A_94 = arith.subi %sign3A_90, %sign3A_93 : i32
      %ne3A_95 = arith.cmpi ne, %sign3A_87, %sign3A_94 : i32
      %rem3A_96 = arith.remsi %select_n3A_78, %jit3A_79 : i32
      %ne3A_97 = arith.constant 0 : i32
      %ne3A_98 = arith.cmpi ne, %rem3A_96, %ne3A_97 : i32
      %and3A_99 = arith.andi %ne3A_95, %ne3A_98 : i1
      %sub3A_100 = arith.constant 1 : i32
      %sub3A_101 = arith.subi %div3A_80, %sub3A_100 : i32
      %select_n3A_102 = arith.select %and3A_99, %sub3A_101, %div3A_80 : i32
      %jit3A_103 = arith.constant 2048 : i32
      %eq3A_104 = arith.constant 0 : i32
      %eq3A_105 = arith.cmpi eq, %jit3A_103, %eq3A_104 : i32
      %jit3A_106 = arith.constant 1 : i32
      %select_n3A_107 = arith.select %eq3A_105, %jit3A_106, %jit3A_103 : i32
      %rem3A_108 = arith.remsi %select_n3A_78, %select_n3A_107 : i32
      %ne3A_109 = arith.constant 0 : i32
      %ne3A_110 = arith.cmpi ne, %rem3A_108, %ne3A_109 : i32
      %lt3A_111 = arith.constant 0 : i32
      %lt3A_112 = arith.cmpi slt, %rem3A_108, %lt3A_111 : i32
      %lt3A_113 = arith.constant 0 : i32
      %lt3A_114 = arith.cmpi slt, %select_n3A_107, %lt3A_113 : i32
      %ne3A_115 = arith.xori %lt3A_112, %lt3A_114 : i1
      %and3A_116 = arith.andi %ne3A_115, %ne3A_110 : i1
      %add3A_117 = arith.addi %rem3A_108, %select_n3A_107 : i32
      %select_n3A_118 = arith.select %and3A_116, %add3A_117, %rem3A_108 : i32
      %mul3A_119 = arith.constant 2048 : i32
      %mul3A_120 = arith.muli %sub3A_64, %mul3A_119 : i32
      %add3A_121 = arith.addi %mul3A_120, %select_n3A_118 : i32
      %multiple_of3A = tpu.assume_multiple %add3A_121, 256 : i32
      %mul3A_122 = arith.constant 64 : i32
      %mul3A_123 = arith.muli %select_n3A_102, %mul3A_122 : i32
      %multiple_of3A_124 = tpu.assume_multiple %mul3A_123, 64 : i32
      %dma_start3A_125 = tpu.memref_slice %arg4[%multiple_of3A, %multiple_of3A_124] : memref<102400x128xf32, #tpu.memory_space<hbm>> -> memref<256x64xf32, #tpu.memory_space<hbm>>
      %dma_start3A_126 = tpu.memref_slice %arg4[%multiple_of3A, %multiple_of3A_124] : memref<102400x128xf32, #tpu.memory_space<hbm>> -> memref<256x64xf32, #tpu.memory_space<hbm>>
      tpu.enqueue_dma source(%arg6 : memref<256x64xf32, #tpu.memory_space<vmem>>) target(%dma_start3A_126 : memref<256x64xf32, #tpu.memory_space<hbm>>) target_semaphore(%arg16 : memref<!tpu.dma_semaphore, #tpu.memory_space<semaphore_mem>>)
      %add3A_127 = arith.constant 1 : i32
      %add3A_128 = arith.addi %mul3A_36, %add3A_127 : i32
      %mul3A_129 = arith.constant 256 : i32
      %mul3A_130 = arith.muli %add3A_128, %mul3A_129 : i32
      %dma_wait3A_131 = tpu.memref_slice %arg5[%mul3A_130] : memref<6400xi32, #tpu.memory_space<vmem>> -> memref<256xi32, #tpu.memory_space<vmem>>
      %dma_wait3A_132 = arith.constant 0 : i32
      %dma_wait3A_133 = arith.constant 0 : i32
      %dma_wait3A_134 = tpu.memref_slice %arg3[%dma_wait3A_132, %dma_wait3A_133] : memref<100000x64xf32, #tpu.memory_space<hbm>> -> memref<100000x64xf32, #tpu.memory_space<hbm>>
      tpu.wait_indirect_dma semaphore(%arg12 : memref<!tpu.dma_semaphore, #tpu.memory_space<semaphore_mem>>) src(%dma_wait3A_134 : memref<100000x64xf32, #tpu.memory_space<hbm>>) dst(%arg7 : memref<256x64xf32, #tpu.memory_space<vmem>>)
      %mul3A_135 = arith.constant 256 : i32
      %mul3A_136 = arith.muli %add3A_128, %mul3A_135 : i32
      %add3A_137 = arith.addi %add3A_4, %mul3A_136 : i32
      %jit3A_138 = arith.constant 4096 : i32
      %div3A_139 = arith.divsi %add3A_137, %jit3A_138 : i32
      %sign3A_140 = arith.constant 0 : i32
      %sign3A_141 = arith.cmpi sgt, %add3A_137, %sign3A_140 : i32
      %sign3A_142 = arith.extui %sign3A_141 : i1 to i32
      %sign3A_143 = arith.constant 0 : i32
      %sign3A_144 = arith.cmpi slt, %add3A_137, %sign3A_143 : i32
      %sign3A_145 = arith.extui %sign3A_144 : i1 to i32
      %sign3A_146 = arith.subi %sign3A_142, %sign3A_145 : i32
      %sign3A_147 = arith.constant 0 : i32
      %sign3A_148 = arith.cmpi sgt, %jit3A_138, %sign3A_147 : i32
      %sign3A_149 = arith.extui %sign3A_148 : i1 to i32
      %sign3A_150 = arith.constant 0 : i32
      %sign3A_151 = arith.cmpi slt, %jit3A_138, %sign3A_150 : i32
      %sign3A_152 = arith.extui %sign3A_151 : i1 to i32
      %sign3A_153 = arith.subi %sign3A_149, %sign3A_152 : i32
      %ne3A_154 = arith.cmpi ne, %sign3A_146, %sign3A_153 : i32
      %rem3A_155 = arith.remsi %add3A_137, %jit3A_138 : i32
      %ne3A_156 = arith.constant 0 : i32
      %ne3A_157 = arith.cmpi ne, %rem3A_155, %ne3A_156 : i32
      %and3A_158 = arith.andi %ne3A_154, %ne3A_157 : i1
      %sub3A_159 = arith.constant 1 : i32
      %sub3A_160 = arith.subi %div3A_139, %sub3A_159 : i32
      %select_n3A_161 = arith.select %and3A_158, %sub3A_160, %div3A_139 : i32
      %sub3A_162 = arith.constant 50 : i32
      %sub3A_163 = arith.subi %select_n3A_161, %sub3A_162 : i32
      %jit3A_164 = arith.constant 4096 : i32
      %eq3A_165 = arith.constant 0 : i32
      %eq3A_166 = arith.cmpi eq, %jit3A_164, %eq3A_165 : i32
      %jit3A_167 = arith.constant 1 : i32
      %select_n3A_168 = arith.select %eq3A_166, %jit3A_167, %jit3A_164 : i32
      %rem3A_169 = arith.remsi %add3A_137, %select_n3A_168 : i32
      %ne3A_170 = arith.constant 0 : i32
      %ne3A_171 = arith.cmpi ne, %rem3A_169, %ne3A_170 : i32
      %lt3A_172 = arith.constant 0 : i32
      %lt3A_173 = arith.cmpi slt, %rem3A_169, %lt3A_172 : i32
      %lt3A_174 = arith.constant 0 : i32
      %lt3A_175 = arith.cmpi slt, %select_n3A_168, %lt3A_174 : i32
      %ne3A_176 = arith.xori %lt3A_173, %lt3A_175 : i1
      %and3A_177 = arith.andi %ne3A_176, %ne3A_171 : i1
      %add3A_178 = arith.addi %rem3A_169, %select_n3A_168 : i32
      %select_n3A_179 = arith.select %and3A_177, %add3A_178, %rem3A_169 : i32
      %jit3A_180 = arith.constant 2048 : i32
      %div3A_181 = arith.divsi %select_n3A_179, %jit3A_180 : i32
      %sign3A_182 = arith.constant 0 : i32
      %sign3A_183 = arith.cmpi sgt, %select_n3A_179, %sign3A_182 : i32
      %sign3A_184 = arith.extui %sign3A_183 : i1 to i32
      %sign3A_185 = arith.constant 0 : i32
      %sign3A_186 = arith.cmpi slt, %select_n3A_179, %sign3A_185 : i32
      %sign3A_187 = arith.extui %sign3A_186 : i1 to i32
      %sign3A_188 = arith.subi %sign3A_184, %sign3A_187 : i32
      %sign3A_189 = arith.constant 0 : i32
      %sign3A_190 = arith.cmpi sgt, %jit3A_180, %sign3A_189 : i32
      %sign3A_191 = arith.extui %sign3A_190 : i1 to i32
      %sign3A_192 = arith.constant 0 : i32
      %sign3A_193 = arith.cmpi slt, %jit3A_180, %sign3A_192 : i32
      %sign3A_194 = arith.extui %sign3A_193 : i1 to i32
      %sign3A_195 = arith.subi %sign3A_191, %sign3A_194 : i32
      %ne3A_196 = arith.cmpi ne, %sign3A_188, %sign3A_195 : i32
      %rem3A_197 = arith.remsi %select_n3A_179, %jit3A_180 : i32
      %ne3A_198 = arith.constant 0 : i32
      %ne3A_199 = arith.cmpi ne, %rem3A_197, %ne3A_198 : i32
      %and3A_200 = arith.andi %ne3A_196, %ne3A_199 : i1
      %sub3A_201 = arith.constant 1 : i32
      %sub3A_202 = arith.subi %div3A_181, %sub3A_201 : i32
      %select_n3A_203 = arith.select %and3A_200, %sub3A_202, %div3A_181 : i32
      %jit3A_204 = arith.constant 2048 : i32
      %eq3A_205 = arith.constant 0 : i32
      %eq3A_206 = arith.cmpi eq, %jit3A_204, %eq3A_205 : i32
      %jit3A_207 = arith.constant 1 : i32
      %select_n3A_208 = arith.select %eq3A_206, %jit3A_207, %jit3A_204 : i32
      %rem3A_209 = arith.remsi %select_n3A_179, %select_n3A_208 : i32
      %ne3A_210 = arith.constant 0 : i32
      %ne3A_211 = arith.cmpi ne, %rem3A_209, %ne3A_210 : i32
      %lt3A_212 = arith.constant 0 : i32
      %lt3A_213 = arith.cmpi slt, %rem3A_209, %lt3A_212 : i32
      %lt3A_214 = arith.constant 0 : i32
      %lt3A_215 = arith.cmpi slt, %select_n3A_208, %lt3A_214 : i32
      %ne3A_216 = arith.xori %lt3A_213, %lt3A_215 : i1
      %and3A_217 = arith.andi %ne3A_216, %ne3A_211 : i1
      %add3A_218 = arith.addi %rem3A_209, %select_n3A_208 : i32
      %select_n3A_219 = arith.select %and3A_217, %add3A_218, %rem3A_209 : i32
      %mul3A_220 = arith.constant 2048 : i32
      %mul3A_221 = arith.muli %sub3A_163, %mul3A_220 : i32
      %add3A_222 = arith.addi %mul3A_221, %select_n3A_219 : i32
      %multiple_of3A_223 = tpu.assume_multiple %add3A_222, 256 : i32
      %mul3A_224 = arith.constant 64 : i32
      %mul3A_225 = arith.muli %select_n3A_203, %mul3A_224 : i32
      %multiple_of3A_226 = tpu.assume_multiple %mul3A_225, 64 : i32
      %dma_start3A_227 = tpu.memref_slice %arg4[%multiple_of3A_223, %multiple_of3A_226] : memref<102400x128xf32, #tpu.memory_space<hbm>> -> memref<256x64xf32, #tpu.memory_space<hbm>>
      %dma_start3A_228 = tpu.memref_slice %arg4[%multiple_of3A_223, %multiple_of3A_226] : memref<102400x128xf32, #tpu.memory_space<hbm>> -> memref<256x64xf32, #tpu.memory_space<hbm>>
      tpu.enqueue_dma source(%arg7 : memref<256x64xf32, #tpu.memory_space<vmem>>) target(%dma_start3A_228 : memref<256x64xf32, #tpu.memory_space<hbm>>) target_semaphore(%arg17 : memref<!tpu.dma_semaphore, #tpu.memory_space<semaphore_mem>>)
      %add3A_229 = arith.constant 2 : i32
      %add3A_230 = arith.addi %mul3A_36, %add3A_229 : i32
      %mul3A_231 = arith.constant 256 : i32
      %mul3A_232 = arith.muli %add3A_230, %mul3A_231 : i32
      %dma_wait3A_233 = tpu.memref_slice %arg5[%mul3A_232] : memref<6400xi32, #tpu.memory_space<vmem>> -> memref<256xi32, #tpu.memory_space<vmem>>
      %dma_wait3A_234 = arith.constant 0 : i32
      %dma_wait3A_235 = arith.constant 0 : i32
      %dma_wait3A_236 = tpu.memref_slice %arg3[%dma_wait3A_234, %dma_wait3A_235] : memref<100000x64xf32, #tpu.memory_space<hbm>> -> memref<100000x64xf32, #tpu.memory_space<hbm>>
      tpu.wait_indirect_dma semaphore(%arg13 : memref<!tpu.dma_semaphore, #tpu.memory_space<semaphore_mem>>) src(%dma_wait3A_236 : memref<100000x64xf32, #tpu.memory_space<hbm>>) dst(%arg8 : memref<256x64xf32, #tpu.memory_space<vmem>>)
      %mul3A_237 = arith.constant 256 : i32
      %mul3A_238 = arith.muli %add3A_230, %mul3A_237 : i32
      %add3A_239 = arith.addi %add3A_4, %mul3A_238 : i32
      %jit3A_240 = arith.constant 4096 : i32
      %div3A_241 = arith.divsi %add3A_239, %jit3A_240 : i32
      %sign3A_242 = arith.constant 0 : i32
      %sign3A_243 = arith.cmpi sgt, %add3A_239, %sign3A_242 : i32
      %sign3A_244 = arith.extui %sign3A_243 : i1 to i32
      %sign3A_245 = arith.constant 0 : i32
      %sign3A_246 = arith.cmpi slt, %add3A_239, %sign3A_245 : i32
      %sign3A_247 = arith.extui %sign3A_246 : i1 to i32
      %sign3A_248 = arith.subi %sign3A_244, %sign3A_247 : i32
      %sign3A_249 = arith.constant 0 : i32
      %sign3A_250 = arith.cmpi sgt, %jit3A_240, %sign3A_249 : i32
      %sign3A_251 = arith.extui %sign3A_250 : i1 to i32
      %sign3A_252 = arith.constant 0 : i32
      %sign3A_253 = arith.cmpi slt, %jit3A_240, %sign3A_252 : i32
      %sign3A_254 = arith.extui %sign3A_253 : i1 to i32
      %sign3A_255 = arith.subi %sign3A_251, %sign3A_254 : i32
      %ne3A_256 = arith.cmpi ne, %sign3A_248, %sign3A_255 : i32
      %rem3A_257 = arith.remsi %add3A_239, %jit3A_240 : i32
      %ne3A_258 = arith.constant 0 : i32
      %ne3A_259 = arith.cmpi ne, %rem3A_257, %ne3A_258 : i32
      %and3A_260 = arith.andi %ne3A_256, %ne3A_259 : i1
      %sub3A_261 = arith.constant 1 : i32
      %sub3A_262 = arith.subi %div3A_241, %sub3A_261 : i32
      %select_n3A_263 = arith.select %and3A_260, %sub3A_262, %div3A_241 : i32
      %sub3A_264 = arith.constant 50 : i32
      %sub3A_265 = arith.subi %select_n3A_263, %sub3A_264 : i32
      %jit3A_266 = arith.constant 4096 : i32
      %eq3A_267 = arith.constant 0 : i32
      %eq3A_268 = arith.cmpi eq, %jit3A_266, %eq3A_267 : i32
      %jit3A_269 = arith.constant 1 : i32
      %select_n3A_270 = arith.select %eq3A_268, %jit3A_269, %jit3A_266 : i32
      %rem3A_271 = arith.remsi %add3A_239, %select_n3A_270 : i32
      %ne3A_272 = arith.constant 0 : i32
      %ne3A_273 = arith.cmpi ne, %rem3A_271, %ne3A_272 : i32
      %lt3A_274 = arith.constant 0 : i32
      %lt3A_275 = arith.cmpi slt, %rem3A_271, %lt3A_274 : i32
      %lt3A_276 = arith.constant 0 : i32
      %lt3A_277 = arith.cmpi slt, %select_n3A_270, %lt3A_276 : i32
      %ne3A_278 = arith.xori %lt3A_275, %lt3A_277 : i1
      %and3A_279 = arith.andi %ne3A_278, %ne3A_273 : i1
      %add3A_280 = arith.addi %rem3A_271, %select_n3A_270 : i32
      %select_n3A_281 = arith.select %and3A_279, %add3A_280, %rem3A_271 : i32
      %jit3A_282 = arith.constant 2048 : i32
      %div3A_283 = arith.divsi %select_n3A_281, %jit3A_282 : i32
      %sign3A_284 = arith.constant 0 : i32
      %sign3A_285 = arith.cmpi sgt, %select_n3A_281, %sign3A_284 : i32
      %sign3A_286 = arith.extui %sign3A_285 : i1 to i32
      %sign3A_287 = arith.constant 0 : i32
      %sign3A_288 = arith.cmpi slt, %select_n3A_281, %sign3A_287 : i32
      %sign3A_289 = arith.extui %sign3A_288 : i1 to i32
      %sign3A_290 = arith.subi %sign3A_286, %sign3A_289 : i32
      %sign3A_291 = arith.constant 0 : i32
      %sign3A_292 = arith.cmpi sgt, %jit3A_282, %sign3A_291 : i32
      %sign3A_293 = arith.extui %sign3A_292 : i1 to i32
      %sign3A_294 = arith.constant 0 : i32
      %sign3A_295 = arith.cmpi slt, %jit3A_282, %sign3A_294 : i32
      %sign3A_296 = arith.extui %sign3A_295 : i1 to i32
      %sign3A_297 = arith.subi %sign3A_293, %sign3A_296 : i32
      %ne3A_298 = arith.cmpi ne, %sign3A_290, %sign3A_297 : i32
      %rem3A_299 = arith.remsi %select_n3A_281, %jit3A_282 : i32
      %ne3A_300 = arith.constant 0 : i32
      %ne3A_301 = arith.cmpi ne, %rem3A_299, %ne3A_300 : i32
      %and3A_302 = arith.andi %ne3A_298, %ne3A_301 : i1
      %sub3A_303 = arith.constant 1 : i32
      %sub3A_304 = arith.subi %div3A_283, %sub3A_303 : i32
      %select_n3A_305 = arith.select %and3A_302, %sub3A_304, %div3A_283 : i32
      %jit3A_306 = arith.constant 2048 : i32
      %eq3A_307 = arith.constant 0 : i32
      %eq3A_308 = arith.cmpi eq, %jit3A_306, %eq3A_307 : i32
      %jit3A_309 = arith.constant 1 : i32
      %select_n3A_310 = arith.select %eq3A_308, %jit3A_309, %jit3A_306 : i32
      %rem3A_311 = arith.remsi %select_n3A_281, %select_n3A_310 : i32
      %ne3A_312 = arith.constant 0 : i32
      %ne3A_313 = arith.cmpi ne, %rem3A_311, %ne3A_312 : i32
      %lt3A_314 = arith.constant 0 : i32
      %lt3A_315 = arith.cmpi slt, %rem3A_311, %lt3A_314 : i32
      %lt3A_316 = arith.constant 0 : i32
      %lt3A_317 = arith.cmpi slt, %select_n3A_310, %lt3A_316 : i32
      %ne3A_318 = arith.xori %lt3A_315, %lt3A_317 : i1
      %and3A_319 = arith.andi %ne3A_318, %ne3A_313 : i1
      %add3A_320 = arith.addi %rem3A_311, %select_n3A_310 : i32
      %select_n3A_321 = arith.select %and3A_319, %add3A_320, %rem3A_311 : i32
      %mul3A_322 = arith.constant 2048 : i32
      %mul3A_323 = arith.muli %sub3A_265, %mul3A_322 : i32
      %add3A_324 = arith.addi %mul3A_323, %select_n3A_321 : i32
      %multiple_of3A_325 = tpu.assume_multiple %add3A_324, 256 : i32
      %mul3A_326 = arith.constant 64 : i32
      %mul3A_327 = arith.muli %select_n3A_305, %mul3A_326 : i32
      %multiple_of3A_328 = tpu.assume_multiple %mul3A_327, 64 : i32
      %dma_start3A_329 = tpu.memref_slice %arg4[%multiple_of3A_325, %multiple_of3A_328] : memref<102400x128xf32, #tpu.memory_space<hbm>> -> memref<256x64xf32, #tpu.memory_space<hbm>>
      %dma_start3A_330 = tpu.memref_slice %arg4[%multiple_of3A_325, %multiple_of3A_328] : memref<102400x128xf32, #tpu.memory_space<hbm>> -> memref<256x64xf32, #tpu.memory_space<hbm>>
      tpu.enqueue_dma source(%arg8 : memref<256x64xf32, #tpu.memory_space<vmem>>) target(%dma_start3A_330 : memref<256x64xf32, #tpu.memory_space<hbm>>) target_semaphore(%arg18 : memref<!tpu.dma_semaphore, #tpu.memory_space<semaphore_mem>>)
      %add3A_331 = arith.constant 3 : i32
      %add3A_332 = arith.addi %mul3A_36, %add3A_331 : i32
      %mul3A_333 = arith.constant 256 : i32
      %mul3A_334 = arith.muli %add3A_332, %mul3A_333 : i32
      %dma_wait3A_335 = tpu.memref_slice %arg5[%mul3A_334] : memref<6400xi32, #tpu.memory_space<vmem>> -> memref<256xi32, #tpu.memory_space<vmem>>
      %dma_wait3A_336 = arith.constant 0 : i32
      %dma_wait3A_337 = arith.constant 0 : i32
      %dma_wait3A_338 = tpu.memref_slice %arg3[%dma_wait3A_336, %dma_wait3A_337] : memref<100000x64xf32, #tpu.memory_space<hbm>> -> memref<100000x64xf32, #tpu.memory_space<hbm>>
      tpu.wait_indirect_dma semaphore(%arg14 : memref<!tpu.dma_semaphore, #tpu.memory_space<semaphore_mem>>) src(%dma_wait3A_338 : memref<100000x64xf32, #tpu.memory_space<hbm>>) dst(%arg9 : memref<256x64xf32, #tpu.memory_space<vmem>>)
      %mul3A_339 = arith.constant 256 : i32
      %mul3A_340 = arith.muli %add3A_332, %mul3A_339 : i32
      %add3A_341 = arith.addi %add3A_4, %mul3A_340 : i32
      %jit3A_342 = arith.constant 4096 : i32
      %div3A_343 = arith.divsi %add3A_341, %jit3A_342 : i32
      %sign3A_344 = arith.constant 0 : i32
      %sign3A_345 = arith.cmpi sgt, %add3A_341, %sign3A_344 : i32
      %sign3A_346 = arith.extui %sign3A_345 : i1 to i32
      %sign3A_347 = arith.constant 0 : i32
      %sign3A_348 = arith.cmpi slt, %add3A_341, %sign3A_347 : i32
      %sign3A_349 = arith.extui %sign3A_348 : i1 to i32
      %sign3A_350 = arith.subi %sign3A_346, %sign3A_349 : i32
      %sign3A_351 = arith.constant 0 : i32
      %sign3A_352 = arith.cmpi sgt, %jit3A_342, %sign3A_351 : i32
      %sign3A_353 = arith.extui %sign3A_352 : i1 to i32
      %sign3A_354 = arith.constant 0 : i32
      %sign3A_355 = arith.cmpi slt, %jit3A_342, %sign3A_354 : i32
      %sign3A_356 = arith.extui %sign3A_355 : i1 to i32
      %sign3A_357 = arith.subi %sign3A_353, %sign3A_356 : i32
      %ne3A_358 = arith.cmpi ne, %sign3A_350, %sign3A_357 : i32
      %rem3A_359 = arith.remsi %add3A_341, %jit3A_342 : i32
      %ne3A_360 = arith.constant 0 : i32
      %ne3A_361 = arith.cmpi ne, %rem3A_359, %ne3A_360 : i32
      %and3A_362 = arith.andi %ne3A_358, %ne3A_361 : i1
      %sub3A_363 = arith.constant 1 : i32
      %sub3A_364 = arith.subi %div3A_343, %sub3A_363 : i32
      %select_n3A_365 = arith.select %and3A_362, %sub3A_364, %div3A_343 : i32
      %sub3A_366 = arith.constant 50 : i32
      %sub3A_367 = arith.subi %select_n3A_365, %sub3A_366 : i32
      %jit3A_368 = arith.constant 4096 : i32
      %eq3A_369 = arith.constant 0 : i32
      %eq3A_370 = arith.cmpi eq, %jit3A_368, %eq3A_369 : i32
      %jit3A_371 = arith.constant 1 : i32
      %select_n3A_372 = arith.select %eq3A_370, %jit3A_371, %jit3A_368 : i32
      %rem3A_373 = arith.remsi %add3A_341, %select_n3A_372 : i32
      %ne3A_374 = arith.constant 0 : i32
      %ne3A_375 = arith.cmpi ne, %rem3A_373, %ne3A_374 : i32
      %lt3A_376 = arith.constant 0 : i32
      %lt3A_377 = arith.cmpi slt, %rem3A_373, %lt3A_376 : i32
      %lt3A_378 = arith.constant 0 : i32
      %lt3A_379 = arith.cmpi slt, %select_n3A_372, %lt3A_378 : i32
      %ne3A_380 = arith.xori %lt3A_377, %lt3A_379 : i1
      %and3A_381 = arith.andi %ne3A_380, %ne3A_375 : i1
      %add3A_382 = arith.addi %rem3A_373, %select_n3A_372 : i32
      %select_n3A_383 = arith.select %and3A_381, %add3A_382, %rem3A_373 : i32
      %jit3A_384 = arith.constant 2048 : i32
      %div3A_385 = arith.divsi %select_n3A_383, %jit3A_384 : i32
      %sign3A_386 = arith.constant 0 : i32
      %sign3A_387 = arith.cmpi sgt, %select_n3A_383, %sign3A_386 : i32
      %sign3A_388 = arith.extui %sign3A_387 : i1 to i32
      %sign3A_389 = arith.constant 0 : i32
      %sign3A_390 = arith.cmpi slt, %select_n3A_383, %sign3A_389 : i32
      %sign3A_391 = arith.extui %sign3A_390 : i1 to i32
      %sign3A_392 = arith.subi %sign3A_388, %sign3A_391 : i32
      %sign3A_393 = arith.constant 0 : i32
      %sign3A_394 = arith.cmpi sgt, %jit3A_384, %sign3A_393 : i32
      %sign3A_395 = arith.extui %sign3A_394 : i1 to i32
      %sign3A_396 = arith.constant 0 : i32
      %sign3A_397 = arith.cmpi slt, %jit3A_384, %sign3A_396 : i32
      %sign3A_398 = arith.extui %sign3A_397 : i1 to i32
      %sign3A_399 = arith.subi %sign3A_395, %sign3A_398 : i32
      %ne3A_400 = arith.cmpi ne, %sign3A_392, %sign3A_399 : i32
      %rem3A_401 = arith.remsi %select_n3A_383, %jit3A_384 : i32
      %ne3A_402 = arith.constant 0 : i32
      %ne3A_403 = arith.cmpi ne, %rem3A_401, %ne3A_402 : i32
      %and3A_404 = arith.andi %ne3A_400, %ne3A_403 : i1
      %sub3A_405 = arith.constant 1 : i32
      %sub3A_406 = arith.subi %div3A_385, %sub3A_405 : i32
      %select_n3A_407 = arith.select %and3A_404, %sub3A_406, %div3A_385 : i32
      %jit3A_408 = arith.constant 2048 : i32
      %eq3A_409 = arith.constant 0 : i32
      %eq3A_410 = arith.cmpi eq, %jit3A_408, %eq3A_409 : i32
      %jit3A_411 = arith.constant 1 : i32
      %select_n3A_412 = arith.select %eq3A_410, %jit3A_411, %jit3A_408 : i32
      %rem3A_413 = arith.remsi %select_n3A_383, %select_n3A_412 : i32
      %ne3A_414 = arith.constant 0 : i32
      %ne3A_415 = arith.cmpi ne, %rem3A_413, %ne3A_414 : i32
      %lt3A_416 = arith.constant 0 : i32
      %lt3A_417 = arith.cmpi slt, %rem3A_413, %lt3A_416 : i32
      %lt3A_418 = arith.constant 0 : i32
      %lt3A_419 = arith.cmpi slt, %select_n3A_412, %lt3A_418 : i32
      %ne3A_420 = arith.xori %lt3A_417, %lt3A_419 : i1
      %and3A_421 = arith.andi %ne3A_420, %ne3A_415 : i1
      %add3A_422 = arith.addi %rem3A_413, %select_n3A_412 : i32
      %select_n3A_423 = arith.select %and3A_421, %add3A_422, %rem3A_413 : i32
      %mul3A_424 = arith.constant 2048 : i32
      %mul3A_425 = arith.muli %sub3A_367, %mul3A_424 : i32
      %add3A_426 = arith.addi %mul3A_425, %select_n3A_423 : i32
      %multiple_of3A_427 = tpu.assume_multiple %add3A_426, 256 : i32
      %mul3A_428 = arith.constant 64 : i32
      %mul3A_429 = arith.muli %select_n3A_407, %mul3A_428 : i32
      %multiple_of3A_430 = tpu.assume_multiple %mul3A_429, 64 : i32
      %dma_start3A_431 = tpu.memref_slice %arg4[%multiple_of3A_427, %multiple_of3A_430] : memref<102400x128xf32, #tpu.memory_space<hbm>> -> memref<256x64xf32, #tpu.memory_space<hbm>>
      %dma_start3A_432 = tpu.memref_slice %arg4[%multiple_of3A_427, %multiple_of3A_430] : memref<102400x128xf32, #tpu.memory_space<hbm>> -> memref<256x64xf32, #tpu.memory_space<hbm>>
      tpu.enqueue_dma source(%arg9 : memref<256x64xf32, #tpu.memory_space<vmem>>) target(%dma_start3A_432 : memref<256x64xf32, #tpu.memory_space<hbm>>) target_semaphore(%arg19 : memref<!tpu.dma_semaphore, #tpu.memory_space<semaphore_mem>>)
      %add3A_433 = arith.constant 4 : i32
      %add3A_434 = arith.addi %mul3A_36, %add3A_433 : i32
      %mul3A_435 = arith.constant 256 : i32
      %mul3A_436 = arith.muli %add3A_434, %mul3A_435 : i32
      %dma_wait3A_437 = tpu.memref_slice %arg5[%mul3A_436] : memref<6400xi32, #tpu.memory_space<vmem>> -> memref<256xi32, #tpu.memory_space<vmem>>
      %dma_wait3A_438 = arith.constant 0 : i32
      %dma_wait3A_439 = arith.constant 0 : i32
      %dma_wait3A_440 = tpu.memref_slice %arg3[%dma_wait3A_438, %dma_wait3A_439] : memref<100000x64xf32, #tpu.memory_space<hbm>> -> memref<100000x64xf32, #tpu.memory_space<hbm>>
      tpu.wait_indirect_dma semaphore(%arg15 : memref<!tpu.dma_semaphore, #tpu.memory_space<semaphore_mem>>) src(%dma_wait3A_440 : memref<100000x64xf32, #tpu.memory_space<hbm>>) dst(%arg10 : memref<256x64xf32, #tpu.memory_space<vmem>>)
      %mul3A_441 = arith.constant 256 : i32
      %mul3A_442 = arith.muli %add3A_434, %mul3A_441 : i32
      %add3A_443 = arith.addi %add3A_4, %mul3A_442 : i32
      %jit3A_444 = arith.constant 4096 : i32
      %div3A_445 = arith.divsi %add3A_443, %jit3A_444 : i32
      %sign3A_446 = arith.constant 0 : i32
      %sign3A_447 = arith.cmpi sgt, %add3A_443, %sign3A_446 : i32
      %sign3A_448 = arith.extui %sign3A_447 : i1 to i32
      %sign3A_449 = arith.constant 0 : i32
      %sign3A_450 = arith.cmpi slt, %add3A_443, %sign3A_449 : i32
      %sign3A_451 = arith.extui %sign3A_450 : i1 to i32
      %sign3A_452 = arith.subi %sign3A_448, %sign3A_451 : i32
      %sign3A_453 = arith.constant 0 : i32
      %sign3A_454 = arith.cmpi sgt, %jit3A_444, %sign3A_453 : i32
      %sign3A_455 = arith.extui %sign3A_454 : i1 to i32
      %sign3A_456 = arith.constant 0 : i32
      %sign3A_457 = arith.cmpi slt, %jit3A_444, %sign3A_456 : i32
      %sign3A_458 = arith.extui %sign3A_457 : i1 to i32
      %sign3A_459 = arith.subi %sign3A_455, %sign3A_458 : i32
      %ne3A_460 = arith.cmpi ne, %sign3A_452, %sign3A_459 : i32
      %rem3A_461 = arith.remsi %add3A_443, %jit3A_444 : i32
      %ne3A_462 = arith.constant 0 : i32
      %ne3A_463 = arith.cmpi ne, %rem3A_461, %ne3A_462 : i32
      %and3A_464 = arith.andi %ne3A_460, %ne3A_463 : i1
      %sub3A_465 = arith.constant 1 : i32
      %sub3A_466 = arith.subi %div3A_445, %sub3A_465 : i32
      %select_n3A_467 = arith.select %and3A_464, %sub3A_466, %div3A_445 : i32
      %sub3A_468 = arith.constant 50 : i32
      %sub3A_469 = arith.subi %select_n3A_467, %sub3A_468 : i32
      %jit3A_470 = arith.constant 4096 : i32
      %eq3A_471 = arith.constant 0 : i32
      %eq3A_472 = arith.cmpi eq, %jit3A_470, %eq3A_471 : i32
      %jit3A_473 = arith.constant 1 : i32
      %select_n3A_474 = arith.select %eq3A_472, %jit3A_473, %jit3A_470 : i32
      %rem3A_475 = arith.remsi %add3A_443, %select_n3A_474 : i32
      %ne3A_476 = arith.constant 0 : i32
      %ne3A_477 = arith.cmpi ne, %rem3A_475, %ne3A_476 : i32
      %lt3A_478 = arith.constant 0 : i32
      %lt3A_479 = arith.cmpi slt, %rem3A_475, %lt3A_478 : i32
      %lt3A_480 = arith.constant 0 : i32
      %lt3A_481 = arith.cmpi slt, %select_n3A_474, %lt3A_480 : i32
      %ne3A_482 = arith.xori %lt3A_479, %lt3A_481 : i1
      %and3A_483 = arith.andi %ne3A_482, %ne3A_477 : i1
      %add3A_484 = arith.addi %rem3A_475, %select_n3A_474 : i32
      %select_n3A_485 = arith.select %and3A_483, %add3A_484, %rem3A_475 : i32
      %jit3A_486 = arith.constant 2048 : i32
      %div3A_487 = arith.divsi %select_n3A_485, %jit3A_486 : i32
      %sign3A_488 = arith.constant 0 : i32
      %sign3A_489 = arith.cmpi sgt, %select_n3A_485, %sign3A_488 : i32
      %sign3A_490 = arith.extui %sign3A_489 : i1 to i32
      %sign3A_491 = arith.constant 0 : i32
      %sign3A_492 = arith.cmpi slt, %select_n3A_485, %sign3A_491 : i32
      %sign3A_493 = arith.extui %sign3A_492 : i1 to i32
      %sign3A_494 = arith.subi %sign3A_490, %sign3A_493 : i32
      %sign3A_495 = arith.constant 0 : i32
      %sign3A_496 = arith.cmpi sgt, %jit3A_486, %sign3A_495 : i32
      %sign3A_497 = arith.extui %sign3A_496 : i1 to i32
      %sign3A_498 = arith.constant 0 : i32
      %sign3A_499 = arith.cmpi slt, %jit3A_486, %sign3A_498 : i32
      %sign3A_500 = arith.extui %sign3A_499 : i1 to i32
      %sign3A_501 = arith.subi %sign3A_497, %sign3A_500 : i32
      %ne3A_502 = arith.cmpi ne, %sign3A_494, %sign3A_501 : i32
      %rem3A_503 = arith.remsi %select_n3A_485, %jit3A_486 : i32
      %ne3A_504 = arith.constant 0 : i32
      %ne3A_505 = arith.cmpi ne, %rem3A_503, %ne3A_504 : i32
      %and3A_506 = arith.andi %ne3A_502, %ne3A_505 : i1
      %sub3A_507 = arith.constant 1 : i32
      %sub3A_508 = arith.subi %div3A_487, %sub3A_507 : i32
      %select_n3A_509 = arith.select %and3A_506, %sub3A_508, %div3A_487 : i32
      %jit3A_510 = arith.constant 2048 : i32
      %eq3A_511 = arith.constant 0 : i32
      %eq3A_512 = arith.cmpi eq, %jit3A_510, %eq3A_511 : i32
      %jit3A_513 = arith.constant 1 : i32
      %select_n3A_514 = arith.select %eq3A_512, %jit3A_513, %jit3A_510 : i32
      %rem3A_515 = arith.remsi %select_n3A_485, %select_n3A_514 : i32
      %ne3A_516 = arith.constant 0 : i32
      %ne3A_517 = arith.cmpi ne, %rem3A_515, %ne3A_516 : i32
      %lt3A_518 = arith.constant 0 : i32
      %lt3A_519 = arith.cmpi slt, %rem3A_515, %lt3A_518 : i32
      %lt3A_520 = arith.constant 0 : i32
      %lt3A_521 = arith.cmpi slt, %select_n3A_514, %lt3A_520 : i32
      %ne3A_522 = arith.xori %lt3A_519, %lt3A_521 : i1
      %and3A_523 = arith.andi %ne3A_522, %ne3A_517 : i1
      %add3A_524 = arith.addi %rem3A_515, %select_n3A_514 : i32
      %select_n3A_525 = arith.select %and3A_523, %add3A_524, %rem3A_515 : i32
      %mul3A_526 = arith.constant 2048 : i32
      %mul3A_527 = arith.muli %sub3A_469, %mul3A_526 : i32
      %add3A_528 = arith.addi %mul3A_527, %select_n3A_525 : i32
      %multiple_of3A_529 = tpu.assume_multiple %add3A_528, 256 : i32
      %mul3A_530 = arith.constant 64 : i32
      %mul3A_531 = arith.muli %select_n3A_509, %mul3A_530 : i32
      %multiple_of3A_532 = tpu.assume_multiple %mul3A_531, 64 : i32
      %dma_start3A_533 = tpu.memref_slice %arg4[%multiple_of3A_529, %multiple_of3A_532] : memref<102400x128xf32, #tpu.memory_space<hbm>> -> memref<256x64xf32, #tpu.memory_space<hbm>>
      %dma_start3A_534 = tpu.memref_slice %arg4[%multiple_of3A_529, %multiple_of3A_532] : memref<102400x128xf32, #tpu.memory_space<hbm>> -> memref<256x64xf32, #tpu.memory_space<hbm>>
      tpu.enqueue_dma source(%arg10 : memref<256x64xf32, #tpu.memory_space<vmem>>) target(%dma_start3A_534 : memref<256x64xf32, #tpu.memory_space<hbm>>) target_semaphore(%arg20 : memref<!tpu.dma_semaphore, #tpu.memory_space<semaphore_mem>>)
      %add3A_535 = arith.constant 0 : i32
      %add3A_536 = arith.addi %mul3A_36, %add3A_535 : i32
      %mul3A_537 = arith.constant 256 : i32
      %mul3A_538 = arith.muli %add3A_536, %mul3A_537 : i32
      %add3A_539 = arith.addi %add3A_4, %mul3A_538 : i32
      %jit3A_540 = arith.constant 4096 : i32
      %div3A_541 = arith.divsi %add3A_539, %jit3A_540 : i32
      %sign3A_542 = arith.constant 0 : i32
      %sign3A_543 = arith.cmpi sgt, %add3A_539, %sign3A_542 : i32
      %sign3A_544 = arith.extui %sign3A_543 : i1 to i32
      %sign3A_545 = arith.constant 0 : i32
      %sign3A_546 = arith.cmpi slt, %add3A_539, %sign3A_545 : i32
      %sign3A_547 = arith.extui %sign3A_546 : i1 to i32
      %sign3A_548 = arith.subi %sign3A_544, %sign3A_547 : i32
      %sign3A_549 = arith.constant 0 : i32
      %sign3A_550 = arith.cmpi sgt, %jit3A_540, %sign3A_549 : i32
      %sign3A_551 = arith.extui %sign3A_550 : i1 to i32
      %sign3A_552 = arith.constant 0 : i32
      %sign3A_553 = arith.cmpi slt, %jit3A_540, %sign3A_552 : i32
      %sign3A_554 = arith.extui %sign3A_553 : i1 to i32
      %sign3A_555 = arith.subi %sign3A_551, %sign3A_554 : i32
      %ne3A_556 = arith.cmpi ne, %sign3A_548, %sign3A_555 : i32
      %rem3A_557 = arith.remsi %add3A_539, %jit3A_540 : i32
      %ne3A_558 = arith.constant 0 : i32
      %ne3A_559 = arith.cmpi ne, %rem3A_557, %ne3A_558 : i32
      %and3A_560 = arith.andi %ne3A_556, %ne3A_559 : i1
      %sub3A_561 = arith.constant 1 : i32
      %sub3A_562 = arith.subi %div3A_541, %sub3A_561 : i32
      %select_n3A_563 = arith.select %and3A_560, %sub3A_562, %div3A_541 : i32
      %sub3A_564 = arith.constant 50 : i32
      %sub3A_565 = arith.subi %select_n3A_563, %sub3A_564 : i32
      %jit3A_566 = arith.constant 4096 : i32
      %eq3A_567 = arith.constant 0 : i32
      %eq3A_568 = arith.cmpi eq, %jit3A_566, %eq3A_567 : i32
      %jit3A_569 = arith.constant 1 : i32
      %select_n3A_570 = arith.select %eq3A_568, %jit3A_569, %jit3A_566 : i32
      %rem3A_571 = arith.remsi %add3A_539, %select_n3A_570 : i32
      %ne3A_572 = arith.constant 0 : i32
      %ne3A_573 = arith.cmpi ne, %rem3A_571, %ne3A_572 : i32
      %lt3A_574 = arith.constant 0 : i32
      %lt3A_575 = arith.cmpi slt, %rem3A_571, %lt3A_574 : i32
      %lt3A_576 = arith.constant 0 : i32
      %lt3A_577 = arith.cmpi slt, %select_n3A_570, %lt3A_576 : i32
      %ne3A_578 = arith.xori %lt3A_575, %lt3A_577 : i1
      %and3A_579 = arith.andi %ne3A_578, %ne3A_573 : i1
      %add3A_580 = arith.addi %rem3A_571, %select_n3A_570 : i32
      %select_n3A_581 = arith.select %and3A_579, %add3A_580, %rem3A_571 : i32
      %jit3A_582 = arith.constant 2048 : i32
      %div3A_583 = arith.divsi %select_n3A_581, %jit3A_582 : i32
      %sign3A_584 = arith.constant 0 : i32
      %sign3A_585 = arith.cmpi sgt, %select_n3A_581, %sign3A_584 : i32
      %sign3A_586 = arith.extui %sign3A_585 : i1 to i32
      %sign3A_587 = arith.constant 0 : i32
      %sign3A_588 = arith.cmpi slt, %select_n3A_581, %sign3A_587 : i32
      %sign3A_589 = arith.extui %sign3A_588 : i1 to i32
      %sign3A_590 = arith.subi %sign3A_586, %sign3A_589 : i32
      %sign3A_591 = arith.constant 0 : i32
      %sign3A_592 = arith.cmpi sgt, %jit3A_582, %sign3A_591 : i32
      %sign3A_593 = arith.extui %sign3A_592 : i1 to i32
      %sign3A_594 = arith.constant 0 : i32
      %sign3A_595 = arith.cmpi slt, %jit3A_582, %sign3A_594 : i32
      %sign3A_596 = arith.extui %sign3A_595 : i1 to i32
      %sign3A_597 = arith.subi %sign3A_593, %sign3A_596 : i32
      %ne3A_598 = arith.cmpi ne, %sign3A_590, %sign3A_597 : i32
      %rem3A_599 = arith.remsi %select_n3A_581, %jit3A_582 : i32
      %ne3A_600 = arith.constant 0 : i32
      %ne3A_601 = arith.cmpi ne, %rem3A_599, %ne3A_600 : i32
      %and3A_602 = arith.andi %ne3A_598, %ne3A_601 : i1
      %sub3A_603 = arith.constant 1 : i32
      %sub3A_604 = arith.subi %div3A_583, %sub3A_603 : i32
      %select_n3A_605 = arith.select %and3A_602, %sub3A_604, %div3A_583 : i32
      %jit3A_606 = arith.constant 2048 : i32
      %eq3A_607 = arith.constant 0 : i32
      %eq3A_608 = arith.cmpi eq, %jit3A_606, %eq3A_607 : i32
      %jit3A_609 = arith.constant 1 : i32
      %select_n3A_610 = arith.select %eq3A_608, %jit3A_609, %jit3A_606 : i32
      %rem3A_611 = arith.remsi %select_n3A_581, %select_n3A_610 : i32
      %ne3A_612 = arith.constant 0 : i32
      %ne3A_613 = arith.cmpi ne, %rem3A_611, %ne3A_612 : i32
      %lt3A_614 = arith.constant 0 : i32
      %lt3A_615 = arith.cmpi slt, %rem3A_611, %lt3A_614 : i32
      %lt3A_616 = arith.constant 0 : i32
      %lt3A_617 = arith.cmpi slt, %select_n3A_610, %lt3A_616 : i32
      %ne3A_618 = arith.xori %lt3A_615, %lt3A_617 : i1
      %and3A_619 = arith.andi %ne3A_618, %ne3A_613 : i1
      %add3A_620 = arith.addi %rem3A_611, %select_n3A_610 : i32
      %select_n3A_621 = arith.select %and3A_619, %add3A_620, %rem3A_611 : i32
      %mul3A_622 = arith.constant 2048 : i32
      %mul3A_623 = arith.muli %sub3A_565, %mul3A_622 : i32
      %add3A_624 = arith.addi %mul3A_623, %select_n3A_621 : i32
      %multiple_of3A_625 = tpu.assume_multiple %add3A_624, 256 : i32
      %mul3A_626 = arith.constant 64 : i32
      %mul3A_627 = arith.muli %select_n3A_605, %mul3A_626 : i32
      %multiple_of3A_628 = tpu.assume_multiple %mul3A_627, 64 : i32
      %dma_wait3A_629 = tpu.memref_slice %arg4[%multiple_of3A_625, %multiple_of3A_628] : memref<102400x128xf32, #tpu.memory_space<hbm>> -> memref<256x64xf32, #tpu.memory_space<hbm>>
      %dma_wait3A_630 = tpu.memref_slice %arg4[%multiple_of3A_625, %multiple_of3A_628] : memref<102400x128xf32, #tpu.memory_space<hbm>> -> memref<256x64xf32, #tpu.memory_space<hbm>>
      tpu.wait_dma2 semaphore(%arg16 : memref<!tpu.dma_semaphore, #tpu.memory_space<semaphore_mem>>) src(%arg6 : memref<256x64xf32, #tpu.memory_space<vmem>>) dst(%dma_wait3A_630 : memref<256x64xf32, #tpu.memory_space<hbm>>)
      %add3A_631 = arith.constant 5 : i32
      %add3A_632 = arith.addi %add3A_536, %add3A_631 : i32
      %lt3A_633 = arith.constant 25 : i32
      %lt3A_634 = arith.cmpi slt, %add3A_632, %lt3A_633 : i32
      %convert_element_type3A = arith.extui %lt3A_634 : i1 to i32
      %cond3A = arith.constant 0 : i32
      %cond3A_635 = arith.cmpi ne, %convert_element_type3A, %cond3A : i32
      scf.if %cond3A_635 {
        %add3A_1048 = arith.constant 5 : i32
        %add3A_1049 = arith.addi %add3A_536, %add3A_1048 : i32
        %mul3A_1050 = arith.constant 256 : i32
        %mul3A_1051 = arith.muli %add3A_1049, %mul3A_1050 : i32
        %dma_start3A_1052 = tpu.memref_slice %arg5[%mul3A_1051] : memref<6400xi32, #tpu.memory_space<vmem>> -> memref<256xi32, #tpu.memory_space<vmem>>
        %dma_start3A_1053 = arith.constant 0 : i32
        %dma_start3A_1054 = arith.constant 0 : i32
        %dma_start3A_1055 = tpu.memref_slice %arg3[%dma_start3A_1053, %dma_start3A_1054] : memref<100000x64xf32, #tpu.memory_space<hbm>> -> memref<100000x64xf32, #tpu.memory_space<hbm>>
        tpu.enqueue_indirect_dma source(%dma_start3A_1055 : memref<100000x64xf32, #tpu.memory_space<hbm>>) target(%arg6 : memref<256x64xf32, #tpu.memory_space<vmem>>) offsets(%dma_start3A_1052 : memref<256xi32, #tpu.memory_space<vmem>>) semaphore(%arg11 : memref<!tpu.dma_semaphore, #tpu.memory_space<semaphore_mem>>)
      } else {
      }
      %add3A_636 = arith.constant 1 : i32
      %add3A_637 = arith.addi %mul3A_36, %add3A_636 : i32
      %mul3A_638 = arith.constant 256 : i32
      %mul3A_639 = arith.muli %add3A_637, %mul3A_638 : i32
      %add3A_640 = arith.addi %add3A_4, %mul3A_639 : i32
      %jit3A_641 = arith.constant 4096 : i32
      %div3A_642 = arith.divsi %add3A_640, %jit3A_641 : i32
      %sign3A_643 = arith.constant 0 : i32
      %sign3A_644 = arith.cmpi sgt, %add3A_640, %sign3A_643 : i32
      %sign3A_645 = arith.extui %sign3A_644 : i1 to i32
      %sign3A_646 = arith.constant 0 : i32
      %sign3A_647 = arith.cmpi slt, %add3A_640, %sign3A_646 : i32
      %sign3A_648 = arith.extui %sign3A_647 : i1 to i32
      %sign3A_649 = arith.subi %sign3A_645, %sign3A_648 : i32
      %sign3A_650 = arith.constant 0 : i32
      %sign3A_651 = arith.cmpi sgt, %jit3A_641, %sign3A_650 : i32
      %sign3A_652 = arith.extui %sign3A_651 : i1 to i32
      %sign3A_653 = arith.constant 0 : i32
      %sign3A_654 = arith.cmpi slt, %jit3A_641, %sign3A_653 : i32
      %sign3A_655 = arith.extui %sign3A_654 : i1 to i32
      %sign3A_656 = arith.subi %sign3A_652, %sign3A_655 : i32
      %ne3A_657 = arith.cmpi ne, %sign3A_649, %sign3A_656 : i32
      %rem3A_658 = arith.remsi %add3A_640, %jit3A_641 : i32
      %ne3A_659 = arith.constant 0 : i32
      %ne3A_660 = arith.cmpi ne, %rem3A_658, %ne3A_659 : i32
      %and3A_661 = arith.andi %ne3A_657, %ne3A_660 : i1
      %sub3A_662 = arith.constant 1 : i32
      %sub3A_663 = arith.subi %div3A_642, %sub3A_662 : i32
      %select_n3A_664 = arith.select %and3A_661, %sub3A_663, %div3A_642 : i32
      %sub3A_665 = arith.constant 50 : i32
      %sub3A_666 = arith.subi %select_n3A_664, %sub3A_665 : i32
      %jit3A_667 = arith.constant 4096 : i32
      %eq3A_668 = arith.constant 0 : i32
      %eq3A_669 = arith.cmpi eq, %jit3A_667, %eq3A_668 : i32
      %jit3A_670 = arith.constant 1 : i32
      %select_n3A_671 = arith.select %eq3A_669, %jit3A_670, %jit3A_667 : i32
      %rem3A_672 = arith.remsi %add3A_640, %select_n3A_671 : i32
      %ne3A_673 = arith.constant 0 : i32
      %ne3A_674 = arith.cmpi ne, %rem3A_672, %ne3A_673 : i32
      %lt3A_675 = arith.constant 0 : i32
      %lt3A_676 = arith.cmpi slt, %rem3A_672, %lt3A_675 : i32
      %lt3A_677 = arith.constant 0 : i32
      %lt3A_678 = arith.cmpi slt, %select_n3A_671, %lt3A_677 : i32
      %ne3A_679 = arith.xori %lt3A_676, %lt3A_678 : i1
      %and3A_680 = arith.andi %ne3A_679, %ne3A_674 : i1
      %add3A_681 = arith.addi %rem3A_672, %select_n3A_671 : i32
      %select_n3A_682 = arith.select %and3A_680, %add3A_681, %rem3A_672 : i32
      %jit3A_683 = arith.constant 2048 : i32
      %div3A_684 = arith.divsi %select_n3A_682, %jit3A_683 : i32
      %sign3A_685 = arith.constant 0 : i32
      %sign3A_686 = arith.cmpi sgt, %select_n3A_682, %sign3A_685 : i32
      %sign3A_687 = arith.extui %sign3A_686 : i1 to i32
      %sign3A_688 = arith.constant 0 : i32
      %sign3A_689 = arith.cmpi slt, %select_n3A_682, %sign3A_688 : i32
      %sign3A_690 = arith.extui %sign3A_689 : i1 to i32
      %sign3A_691 = arith.subi %sign3A_687, %sign3A_690 : i32
      %sign3A_692 = arith.constant 0 : i32
      %sign3A_693 = arith.cmpi sgt, %jit3A_683, %sign3A_692 : i32
      %sign3A_694 = arith.extui %sign3A_693 : i1 to i32
      %sign3A_695 = arith.constant 0 : i32
      %sign3A_696 = arith.cmpi slt, %jit3A_683, %sign3A_695 : i32
      %sign3A_697 = arith.extui %sign3A_696 : i1 to i32
      %sign3A_698 = arith.subi %sign3A_694, %sign3A_697 : i32
      %ne3A_699 = arith.cmpi ne, %sign3A_691, %sign3A_698 : i32
      %rem3A_700 = arith.remsi %select_n3A_682, %jit3A_683 : i32
      %ne3A_701 = arith.constant 0 : i32
      %ne3A_702 = arith.cmpi ne, %rem3A_700, %ne3A_701 : i32
      %and3A_703 = arith.andi %ne3A_699, %ne3A_702 : i1
      %sub3A_704 = arith.constant 1 : i32
      %sub3A_705 = arith.subi %div3A_684, %sub3A_704 : i32
      %select_n3A_706 = arith.select %and3A_703, %sub3A_705, %div3A_684 : i32
      %jit3A_707 = arith.constant 2048 : i32
      %eq3A_708 = arith.constant 0 : i32
      %eq3A_709 = arith.cmpi eq, %jit3A_707, %eq3A_708 : i32
      %jit3A_710 = arith.constant 1 : i32
      %select_n3A_711 = arith.select %eq3A_709, %jit3A_710, %jit3A_707 : i32
      %rem3A_712 = arith.remsi %select_n3A_682, %select_n3A_711 : i32
      %ne3A_713 = arith.constant 0 : i32
      %ne3A_714 = arith.cmpi ne, %rem3A_712, %ne3A_713 : i32
      %lt3A_715 = arith.constant 0 : i32
      %lt3A_716 = arith.cmpi slt, %rem3A_712, %lt3A_715 : i32
      %lt3A_717 = arith.constant 0 : i32
      %lt3A_718 = arith.cmpi slt, %select_n3A_711, %lt3A_717 : i32
      %ne3A_719 = arith.xori %lt3A_716, %lt3A_718 : i1
      %and3A_720 = arith.andi %ne3A_719, %ne3A_714 : i1
      %add3A_721 = arith.addi %rem3A_712, %select_n3A_711 : i32
      %select_n3A_722 = arith.select %and3A_720, %add3A_721, %rem3A_712 : i32
      %mul3A_723 = arith.constant 2048 : i32
      %mul3A_724 = arith.muli %sub3A_666, %mul3A_723 : i32
      %add3A_725 = arith.addi %mul3A_724, %select_n3A_722 : i32
      %multiple_of3A_726 = tpu.assume_multiple %add3A_725, 256 : i32
      %mul3A_727 = arith.constant 64 : i32
      %mul3A_728 = arith.muli %select_n3A_706, %mul3A_727 : i32
      %multiple_of3A_729 = tpu.assume_multiple %mul3A_728, 64 : i32
      %dma_wait3A_730 = tpu.memref_slice %arg4[%multiple_of3A_726, %multiple_of3A_729] : memref<102400x128xf32, #tpu.memory_space<hbm>> -> memref<256x64xf32, #tpu.memory_space<hbm>>
      %dma_wait3A_731 = tpu.memref_slice %arg4[%multiple_of3A_726, %multiple_of3A_729] : memref<102400x128xf32, #tpu.memory_space<hbm>> -> memref<256x64xf32, #tpu.memory_space<hbm>>
      tpu.wait_dma2 semaphore(%arg17 : memref<!tpu.dma_semaphore, #tpu.memory_space<semaphore_mem>>) src(%arg7 : memref<256x64xf32, #tpu.memory_space<vmem>>) dst(%dma_wait3A_731 : memref<256x64xf32, #tpu.memory_space<hbm>>)
      %add3A_732 = arith.constant 5 : i32
      %add3A_733 = arith.addi %add3A_637, %add3A_732 : i32
      %lt3A_734 = arith.constant 25 : i32
      %lt3A_735 = arith.cmpi slt, %add3A_733, %lt3A_734 : i32
      %convert_element_type3A_736 = arith.extui %lt3A_735 : i1 to i32
      %cond3A_737 = arith.constant 0 : i32
      %cond3A_738 = arith.cmpi ne, %convert_element_type3A_736, %cond3A_737 : i32
      scf.if %cond3A_738 {
        %add3A_1048 = arith.constant 5 : i32
        %add3A_1049 = arith.addi %add3A_637, %add3A_1048 : i32
        %mul3A_1050 = arith.constant 256 : i32
        %mul3A_1051 = arith.muli %add3A_1049, %mul3A_1050 : i32
        %dma_start3A_1052 = tpu.memref_slice %arg5[%mul3A_1051] : memref<6400xi32, #tpu.memory_space<vmem>> -> memref<256xi32, #tpu.memory_space<vmem>>
        %dma_start3A_1053 = arith.constant 0 : i32
        %dma_start3A_1054 = arith.constant 0 : i32
        %dma_start3A_1055 = tpu.memref_slice %arg3[%dma_start3A_1053, %dma_start3A_1054] : memref<100000x64xf32, #tpu.memory_space<hbm>> -> memref<100000x64xf32, #tpu.memory_space<hbm>>
        tpu.enqueue_indirect_dma source(%dma_start3A_1055 : memref<100000x64xf32, #tpu.memory_space<hbm>>) target(%arg7 : memref<256x64xf32, #tpu.memory_space<vmem>>) offsets(%dma_start3A_1052 : memref<256xi32, #tpu.memory_space<vmem>>) semaphore(%arg12 : memref<!tpu.dma_semaphore, #tpu.memory_space<semaphore_mem>>)
      } else {
      }
      %add3A_739 = arith.constant 2 : i32
      %add3A_740 = arith.addi %mul3A_36, %add3A_739 : i32
      %mul3A_741 = arith.constant 256 : i32
      %mul3A_742 = arith.muli %add3A_740, %mul3A_741 : i32
      %add3A_743 = arith.addi %add3A_4, %mul3A_742 : i32
      %jit3A_744 = arith.constant 4096 : i32
      %div3A_745 = arith.divsi %add3A_743, %jit3A_744 : i32
      %sign3A_746 = arith.constant 0 : i32
      %sign3A_747 = arith.cmpi sgt, %add3A_743, %sign3A_746 : i32
      %sign3A_748 = arith.extui %sign3A_747 : i1 to i32
      %sign3A_749 = arith.constant 0 : i32
      %sign3A_750 = arith.cmpi slt, %add3A_743, %sign3A_749 : i32
      %sign3A_751 = arith.extui %sign3A_750 : i1 to i32
      %sign3A_752 = arith.subi %sign3A_748, %sign3A_751 : i32
      %sign3A_753 = arith.constant 0 : i32
      %sign3A_754 = arith.cmpi sgt, %jit3A_744, %sign3A_753 : i32
      %sign3A_755 = arith.extui %sign3A_754 : i1 to i32
      %sign3A_756 = arith.constant 0 : i32
      %sign3A_757 = arith.cmpi slt, %jit3A_744, %sign3A_756 : i32
      %sign3A_758 = arith.extui %sign3A_757 : i1 to i32
      %sign3A_759 = arith.subi %sign3A_755, %sign3A_758 : i32
      %ne3A_760 = arith.cmpi ne, %sign3A_752, %sign3A_759 : i32
      %rem3A_761 = arith.remsi %add3A_743, %jit3A_744 : i32
      %ne3A_762 = arith.constant 0 : i32
      %ne3A_763 = arith.cmpi ne, %rem3A_761, %ne3A_762 : i32
      %and3A_764 = arith.andi %ne3A_760, %ne3A_763 : i1
      %sub3A_765 = arith.constant 1 : i32
      %sub3A_766 = arith.subi %div3A_745, %sub3A_765 : i32
      %select_n3A_767 = arith.select %and3A_764, %sub3A_766, %div3A_745 : i32
      %sub3A_768 = arith.constant 50 : i32
      %sub3A_769 = arith.subi %select_n3A_767, %sub3A_768 : i32
      %jit3A_770 = arith.constant 4096 : i32
      %eq3A_771 = arith.constant 0 : i32
      %eq3A_772 = arith.cmpi eq, %jit3A_770, %eq3A_771 : i32
      %jit3A_773 = arith.constant 1 : i32
      %select_n3A_774 = arith.select %eq3A_772, %jit3A_773, %jit3A_770 : i32
      %rem3A_775 = arith.remsi %add3A_743, %select_n3A_774 : i32
      %ne3A_776 = arith.constant 0 : i32
      %ne3A_777 = arith.cmpi ne, %rem3A_775, %ne3A_776 : i32
      %lt3A_778 = arith.constant 0 : i32
      %lt3A_779 = arith.cmpi slt, %rem3A_775, %lt3A_778 : i32
      %lt3A_780 = arith.constant 0 : i32
      %lt3A_781 = arith.cmpi slt, %select_n3A_774, %lt3A_780 : i32
      %ne3A_782 = arith.xori %lt3A_779, %lt3A_781 : i1
      %and3A_783 = arith.andi %ne3A_782, %ne3A_777 : i1
      %add3A_784 = arith.addi %rem3A_775, %select_n3A_774 : i32
      %select_n3A_785 = arith.select %and3A_783, %add3A_784, %rem3A_775 : i32
      %jit3A_786 = arith.constant 2048 : i32
      %div3A_787 = arith.divsi %select_n3A_785, %jit3A_786 : i32
      %sign3A_788 = arith.constant 0 : i32
      %sign3A_789 = arith.cmpi sgt, %select_n3A_785, %sign3A_788 : i32
      %sign3A_790 = arith.extui %sign3A_789 : i1 to i32
      %sign3A_791 = arith.constant 0 : i32
      %sign3A_792 = arith.cmpi slt, %select_n3A_785, %sign3A_791 : i32
      %sign3A_793 = arith.extui %sign3A_792 : i1 to i32
      %sign3A_794 = arith.subi %sign3A_790, %sign3A_793 : i32
      %sign3A_795 = arith.constant 0 : i32
      %sign3A_796 = arith.cmpi sgt, %jit3A_786, %sign3A_795 : i32
      %sign3A_797 = arith.extui %sign3A_796 : i1 to i32
      %sign3A_798 = arith.constant 0 : i32
      %sign3A_799 = arith.cmpi slt, %jit3A_786, %sign3A_798 : i32
      %sign3A_800 = arith.extui %sign3A_799 : i1 to i32
      %sign3A_801 = arith.subi %sign3A_797, %sign3A_800 : i32
      %ne3A_802 = arith.cmpi ne, %sign3A_794, %sign3A_801 : i32
      %rem3A_803 = arith.remsi %select_n3A_785, %jit3A_786 : i32
      %ne3A_804 = arith.constant 0 : i32
      %ne3A_805 = arith.cmpi ne, %rem3A_803, %ne3A_804 : i32
      %and3A_806 = arith.andi %ne3A_802, %ne3A_805 : i1
      %sub3A_807 = arith.constant 1 : i32
      %sub3A_808 = arith.subi %div3A_787, %sub3A_807 : i32
      %select_n3A_809 = arith.select %and3A_806, %sub3A_808, %div3A_787 : i32
      %jit3A_810 = arith.constant 2048 : i32
      %eq3A_811 = arith.constant 0 : i32
      %eq3A_812 = arith.cmpi eq, %jit3A_810, %eq3A_811 : i32
      %jit3A_813 = arith.constant 1 : i32
      %select_n3A_814 = arith.select %eq3A_812, %jit3A_813, %jit3A_810 : i32
      %rem3A_815 = arith.remsi %select_n3A_785, %select_n3A_814 : i32
      %ne3A_816 = arith.constant 0 : i32
      %ne3A_817 = arith.cmpi ne, %rem3A_815, %ne3A_816 : i32
      %lt3A_818 = arith.constant 0 : i32
      %lt3A_819 = arith.cmpi slt, %rem3A_815, %lt3A_818 : i32
      %lt3A_820 = arith.constant 0 : i32
      %lt3A_821 = arith.cmpi slt, %select_n3A_814, %lt3A_820 : i32
      %ne3A_822 = arith.xori %lt3A_819, %lt3A_821 : i1
      %and3A_823 = arith.andi %ne3A_822, %ne3A_817 : i1
      %add3A_824 = arith.addi %rem3A_815, %select_n3A_814 : i32
      %select_n3A_825 = arith.select %and3A_823, %add3A_824, %rem3A_815 : i32
      %mul3A_826 = arith.constant 2048 : i32
      %mul3A_827 = arith.muli %sub3A_769, %mul3A_826 : i32
      %add3A_828 = arith.addi %mul3A_827, %select_n3A_825 : i32
      %multiple_of3A_829 = tpu.assume_multiple %add3A_828, 256 : i32
      %mul3A_830 = arith.constant 64 : i32
      %mul3A_831 = arith.muli %select_n3A_809, %mul3A_830 : i32
      %multiple_of3A_832 = tpu.assume_multiple %mul3A_831, 64 : i32
      %dma_wait3A_833 = tpu.memref_slice %arg4[%multiple_of3A_829, %multiple_of3A_832] : memref<102400x128xf32, #tpu.memory_space<hbm>> -> memref<256x64xf32, #tpu.memory_space<hbm>>
      %dma_wait3A_834 = tpu.memref_slice %arg4[%multiple_of3A_829, %multiple_of3A_832] : memref<102400x128xf32, #tpu.memory_space<hbm>> -> memref<256x64xf32, #tpu.memory_space<hbm>>
      tpu.wait_dma2 semaphore(%arg18 : memref<!tpu.dma_semaphore, #tpu.memory_space<semaphore_mem>>) src(%arg8 : memref<256x64xf32, #tpu.memory_space<vmem>>) dst(%dma_wait3A_834 : memref<256x64xf32, #tpu.memory_space<hbm>>)
      %add3A_835 = arith.constant 5 : i32
      %add3A_836 = arith.addi %add3A_740, %add3A_835 : i32
      %lt3A_837 = arith.constant 25 : i32
      %lt3A_838 = arith.cmpi slt, %add3A_836, %lt3A_837 : i32
      %convert_element_type3A_839 = arith.extui %lt3A_838 : i1 to i32
      %cond3A_840 = arith.constant 0 : i32
      %cond3A_841 = arith.cmpi ne, %convert_element_type3A_839, %cond3A_840 : i32
      scf.if %cond3A_841 {
        %add3A_1048 = arith.constant 5 : i32
        %add3A_1049 = arith.addi %add3A_740, %add3A_1048 : i32
        %mul3A_1050 = arith.constant 256 : i32
        %mul3A_1051 = arith.muli %add3A_1049, %mul3A_1050 : i32
        %dma_start3A_1052 = tpu.memref_slice %arg5[%mul3A_1051] : memref<6400xi32, #tpu.memory_space<vmem>> -> memref<256xi32, #tpu.memory_space<vmem>>
        %dma_start3A_1053 = arith.constant 0 : i32
        %dma_start3A_1054 = arith.constant 0 : i32
        %dma_start3A_1055 = tpu.memref_slice %arg3[%dma_start3A_1053, %dma_start3A_1054] : memref<100000x64xf32, #tpu.memory_space<hbm>> -> memref<100000x64xf32, #tpu.memory_space<hbm>>
        tpu.enqueue_indirect_dma source(%dma_start3A_1055 : memref<100000x64xf32, #tpu.memory_space<hbm>>) target(%arg8 : memref<256x64xf32, #tpu.memory_space<vmem>>) offsets(%dma_start3A_1052 : memref<256xi32, #tpu.memory_space<vmem>>) semaphore(%arg13 : memref<!tpu.dma_semaphore, #tpu.memory_space<semaphore_mem>>)
      } else {
      }
      %add3A_842 = arith.constant 3 : i32
      %add3A_843 = arith.addi %mul3A_36, %add3A_842 : i32
      %mul3A_844 = arith.constant 256 : i32
      %mul3A_845 = arith.muli %add3A_843, %mul3A_844 : i32
      %add3A_846 = arith.addi %add3A_4, %mul3A_845 : i32
      %jit3A_847 = arith.constant 4096 : i32
      %div3A_848 = arith.divsi %add3A_846, %jit3A_847 : i32
      %sign3A_849 = arith.constant 0 : i32
      %sign3A_850 = arith.cmpi sgt, %add3A_846, %sign3A_849 : i32
      %sign3A_851 = arith.extui %sign3A_850 : i1 to i32
      %sign3A_852 = arith.constant 0 : i32
      %sign3A_853 = arith.cmpi slt, %add3A_846, %sign3A_852 : i32
      %sign3A_854 = arith.extui %sign3A_853 : i1 to i32
      %sign3A_855 = arith.subi %sign3A_851, %sign3A_854 : i32
      %sign3A_856 = arith.constant 0 : i32
      %sign3A_857 = arith.cmpi sgt, %jit3A_847, %sign3A_856 : i32
      %sign3A_858 = arith.extui %sign3A_857 : i1 to i32
      %sign3A_859 = arith.constant 0 : i32
      %sign3A_860 = arith.cmpi slt, %jit3A_847, %sign3A_859 : i32
      %sign3A_861 = arith.extui %sign3A_860 : i1 to i32
      %sign3A_862 = arith.subi %sign3A_858, %sign3A_861 : i32
      %ne3A_863 = arith.cmpi ne, %sign3A_855, %sign3A_862 : i32
      %rem3A_864 = arith.remsi %add3A_846, %jit3A_847 : i32
      %ne3A_865 = arith.constant 0 : i32
      %ne3A_866 = arith.cmpi ne, %rem3A_864, %ne3A_865 : i32
      %and3A_867 = arith.andi %ne3A_863, %ne3A_866 : i1
      %sub3A_868 = arith.constant 1 : i32
      %sub3A_869 = arith.subi %div3A_848, %sub3A_868 : i32
      %select_n3A_870 = arith.select %and3A_867, %sub3A_869, %div3A_848 : i32
      %sub3A_871 = arith.constant 50 : i32
      %sub3A_872 = arith.subi %select_n3A_870, %sub3A_871 : i32
      %jit3A_873 = arith.constant 4096 : i32
      %eq3A_874 = arith.constant 0 : i32
      %eq3A_875 = arith.cmpi eq, %jit3A_873, %eq3A_874 : i32
      %jit3A_876 = arith.constant 1 : i32
      %select_n3A_877 = arith.select %eq3A_875, %jit3A_876, %jit3A_873 : i32
      %rem3A_878 = arith.remsi %add3A_846, %select_n3A_877 : i32
      %ne3A_879 = arith.constant 0 : i32
      %ne3A_880 = arith.cmpi ne, %rem3A_878, %ne3A_879 : i32
      %lt3A_881 = arith.constant 0 : i32
      %lt3A_882 = arith.cmpi slt, %rem3A_878, %lt3A_881 : i32
      %lt3A_883 = arith.constant 0 : i32
      %lt3A_884 = arith.cmpi slt, %select_n3A_877, %lt3A_883 : i32
      %ne3A_885 = arith.xori %lt3A_882, %lt3A_884 : i1
      %and3A_886 = arith.andi %ne3A_885, %ne3A_880 : i1
      %add3A_887 = arith.addi %rem3A_878, %select_n3A_877 : i32
      %select_n3A_888 = arith.select %and3A_886, %add3A_887, %rem3A_878 : i32
      %jit3A_889 = arith.constant 2048 : i32
      %div3A_890 = arith.divsi %select_n3A_888, %jit3A_889 : i32
      %sign3A_891 = arith.constant 0 : i32
      %sign3A_892 = arith.cmpi sgt, %select_n3A_888, %sign3A_891 : i32
      %sign3A_893 = arith.extui %sign3A_892 : i1 to i32
      %sign3A_894 = arith.constant 0 : i32
      %sign3A_895 = arith.cmpi slt, %select_n3A_888, %sign3A_894 : i32
      %sign3A_896 = arith.extui %sign3A_895 : i1 to i32
      %sign3A_897 = arith.subi %sign3A_893, %sign3A_896 : i32
      %sign3A_898 = arith.constant 0 : i32
      %sign3A_899 = arith.cmpi sgt, %jit3A_889, %sign3A_898 : i32
      %sign3A_900 = arith.extui %sign3A_899 : i1 to i32
      %sign3A_901 = arith.constant 0 : i32
      %sign3A_902 = arith.cmpi slt, %jit3A_889, %sign3A_901 : i32
      %sign3A_903 = arith.extui %sign3A_902 : i1 to i32
      %sign3A_904 = arith.subi %sign3A_900, %sign3A_903 : i32
      %ne3A_905 = arith.cmpi ne, %sign3A_897, %sign3A_904 : i32
      %rem3A_906 = arith.remsi %select_n3A_888, %jit3A_889 : i32
      %ne3A_907 = arith.constant 0 : i32
      %ne3A_908 = arith.cmpi ne, %rem3A_906, %ne3A_907 : i32
      %and3A_909 = arith.andi %ne3A_905, %ne3A_908 : i1
      %sub3A_910 = arith.constant 1 : i32
      %sub3A_911 = arith.subi %div3A_890, %sub3A_910 : i32
      %select_n3A_912 = arith.select %and3A_909, %sub3A_911, %div3A_890 : i32
      %jit3A_913 = arith.constant 2048 : i32
      %eq3A_914 = arith.constant 0 : i32
      %eq3A_915 = arith.cmpi eq, %jit3A_913, %eq3A_914 : i32
      %jit3A_916 = arith.constant 1 : i32
      %select_n3A_917 = arith.select %eq3A_915, %jit3A_916, %jit3A_913 : i32
      %rem3A_918 = arith.remsi %select_n3A_888, %select_n3A_917 : i32
      %ne3A_919 = arith.constant 0 : i32
      %ne3A_920 = arith.cmpi ne, %rem3A_918, %ne3A_919 : i32
      %lt3A_921 = arith.constant 0 : i32
      %lt3A_922 = arith.cmpi slt, %rem3A_918, %lt3A_921 : i32
      %lt3A_923 = arith.constant 0 : i32
      %lt3A_924 = arith.cmpi slt, %select_n3A_917, %lt3A_923 : i32
      %ne3A_925 = arith.xori %lt3A_922, %lt3A_924 : i1
      %and3A_926 = arith.andi %ne3A_925, %ne3A_920 : i1
      %add3A_927 = arith.addi %rem3A_918, %select_n3A_917 : i32
      %select_n3A_928 = arith.select %and3A_926, %add3A_927, %rem3A_918 : i32
      %mul3A_929 = arith.constant 2048 : i32
      %mul3A_930 = arith.muli %sub3A_872, %mul3A_929 : i32
      %add3A_931 = arith.addi %mul3A_930, %select_n3A_928 : i32
      %multiple_of3A_932 = tpu.assume_multiple %add3A_931, 256 : i32
      %mul3A_933 = arith.constant 64 : i32
      %mul3A_934 = arith.muli %select_n3A_912, %mul3A_933 : i32
      %multiple_of3A_935 = tpu.assume_multiple %mul3A_934, 64 : i32
      %dma_wait3A_936 = tpu.memref_slice %arg4[%multiple_of3A_932, %multiple_of3A_935] : memref<102400x128xf32, #tpu.memory_space<hbm>> -> memref<256x64xf32, #tpu.memory_space<hbm>>
      %dma_wait3A_937 = tpu.memref_slice %arg4[%multiple_of3A_932, %multiple_of3A_935] : memref<102400x128xf32, #tpu.memory_space<hbm>> -> memref<256x64xf32, #tpu.memory_space<hbm>>
      tpu.wait_dma2 semaphore(%arg19 : memref<!tpu.dma_semaphore, #tpu.memory_space<semaphore_mem>>) src(%arg9 : memref<256x64xf32, #tpu.memory_space<vmem>>) dst(%dma_wait3A_937 : memref<256x64xf32, #tpu.memory_space<hbm>>)
      %add3A_938 = arith.constant 5 : i32
      %add3A_939 = arith.addi %add3A_843, %add3A_938 : i32
      %lt3A_940 = arith.constant 25 : i32
      %lt3A_941 = arith.cmpi slt, %add3A_939, %lt3A_940 : i32
      %convert_element_type3A_942 = arith.extui %lt3A_941 : i1 to i32
      %cond3A_943 = arith.constant 0 : i32
      %cond3A_944 = arith.cmpi ne, %convert_element_type3A_942, %cond3A_943 : i32
      scf.if %cond3A_944 {
        %add3A_1048 = arith.constant 5 : i32
        %add3A_1049 = arith.addi %add3A_843, %add3A_1048 : i32
        %mul3A_1050 = arith.constant 256 : i32
        %mul3A_1051 = arith.muli %add3A_1049, %mul3A_1050 : i32
        %dma_start3A_1052 = tpu.memref_slice %arg5[%mul3A_1051] : memref<6400xi32, #tpu.memory_space<vmem>> -> memref<256xi32, #tpu.memory_space<vmem>>
        %dma_start3A_1053 = arith.constant 0 : i32
        %dma_start3A_1054 = arith.constant 0 : i32
        %dma_start3A_1055 = tpu.memref_slice %arg3[%dma_start3A_1053, %dma_start3A_1054] : memref<100000x64xf32, #tpu.memory_space<hbm>> -> memref<100000x64xf32, #tpu.memory_space<hbm>>
        tpu.enqueue_indirect_dma source(%dma_start3A_1055 : memref<100000x64xf32, #tpu.memory_space<hbm>>) target(%arg9 : memref<256x64xf32, #tpu.memory_space<vmem>>) offsets(%dma_start3A_1052 : memref<256xi32, #tpu.memory_space<vmem>>) semaphore(%arg14 : memref<!tpu.dma_semaphore, #tpu.memory_space<semaphore_mem>>)
      } else {
      }
      %add3A_945 = arith.constant 4 : i32
      %add3A_946 = arith.addi %mul3A_36, %add3A_945 : i32
      %mul3A_947 = arith.constant 256 : i32
      %mul3A_948 = arith.muli %add3A_946, %mul3A_947 : i32
      %add3A_949 = arith.addi %add3A_4, %mul3A_948 : i32
      %jit3A_950 = arith.constant 4096 : i32
      %div3A_951 = arith.divsi %add3A_949, %jit3A_950 : i32
      %sign3A_952 = arith.constant 0 : i32
      %sign3A_953 = arith.cmpi sgt, %add3A_949, %sign3A_952 : i32
      %sign3A_954 = arith.extui %sign3A_953 : i1 to i32
      %sign3A_955 = arith.constant 0 : i32
      %sign3A_956 = arith.cmpi slt, %add3A_949, %sign3A_955 : i32
      %sign3A_957 = arith.extui %sign3A_956 : i1 to i32
      %sign3A_958 = arith.subi %sign3A_954, %sign3A_957 : i32
      %sign3A_959 = arith.constant 0 : i32
      %sign3A_960 = arith.cmpi sgt, %jit3A_950, %sign3A_959 : i32
      %sign3A_961 = arith.extui %sign3A_960 : i1 to i32
      %sign3A_962 = arith.constant 0 : i32
      %sign3A_963 = arith.cmpi slt, %jit3A_950, %sign3A_962 : i32
      %sign3A_964 = arith.extui %sign3A_963 : i1 to i32
      %sign3A_965 = arith.subi %sign3A_961, %sign3A_964 : i32
      %ne3A_966 = arith.cmpi ne, %sign3A_958, %sign3A_965 : i32
      %rem3A_967 = arith.remsi %add3A_949, %jit3A_950 : i32
      %ne3A_968 = arith.constant 0 : i32
      %ne3A_969 = arith.cmpi ne, %rem3A_967, %ne3A_968 : i32
      %and3A_970 = arith.andi %ne3A_966, %ne3A_969 : i1
      %sub3A_971 = arith.constant 1 : i32
      %sub3A_972 = arith.subi %div3A_951, %sub3A_971 : i32
      %select_n3A_973 = arith.select %and3A_970, %sub3A_972, %div3A_951 : i32
      %sub3A_974 = arith.constant 50 : i32
      %sub3A_975 = arith.subi %select_n3A_973, %sub3A_974 : i32
      %jit3A_976 = arith.constant 4096 : i32
      %eq3A_977 = arith.constant 0 : i32
      %eq3A_978 = arith.cmpi eq, %jit3A_976, %eq3A_977 : i32
      %jit3A_979 = arith.constant 1 : i32
      %select_n3A_980 = arith.select %eq3A_978, %jit3A_979, %jit3A_976 : i32
      %rem3A_981 = arith.remsi %add3A_949, %select_n3A_980 : i32
      %ne3A_982 = arith.constant 0 : i32
      %ne3A_983 = arith.cmpi ne, %rem3A_981, %ne3A_982 : i32
      %lt3A_984 = arith.constant 0 : i32
      %lt3A_985 = arith.cmpi slt, %rem3A_981, %lt3A_984 : i32
      %lt3A_986 = arith.constant 0 : i32
      %lt3A_987 = arith.cmpi slt, %select_n3A_980, %lt3A_986 : i32
      %ne3A_988 = arith.xori %lt3A_985, %lt3A_987 : i1
      %and3A_989 = arith.andi %ne3A_988, %ne3A_983 : i1
      %add3A_990 = arith.addi %rem3A_981, %select_n3A_980 : i32
      %select_n3A_991 = arith.select %and3A_989, %add3A_990, %rem3A_981 : i32
      %jit3A_992 = arith.constant 2048 : i32
      %div3A_993 = arith.divsi %select_n3A_991, %jit3A_992 : i32
      %sign3A_994 = arith.constant 0 : i32
      %sign3A_995 = arith.cmpi sgt, %select_n3A_991, %sign3A_994 : i32
      %sign3A_996 = arith.extui %sign3A_995 : i1 to i32
      %sign3A_997 = arith.constant 0 : i32
      %sign3A_998 = arith.cmpi slt, %select_n3A_991, %sign3A_997 : i32
      %sign3A_999 = arith.extui %sign3A_998 : i1 to i32
      %sign3A_1000 = arith.subi %sign3A_996, %sign3A_999 : i32
      %sign3A_1001 = arith.constant 0 : i32
      %sign3A_1002 = arith.cmpi sgt, %jit3A_992, %sign3A_1001 : i32
      %sign3A_1003 = arith.extui %sign3A_1002 : i1 to i32
      %sign3A_1004 = arith.constant 0 : i32
      %sign3A_1005 = arith.cmpi slt, %jit3A_992, %sign3A_1004 : i32
      %sign3A_1006 = arith.extui %sign3A_1005 : i1 to i32
      %sign3A_1007 = arith.subi %sign3A_1003, %sign3A_1006 : i32
      %ne3A_1008 = arith.cmpi ne, %sign3A_1000, %sign3A_1007 : i32
      %rem3A_1009 = arith.remsi %select_n3A_991, %jit3A_992 : i32
      %ne3A_1010 = arith.constant 0 : i32
      %ne3A_1011 = arith.cmpi ne, %rem3A_1009, %ne3A_1010 : i32
      %and3A_1012 = arith.andi %ne3A_1008, %ne3A_1011 : i1
      %sub3A_1013 = arith.constant 1 : i32
      %sub3A_1014 = arith.subi %div3A_993, %sub3A_1013 : i32
      %select_n3A_1015 = arith.select %and3A_1012, %sub3A_1014, %div3A_993 : i32
      %jit3A_1016 = arith.constant 2048 : i32
      %eq3A_1017 = arith.constant 0 : i32
      %eq3A_1018 = arith.cmpi eq, %jit3A_1016, %eq3A_1017 : i32
      %jit3A_1019 = arith.constant 1 : i32
      %select_n3A_1020 = arith.select %eq3A_1018, %jit3A_1019, %jit3A_1016 : i32
      %rem3A_1021 = arith.remsi %select_n3A_991, %select_n3A_1020 : i32
      %ne3A_1022 = arith.constant 0 : i32
      %ne3A_1023 = arith.cmpi ne, %rem3A_1021, %ne3A_1022 : i32
      %lt3A_1024 = arith.constant 0 : i32
      %lt3A_1025 = arith.cmpi slt, %rem3A_1021, %lt3A_1024 : i32
      %lt3A_1026 = arith.constant 0 : i32
      %lt3A_1027 = arith.cmpi slt, %select_n3A_1020, %lt3A_1026 : i32
      %ne3A_1028 = arith.xori %lt3A_1025, %lt3A_1027 : i1
      %and3A_1029 = arith.andi %ne3A_1028, %ne3A_1023 : i1
      %add3A_1030 = arith.addi %rem3A_1021, %select_n3A_1020 : i32
      %select_n3A_1031 = arith.select %and3A_1029, %add3A_1030, %rem3A_1021 : i32
      %mul3A_1032 = arith.constant 2048 : i32
      %mul3A_1033 = arith.muli %sub3A_975, %mul3A_1032 : i32
      %add3A_1034 = arith.addi %mul3A_1033, %select_n3A_1031 : i32
      %multiple_of3A_1035 = tpu.assume_multiple %add3A_1034, 256 : i32
      %mul3A_1036 = arith.constant 64 : i32
      %mul3A_1037 = arith.muli %select_n3A_1015, %mul3A_1036 : i32
      %multiple_of3A_1038 = tpu.assume_multiple %mul3A_1037, 64 : i32
      %dma_wait3A_1039 = tpu.memref_slice %arg4[%multiple_of3A_1035, %multiple_of3A_1038] : memref<102400x128xf32, #tpu.memory_space<hbm>> -> memref<256x64xf32, #tpu.memory_space<hbm>>
      %dma_wait3A_1040 = tpu.memref_slice %arg4[%multiple_of3A_1035, %multiple_of3A_1038] : memref<102400x128xf32, #tpu.memory_space<hbm>> -> memref<256x64xf32, #tpu.memory_space<hbm>>
      tpu.wait_dma2 semaphore(%arg20 : memref<!tpu.dma_semaphore, #tpu.memory_space<semaphore_mem>>) src(%arg10 : memref<256x64xf32, #tpu.memory_space<vmem>>) dst(%dma_wait3A_1040 : memref<256x64xf32, #tpu.memory_space<hbm>>)
      %add3A_1041 = arith.constant 5 : i32
      %add3A_1042 = arith.addi %add3A_946, %add3A_1041 : i32
      %lt3A_1043 = arith.constant 25 : i32
      %lt3A_1044 = arith.cmpi slt, %add3A_1042, %lt3A_1043 : i32
      %convert_element_type3A_1045 = arith.extui %lt3A_1044 : i1 to i32
      %cond3A_1046 = arith.constant 0 : i32
      %cond3A_1047 = arith.cmpi ne, %convert_element_type3A_1045, %cond3A_1046 : i32
      scf.if %cond3A_1047 {
        %add3A_1048 = arith.constant 5 : i32
        %add3A_1049 = arith.addi %add3A_946, %add3A_1048 : i32
        %mul3A_1050 = arith.constant 256 : i32
        %mul3A_1051 = arith.muli %add3A_1049, %mul3A_1050 : i32
        %dma_start3A_1052 = tpu.memref_slice %arg5[%mul3A_1051] : memref<6400xi32, #tpu.memory_space<vmem>> -> memref<256xi32, #tpu.memory_space<vmem>>
        %dma_start3A_1053 = arith.constant 0 : i32
        %dma_start3A_1054 = arith.constant 0 : i32
        %dma_start3A_1055 = tpu.memref_slice %arg3[%dma_start3A_1053, %dma_start3A_1054] : memref<100000x64xf32, #tpu.memory_space<hbm>> -> memref<100000x64xf32, #tpu.memory_space<hbm>>
        tpu.enqueue_indirect_dma source(%dma_start3A_1055 : memref<100000x64xf32, #tpu.memory_space<hbm>>) target(%arg10 : memref<256x64xf32, #tpu.memory_space<vmem>>) offsets(%dma_start3A_1052 : memref<256xi32, #tpu.memory_space<vmem>>) semaphore(%arg15 : memref<!tpu.dma_semaphore, #tpu.memory_space<semaphore_mem>>)
      } else {
      }
    }
    %scan3A_33 = arith.constant 5 : i32
    return
  }
}

#map = affine_map<(d0, d1) -> (0)>
#map1 = affine_map<(d0, d1) -> (0, 0)>
module attributes {stable_mosaic.version = 14 : i64} {
  func.func @_sc_gather(%arg0: i32, %arg1: i32, %arg2: memref<819200xi32, #tpu.memory_space<hbm>>, %arg3: memref<100000x64xf32, #tpu.memory_space<hbm>>, %arg4: memref<102400x128xf32, #tpu.memory_space<hbm>>, %arg5: memref<6400xi32, #tpu.memory_space<vmem>>, %arg6: memref<256x64xf32, #tpu.memory_space<vmem>>, %arg7: memref<256x64xf32, #tpu.memory_space<vmem>>, %arg8: memref<256x64xf32, #tpu.memory_space<vmem>>, %arg9: memref<256x64xf32, #tpu.memory_space<vmem>>, %arg10: memref<256x64xf32, #tpu.memory_space<vmem>>, %arg11: memref<!tpu.dma_semaphore, #tpu.memory_space<semaphore_mem>>, %arg12: memref<!tpu.dma_semaphore, #tpu.memory_space<semaphore_mem>>, %arg13: memref<!tpu.dma_semaphore, #tpu.memory_space<semaphore_mem>>, %arg14: memref<!tpu.dma_semaphore, #tpu.memory_space<semaphore_mem>>, %arg15: memref<!tpu.dma_semaphore, #tpu.memory_space<semaphore_mem>>, %arg16: memref<!tpu.dma_semaphore, #tpu.memory_space<semaphore_mem>>, %arg17: memref<!tpu.dma_semaphore, #tpu.memory_space<semaphore_mem>>, %arg18: memref<!tpu.dma_semaphore, #tpu.memory_space<semaphore_mem>>, %arg19: memref<!tpu.dma_semaphore, #tpu.memory_space<semaphore_mem>>, %arg20: memref<!tpu.dma_semaphore, #tpu.memory_space<semaphore_mem>>) attributes {dimension_semantics = [#tpu.dimension_semantics<core_parallel>, #tpu.dimension_semantics<subcore_parallel>], iteration_bounds = array<i64: 2, 16>, scalar_prefetch = 0 : i64, scratch_operands = 16 : i64, tpu.core_type = #tpu.core_type<sc_vector_subcore>, window_params = [{transform_indices = #map}, {transform_indices = #map1}, {transform_indices = #map1}]} {
    %mul3A = arith.constant 2 : i32
    %mul3A_0 = arith.muli %arg1, %mul3A : i32
    %add3A = arith.addi %mul3A_0, %arg0 : i32
    %mul3A_1 = arith.constant 6400 : i32
    %mul3A_2 = arith.muli %add3A, %mul3A_1 : i32
    %add3A_3 = arith.constant 614400 : i32
    %add3A_4 = arith.addi %add3A_3, %mul3A_2 : i32
    "tpu.region"() ({
      %run_scoped3A = tpu.sem_alloc : memref<!tpu.dma_semaphore, #tpu.memory_space<semaphore_mem>>
      %dma_start3A_34 = tpu.memref_slice %arg2[%add3A_4] : memref<819200xi32, #tpu.memory_space<hbm>> -> memref<6400xi32, #tpu.memory_space<hbm>>
      %dma_start3A_35 = tpu.memref_slice %arg2[%add3A_4] : memref<819200xi32, #tpu.memory_space<hbm>> -> memref<6400xi32, #tpu.memory_space<hbm>>
      tpu.enqueue_dma source(%dma_start3A_35 : memref<6400xi32, #tpu.memory_space<hbm>>) target(%arg5 : memref<6400xi32, #tpu.memory_space<vmem>>) target_semaphore(%run_scoped3A : memref<!tpu.dma_semaphore, #tpu.memory_space<semaphore_mem>>)
      %dma_wait3A = tpu.memref_slice %arg2[%add3A_4] : memref<819200xi32, #tpu.memory_space<hbm>> -> memref<6400xi32, #tpu.memory_space<hbm>>
      %dma_wait3A_36 = tpu.memref_slice %arg2[%add3A_4] : memref<819200xi32, #tpu.memory_space<hbm>> -> memref<6400xi32, #tpu.memory_space<hbm>>
      tpu.wait_dma2 semaphore(%run_scoped3A : memref<!tpu.dma_semaphore, #tpu.memory_space<semaphore_mem>>) src(%dma_wait3A_36 : memref<6400xi32, #tpu.memory_space<hbm>>) dst(%arg5 : memref<6400xi32, #tpu.memory_space<vmem>>)
      tpu.yield
    }) : () -> ()
    %dma_start3A = arith.constant 0 : i32
    %dma_start3A_5 = tpu.memref_slice %arg5[%dma_start3A] : memref<6400xi32, #tpu.memory_space<vmem>> -> memref<256xi32, #tpu.memory_space<vmem>>
    %dma_start3A_6 = arith.constant 0 : i32
    %dma_start3A_7 = arith.constant 0 : i32
    %dma_start3A_8 = tpu.memref_slice %arg3[%dma_start3A_6, %dma_start3A_7] : memref<100000x64xf32, #tpu.memory_space<hbm>> -> memref<100000x64xf32, #tpu.memory_space<hbm>>
    tpu.enqueue_indirect_dma source(%dma_start3A_8 : memref<100000x64xf32, #tpu.memory_space<hbm>>) target(%arg6 : memref<256x64xf32, #tpu.memory_space<vmem>>) offsets(%dma_start3A_5 : memref<256xi32, #tpu.memory_space<vmem>>) semaphore(%arg11 : memref<!tpu.dma_semaphore, #tpu.memory_space<semaphore_mem>>)
    %dma_start3A_9 = arith.constant 256 : i32
    %dma_start3A_10 = tpu.memref_slice %arg5[%dma_start3A_9] : memref<6400xi32, #tpu.memory_space<vmem>> -> memref<256xi32, #tpu.memory_space<vmem>>
    %dma_start3A_11 = arith.constant 0 : i32
    %dma_start3A_12 = arith.constant 0 : i32
    %dma_start3A_13 = tpu.memref_slice %arg3[%dma_start3A_11, %dma_start3A_12] : memref<100000x64xf32, #tpu.memory_space<hbm>> -> memref<100000x64xf32, #tpu.memory_space<hbm>>
    tpu.enqueue_indirect_dma source(%dma_start3A_13 : memref<100000x64xf32, #tpu.memory_space<hbm>>) target(%arg7 : memref<256x64xf32, #tpu.memory_space<vmem>>) offsets(%dma_start3A_10 : memref<256xi32, #tpu.memory_space<vmem>>) semaphore(%arg12 : memref<!tpu.dma_semaphore, #tpu.memory_space<semaphore_mem>>)
    %dma_start3A_14 = arith.constant 512 : i32
    %dma_start3A_15 = tpu.memref_slice %arg5[%dma_start3A_14] : memref<6400xi32, #tpu.memory_space<vmem>> -> memref<256xi32, #tpu.memory_space<vmem>>
    %dma_start3A_16 = arith.constant 0 : i32
    %dma_start3A_17 = arith.constant 0 : i32
    %dma_start3A_18 = tpu.memref_slice %arg3[%dma_start3A_16, %dma_start3A_17] : memref<100000x64xf32, #tpu.memory_space<hbm>> -> memref<100000x64xf32, #tpu.memory_space<hbm>>
    tpu.enqueue_indirect_dma source(%dma_start3A_18 : memref<100000x64xf32, #tpu.memory_space<hbm>>) target(%arg8 : memref<256x64xf32, #tpu.memory_space<vmem>>) offsets(%dma_start3A_15 : memref<256xi32, #tpu.memory_space<vmem>>) semaphore(%arg13 : memref<!tpu.dma_semaphore, #tpu.memory_space<semaphore_mem>>)
    %dma_start3A_19 = arith.constant 768 : i32
    %dma_start3A_20 = tpu.memref_slice %arg5[%dma_start3A_19] : memref<6400xi32, #tpu.memory_space<vmem>> -> memref<256xi32, #tpu.memory_space<vmem>>
    %dma_start3A_21 = arith.constant 0 : i32
    %dma_start3A_22 = arith.constant 0 : i32
    %dma_start3A_23 = tpu.memref_slice %arg3[%dma_start3A_21, %dma_start3A_22] : memref<100000x64xf32, #tpu.memory_space<hbm>> -> memref<100000x64xf32, #tpu.memory_space<hbm>>
    tpu.enqueue_indirect_dma source(%dma_start3A_23 : memref<100000x64xf32, #tpu.memory_space<hbm>>) target(%arg9 : memref<256x64xf32, #tpu.memory_space<vmem>>) offsets(%dma_start3A_20 : memref<256xi32, #tpu.memory_space<vmem>>) semaphore(%arg14 : memref<!tpu.dma_semaphore, #tpu.memory_space<semaphore_mem>>)
    %dma_start3A_24 = arith.constant 1024 : i32
    %dma_start3A_25 = tpu.memref_slice %arg5[%dma_start3A_24] : memref<6400xi32, #tpu.memory_space<vmem>> -> memref<256xi32, #tpu.memory_space<vmem>>
    %dma_start3A_26 = arith.constant 0 : i32
    %dma_start3A_27 = arith.constant 0 : i32
    %dma_start3A_28 = tpu.memref_slice %arg3[%dma_start3A_26, %dma_start3A_27] : memref<100000x64xf32, #tpu.memory_space<hbm>> -> memref<100000x64xf32, #tpu.memory_space<hbm>>
    tpu.enqueue_indirect_dma source(%dma_start3A_28 : memref<100000x64xf32, #tpu.memory_space<hbm>>) target(%arg10 : memref<256x64xf32, #tpu.memory_space<vmem>>) offsets(%dma_start3A_25 : memref<256xi32, #tpu.memory_space<vmem>>) semaphore(%arg15 : memref<!tpu.dma_semaphore, #tpu.memory_space<semaphore_mem>>)
    %scan3A = arith.constant 0 : i32
    %scan3A_29 = arith.constant 0 : i32
    %scan3A_30 = arith.constant 5 : i32
    %scan3A_31 = arith.addi %scan3A_29, %scan3A_30 : i32
    %scan3A_32 = arith.constant 1 : i32
    scf.for %scan3A_34 = %scan3A_29 to %scan3A_31 step %scan3A_32  : i32 {
      %mul3A_35 = arith.constant 5 : i32
      %mul3A_36 = arith.muli %scan3A_34, %mul3A_35 : i32
      %add3A_37 = arith.constant 0 : i32
      %add3A_38 = arith.addi %mul3A_36, %add3A_37 : i32
      %mul3A_39 = arith.constant 256 : i32
      %mul3A_40 = arith.muli %add3A_38, %mul3A_39 : i32
      %dma_wait3A = tpu.memref_slice %arg5[%mul3A_40] : memref<6400xi32, #tpu.memory_space<vmem>> -> memref<256xi32, #tpu.memory_space<vmem>>
      %dma_wait3A_41 = arith.constant 0 : i32
      %dma_wait3A_42 = arith.constant 0 : i32
      %dma_wait3A_43 = tpu.memref_slice %arg3[%dma_wait3A_41, %dma_wait3A_42] : memref<100000x64xf32, #tpu.memory_space<hbm>> -> memref<100000x64xf32, #tpu.memory_space<hbm>>
      tpu.wait_indirect_dma semaphore(%arg11 : memref<!tpu.dma_semaphore, #tpu.memory_space<semaphore_mem>>) src(%dma_wait3A_43 : memref<100000x64xf32, #tpu.memory_space<hbm>>) dst(%arg6 : memref<256x64xf32, #tpu.memory_space<vmem>>)
      %mul3A_44 = arith.constant 256 : i32
      %mul3A_45 = arith.muli %add3A_38, %mul3A_44 : i32
      %add3A_46 = arith.addi %add3A_4, %mul3A_45 : i32
      %jit3A = arith.constant 4096 : i32
      %div3A = arith.divsi %add3A_46, %jit3A : i32
      %sign3A = arith.constant 0 : i32
      %sign3A_47 = arith.cmpi sgt, %add3A_46, %sign3A : i32
      %sign3A_48 = arith.extui %sign3A_47 : i1 to i32
      %sign3A_49 = arith.constant 0 : i32
      %sign3A_50 = arith.cmpi slt, %add3A_46, %sign3A_49 : i32
      %sign3A_51 = arith.extui %sign3A_50 : i1 to i32
      %sign3A_52 = arith.subi %sign3A_48, %sign3A_51 : i32
      %sign3A_53 = arith.constant 0 : i32
      %sign3A_54 = arith.cmpi sgt, %jit3A, %sign3A_53 : i32
      %sign3A_55 = arith.extui %sign3A_54 : i1 to i32
      %sign3A_56 = arith.constant 0 : i32
      %sign3A_57 = arith.cmpi slt, %jit3A, %sign3A_56 : i32
      %sign3A_58 = arith.extui %sign3A_57 : i1 to i32
      %sign3A_59 = arith.subi %sign3A_55, %sign3A_58 : i32
      %ne3A = arith.cmpi ne, %sign3A_52, %sign3A_59 : i32
      %rem3A = arith.remsi %add3A_46, %jit3A : i32
      %ne3A_60 = arith.constant 0 : i32
      %ne3A_61 = arith.cmpi ne, %rem3A, %ne3A_60 : i32
      %and3A = arith.andi %ne3A, %ne3A_61 : i1
      %sub3A = arith.constant 1 : i32
      %sub3A_62 = arith.subi %div3A, %sub3A : i32
      %select_n3A = arith.select %and3A, %sub3A_62, %div3A : i32
      %sub3A_63 = arith.constant 150 : i32
      %sub3A_64 = arith.subi %select_n3A, %sub3A_63 : i32
      %jit3A_65 = arith.constant 4096 : i32
      %eq3A = arith.constant 0 : i32
      %eq3A_66 = arith.cmpi eq, %jit3A_65, %eq3A : i32
      %jit3A_67 = arith.constant 1 : i32
      %select_n3A_68 = arith.select %eq3A_66, %jit3A_67, %jit3A_65 : i32
      %rem3A_69 = arith.remsi %add3A_46, %select_n3A_68 : i32
      %ne3A_70 = arith.constant 0 : i32
      %ne3A_71 = arith.cmpi ne, %rem3A_69, %ne3A_70 : i32
      %lt3A = arith.constant 0 : i32
      %lt3A_72 = arith.cmpi slt, %rem3A_69, %lt3A : i32
      %lt3A_73 = arith.constant 0 : i32
      %lt3A_74 = arith.cmpi slt, %select_n3A_68, %lt3A_73 : i32
      %ne3A_75 = arith.xori %lt3A_72, %lt3A_74 : i1
      %and3A_76 = arith.andi %ne3A_75, %ne3A_71 : i1
      %add3A_77 = arith.addi %rem3A_69, %select_n3A_68 : i32
      %select_n3A_78 = arith.select %and3A_76, %add3A_77, %rem3A_69 : i32
      %jit3A_79 = arith.constant 2048 : i32
      %div3A_80 = arith.divsi %select_n3A_78, %jit3A_79 : i32
      %sign3A_81 = arith.constant 0 : i32
      %sign3A_82 = arith.cmpi sgt, %select_n3A_78, %sign3A_81 : i32
      %sign3A_83 = arith.extui %sign3A_82 : i1 to i32
      %sign3A_84 = arith.constant 0 : i32
      %sign3A_85 = arith.cmpi slt, %select_n3A_78, %sign3A_84 : i32
      %sign3A_86 = arith.extui %sign3A_85 : i1 to i32
      %sign3A_87 = arith.subi %sign3A_83, %sign3A_86 : i32
      %sign3A_88 = arith.constant 0 : i32
      %sign3A_89 = arith.cmpi sgt, %jit3A_79, %sign3A_88 : i32
      %sign3A_90 = arith.extui %sign3A_89 : i1 to i32
      %sign3A_91 = arith.constant 0 : i32
      %sign3A_92 = arith.cmpi slt, %jit3A_79, %sign3A_91 : i32
      %sign3A_93 = arith.extui %sign3A_92 : i1 to i32
      %sign3A_94 = arith.subi %sign3A_90, %sign3A_93 : i32
      %ne3A_95 = arith.cmpi ne, %sign3A_87, %sign3A_94 : i32
      %rem3A_96 = arith.remsi %select_n3A_78, %jit3A_79 : i32
      %ne3A_97 = arith.constant 0 : i32
      %ne3A_98 = arith.cmpi ne, %rem3A_96, %ne3A_97 : i32
      %and3A_99 = arith.andi %ne3A_95, %ne3A_98 : i1
      %sub3A_100 = arith.constant 1 : i32
      %sub3A_101 = arith.subi %div3A_80, %sub3A_100 : i32
      %select_n3A_102 = arith.select %and3A_99, %sub3A_101, %div3A_80 : i32
      %jit3A_103 = arith.constant 2048 : i32
      %eq3A_104 = arith.constant 0 : i32
      %eq3A_105 = arith.cmpi eq, %jit3A_103, %eq3A_104 : i32
      %jit3A_106 = arith.constant 1 : i32
      %select_n3A_107 = arith.select %eq3A_105, %jit3A_106, %jit3A_103 : i32
      %rem3A_108 = arith.remsi %select_n3A_78, %select_n3A_107 : i32
      %ne3A_109 = arith.constant 0 : i32
      %ne3A_110 = arith.cmpi ne, %rem3A_108, %ne3A_109 : i32
      %lt3A_111 = arith.constant 0 : i32
      %lt3A_112 = arith.cmpi slt, %rem3A_108, %lt3A_111 : i32
      %lt3A_113 = arith.constant 0 : i32
      %lt3A_114 = arith.cmpi slt, %select_n3A_107, %lt3A_113 : i32
      %ne3A_115 = arith.xori %lt3A_112, %lt3A_114 : i1
      %and3A_116 = arith.andi %ne3A_115, %ne3A_110 : i1
      %add3A_117 = arith.addi %rem3A_108, %select_n3A_107 : i32
      %select_n3A_118 = arith.select %and3A_116, %add3A_117, %rem3A_108 : i32
      %mul3A_119 = arith.constant 2048 : i32
      %mul3A_120 = arith.muli %sub3A_64, %mul3A_119 : i32
      %add3A_121 = arith.addi %mul3A_120, %select_n3A_118 : i32
      %multiple_of3A = tpu.assume_multiple %add3A_121, 256 : i32
      %mul3A_122 = arith.constant 64 : i32
      %mul3A_123 = arith.muli %select_n3A_102, %mul3A_122 : i32
      %multiple_of3A_124 = tpu.assume_multiple %mul3A_123, 64 : i32
      %dma_start3A_125 = tpu.memref_slice %arg4[%multiple_of3A, %multiple_of3A_124] : memref<102400x128xf32, #tpu.memory_space<hbm>> -> memref<256x64xf32, #tpu.memory_space<hbm>>
      %dma_start3A_126 = tpu.memref_slice %arg4[%multiple_of3A, %multiple_of3A_124] : memref<102400x128xf32, #tpu.memory_space<hbm>> -> memref<256x64xf32, #tpu.memory_space<hbm>>
      tpu.enqueue_dma source(%arg6 : memref<256x64xf32, #tpu.memory_space<vmem>>) target(%dma_start3A_126 : memref<256x64xf32, #tpu.memory_space<hbm>>) target_semaphore(%arg16 : memref<!tpu.dma_semaphore, #tpu.memory_space<semaphore_mem>>)
      %add3A_127 = arith.constant 1 : i32
      %add3A_128 = arith.addi %mul3A_36, %add3A_127 : i32
      %mul3A_129 = arith.constant 256 : i32
      %mul3A_130 = arith.muli %add3A_128, %mul3A_129 : i32
      %dma_wait3A_131 = tpu.memref_slice %arg5[%mul3A_130] : memref<6400xi32, #tpu.memory_space<vmem>> -> memref<256xi32, #tpu.memory_space<vmem>>
      %dma_wait3A_132 = arith.constant 0 : i32
      %dma_wait3A_133 = arith.constant 0 : i32
      %dma_wait3A_134 = tpu.memref_slice %arg3[%dma_wait3A_132, %dma_wait3A_133] : memref<100000x64xf32, #tpu.memory_space<hbm>> -> memref<100000x64xf32, #tpu.memory_space<hbm>>
      tpu.wait_indirect_dma semaphore(%arg12 : memref<!tpu.dma_semaphore, #tpu.memory_space<semaphore_mem>>) src(%dma_wait3A_134 : memref<100000x64xf32, #tpu.memory_space<hbm>>) dst(%arg7 : memref<256x64xf32, #tpu.memory_space<vmem>>)
      %mul3A_135 = arith.constant 256 : i32
      %mul3A_136 = arith.muli %add3A_128, %mul3A_135 : i32
      %add3A_137 = arith.addi %add3A_4, %mul3A_136 : i32
      %jit3A_138 = arith.constant 4096 : i32
      %div3A_139 = arith.divsi %add3A_137, %jit3A_138 : i32
      %sign3A_140 = arith.constant 0 : i32
      %sign3A_141 = arith.cmpi sgt, %add3A_137, %sign3A_140 : i32
      %sign3A_142 = arith.extui %sign3A_141 : i1 to i32
      %sign3A_143 = arith.constant 0 : i32
      %sign3A_144 = arith.cmpi slt, %add3A_137, %sign3A_143 : i32
      %sign3A_145 = arith.extui %sign3A_144 : i1 to i32
      %sign3A_146 = arith.subi %sign3A_142, %sign3A_145 : i32
      %sign3A_147 = arith.constant 0 : i32
      %sign3A_148 = arith.cmpi sgt, %jit3A_138, %sign3A_147 : i32
      %sign3A_149 = arith.extui %sign3A_148 : i1 to i32
      %sign3A_150 = arith.constant 0 : i32
      %sign3A_151 = arith.cmpi slt, %jit3A_138, %sign3A_150 : i32
      %sign3A_152 = arith.extui %sign3A_151 : i1 to i32
      %sign3A_153 = arith.subi %sign3A_149, %sign3A_152 : i32
      %ne3A_154 = arith.cmpi ne, %sign3A_146, %sign3A_153 : i32
      %rem3A_155 = arith.remsi %add3A_137, %jit3A_138 : i32
      %ne3A_156 = arith.constant 0 : i32
      %ne3A_157 = arith.cmpi ne, %rem3A_155, %ne3A_156 : i32
      %and3A_158 = arith.andi %ne3A_154, %ne3A_157 : i1
      %sub3A_159 = arith.constant 1 : i32
      %sub3A_160 = arith.subi %div3A_139, %sub3A_159 : i32
      %select_n3A_161 = arith.select %and3A_158, %sub3A_160, %div3A_139 : i32
      %sub3A_162 = arith.constant 150 : i32
      %sub3A_163 = arith.subi %select_n3A_161, %sub3A_162 : i32
      %jit3A_164 = arith.constant 4096 : i32
      %eq3A_165 = arith.constant 0 : i32
      %eq3A_166 = arith.cmpi eq, %jit3A_164, %eq3A_165 : i32
      %jit3A_167 = arith.constant 1 : i32
      %select_n3A_168 = arith.select %eq3A_166, %jit3A_167, %jit3A_164 : i32
      %rem3A_169 = arith.remsi %add3A_137, %select_n3A_168 : i32
      %ne3A_170 = arith.constant 0 : i32
      %ne3A_171 = arith.cmpi ne, %rem3A_169, %ne3A_170 : i32
      %lt3A_172 = arith.constant 0 : i32
      %lt3A_173 = arith.cmpi slt, %rem3A_169, %lt3A_172 : i32
      %lt3A_174 = arith.constant 0 : i32
      %lt3A_175 = arith.cmpi slt, %select_n3A_168, %lt3A_174 : i32
      %ne3A_176 = arith.xori %lt3A_173, %lt3A_175 : i1
      %and3A_177 = arith.andi %ne3A_176, %ne3A_171 : i1
      %add3A_178 = arith.addi %rem3A_169, %select_n3A_168 : i32
      %select_n3A_179 = arith.select %and3A_177, %add3A_178, %rem3A_169 : i32
      %jit3A_180 = arith.constant 2048 : i32
      %div3A_181 = arith.divsi %select_n3A_179, %jit3A_180 : i32
      %sign3A_182 = arith.constant 0 : i32
      %sign3A_183 = arith.cmpi sgt, %select_n3A_179, %sign3A_182 : i32
      %sign3A_184 = arith.extui %sign3A_183 : i1 to i32
      %sign3A_185 = arith.constant 0 : i32
      %sign3A_186 = arith.cmpi slt, %select_n3A_179, %sign3A_185 : i32
      %sign3A_187 = arith.extui %sign3A_186 : i1 to i32
      %sign3A_188 = arith.subi %sign3A_184, %sign3A_187 : i32
      %sign3A_189 = arith.constant 0 : i32
      %sign3A_190 = arith.cmpi sgt, %jit3A_180, %sign3A_189 : i32
      %sign3A_191 = arith.extui %sign3A_190 : i1 to i32
      %sign3A_192 = arith.constant 0 : i32
      %sign3A_193 = arith.cmpi slt, %jit3A_180, %sign3A_192 : i32
      %sign3A_194 = arith.extui %sign3A_193 : i1 to i32
      %sign3A_195 = arith.subi %sign3A_191, %sign3A_194 : i32
      %ne3A_196 = arith.cmpi ne, %sign3A_188, %sign3A_195 : i32
      %rem3A_197 = arith.remsi %select_n3A_179, %jit3A_180 : i32
      %ne3A_198 = arith.constant 0 : i32
      %ne3A_199 = arith.cmpi ne, %rem3A_197, %ne3A_198 : i32
      %and3A_200 = arith.andi %ne3A_196, %ne3A_199 : i1
      %sub3A_201 = arith.constant 1 : i32
      %sub3A_202 = arith.subi %div3A_181, %sub3A_201 : i32
      %select_n3A_203 = arith.select %and3A_200, %sub3A_202, %div3A_181 : i32
      %jit3A_204 = arith.constant 2048 : i32
      %eq3A_205 = arith.constant 0 : i32
      %eq3A_206 = arith.cmpi eq, %jit3A_204, %eq3A_205 : i32
      %jit3A_207 = arith.constant 1 : i32
      %select_n3A_208 = arith.select %eq3A_206, %jit3A_207, %jit3A_204 : i32
      %rem3A_209 = arith.remsi %select_n3A_179, %select_n3A_208 : i32
      %ne3A_210 = arith.constant 0 : i32
      %ne3A_211 = arith.cmpi ne, %rem3A_209, %ne3A_210 : i32
      %lt3A_212 = arith.constant 0 : i32
      %lt3A_213 = arith.cmpi slt, %rem3A_209, %lt3A_212 : i32
      %lt3A_214 = arith.constant 0 : i32
      %lt3A_215 = arith.cmpi slt, %select_n3A_208, %lt3A_214 : i32
      %ne3A_216 = arith.xori %lt3A_213, %lt3A_215 : i1
      %and3A_217 = arith.andi %ne3A_216, %ne3A_211 : i1
      %add3A_218 = arith.addi %rem3A_209, %select_n3A_208 : i32
      %select_n3A_219 = arith.select %and3A_217, %add3A_218, %rem3A_209 : i32
      %mul3A_220 = arith.constant 2048 : i32
      %mul3A_221 = arith.muli %sub3A_163, %mul3A_220 : i32
      %add3A_222 = arith.addi %mul3A_221, %select_n3A_219 : i32
      %multiple_of3A_223 = tpu.assume_multiple %add3A_222, 256 : i32
      %mul3A_224 = arith.constant 64 : i32
      %mul3A_225 = arith.muli %select_n3A_203, %mul3A_224 : i32
      %multiple_of3A_226 = tpu.assume_multiple %mul3A_225, 64 : i32
      %dma_start3A_227 = tpu.memref_slice %arg4[%multiple_of3A_223, %multiple_of3A_226] : memref<102400x128xf32, #tpu.memory_space<hbm>> -> memref<256x64xf32, #tpu.memory_space<hbm>>
      %dma_start3A_228 = tpu.memref_slice %arg4[%multiple_of3A_223, %multiple_of3A_226] : memref<102400x128xf32, #tpu.memory_space<hbm>> -> memref<256x64xf32, #tpu.memory_space<hbm>>
      tpu.enqueue_dma source(%arg7 : memref<256x64xf32, #tpu.memory_space<vmem>>) target(%dma_start3A_228 : memref<256x64xf32, #tpu.memory_space<hbm>>) target_semaphore(%arg17 : memref<!tpu.dma_semaphore, #tpu.memory_space<semaphore_mem>>)
      %add3A_229 = arith.constant 2 : i32
      %add3A_230 = arith.addi %mul3A_36, %add3A_229 : i32
      %mul3A_231 = arith.constant 256 : i32
      %mul3A_232 = arith.muli %add3A_230, %mul3A_231 : i32
      %dma_wait3A_233 = tpu.memref_slice %arg5[%mul3A_232] : memref<6400xi32, #tpu.memory_space<vmem>> -> memref<256xi32, #tpu.memory_space<vmem>>
      %dma_wait3A_234 = arith.constant 0 : i32
      %dma_wait3A_235 = arith.constant 0 : i32
      %dma_wait3A_236 = tpu.memref_slice %arg3[%dma_wait3A_234, %dma_wait3A_235] : memref<100000x64xf32, #tpu.memory_space<hbm>> -> memref<100000x64xf32, #tpu.memory_space<hbm>>
      tpu.wait_indirect_dma semaphore(%arg13 : memref<!tpu.dma_semaphore, #tpu.memory_space<semaphore_mem>>) src(%dma_wait3A_236 : memref<100000x64xf32, #tpu.memory_space<hbm>>) dst(%arg8 : memref<256x64xf32, #tpu.memory_space<vmem>>)
      %mul3A_237 = arith.constant 256 : i32
      %mul3A_238 = arith.muli %add3A_230, %mul3A_237 : i32
      %add3A_239 = arith.addi %add3A_4, %mul3A_238 : i32
      %jit3A_240 = arith.constant 4096 : i32
      %div3A_241 = arith.divsi %add3A_239, %jit3A_240 : i32
      %sign3A_242 = arith.constant 0 : i32
      %sign3A_243 = arith.cmpi sgt, %add3A_239, %sign3A_242 : i32
      %sign3A_244 = arith.extui %sign3A_243 : i1 to i32
      %sign3A_245 = arith.constant 0 : i32
      %sign3A_246 = arith.cmpi slt, %add3A_239, %sign3A_245 : i32
      %sign3A_247 = arith.extui %sign3A_246 : i1 to i32
      %sign3A_248 = arith.subi %sign3A_244, %sign3A_247 : i32
      %sign3A_249 = arith.constant 0 : i32
      %sign3A_250 = arith.cmpi sgt, %jit3A_240, %sign3A_249 : i32
      %sign3A_251 = arith.extui %sign3A_250 : i1 to i32
      %sign3A_252 = arith.constant 0 : i32
      %sign3A_253 = arith.cmpi slt, %jit3A_240, %sign3A_252 : i32
      %sign3A_254 = arith.extui %sign3A_253 : i1 to i32
      %sign3A_255 = arith.subi %sign3A_251, %sign3A_254 : i32
      %ne3A_256 = arith.cmpi ne, %sign3A_248, %sign3A_255 : i32
      %rem3A_257 = arith.remsi %add3A_239, %jit3A_240 : i32
      %ne3A_258 = arith.constant 0 : i32
      %ne3A_259 = arith.cmpi ne, %rem3A_257, %ne3A_258 : i32
      %and3A_260 = arith.andi %ne3A_256, %ne3A_259 : i1
      %sub3A_261 = arith.constant 1 : i32
      %sub3A_262 = arith.subi %div3A_241, %sub3A_261 : i32
      %select_n3A_263 = arith.select %and3A_260, %sub3A_262, %div3A_241 : i32
      %sub3A_264 = arith.constant 150 : i32
      %sub3A_265 = arith.subi %select_n3A_263, %sub3A_264 : i32
      %jit3A_266 = arith.constant 4096 : i32
      %eq3A_267 = arith.constant 0 : i32
      %eq3A_268 = arith.cmpi eq, %jit3A_266, %eq3A_267 : i32
      %jit3A_269 = arith.constant 1 : i32
      %select_n3A_270 = arith.select %eq3A_268, %jit3A_269, %jit3A_266 : i32
      %rem3A_271 = arith.remsi %add3A_239, %select_n3A_270 : i32
      %ne3A_272 = arith.constant 0 : i32
      %ne3A_273 = arith.cmpi ne, %rem3A_271, %ne3A_272 : i32
      %lt3A_274 = arith.constant 0 : i32
      %lt3A_275 = arith.cmpi slt, %rem3A_271, %lt3A_274 : i32
      %lt3A_276 = arith.constant 0 : i32
      %lt3A_277 = arith.cmpi slt, %select_n3A_270, %lt3A_276 : i32
      %ne3A_278 = arith.xori %lt3A_275, %lt3A_277 : i1
      %and3A_279 = arith.andi %ne3A_278, %ne3A_273 : i1
      %add3A_280 = arith.addi %rem3A_271, %select_n3A_270 : i32
      %select_n3A_281 = arith.select %and3A_279, %add3A_280, %rem3A_271 : i32
      %jit3A_282 = arith.constant 2048 : i32
      %div3A_283 = arith.divsi %select_n3A_281, %jit3A_282 : i32
      %sign3A_284 = arith.constant 0 : i32
      %sign3A_285 = arith.cmpi sgt, %select_n3A_281, %sign3A_284 : i32
      %sign3A_286 = arith.extui %sign3A_285 : i1 to i32
      %sign3A_287 = arith.constant 0 : i32
      %sign3A_288 = arith.cmpi slt, %select_n3A_281, %sign3A_287 : i32
      %sign3A_289 = arith.extui %sign3A_288 : i1 to i32
      %sign3A_290 = arith.subi %sign3A_286, %sign3A_289 : i32
      %sign3A_291 = arith.constant 0 : i32
      %sign3A_292 = arith.cmpi sgt, %jit3A_282, %sign3A_291 : i32
      %sign3A_293 = arith.extui %sign3A_292 : i1 to i32
      %sign3A_294 = arith.constant 0 : i32
      %sign3A_295 = arith.cmpi slt, %jit3A_282, %sign3A_294 : i32
      %sign3A_296 = arith.extui %sign3A_295 : i1 to i32
      %sign3A_297 = arith.subi %sign3A_293, %sign3A_296 : i32
      %ne3A_298 = arith.cmpi ne, %sign3A_290, %sign3A_297 : i32
      %rem3A_299 = arith.remsi %select_n3A_281, %jit3A_282 : i32
      %ne3A_300 = arith.constant 0 : i32
      %ne3A_301 = arith.cmpi ne, %rem3A_299, %ne3A_300 : i32
      %and3A_302 = arith.andi %ne3A_298, %ne3A_301 : i1
      %sub3A_303 = arith.constant 1 : i32
      %sub3A_304 = arith.subi %div3A_283, %sub3A_303 : i32
      %select_n3A_305 = arith.select %and3A_302, %sub3A_304, %div3A_283 : i32
      %jit3A_306 = arith.constant 2048 : i32
      %eq3A_307 = arith.constant 0 : i32
      %eq3A_308 = arith.cmpi eq, %jit3A_306, %eq3A_307 : i32
      %jit3A_309 = arith.constant 1 : i32
      %select_n3A_310 = arith.select %eq3A_308, %jit3A_309, %jit3A_306 : i32
      %rem3A_311 = arith.remsi %select_n3A_281, %select_n3A_310 : i32
      %ne3A_312 = arith.constant 0 : i32
      %ne3A_313 = arith.cmpi ne, %rem3A_311, %ne3A_312 : i32
      %lt3A_314 = arith.constant 0 : i32
      %lt3A_315 = arith.cmpi slt, %rem3A_311, %lt3A_314 : i32
      %lt3A_316 = arith.constant 0 : i32
      %lt3A_317 = arith.cmpi slt, %select_n3A_310, %lt3A_316 : i32
      %ne3A_318 = arith.xori %lt3A_315, %lt3A_317 : i1
      %and3A_319 = arith.andi %ne3A_318, %ne3A_313 : i1
      %add3A_320 = arith.addi %rem3A_311, %select_n3A_310 : i32
      %select_n3A_321 = arith.select %and3A_319, %add3A_320, %rem3A_311 : i32
      %mul3A_322 = arith.constant 2048 : i32
      %mul3A_323 = arith.muli %sub3A_265, %mul3A_322 : i32
      %add3A_324 = arith.addi %mul3A_323, %select_n3A_321 : i32
      %multiple_of3A_325 = tpu.assume_multiple %add3A_324, 256 : i32
      %mul3A_326 = arith.constant 64 : i32
      %mul3A_327 = arith.muli %select_n3A_305, %mul3A_326 : i32
      %multiple_of3A_328 = tpu.assume_multiple %mul3A_327, 64 : i32
      %dma_start3A_329 = tpu.memref_slice %arg4[%multiple_of3A_325, %multiple_of3A_328] : memref<102400x128xf32, #tpu.memory_space<hbm>> -> memref<256x64xf32, #tpu.memory_space<hbm>>
      %dma_start3A_330 = tpu.memref_slice %arg4[%multiple_of3A_325, %multiple_of3A_328] : memref<102400x128xf32, #tpu.memory_space<hbm>> -> memref<256x64xf32, #tpu.memory_space<hbm>>
      tpu.enqueue_dma source(%arg8 : memref<256x64xf32, #tpu.memory_space<vmem>>) target(%dma_start3A_330 : memref<256x64xf32, #tpu.memory_space<hbm>>) target_semaphore(%arg18 : memref<!tpu.dma_semaphore, #tpu.memory_space<semaphore_mem>>)
      %add3A_331 = arith.constant 3 : i32
      %add3A_332 = arith.addi %mul3A_36, %add3A_331 : i32
      %mul3A_333 = arith.constant 256 : i32
      %mul3A_334 = arith.muli %add3A_332, %mul3A_333 : i32
      %dma_wait3A_335 = tpu.memref_slice %arg5[%mul3A_334] : memref<6400xi32, #tpu.memory_space<vmem>> -> memref<256xi32, #tpu.memory_space<vmem>>
      %dma_wait3A_336 = arith.constant 0 : i32
      %dma_wait3A_337 = arith.constant 0 : i32
      %dma_wait3A_338 = tpu.memref_slice %arg3[%dma_wait3A_336, %dma_wait3A_337] : memref<100000x64xf32, #tpu.memory_space<hbm>> -> memref<100000x64xf32, #tpu.memory_space<hbm>>
      tpu.wait_indirect_dma semaphore(%arg14 : memref<!tpu.dma_semaphore, #tpu.memory_space<semaphore_mem>>) src(%dma_wait3A_338 : memref<100000x64xf32, #tpu.memory_space<hbm>>) dst(%arg9 : memref<256x64xf32, #tpu.memory_space<vmem>>)
      %mul3A_339 = arith.constant 256 : i32
      %mul3A_340 = arith.muli %add3A_332, %mul3A_339 : i32
      %add3A_341 = arith.addi %add3A_4, %mul3A_340 : i32
      %jit3A_342 = arith.constant 4096 : i32
      %div3A_343 = arith.divsi %add3A_341, %jit3A_342 : i32
      %sign3A_344 = arith.constant 0 : i32
      %sign3A_345 = arith.cmpi sgt, %add3A_341, %sign3A_344 : i32
      %sign3A_346 = arith.extui %sign3A_345 : i1 to i32
      %sign3A_347 = arith.constant 0 : i32
      %sign3A_348 = arith.cmpi slt, %add3A_341, %sign3A_347 : i32
      %sign3A_349 = arith.extui %sign3A_348 : i1 to i32
      %sign3A_350 = arith.subi %sign3A_346, %sign3A_349 : i32
      %sign3A_351 = arith.constant 0 : i32
      %sign3A_352 = arith.cmpi sgt, %jit3A_342, %sign3A_351 : i32
      %sign3A_353 = arith.extui %sign3A_352 : i1 to i32
      %sign3A_354 = arith.constant 0 : i32
      %sign3A_355 = arith.cmpi slt, %jit3A_342, %sign3A_354 : i32
      %sign3A_356 = arith.extui %sign3A_355 : i1 to i32
      %sign3A_357 = arith.subi %sign3A_353, %sign3A_356 : i32
      %ne3A_358 = arith.cmpi ne, %sign3A_350, %sign3A_357 : i32
      %rem3A_359 = arith.remsi %add3A_341, %jit3A_342 : i32
      %ne3A_360 = arith.constant 0 : i32
      %ne3A_361 = arith.cmpi ne, %rem3A_359, %ne3A_360 : i32
      %and3A_362 = arith.andi %ne3A_358, %ne3A_361 : i1
      %sub3A_363 = arith.constant 1 : i32
      %sub3A_364 = arith.subi %div3A_343, %sub3A_363 : i32
      %select_n3A_365 = arith.select %and3A_362, %sub3A_364, %div3A_343 : i32
      %sub3A_366 = arith.constant 150 : i32
      %sub3A_367 = arith.subi %select_n3A_365, %sub3A_366 : i32
      %jit3A_368 = arith.constant 4096 : i32
      %eq3A_369 = arith.constant 0 : i32
      %eq3A_370 = arith.cmpi eq, %jit3A_368, %eq3A_369 : i32
      %jit3A_371 = arith.constant 1 : i32
      %select_n3A_372 = arith.select %eq3A_370, %jit3A_371, %jit3A_368 : i32
      %rem3A_373 = arith.remsi %add3A_341, %select_n3A_372 : i32
      %ne3A_374 = arith.constant 0 : i32
      %ne3A_375 = arith.cmpi ne, %rem3A_373, %ne3A_374 : i32
      %lt3A_376 = arith.constant 0 : i32
      %lt3A_377 = arith.cmpi slt, %rem3A_373, %lt3A_376 : i32
      %lt3A_378 = arith.constant 0 : i32
      %lt3A_379 = arith.cmpi slt, %select_n3A_372, %lt3A_378 : i32
      %ne3A_380 = arith.xori %lt3A_377, %lt3A_379 : i1
      %and3A_381 = arith.andi %ne3A_380, %ne3A_375 : i1
      %add3A_382 = arith.addi %rem3A_373, %select_n3A_372 : i32
      %select_n3A_383 = arith.select %and3A_381, %add3A_382, %rem3A_373 : i32
      %jit3A_384 = arith.constant 2048 : i32
      %div3A_385 = arith.divsi %select_n3A_383, %jit3A_384 : i32
      %sign3A_386 = arith.constant 0 : i32
      %sign3A_387 = arith.cmpi sgt, %select_n3A_383, %sign3A_386 : i32
      %sign3A_388 = arith.extui %sign3A_387 : i1 to i32
      %sign3A_389 = arith.constant 0 : i32
      %sign3A_390 = arith.cmpi slt, %select_n3A_383, %sign3A_389 : i32
      %sign3A_391 = arith.extui %sign3A_390 : i1 to i32
      %sign3A_392 = arith.subi %sign3A_388, %sign3A_391 : i32
      %sign3A_393 = arith.constant 0 : i32
      %sign3A_394 = arith.cmpi sgt, %jit3A_384, %sign3A_393 : i32
      %sign3A_395 = arith.extui %sign3A_394 : i1 to i32
      %sign3A_396 = arith.constant 0 : i32
      %sign3A_397 = arith.cmpi slt, %jit3A_384, %sign3A_396 : i32
      %sign3A_398 = arith.extui %sign3A_397 : i1 to i32
      %sign3A_399 = arith.subi %sign3A_395, %sign3A_398 : i32
      %ne3A_400 = arith.cmpi ne, %sign3A_392, %sign3A_399 : i32
      %rem3A_401 = arith.remsi %select_n3A_383, %jit3A_384 : i32
      %ne3A_402 = arith.constant 0 : i32
      %ne3A_403 = arith.cmpi ne, %rem3A_401, %ne3A_402 : i32
      %and3A_404 = arith.andi %ne3A_400, %ne3A_403 : i1
      %sub3A_405 = arith.constant 1 : i32
      %sub3A_406 = arith.subi %div3A_385, %sub3A_405 : i32
      %select_n3A_407 = arith.select %and3A_404, %sub3A_406, %div3A_385 : i32
      %jit3A_408 = arith.constant 2048 : i32
      %eq3A_409 = arith.constant 0 : i32
      %eq3A_410 = arith.cmpi eq, %jit3A_408, %eq3A_409 : i32
      %jit3A_411 = arith.constant 1 : i32
      %select_n3A_412 = arith.select %eq3A_410, %jit3A_411, %jit3A_408 : i32
      %rem3A_413 = arith.remsi %select_n3A_383, %select_n3A_412 : i32
      %ne3A_414 = arith.constant 0 : i32
      %ne3A_415 = arith.cmpi ne, %rem3A_413, %ne3A_414 : i32
      %lt3A_416 = arith.constant 0 : i32
      %lt3A_417 = arith.cmpi slt, %rem3A_413, %lt3A_416 : i32
      %lt3A_418 = arith.constant 0 : i32
      %lt3A_419 = arith.cmpi slt, %select_n3A_412, %lt3A_418 : i32
      %ne3A_420 = arith.xori %lt3A_417, %lt3A_419 : i1
      %and3A_421 = arith.andi %ne3A_420, %ne3A_415 : i1
      %add3A_422 = arith.addi %rem3A_413, %select_n3A_412 : i32
      %select_n3A_423 = arith.select %and3A_421, %add3A_422, %rem3A_413 : i32
      %mul3A_424 = arith.constant 2048 : i32
      %mul3A_425 = arith.muli %sub3A_367, %mul3A_424 : i32
      %add3A_426 = arith.addi %mul3A_425, %select_n3A_423 : i32
      %multiple_of3A_427 = tpu.assume_multiple %add3A_426, 256 : i32
      %mul3A_428 = arith.constant 64 : i32
      %mul3A_429 = arith.muli %select_n3A_407, %mul3A_428 : i32
      %multiple_of3A_430 = tpu.assume_multiple %mul3A_429, 64 : i32
      %dma_start3A_431 = tpu.memref_slice %arg4[%multiple_of3A_427, %multiple_of3A_430] : memref<102400x128xf32, #tpu.memory_space<hbm>> -> memref<256x64xf32, #tpu.memory_space<hbm>>
      %dma_start3A_432 = tpu.memref_slice %arg4[%multiple_of3A_427, %multiple_of3A_430] : memref<102400x128xf32, #tpu.memory_space<hbm>> -> memref<256x64xf32, #tpu.memory_space<hbm>>
      tpu.enqueue_dma source(%arg9 : memref<256x64xf32, #tpu.memory_space<vmem>>) target(%dma_start3A_432 : memref<256x64xf32, #tpu.memory_space<hbm>>) target_semaphore(%arg19 : memref<!tpu.dma_semaphore, #tpu.memory_space<semaphore_mem>>)
      %add3A_433 = arith.constant 4 : i32
      %add3A_434 = arith.addi %mul3A_36, %add3A_433 : i32
      %mul3A_435 = arith.constant 256 : i32
      %mul3A_436 = arith.muli %add3A_434, %mul3A_435 : i32
      %dma_wait3A_437 = tpu.memref_slice %arg5[%mul3A_436] : memref<6400xi32, #tpu.memory_space<vmem>> -> memref<256xi32, #tpu.memory_space<vmem>>
      %dma_wait3A_438 = arith.constant 0 : i32
      %dma_wait3A_439 = arith.constant 0 : i32
      %dma_wait3A_440 = tpu.memref_slice %arg3[%dma_wait3A_438, %dma_wait3A_439] : memref<100000x64xf32, #tpu.memory_space<hbm>> -> memref<100000x64xf32, #tpu.memory_space<hbm>>
      tpu.wait_indirect_dma semaphore(%arg15 : memref<!tpu.dma_semaphore, #tpu.memory_space<semaphore_mem>>) src(%dma_wait3A_440 : memref<100000x64xf32, #tpu.memory_space<hbm>>) dst(%arg10 : memref<256x64xf32, #tpu.memory_space<vmem>>)
      %mul3A_441 = arith.constant 256 : i32
      %mul3A_442 = arith.muli %add3A_434, %mul3A_441 : i32
      %add3A_443 = arith.addi %add3A_4, %mul3A_442 : i32
      %jit3A_444 = arith.constant 4096 : i32
      %div3A_445 = arith.divsi %add3A_443, %jit3A_444 : i32
      %sign3A_446 = arith.constant 0 : i32
      %sign3A_447 = arith.cmpi sgt, %add3A_443, %sign3A_446 : i32
      %sign3A_448 = arith.extui %sign3A_447 : i1 to i32
      %sign3A_449 = arith.constant 0 : i32
      %sign3A_450 = arith.cmpi slt, %add3A_443, %sign3A_449 : i32
      %sign3A_451 = arith.extui %sign3A_450 : i1 to i32
      %sign3A_452 = arith.subi %sign3A_448, %sign3A_451 : i32
      %sign3A_453 = arith.constant 0 : i32
      %sign3A_454 = arith.cmpi sgt, %jit3A_444, %sign3A_453 : i32
      %sign3A_455 = arith.extui %sign3A_454 : i1 to i32
      %sign3A_456 = arith.constant 0 : i32
      %sign3A_457 = arith.cmpi slt, %jit3A_444, %sign3A_456 : i32
      %sign3A_458 = arith.extui %sign3A_457 : i1 to i32
      %sign3A_459 = arith.subi %sign3A_455, %sign3A_458 : i32
      %ne3A_460 = arith.cmpi ne, %sign3A_452, %sign3A_459 : i32
      %rem3A_461 = arith.remsi %add3A_443, %jit3A_444 : i32
      %ne3A_462 = arith.constant 0 : i32
      %ne3A_463 = arith.cmpi ne, %rem3A_461, %ne3A_462 : i32
      %and3A_464 = arith.andi %ne3A_460, %ne3A_463 : i1
      %sub3A_465 = arith.constant 1 : i32
      %sub3A_466 = arith.subi %div3A_445, %sub3A_465 : i32
      %select_n3A_467 = arith.select %and3A_464, %sub3A_466, %div3A_445 : i32
      %sub3A_468 = arith.constant 150 : i32
      %sub3A_469 = arith.subi %select_n3A_467, %sub3A_468 : i32
      %jit3A_470 = arith.constant 4096 : i32
      %eq3A_471 = arith.constant 0 : i32
      %eq3A_472 = arith.cmpi eq, %jit3A_470, %eq3A_471 : i32
      %jit3A_473 = arith.constant 1 : i32
      %select_n3A_474 = arith.select %eq3A_472, %jit3A_473, %jit3A_470 : i32
      %rem3A_475 = arith.remsi %add3A_443, %select_n3A_474 : i32
      %ne3A_476 = arith.constant 0 : i32
      %ne3A_477 = arith.cmpi ne, %rem3A_475, %ne3A_476 : i32
      %lt3A_478 = arith.constant 0 : i32
      %lt3A_479 = arith.cmpi slt, %rem3A_475, %lt3A_478 : i32
      %lt3A_480 = arith.constant 0 : i32
      %lt3A_481 = arith.cmpi slt, %select_n3A_474, %lt3A_480 : i32
      %ne3A_482 = arith.xori %lt3A_479, %lt3A_481 : i1
      %and3A_483 = arith.andi %ne3A_482, %ne3A_477 : i1
      %add3A_484 = arith.addi %rem3A_475, %select_n3A_474 : i32
      %select_n3A_485 = arith.select %and3A_483, %add3A_484, %rem3A_475 : i32
      %jit3A_486 = arith.constant 2048 : i32
      %div3A_487 = arith.divsi %select_n3A_485, %jit3A_486 : i32
      %sign3A_488 = arith.constant 0 : i32
      %sign3A_489 = arith.cmpi sgt, %select_n3A_485, %sign3A_488 : i32
      %sign3A_490 = arith.extui %sign3A_489 : i1 to i32
      %sign3A_491 = arith.constant 0 : i32
      %sign3A_492 = arith.cmpi slt, %select_n3A_485, %sign3A_491 : i32
      %sign3A_493 = arith.extui %sign3A_492 : i1 to i32
      %sign3A_494 = arith.subi %sign3A_490, %sign3A_493 : i32
      %sign3A_495 = arith.constant 0 : i32
      %sign3A_496 = arith.cmpi sgt, %jit3A_486, %sign3A_495 : i32
      %sign3A_497 = arith.extui %sign3A_496 : i1 to i32
      %sign3A_498 = arith.constant 0 : i32
      %sign3A_499 = arith.cmpi slt, %jit3A_486, %sign3A_498 : i32
      %sign3A_500 = arith.extui %sign3A_499 : i1 to i32
      %sign3A_501 = arith.subi %sign3A_497, %sign3A_500 : i32
      %ne3A_502 = arith.cmpi ne, %sign3A_494, %sign3A_501 : i32
      %rem3A_503 = arith.remsi %select_n3A_485, %jit3A_486 : i32
      %ne3A_504 = arith.constant 0 : i32
      %ne3A_505 = arith.cmpi ne, %rem3A_503, %ne3A_504 : i32
      %and3A_506 = arith.andi %ne3A_502, %ne3A_505 : i1
      %sub3A_507 = arith.constant 1 : i32
      %sub3A_508 = arith.subi %div3A_487, %sub3A_507 : i32
      %select_n3A_509 = arith.select %and3A_506, %sub3A_508, %div3A_487 : i32
      %jit3A_510 = arith.constant 2048 : i32
      %eq3A_511 = arith.constant 0 : i32
      %eq3A_512 = arith.cmpi eq, %jit3A_510, %eq3A_511 : i32
      %jit3A_513 = arith.constant 1 : i32
      %select_n3A_514 = arith.select %eq3A_512, %jit3A_513, %jit3A_510 : i32
      %rem3A_515 = arith.remsi %select_n3A_485, %select_n3A_514 : i32
      %ne3A_516 = arith.constant 0 : i32
      %ne3A_517 = arith.cmpi ne, %rem3A_515, %ne3A_516 : i32
      %lt3A_518 = arith.constant 0 : i32
      %lt3A_519 = arith.cmpi slt, %rem3A_515, %lt3A_518 : i32
      %lt3A_520 = arith.constant 0 : i32
      %lt3A_521 = arith.cmpi slt, %select_n3A_514, %lt3A_520 : i32
      %ne3A_522 = arith.xori %lt3A_519, %lt3A_521 : i1
      %and3A_523 = arith.andi %ne3A_522, %ne3A_517 : i1
      %add3A_524 = arith.addi %rem3A_515, %select_n3A_514 : i32
      %select_n3A_525 = arith.select %and3A_523, %add3A_524, %rem3A_515 : i32
      %mul3A_526 = arith.constant 2048 : i32
      %mul3A_527 = arith.muli %sub3A_469, %mul3A_526 : i32
      %add3A_528 = arith.addi %mul3A_527, %select_n3A_525 : i32
      %multiple_of3A_529 = tpu.assume_multiple %add3A_528, 256 : i32
      %mul3A_530 = arith.constant 64 : i32
      %mul3A_531 = arith.muli %select_n3A_509, %mul3A_530 : i32
      %multiple_of3A_532 = tpu.assume_multiple %mul3A_531, 64 : i32
      %dma_start3A_533 = tpu.memref_slice %arg4[%multiple_of3A_529, %multiple_of3A_532] : memref<102400x128xf32, #tpu.memory_space<hbm>> -> memref<256x64xf32, #tpu.memory_space<hbm>>
      %dma_start3A_534 = tpu.memref_slice %arg4[%multiple_of3A_529, %multiple_of3A_532] : memref<102400x128xf32, #tpu.memory_space<hbm>> -> memref<256x64xf32, #tpu.memory_space<hbm>>
      tpu.enqueue_dma source(%arg10 : memref<256x64xf32, #tpu.memory_space<vmem>>) target(%dma_start3A_534 : memref<256x64xf32, #tpu.memory_space<hbm>>) target_semaphore(%arg20 : memref<!tpu.dma_semaphore, #tpu.memory_space<semaphore_mem>>)
      %add3A_535 = arith.constant 0 : i32
      %add3A_536 = arith.addi %mul3A_36, %add3A_535 : i32
      %mul3A_537 = arith.constant 256 : i32
      %mul3A_538 = arith.muli %add3A_536, %mul3A_537 : i32
      %add3A_539 = arith.addi %add3A_4, %mul3A_538 : i32
      %jit3A_540 = arith.constant 4096 : i32
      %div3A_541 = arith.divsi %add3A_539, %jit3A_540 : i32
      %sign3A_542 = arith.constant 0 : i32
      %sign3A_543 = arith.cmpi sgt, %add3A_539, %sign3A_542 : i32
      %sign3A_544 = arith.extui %sign3A_543 : i1 to i32
      %sign3A_545 = arith.constant 0 : i32
      %sign3A_546 = arith.cmpi slt, %add3A_539, %sign3A_545 : i32
      %sign3A_547 = arith.extui %sign3A_546 : i1 to i32
      %sign3A_548 = arith.subi %sign3A_544, %sign3A_547 : i32
      %sign3A_549 = arith.constant 0 : i32
      %sign3A_550 = arith.cmpi sgt, %jit3A_540, %sign3A_549 : i32
      %sign3A_551 = arith.extui %sign3A_550 : i1 to i32
      %sign3A_552 = arith.constant 0 : i32
      %sign3A_553 = arith.cmpi slt, %jit3A_540, %sign3A_552 : i32
      %sign3A_554 = arith.extui %sign3A_553 : i1 to i32
      %sign3A_555 = arith.subi %sign3A_551, %sign3A_554 : i32
      %ne3A_556 = arith.cmpi ne, %sign3A_548, %sign3A_555 : i32
      %rem3A_557 = arith.remsi %add3A_539, %jit3A_540 : i32
      %ne3A_558 = arith.constant 0 : i32
      %ne3A_559 = arith.cmpi ne, %rem3A_557, %ne3A_558 : i32
      %and3A_560 = arith.andi %ne3A_556, %ne3A_559 : i1
      %sub3A_561 = arith.constant 1 : i32
      %sub3A_562 = arith.subi %div3A_541, %sub3A_561 : i32
      %select_n3A_563 = arith.select %and3A_560, %sub3A_562, %div3A_541 : i32
      %sub3A_564 = arith.constant 150 : i32
      %sub3A_565 = arith.subi %select_n3A_563, %sub3A_564 : i32
      %jit3A_566 = arith.constant 4096 : i32
      %eq3A_567 = arith.constant 0 : i32
      %eq3A_568 = arith.cmpi eq, %jit3A_566, %eq3A_567 : i32
      %jit3A_569 = arith.constant 1 : i32
      %select_n3A_570 = arith.select %eq3A_568, %jit3A_569, %jit3A_566 : i32
      %rem3A_571 = arith.remsi %add3A_539, %select_n3A_570 : i32
      %ne3A_572 = arith.constant 0 : i32
      %ne3A_573 = arith.cmpi ne, %rem3A_571, %ne3A_572 : i32
      %lt3A_574 = arith.constant 0 : i32
      %lt3A_575 = arith.cmpi slt, %rem3A_571, %lt3A_574 : i32
      %lt3A_576 = arith.constant 0 : i32
      %lt3A_577 = arith.cmpi slt, %select_n3A_570, %lt3A_576 : i32
      %ne3A_578 = arith.xori %lt3A_575, %lt3A_577 : i1
      %and3A_579 = arith.andi %ne3A_578, %ne3A_573 : i1
      %add3A_580 = arith.addi %rem3A_571, %select_n3A_570 : i32
      %select_n3A_581 = arith.select %and3A_579, %add3A_580, %rem3A_571 : i32
      %jit3A_582 = arith.constant 2048 : i32
      %div3A_583 = arith.divsi %select_n3A_581, %jit3A_582 : i32
      %sign3A_584 = arith.constant 0 : i32
      %sign3A_585 = arith.cmpi sgt, %select_n3A_581, %sign3A_584 : i32
      %sign3A_586 = arith.extui %sign3A_585 : i1 to i32
      %sign3A_587 = arith.constant 0 : i32
      %sign3A_588 = arith.cmpi slt, %select_n3A_581, %sign3A_587 : i32
      %sign3A_589 = arith.extui %sign3A_588 : i1 to i32
      %sign3A_590 = arith.subi %sign3A_586, %sign3A_589 : i32
      %sign3A_591 = arith.constant 0 : i32
      %sign3A_592 = arith.cmpi sgt, %jit3A_582, %sign3A_591 : i32
      %sign3A_593 = arith.extui %sign3A_592 : i1 to i32
      %sign3A_594 = arith.constant 0 : i32
      %sign3A_595 = arith.cmpi slt, %jit3A_582, %sign3A_594 : i32
      %sign3A_596 = arith.extui %sign3A_595 : i1 to i32
      %sign3A_597 = arith.subi %sign3A_593, %sign3A_596 : i32
      %ne3A_598 = arith.cmpi ne, %sign3A_590, %sign3A_597 : i32
      %rem3A_599 = arith.remsi %select_n3A_581, %jit3A_582 : i32
      %ne3A_600 = arith.constant 0 : i32
      %ne3A_601 = arith.cmpi ne, %rem3A_599, %ne3A_600 : i32
      %and3A_602 = arith.andi %ne3A_598, %ne3A_601 : i1
      %sub3A_603 = arith.constant 1 : i32
      %sub3A_604 = arith.subi %div3A_583, %sub3A_603 : i32
      %select_n3A_605 = arith.select %and3A_602, %sub3A_604, %div3A_583 : i32
      %jit3A_606 = arith.constant 2048 : i32
      %eq3A_607 = arith.constant 0 : i32
      %eq3A_608 = arith.cmpi eq, %jit3A_606, %eq3A_607 : i32
      %jit3A_609 = arith.constant 1 : i32
      %select_n3A_610 = arith.select %eq3A_608, %jit3A_609, %jit3A_606 : i32
      %rem3A_611 = arith.remsi %select_n3A_581, %select_n3A_610 : i32
      %ne3A_612 = arith.constant 0 : i32
      %ne3A_613 = arith.cmpi ne, %rem3A_611, %ne3A_612 : i32
      %lt3A_614 = arith.constant 0 : i32
      %lt3A_615 = arith.cmpi slt, %rem3A_611, %lt3A_614 : i32
      %lt3A_616 = arith.constant 0 : i32
      %lt3A_617 = arith.cmpi slt, %select_n3A_610, %lt3A_616 : i32
      %ne3A_618 = arith.xori %lt3A_615, %lt3A_617 : i1
      %and3A_619 = arith.andi %ne3A_618, %ne3A_613 : i1
      %add3A_620 = arith.addi %rem3A_611, %select_n3A_610 : i32
      %select_n3A_621 = arith.select %and3A_619, %add3A_620, %rem3A_611 : i32
      %mul3A_622 = arith.constant 2048 : i32
      %mul3A_623 = arith.muli %sub3A_565, %mul3A_622 : i32
      %add3A_624 = arith.addi %mul3A_623, %select_n3A_621 : i32
      %multiple_of3A_625 = tpu.assume_multiple %add3A_624, 256 : i32
      %mul3A_626 = arith.constant 64 : i32
      %mul3A_627 = arith.muli %select_n3A_605, %mul3A_626 : i32
      %multiple_of3A_628 = tpu.assume_multiple %mul3A_627, 64 : i32
      %dma_wait3A_629 = tpu.memref_slice %arg4[%multiple_of3A_625, %multiple_of3A_628] : memref<102400x128xf32, #tpu.memory_space<hbm>> -> memref<256x64xf32, #tpu.memory_space<hbm>>
      %dma_wait3A_630 = tpu.memref_slice %arg4[%multiple_of3A_625, %multiple_of3A_628] : memref<102400x128xf32, #tpu.memory_space<hbm>> -> memref<256x64xf32, #tpu.memory_space<hbm>>
      tpu.wait_dma2 semaphore(%arg16 : memref<!tpu.dma_semaphore, #tpu.memory_space<semaphore_mem>>) src(%arg6 : memref<256x64xf32, #tpu.memory_space<vmem>>) dst(%dma_wait3A_630 : memref<256x64xf32, #tpu.memory_space<hbm>>)
      %add3A_631 = arith.constant 5 : i32
      %add3A_632 = arith.addi %add3A_536, %add3A_631 : i32
      %lt3A_633 = arith.constant 25 : i32
      %lt3A_634 = arith.cmpi slt, %add3A_632, %lt3A_633 : i32
      %convert_element_type3A = arith.extui %lt3A_634 : i1 to i32
      %cond3A = arith.constant 0 : i32
      %cond3A_635 = arith.cmpi ne, %convert_element_type3A, %cond3A : i32
      scf.if %cond3A_635 {
        %add3A_1048 = arith.constant 5 : i32
        %add3A_1049 = arith.addi %add3A_536, %add3A_1048 : i32
        %mul3A_1050 = arith.constant 256 : i32
        %mul3A_1051 = arith.muli %add3A_1049, %mul3A_1050 : i32
        %dma_start3A_1052 = tpu.memref_slice %arg5[%mul3A_1051] : memref<6400xi32, #tpu.memory_space<vmem>> -> memref<256xi32, #tpu.memory_space<vmem>>
        %dma_start3A_1053 = arith.constant 0 : i32
        %dma_start3A_1054 = arith.constant 0 : i32
        %dma_start3A_1055 = tpu.memref_slice %arg3[%dma_start3A_1053, %dma_start3A_1054] : memref<100000x64xf32, #tpu.memory_space<hbm>> -> memref<100000x64xf32, #tpu.memory_space<hbm>>
        tpu.enqueue_indirect_dma source(%dma_start3A_1055 : memref<100000x64xf32, #tpu.memory_space<hbm>>) target(%arg6 : memref<256x64xf32, #tpu.memory_space<vmem>>) offsets(%dma_start3A_1052 : memref<256xi32, #tpu.memory_space<vmem>>) semaphore(%arg11 : memref<!tpu.dma_semaphore, #tpu.memory_space<semaphore_mem>>)
      } else {
      }
      %add3A_636 = arith.constant 1 : i32
      %add3A_637 = arith.addi %mul3A_36, %add3A_636 : i32
      %mul3A_638 = arith.constant 256 : i32
      %mul3A_639 = arith.muli %add3A_637, %mul3A_638 : i32
      %add3A_640 = arith.addi %add3A_4, %mul3A_639 : i32
      %jit3A_641 = arith.constant 4096 : i32
      %div3A_642 = arith.divsi %add3A_640, %jit3A_641 : i32
      %sign3A_643 = arith.constant 0 : i32
      %sign3A_644 = arith.cmpi sgt, %add3A_640, %sign3A_643 : i32
      %sign3A_645 = arith.extui %sign3A_644 : i1 to i32
      %sign3A_646 = arith.constant 0 : i32
      %sign3A_647 = arith.cmpi slt, %add3A_640, %sign3A_646 : i32
      %sign3A_648 = arith.extui %sign3A_647 : i1 to i32
      %sign3A_649 = arith.subi %sign3A_645, %sign3A_648 : i32
      %sign3A_650 = arith.constant 0 : i32
      %sign3A_651 = arith.cmpi sgt, %jit3A_641, %sign3A_650 : i32
      %sign3A_652 = arith.extui %sign3A_651 : i1 to i32
      %sign3A_653 = arith.constant 0 : i32
      %sign3A_654 = arith.cmpi slt, %jit3A_641, %sign3A_653 : i32
      %sign3A_655 = arith.extui %sign3A_654 : i1 to i32
      %sign3A_656 = arith.subi %sign3A_652, %sign3A_655 : i32
      %ne3A_657 = arith.cmpi ne, %sign3A_649, %sign3A_656 : i32
      %rem3A_658 = arith.remsi %add3A_640, %jit3A_641 : i32
      %ne3A_659 = arith.constant 0 : i32
      %ne3A_660 = arith.cmpi ne, %rem3A_658, %ne3A_659 : i32
      %and3A_661 = arith.andi %ne3A_657, %ne3A_660 : i1
      %sub3A_662 = arith.constant 1 : i32
      %sub3A_663 = arith.subi %div3A_642, %sub3A_662 : i32
      %select_n3A_664 = arith.select %and3A_661, %sub3A_663, %div3A_642 : i32
      %sub3A_665 = arith.constant 150 : i32
      %sub3A_666 = arith.subi %select_n3A_664, %sub3A_665 : i32
      %jit3A_667 = arith.constant 4096 : i32
      %eq3A_668 = arith.constant 0 : i32
      %eq3A_669 = arith.cmpi eq, %jit3A_667, %eq3A_668 : i32
      %jit3A_670 = arith.constant 1 : i32
      %select_n3A_671 = arith.select %eq3A_669, %jit3A_670, %jit3A_667 : i32
      %rem3A_672 = arith.remsi %add3A_640, %select_n3A_671 : i32
      %ne3A_673 = arith.constant 0 : i32
      %ne3A_674 = arith.cmpi ne, %rem3A_672, %ne3A_673 : i32
      %lt3A_675 = arith.constant 0 : i32
      %lt3A_676 = arith.cmpi slt, %rem3A_672, %lt3A_675 : i32
      %lt3A_677 = arith.constant 0 : i32
      %lt3A_678 = arith.cmpi slt, %select_n3A_671, %lt3A_677 : i32
      %ne3A_679 = arith.xori %lt3A_676, %lt3A_678 : i1
      %and3A_680 = arith.andi %ne3A_679, %ne3A_674 : i1
      %add3A_681 = arith.addi %rem3A_672, %select_n3A_671 : i32
      %select_n3A_682 = arith.select %and3A_680, %add3A_681, %rem3A_672 : i32
      %jit3A_683 = arith.constant 2048 : i32
      %div3A_684 = arith.divsi %select_n3A_682, %jit3A_683 : i32
      %sign3A_685 = arith.constant 0 : i32
      %sign3A_686 = arith.cmpi sgt, %select_n3A_682, %sign3A_685 : i32
      %sign3A_687 = arith.extui %sign3A_686 : i1 to i32
      %sign3A_688 = arith.constant 0 : i32
      %sign3A_689 = arith.cmpi slt, %select_n3A_682, %sign3A_688 : i32
      %sign3A_690 = arith.extui %sign3A_689 : i1 to i32
      %sign3A_691 = arith.subi %sign3A_687, %sign3A_690 : i32
      %sign3A_692 = arith.constant 0 : i32
      %sign3A_693 = arith.cmpi sgt, %jit3A_683, %sign3A_692 : i32
      %sign3A_694 = arith.extui %sign3A_693 : i1 to i32
      %sign3A_695 = arith.constant 0 : i32
      %sign3A_696 = arith.cmpi slt, %jit3A_683, %sign3A_695 : i32
      %sign3A_697 = arith.extui %sign3A_696 : i1 to i32
      %sign3A_698 = arith.subi %sign3A_694, %sign3A_697 : i32
      %ne3A_699 = arith.cmpi ne, %sign3A_691, %sign3A_698 : i32
      %rem3A_700 = arith.remsi %select_n3A_682, %jit3A_683 : i32
      %ne3A_701 = arith.constant 0 : i32
      %ne3A_702 = arith.cmpi ne, %rem3A_700, %ne3A_701 : i32
      %and3A_703 = arith.andi %ne3A_699, %ne3A_702 : i1
      %sub3A_704 = arith.constant 1 : i32
      %sub3A_705 = arith.subi %div3A_684, %sub3A_704 : i32
      %select_n3A_706 = arith.select %and3A_703, %sub3A_705, %div3A_684 : i32
      %jit3A_707 = arith.constant 2048 : i32
      %eq3A_708 = arith.constant 0 : i32
      %eq3A_709 = arith.cmpi eq, %jit3A_707, %eq3A_708 : i32
      %jit3A_710 = arith.constant 1 : i32
      %select_n3A_711 = arith.select %eq3A_709, %jit3A_710, %jit3A_707 : i32
      %rem3A_712 = arith.remsi %select_n3A_682, %select_n3A_711 : i32
      %ne3A_713 = arith.constant 0 : i32
      %ne3A_714 = arith.cmpi ne, %rem3A_712, %ne3A_713 : i32
      %lt3A_715 = arith.constant 0 : i32
      %lt3A_716 = arith.cmpi slt, %rem3A_712, %lt3A_715 : i32
      %lt3A_717 = arith.constant 0 : i32
      %lt3A_718 = arith.cmpi slt, %select_n3A_711, %lt3A_717 : i32
      %ne3A_719 = arith.xori %lt3A_716, %lt3A_718 : i1
      %and3A_720 = arith.andi %ne3A_719, %ne3A_714 : i1
      %add3A_721 = arith.addi %rem3A_712, %select_n3A_711 : i32
      %select_n3A_722 = arith.select %and3A_720, %add3A_721, %rem3A_712 : i32
      %mul3A_723 = arith.constant 2048 : i32
      %mul3A_724 = arith.muli %sub3A_666, %mul3A_723 : i32
      %add3A_725 = arith.addi %mul3A_724, %select_n3A_722 : i32
      %multiple_of3A_726 = tpu.assume_multiple %add3A_725, 256 : i32
      %mul3A_727 = arith.constant 64 : i32
      %mul3A_728 = arith.muli %select_n3A_706, %mul3A_727 : i32
      %multiple_of3A_729 = tpu.assume_multiple %mul3A_728, 64 : i32
      %dma_wait3A_730 = tpu.memref_slice %arg4[%multiple_of3A_726, %multiple_of3A_729] : memref<102400x128xf32, #tpu.memory_space<hbm>> -> memref<256x64xf32, #tpu.memory_space<hbm>>
      %dma_wait3A_731 = tpu.memref_slice %arg4[%multiple_of3A_726, %multiple_of3A_729] : memref<102400x128xf32, #tpu.memory_space<hbm>> -> memref<256x64xf32, #tpu.memory_space<hbm>>
      tpu.wait_dma2 semaphore(%arg17 : memref<!tpu.dma_semaphore, #tpu.memory_space<semaphore_mem>>) src(%arg7 : memref<256x64xf32, #tpu.memory_space<vmem>>) dst(%dma_wait3A_731 : memref<256x64xf32, #tpu.memory_space<hbm>>)
      %add3A_732 = arith.constant 5 : i32
      %add3A_733 = arith.addi %add3A_637, %add3A_732 : i32
      %lt3A_734 = arith.constant 25 : i32
      %lt3A_735 = arith.cmpi slt, %add3A_733, %lt3A_734 : i32
      %convert_element_type3A_736 = arith.extui %lt3A_735 : i1 to i32
      %cond3A_737 = arith.constant 0 : i32
      %cond3A_738 = arith.cmpi ne, %convert_element_type3A_736, %cond3A_737 : i32
      scf.if %cond3A_738 {
        %add3A_1048 = arith.constant 5 : i32
        %add3A_1049 = arith.addi %add3A_637, %add3A_1048 : i32
        %mul3A_1050 = arith.constant 256 : i32
        %mul3A_1051 = arith.muli %add3A_1049, %mul3A_1050 : i32
        %dma_start3A_1052 = tpu.memref_slice %arg5[%mul3A_1051] : memref<6400xi32, #tpu.memory_space<vmem>> -> memref<256xi32, #tpu.memory_space<vmem>>
        %dma_start3A_1053 = arith.constant 0 : i32
        %dma_start3A_1054 = arith.constant 0 : i32
        %dma_start3A_1055 = tpu.memref_slice %arg3[%dma_start3A_1053, %dma_start3A_1054] : memref<100000x64xf32, #tpu.memory_space<hbm>> -> memref<100000x64xf32, #tpu.memory_space<hbm>>
        tpu.enqueue_indirect_dma source(%dma_start3A_1055 : memref<100000x64xf32, #tpu.memory_space<hbm>>) target(%arg7 : memref<256x64xf32, #tpu.memory_space<vmem>>) offsets(%dma_start3A_1052 : memref<256xi32, #tpu.memory_space<vmem>>) semaphore(%arg12 : memref<!tpu.dma_semaphore, #tpu.memory_space<semaphore_mem>>)
      } else {
      }
      %add3A_739 = arith.constant 2 : i32
      %add3A_740 = arith.addi %mul3A_36, %add3A_739 : i32
      %mul3A_741 = arith.constant 256 : i32
      %mul3A_742 = arith.muli %add3A_740, %mul3A_741 : i32
      %add3A_743 = arith.addi %add3A_4, %mul3A_742 : i32
      %jit3A_744 = arith.constant 4096 : i32
      %div3A_745 = arith.divsi %add3A_743, %jit3A_744 : i32
      %sign3A_746 = arith.constant 0 : i32
      %sign3A_747 = arith.cmpi sgt, %add3A_743, %sign3A_746 : i32
      %sign3A_748 = arith.extui %sign3A_747 : i1 to i32
      %sign3A_749 = arith.constant 0 : i32
      %sign3A_750 = arith.cmpi slt, %add3A_743, %sign3A_749 : i32
      %sign3A_751 = arith.extui %sign3A_750 : i1 to i32
      %sign3A_752 = arith.subi %sign3A_748, %sign3A_751 : i32
      %sign3A_753 = arith.constant 0 : i32
      %sign3A_754 = arith.cmpi sgt, %jit3A_744, %sign3A_753 : i32
      %sign3A_755 = arith.extui %sign3A_754 : i1 to i32
      %sign3A_756 = arith.constant 0 : i32
      %sign3A_757 = arith.cmpi slt, %jit3A_744, %sign3A_756 : i32
      %sign3A_758 = arith.extui %sign3A_757 : i1 to i32
      %sign3A_759 = arith.subi %sign3A_755, %sign3A_758 : i32
      %ne3A_760 = arith.cmpi ne, %sign3A_752, %sign3A_759 : i32
      %rem3A_761 = arith.remsi %add3A_743, %jit3A_744 : i32
      %ne3A_762 = arith.constant 0 : i32
      %ne3A_763 = arith.cmpi ne, %rem3A_761, %ne3A_762 : i32
      %and3A_764 = arith.andi %ne3A_760, %ne3A_763 : i1
      %sub3A_765 = arith.constant 1 : i32
      %sub3A_766 = arith.subi %div3A_745, %sub3A_765 : i32
      %select_n3A_767 = arith.select %and3A_764, %sub3A_766, %div3A_745 : i32
      %sub3A_768 = arith.constant 150 : i32
      %sub3A_769 = arith.subi %select_n3A_767, %sub3A_768 : i32
      %jit3A_770 = arith.constant 4096 : i32
      %eq3A_771 = arith.constant 0 : i32
      %eq3A_772 = arith.cmpi eq, %jit3A_770, %eq3A_771 : i32
      %jit3A_773 = arith.constant 1 : i32
      %select_n3A_774 = arith.select %eq3A_772, %jit3A_773, %jit3A_770 : i32
      %rem3A_775 = arith.remsi %add3A_743, %select_n3A_774 : i32
      %ne3A_776 = arith.constant 0 : i32
      %ne3A_777 = arith.cmpi ne, %rem3A_775, %ne3A_776 : i32
      %lt3A_778 = arith.constant 0 : i32
      %lt3A_779 = arith.cmpi slt, %rem3A_775, %lt3A_778 : i32
      %lt3A_780 = arith.constant 0 : i32
      %lt3A_781 = arith.cmpi slt, %select_n3A_774, %lt3A_780 : i32
      %ne3A_782 = arith.xori %lt3A_779, %lt3A_781 : i1
      %and3A_783 = arith.andi %ne3A_782, %ne3A_777 : i1
      %add3A_784 = arith.addi %rem3A_775, %select_n3A_774 : i32
      %select_n3A_785 = arith.select %and3A_783, %add3A_784, %rem3A_775 : i32
      %jit3A_786 = arith.constant 2048 : i32
      %div3A_787 = arith.divsi %select_n3A_785, %jit3A_786 : i32
      %sign3A_788 = arith.constant 0 : i32
      %sign3A_789 = arith.cmpi sgt, %select_n3A_785, %sign3A_788 : i32
      %sign3A_790 = arith.extui %sign3A_789 : i1 to i32
      %sign3A_791 = arith.constant 0 : i32
      %sign3A_792 = arith.cmpi slt, %select_n3A_785, %sign3A_791 : i32
      %sign3A_793 = arith.extui %sign3A_792 : i1 to i32
      %sign3A_794 = arith.subi %sign3A_790, %sign3A_793 : i32
      %sign3A_795 = arith.constant 0 : i32
      %sign3A_796 = arith.cmpi sgt, %jit3A_786, %sign3A_795 : i32
      %sign3A_797 = arith.extui %sign3A_796 : i1 to i32
      %sign3A_798 = arith.constant 0 : i32
      %sign3A_799 = arith.cmpi slt, %jit3A_786, %sign3A_798 : i32
      %sign3A_800 = arith.extui %sign3A_799 : i1 to i32
      %sign3A_801 = arith.subi %sign3A_797, %sign3A_800 : i32
      %ne3A_802 = arith.cmpi ne, %sign3A_794, %sign3A_801 : i32
      %rem3A_803 = arith.remsi %select_n3A_785, %jit3A_786 : i32
      %ne3A_804 = arith.constant 0 : i32
      %ne3A_805 = arith.cmpi ne, %rem3A_803, %ne3A_804 : i32
      %and3A_806 = arith.andi %ne3A_802, %ne3A_805 : i1
      %sub3A_807 = arith.constant 1 : i32
      %sub3A_808 = arith.subi %div3A_787, %sub3A_807 : i32
      %select_n3A_809 = arith.select %and3A_806, %sub3A_808, %div3A_787 : i32
      %jit3A_810 = arith.constant 2048 : i32
      %eq3A_811 = arith.constant 0 : i32
      %eq3A_812 = arith.cmpi eq, %jit3A_810, %eq3A_811 : i32
      %jit3A_813 = arith.constant 1 : i32
      %select_n3A_814 = arith.select %eq3A_812, %jit3A_813, %jit3A_810 : i32
      %rem3A_815 = arith.remsi %select_n3A_785, %select_n3A_814 : i32
      %ne3A_816 = arith.constant 0 : i32
      %ne3A_817 = arith.cmpi ne, %rem3A_815, %ne3A_816 : i32
      %lt3A_818 = arith.constant 0 : i32
      %lt3A_819 = arith.cmpi slt, %rem3A_815, %lt3A_818 : i32
      %lt3A_820 = arith.constant 0 : i32
      %lt3A_821 = arith.cmpi slt, %select_n3A_814, %lt3A_820 : i32
      %ne3A_822 = arith.xori %lt3A_819, %lt3A_821 : i1
      %and3A_823 = arith.andi %ne3A_822, %ne3A_817 : i1
      %add3A_824 = arith.addi %rem3A_815, %select_n3A_814 : i32
      %select_n3A_825 = arith.select %and3A_823, %add3A_824, %rem3A_815 : i32
      %mul3A_826 = arith.constant 2048 : i32
      %mul3A_827 = arith.muli %sub3A_769, %mul3A_826 : i32
      %add3A_828 = arith.addi %mul3A_827, %select_n3A_825 : i32
      %multiple_of3A_829 = tpu.assume_multiple %add3A_828, 256 : i32
      %mul3A_830 = arith.constant 64 : i32
      %mul3A_831 = arith.muli %select_n3A_809, %mul3A_830 : i32
      %multiple_of3A_832 = tpu.assume_multiple %mul3A_831, 64 : i32
      %dma_wait3A_833 = tpu.memref_slice %arg4[%multiple_of3A_829, %multiple_of3A_832] : memref<102400x128xf32, #tpu.memory_space<hbm>> -> memref<256x64xf32, #tpu.memory_space<hbm>>
      %dma_wait3A_834 = tpu.memref_slice %arg4[%multiple_of3A_829, %multiple_of3A_832] : memref<102400x128xf32, #tpu.memory_space<hbm>> -> memref<256x64xf32, #tpu.memory_space<hbm>>
      tpu.wait_dma2 semaphore(%arg18 : memref<!tpu.dma_semaphore, #tpu.memory_space<semaphore_mem>>) src(%arg8 : memref<256x64xf32, #tpu.memory_space<vmem>>) dst(%dma_wait3A_834 : memref<256x64xf32, #tpu.memory_space<hbm>>)
      %add3A_835 = arith.constant 5 : i32
      %add3A_836 = arith.addi %add3A_740, %add3A_835 : i32
      %lt3A_837 = arith.constant 25 : i32
      %lt3A_838 = arith.cmpi slt, %add3A_836, %lt3A_837 : i32
      %convert_element_type3A_839 = arith.extui %lt3A_838 : i1 to i32
      %cond3A_840 = arith.constant 0 : i32
      %cond3A_841 = arith.cmpi ne, %convert_element_type3A_839, %cond3A_840 : i32
      scf.if %cond3A_841 {
        %add3A_1048 = arith.constant 5 : i32
        %add3A_1049 = arith.addi %add3A_740, %add3A_1048 : i32
        %mul3A_1050 = arith.constant 256 : i32
        %mul3A_1051 = arith.muli %add3A_1049, %mul3A_1050 : i32
        %dma_start3A_1052 = tpu.memref_slice %arg5[%mul3A_1051] : memref<6400xi32, #tpu.memory_space<vmem>> -> memref<256xi32, #tpu.memory_space<vmem>>
        %dma_start3A_1053 = arith.constant 0 : i32
        %dma_start3A_1054 = arith.constant 0 : i32
        %dma_start3A_1055 = tpu.memref_slice %arg3[%dma_start3A_1053, %dma_start3A_1054] : memref<100000x64xf32, #tpu.memory_space<hbm>> -> memref<100000x64xf32, #tpu.memory_space<hbm>>
        tpu.enqueue_indirect_dma source(%dma_start3A_1055 : memref<100000x64xf32, #tpu.memory_space<hbm>>) target(%arg8 : memref<256x64xf32, #tpu.memory_space<vmem>>) offsets(%dma_start3A_1052 : memref<256xi32, #tpu.memory_space<vmem>>) semaphore(%arg13 : memref<!tpu.dma_semaphore, #tpu.memory_space<semaphore_mem>>)
      } else {
      }
      %add3A_842 = arith.constant 3 : i32
      %add3A_843 = arith.addi %mul3A_36, %add3A_842 : i32
      %mul3A_844 = arith.constant 256 : i32
      %mul3A_845 = arith.muli %add3A_843, %mul3A_844 : i32
      %add3A_846 = arith.addi %add3A_4, %mul3A_845 : i32
      %jit3A_847 = arith.constant 4096 : i32
      %div3A_848 = arith.divsi %add3A_846, %jit3A_847 : i32
      %sign3A_849 = arith.constant 0 : i32
      %sign3A_850 = arith.cmpi sgt, %add3A_846, %sign3A_849 : i32
      %sign3A_851 = arith.extui %sign3A_850 : i1 to i32
      %sign3A_852 = arith.constant 0 : i32
      %sign3A_853 = arith.cmpi slt, %add3A_846, %sign3A_852 : i32
      %sign3A_854 = arith.extui %sign3A_853 : i1 to i32
      %sign3A_855 = arith.subi %sign3A_851, %sign3A_854 : i32
      %sign3A_856 = arith.constant 0 : i32
      %sign3A_857 = arith.cmpi sgt, %jit3A_847, %sign3A_856 : i32
      %sign3A_858 = arith.extui %sign3A_857 : i1 to i32
      %sign3A_859 = arith.constant 0 : i32
      %sign3A_860 = arith.cmpi slt, %jit3A_847, %sign3A_859 : i32
      %sign3A_861 = arith.extui %sign3A_860 : i1 to i32
      %sign3A_862 = arith.subi %sign3A_858, %sign3A_861 : i32
      %ne3A_863 = arith.cmpi ne, %sign3A_855, %sign3A_862 : i32
      %rem3A_864 = arith.remsi %add3A_846, %jit3A_847 : i32
      %ne3A_865 = arith.constant 0 : i32
      %ne3A_866 = arith.cmpi ne, %rem3A_864, %ne3A_865 : i32
      %and3A_867 = arith.andi %ne3A_863, %ne3A_866 : i1
      %sub3A_868 = arith.constant 1 : i32
      %sub3A_869 = arith.subi %div3A_848, %sub3A_868 : i32
      %select_n3A_870 = arith.select %and3A_867, %sub3A_869, %div3A_848 : i32
      %sub3A_871 = arith.constant 150 : i32
      %sub3A_872 = arith.subi %select_n3A_870, %sub3A_871 : i32
      %jit3A_873 = arith.constant 4096 : i32
      %eq3A_874 = arith.constant 0 : i32
      %eq3A_875 = arith.cmpi eq, %jit3A_873, %eq3A_874 : i32
      %jit3A_876 = arith.constant 1 : i32
      %select_n3A_877 = arith.select %eq3A_875, %jit3A_876, %jit3A_873 : i32
      %rem3A_878 = arith.remsi %add3A_846, %select_n3A_877 : i32
      %ne3A_879 = arith.constant 0 : i32
      %ne3A_880 = arith.cmpi ne, %rem3A_878, %ne3A_879 : i32
      %lt3A_881 = arith.constant 0 : i32
      %lt3A_882 = arith.cmpi slt, %rem3A_878, %lt3A_881 : i32
      %lt3A_883 = arith.constant 0 : i32
      %lt3A_884 = arith.cmpi slt, %select_n3A_877, %lt3A_883 : i32
      %ne3A_885 = arith.xori %lt3A_882, %lt3A_884 : i1
      %and3A_886 = arith.andi %ne3A_885, %ne3A_880 : i1
      %add3A_887 = arith.addi %rem3A_878, %select_n3A_877 : i32
      %select_n3A_888 = arith.select %and3A_886, %add3A_887, %rem3A_878 : i32
      %jit3A_889 = arith.constant 2048 : i32
      %div3A_890 = arith.divsi %select_n3A_888, %jit3A_889 : i32
      %sign3A_891 = arith.constant 0 : i32
      %sign3A_892 = arith.cmpi sgt, %select_n3A_888, %sign3A_891 : i32
      %sign3A_893 = arith.extui %sign3A_892 : i1 to i32
      %sign3A_894 = arith.constant 0 : i32
      %sign3A_895 = arith.cmpi slt, %select_n3A_888, %sign3A_894 : i32
      %sign3A_896 = arith.extui %sign3A_895 : i1 to i32
      %sign3A_897 = arith.subi %sign3A_893, %sign3A_896 : i32
      %sign3A_898 = arith.constant 0 : i32
      %sign3A_899 = arith.cmpi sgt, %jit3A_889, %sign3A_898 : i32
      %sign3A_900 = arith.extui %sign3A_899 : i1 to i32
      %sign3A_901 = arith.constant 0 : i32
      %sign3A_902 = arith.cmpi slt, %jit3A_889, %sign3A_901 : i32
      %sign3A_903 = arith.extui %sign3A_902 : i1 to i32
      %sign3A_904 = arith.subi %sign3A_900, %sign3A_903 : i32
      %ne3A_905 = arith.cmpi ne, %sign3A_897, %sign3A_904 : i32
      %rem3A_906 = arith.remsi %select_n3A_888, %jit3A_889 : i32
      %ne3A_907 = arith.constant 0 : i32
      %ne3A_908 = arith.cmpi ne, %rem3A_906, %ne3A_907 : i32
      %and3A_909 = arith.andi %ne3A_905, %ne3A_908 : i1
      %sub3A_910 = arith.constant 1 : i32
      %sub3A_911 = arith.subi %div3A_890, %sub3A_910 : i32
      %select_n3A_912 = arith.select %and3A_909, %sub3A_911, %div3A_890 : i32
      %jit3A_913 = arith.constant 2048 : i32
      %eq3A_914 = arith.constant 0 : i32
      %eq3A_915 = arith.cmpi eq, %jit3A_913, %eq3A_914 : i32
      %jit3A_916 = arith.constant 1 : i32
      %select_n3A_917 = arith.select %eq3A_915, %jit3A_916, %jit3A_913 : i32
      %rem3A_918 = arith.remsi %select_n3A_888, %select_n3A_917 : i32
      %ne3A_919 = arith.constant 0 : i32
      %ne3A_920 = arith.cmpi ne, %rem3A_918, %ne3A_919 : i32
      %lt3A_921 = arith.constant 0 : i32
      %lt3A_922 = arith.cmpi slt, %rem3A_918, %lt3A_921 : i32
      %lt3A_923 = arith.constant 0 : i32
      %lt3A_924 = arith.cmpi slt, %select_n3A_917, %lt3A_923 : i32
      %ne3A_925 = arith.xori %lt3A_922, %lt3A_924 : i1
      %and3A_926 = arith.andi %ne3A_925, %ne3A_920 : i1
      %add3A_927 = arith.addi %rem3A_918, %select_n3A_917 : i32
      %select_n3A_928 = arith.select %and3A_926, %add3A_927, %rem3A_918 : i32
      %mul3A_929 = arith.constant 2048 : i32
      %mul3A_930 = arith.muli %sub3A_872, %mul3A_929 : i32
      %add3A_931 = arith.addi %mul3A_930, %select_n3A_928 : i32
      %multiple_of3A_932 = tpu.assume_multiple %add3A_931, 256 : i32
      %mul3A_933 = arith.constant 64 : i32
      %mul3A_934 = arith.muli %select_n3A_912, %mul3A_933 : i32
      %multiple_of3A_935 = tpu.assume_multiple %mul3A_934, 64 : i32
      %dma_wait3A_936 = tpu.memref_slice %arg4[%multiple_of3A_932, %multiple_of3A_935] : memref<102400x128xf32, #tpu.memory_space<hbm>> -> memref<256x64xf32, #tpu.memory_space<hbm>>
      %dma_wait3A_937 = tpu.memref_slice %arg4[%multiple_of3A_932, %multiple_of3A_935] : memref<102400x128xf32, #tpu.memory_space<hbm>> -> memref<256x64xf32, #tpu.memory_space<hbm>>
      tpu.wait_dma2 semaphore(%arg19 : memref<!tpu.dma_semaphore, #tpu.memory_space<semaphore_mem>>) src(%arg9 : memref<256x64xf32, #tpu.memory_space<vmem>>) dst(%dma_wait3A_937 : memref<256x64xf32, #tpu.memory_space<hbm>>)
      %add3A_938 = arith.constant 5 : i32
      %add3A_939 = arith.addi %add3A_843, %add3A_938 : i32
      %lt3A_940 = arith.constant 25 : i32
      %lt3A_941 = arith.cmpi slt, %add3A_939, %lt3A_940 : i32
      %convert_element_type3A_942 = arith.extui %lt3A_941 : i1 to i32
      %cond3A_943 = arith.constant 0 : i32
      %cond3A_944 = arith.cmpi ne, %convert_element_type3A_942, %cond3A_943 : i32
      scf.if %cond3A_944 {
        %add3A_1048 = arith.constant 5 : i32
        %add3A_1049 = arith.addi %add3A_843, %add3A_1048 : i32
        %mul3A_1050 = arith.constant 256 : i32
        %mul3A_1051 = arith.muli %add3A_1049, %mul3A_1050 : i32
        %dma_start3A_1052 = tpu.memref_slice %arg5[%mul3A_1051] : memref<6400xi32, #tpu.memory_space<vmem>> -> memref<256xi32, #tpu.memory_space<vmem>>
        %dma_start3A_1053 = arith.constant 0 : i32
        %dma_start3A_1054 = arith.constant 0 : i32
        %dma_start3A_1055 = tpu.memref_slice %arg3[%dma_start3A_1053, %dma_start3A_1054] : memref<100000x64xf32, #tpu.memory_space<hbm>> -> memref<100000x64xf32, #tpu.memory_space<hbm>>
        tpu.enqueue_indirect_dma source(%dma_start3A_1055 : memref<100000x64xf32, #tpu.memory_space<hbm>>) target(%arg9 : memref<256x64xf32, #tpu.memory_space<vmem>>) offsets(%dma_start3A_1052 : memref<256xi32, #tpu.memory_space<vmem>>) semaphore(%arg14 : memref<!tpu.dma_semaphore, #tpu.memory_space<semaphore_mem>>)
      } else {
      }
      %add3A_945 = arith.constant 4 : i32
      %add3A_946 = arith.addi %mul3A_36, %add3A_945 : i32
      %mul3A_947 = arith.constant 256 : i32
      %mul3A_948 = arith.muli %add3A_946, %mul3A_947 : i32
      %add3A_949 = arith.addi %add3A_4, %mul3A_948 : i32
      %jit3A_950 = arith.constant 4096 : i32
      %div3A_951 = arith.divsi %add3A_949, %jit3A_950 : i32
      %sign3A_952 = arith.constant 0 : i32
      %sign3A_953 = arith.cmpi sgt, %add3A_949, %sign3A_952 : i32
      %sign3A_954 = arith.extui %sign3A_953 : i1 to i32
      %sign3A_955 = arith.constant 0 : i32
      %sign3A_956 = arith.cmpi slt, %add3A_949, %sign3A_955 : i32
      %sign3A_957 = arith.extui %sign3A_956 : i1 to i32
      %sign3A_958 = arith.subi %sign3A_954, %sign3A_957 : i32
      %sign3A_959 = arith.constant 0 : i32
      %sign3A_960 = arith.cmpi sgt, %jit3A_950, %sign3A_959 : i32
      %sign3A_961 = arith.extui %sign3A_960 : i1 to i32
      %sign3A_962 = arith.constant 0 : i32
      %sign3A_963 = arith.cmpi slt, %jit3A_950, %sign3A_962 : i32
      %sign3A_964 = arith.extui %sign3A_963 : i1 to i32
      %sign3A_965 = arith.subi %sign3A_961, %sign3A_964 : i32
      %ne3A_966 = arith.cmpi ne, %sign3A_958, %sign3A_965 : i32
      %rem3A_967 = arith.remsi %add3A_949, %jit3A_950 : i32
      %ne3A_968 = arith.constant 0 : i32
      %ne3A_969 = arith.cmpi ne, %rem3A_967, %ne3A_968 : i32
      %and3A_970 = arith.andi %ne3A_966, %ne3A_969 : i1
      %sub3A_971 = arith.constant 1 : i32
      %sub3A_972 = arith.subi %div3A_951, %sub3A_971 : i32
      %select_n3A_973 = arith.select %and3A_970, %sub3A_972, %div3A_951 : i32
      %sub3A_974 = arith.constant 150 : i32
      %sub3A_975 = arith.subi %select_n3A_973, %sub3A_974 : i32
      %jit3A_976 = arith.constant 4096 : i32
      %eq3A_977 = arith.constant 0 : i32
      %eq3A_978 = arith.cmpi eq, %jit3A_976, %eq3A_977 : i32
      %jit3A_979 = arith.constant 1 : i32
      %select_n3A_980 = arith.select %eq3A_978, %jit3A_979, %jit3A_976 : i32
      %rem3A_981 = arith.remsi %add3A_949, %select_n3A_980 : i32
      %ne3A_982 = arith.constant 0 : i32
      %ne3A_983 = arith.cmpi ne, %rem3A_981, %ne3A_982 : i32
      %lt3A_984 = arith.constant 0 : i32
      %lt3A_985 = arith.cmpi slt, %rem3A_981, %lt3A_984 : i32
      %lt3A_986 = arith.constant 0 : i32
      %lt3A_987 = arith.cmpi slt, %select_n3A_980, %lt3A_986 : i32
      %ne3A_988 = arith.xori %lt3A_985, %lt3A_987 : i1
      %and3A_989 = arith.andi %ne3A_988, %ne3A_983 : i1
      %add3A_990 = arith.addi %rem3A_981, %select_n3A_980 : i32
      %select_n3A_991 = arith.select %and3A_989, %add3A_990, %rem3A_981 : i32
      %jit3A_992 = arith.constant 2048 : i32
      %div3A_993 = arith.divsi %select_n3A_991, %jit3A_992 : i32
      %sign3A_994 = arith.constant 0 : i32
      %sign3A_995 = arith.cmpi sgt, %select_n3A_991, %sign3A_994 : i32
      %sign3A_996 = arith.extui %sign3A_995 : i1 to i32
      %sign3A_997 = arith.constant 0 : i32
      %sign3A_998 = arith.cmpi slt, %select_n3A_991, %sign3A_997 : i32
      %sign3A_999 = arith.extui %sign3A_998 : i1 to i32
      %sign3A_1000 = arith.subi %sign3A_996, %sign3A_999 : i32
      %sign3A_1001 = arith.constant 0 : i32
      %sign3A_1002 = arith.cmpi sgt, %jit3A_992, %sign3A_1001 : i32
      %sign3A_1003 = arith.extui %sign3A_1002 : i1 to i32
      %sign3A_1004 = arith.constant 0 : i32
      %sign3A_1005 = arith.cmpi slt, %jit3A_992, %sign3A_1004 : i32
      %sign3A_1006 = arith.extui %sign3A_1005 : i1 to i32
      %sign3A_1007 = arith.subi %sign3A_1003, %sign3A_1006 : i32
      %ne3A_1008 = arith.cmpi ne, %sign3A_1000, %sign3A_1007 : i32
      %rem3A_1009 = arith.remsi %select_n3A_991, %jit3A_992 : i32
      %ne3A_1010 = arith.constant 0 : i32
      %ne3A_1011 = arith.cmpi ne, %rem3A_1009, %ne3A_1010 : i32
      %and3A_1012 = arith.andi %ne3A_1008, %ne3A_1011 : i1
      %sub3A_1013 = arith.constant 1 : i32
      %sub3A_1014 = arith.subi %div3A_993, %sub3A_1013 : i32
      %select_n3A_1015 = arith.select %and3A_1012, %sub3A_1014, %div3A_993 : i32
      %jit3A_1016 = arith.constant 2048 : i32
      %eq3A_1017 = arith.constant 0 : i32
      %eq3A_1018 = arith.cmpi eq, %jit3A_1016, %eq3A_1017 : i32
      %jit3A_1019 = arith.constant 1 : i32
      %select_n3A_1020 = arith.select %eq3A_1018, %jit3A_1019, %jit3A_1016 : i32
      %rem3A_1021 = arith.remsi %select_n3A_991, %select_n3A_1020 : i32
      %ne3A_1022 = arith.constant 0 : i32
      %ne3A_1023 = arith.cmpi ne, %rem3A_1021, %ne3A_1022 : i32
      %lt3A_1024 = arith.constant 0 : i32
      %lt3A_1025 = arith.cmpi slt, %rem3A_1021, %lt3A_1024 : i32
      %lt3A_1026 = arith.constant 0 : i32
      %lt3A_1027 = arith.cmpi slt, %select_n3A_1020, %lt3A_1026 : i32
      %ne3A_1028 = arith.xori %lt3A_1025, %lt3A_1027 : i1
      %and3A_1029 = arith.andi %ne3A_1028, %ne3A_1023 : i1
      %add3A_1030 = arith.addi %rem3A_1021, %select_n3A_1020 : i32
      %select_n3A_1031 = arith.select %and3A_1029, %add3A_1030, %rem3A_1021 : i32
      %mul3A_1032 = arith.constant 2048 : i32
      %mul3A_1033 = arith.muli %sub3A_975, %mul3A_1032 : i32
      %add3A_1034 = arith.addi %mul3A_1033, %select_n3A_1031 : i32
      %multiple_of3A_1035 = tpu.assume_multiple %add3A_1034, 256 : i32
      %mul3A_1036 = arith.constant 64 : i32
      %mul3A_1037 = arith.muli %select_n3A_1015, %mul3A_1036 : i32
      %multiple_of3A_1038 = tpu.assume_multiple %mul3A_1037, 64 : i32
      %dma_wait3A_1039 = tpu.memref_slice %arg4[%multiple_of3A_1035, %multiple_of3A_1038] : memref<102400x128xf32, #tpu.memory_space<hbm>> -> memref<256x64xf32, #tpu.memory_space<hbm>>
      %dma_wait3A_1040 = tpu.memref_slice %arg4[%multiple_of3A_1035, %multiple_of3A_1038] : memref<102400x128xf32, #tpu.memory_space<hbm>> -> memref<256x64xf32, #tpu.memory_space<hbm>>
      tpu.wait_dma2 semaphore(%arg20 : memref<!tpu.dma_semaphore, #tpu.memory_space<semaphore_mem>>) src(%arg10 : memref<256x64xf32, #tpu.memory_space<vmem>>) dst(%dma_wait3A_1040 : memref<256x64xf32, #tpu.memory_space<hbm>>)
      %add3A_1041 = arith.constant 5 : i32
      %add3A_1042 = arith.addi %add3A_946, %add3A_1041 : i32
      %lt3A_1043 = arith.constant 25 : i32
      %lt3A_1044 = arith.cmpi slt, %add3A_1042, %lt3A_1043 : i32
      %convert_element_type3A_1045 = arith.extui %lt3A_1044 : i1 to i32
      %cond3A_1046 = arith.constant 0 : i32
      %cond3A_1047 = arith.cmpi ne, %convert_element_type3A_1045, %cond3A_1046 : i32
      scf.if %cond3A_1047 {
        %add3A_1048 = arith.constant 5 : i32
        %add3A_1049 = arith.addi %add3A_946, %add3A_1048 : i32
        %mul3A_1050 = arith.constant 256 : i32
        %mul3A_1051 = arith.muli %add3A_1049, %mul3A_1050 : i32
        %dma_start3A_1052 = tpu.memref_slice %arg5[%mul3A_1051] : memref<6400xi32, #tpu.memory_space<vmem>> -> memref<256xi32, #tpu.memory_space<vmem>>
        %dma_start3A_1053 = arith.constant 0 : i32
        %dma_start3A_1054 = arith.constant 0 : i32
        %dma_start3A_1055 = tpu.memref_slice %arg3[%dma_start3A_1053, %dma_start3A_1054] : memref<100000x64xf32, #tpu.memory_space<hbm>> -> memref<100000x64xf32, #tpu.memory_space<hbm>>
        tpu.enqueue_indirect_dma source(%dma_start3A_1055 : memref<100000x64xf32, #tpu.memory_space<hbm>>) target(%arg10 : memref<256x64xf32, #tpu.memory_space<vmem>>) offsets(%dma_start3A_1052 : memref<256xi32, #tpu.memory_space<vmem>>) semaphore(%arg15 : memref<!tpu.dma_semaphore, #tpu.memory_space<semaphore_mem>>)
      } else {
      }
    }
    %scan3A_33 = arith.constant 5 : i32
    return
  }
}

#map = affine_map<(d0, d1) -> (0)>
#map1 = affine_map<(d0, d1) -> (0, 0)>
module attributes {stable_mosaic.version = 14 : i64} {
  func.func @_sc_gather(%arg0: i32, %arg1: i32, %arg2: memref<819200xi32, #tpu.memory_space<hbm>>, %arg3: memref<100000x64xf32, #tpu.memory_space<hbm>>, %arg4: memref<102400x128xf32, #tpu.memory_space<hbm>>, %arg5: memref<6400xi32, #tpu.memory_space<vmem>>, %arg6: memref<256x64xf32, #tpu.memory_space<vmem>>, %arg7: memref<256x64xf32, #tpu.memory_space<vmem>>, %arg8: memref<256x64xf32, #tpu.memory_space<vmem>>, %arg9: memref<256x64xf32, #tpu.memory_space<vmem>>, %arg10: memref<256x64xf32, #tpu.memory_space<vmem>>, %arg11: memref<!tpu.dma_semaphore, #tpu.memory_space<semaphore_mem>>, %arg12: memref<!tpu.dma_semaphore, #tpu.memory_space<semaphore_mem>>, %arg13: memref<!tpu.dma_semaphore, #tpu.memory_space<semaphore_mem>>, %arg14: memref<!tpu.dma_semaphore, #tpu.memory_space<semaphore_mem>>, %arg15: memref<!tpu.dma_semaphore, #tpu.memory_space<semaphore_mem>>, %arg16: memref<!tpu.dma_semaphore, #tpu.memory_space<semaphore_mem>>, %arg17: memref<!tpu.dma_semaphore, #tpu.memory_space<semaphore_mem>>, %arg18: memref<!tpu.dma_semaphore, #tpu.memory_space<semaphore_mem>>, %arg19: memref<!tpu.dma_semaphore, #tpu.memory_space<semaphore_mem>>, %arg20: memref<!tpu.dma_semaphore, #tpu.memory_space<semaphore_mem>>) attributes {dimension_semantics = [#tpu.dimension_semantics<core_parallel>, #tpu.dimension_semantics<subcore_parallel>], iteration_bounds = array<i64: 2, 16>, scalar_prefetch = 0 : i64, scratch_operands = 16 : i64, tpu.core_type = #tpu.core_type<sc_vector_subcore>, window_params = [{transform_indices = #map}, {transform_indices = #map1}, {transform_indices = #map1}]} {
    %mul3A = arith.constant 2 : i32
    %mul3A_0 = arith.muli %arg1, %mul3A : i32
    %add3A = arith.addi %mul3A_0, %arg0 : i32
    %mul3A_1 = arith.constant 6400 : i32
    %mul3A_2 = arith.muli %add3A, %mul3A_1 : i32
    %add3A_3 = arith.constant 409600 : i32
    %add3A_4 = arith.addi %add3A_3, %mul3A_2 : i32
    "tpu.region"() ({
      %run_scoped3A = tpu.sem_alloc : memref<!tpu.dma_semaphore, #tpu.memory_space<semaphore_mem>>
      %dma_start3A_34 = tpu.memref_slice %arg2[%add3A_4] : memref<819200xi32, #tpu.memory_space<hbm>> -> memref<6400xi32, #tpu.memory_space<hbm>>
      %dma_start3A_35 = tpu.memref_slice %arg2[%add3A_4] : memref<819200xi32, #tpu.memory_space<hbm>> -> memref<6400xi32, #tpu.memory_space<hbm>>
      tpu.enqueue_dma source(%dma_start3A_35 : memref<6400xi32, #tpu.memory_space<hbm>>) target(%arg5 : memref<6400xi32, #tpu.memory_space<vmem>>) target_semaphore(%run_scoped3A : memref<!tpu.dma_semaphore, #tpu.memory_space<semaphore_mem>>)
      %dma_wait3A = tpu.memref_slice %arg2[%add3A_4] : memref<819200xi32, #tpu.memory_space<hbm>> -> memref<6400xi32, #tpu.memory_space<hbm>>
      %dma_wait3A_36 = tpu.memref_slice %arg2[%add3A_4] : memref<819200xi32, #tpu.memory_space<hbm>> -> memref<6400xi32, #tpu.memory_space<hbm>>
      tpu.wait_dma2 semaphore(%run_scoped3A : memref<!tpu.dma_semaphore, #tpu.memory_space<semaphore_mem>>) src(%dma_wait3A_36 : memref<6400xi32, #tpu.memory_space<hbm>>) dst(%arg5 : memref<6400xi32, #tpu.memory_space<vmem>>)
      tpu.yield
    }) : () -> ()
    %dma_start3A = arith.constant 0 : i32
    %dma_start3A_5 = tpu.memref_slice %arg5[%dma_start3A] : memref<6400xi32, #tpu.memory_space<vmem>> -> memref<256xi32, #tpu.memory_space<vmem>>
    %dma_start3A_6 = arith.constant 0 : i32
    %dma_start3A_7 = arith.constant 0 : i32
    %dma_start3A_8 = tpu.memref_slice %arg3[%dma_start3A_6, %dma_start3A_7] : memref<100000x64xf32, #tpu.memory_space<hbm>> -> memref<100000x64xf32, #tpu.memory_space<hbm>>
    tpu.enqueue_indirect_dma source(%dma_start3A_8 : memref<100000x64xf32, #tpu.memory_space<hbm>>) target(%arg6 : memref<256x64xf32, #tpu.memory_space<vmem>>) offsets(%dma_start3A_5 : memref<256xi32, #tpu.memory_space<vmem>>) semaphore(%arg11 : memref<!tpu.dma_semaphore, #tpu.memory_space<semaphore_mem>>)
    %dma_start3A_9 = arith.constant 256 : i32
    %dma_start3A_10 = tpu.memref_slice %arg5[%dma_start3A_9] : memref<6400xi32, #tpu.memory_space<vmem>> -> memref<256xi32, #tpu.memory_space<vmem>>
    %dma_start3A_11 = arith.constant 0 : i32
    %dma_start3A_12 = arith.constant 0 : i32
    %dma_start3A_13 = tpu.memref_slice %arg3[%dma_start3A_11, %dma_start3A_12] : memref<100000x64xf32, #tpu.memory_space<hbm>> -> memref<100000x64xf32, #tpu.memory_space<hbm>>
    tpu.enqueue_indirect_dma source(%dma_start3A_13 : memref<100000x64xf32, #tpu.memory_space<hbm>>) target(%arg7 : memref<256x64xf32, #tpu.memory_space<vmem>>) offsets(%dma_start3A_10 : memref<256xi32, #tpu.memory_space<vmem>>) semaphore(%arg12 : memref<!tpu.dma_semaphore, #tpu.memory_space<semaphore_mem>>)
    %dma_start3A_14 = arith.constant 512 : i32
    %dma_start3A_15 = tpu.memref_slice %arg5[%dma_start3A_14] : memref<6400xi32, #tpu.memory_space<vmem>> -> memref<256xi32, #tpu.memory_space<vmem>>
    %dma_start3A_16 = arith.constant 0 : i32
    %dma_start3A_17 = arith.constant 0 : i32
    %dma_start3A_18 = tpu.memref_slice %arg3[%dma_start3A_16, %dma_start3A_17] : memref<100000x64xf32, #tpu.memory_space<hbm>> -> memref<100000x64xf32, #tpu.memory_space<hbm>>
    tpu.enqueue_indirect_dma source(%dma_start3A_18 : memref<100000x64xf32, #tpu.memory_space<hbm>>) target(%arg8 : memref<256x64xf32, #tpu.memory_space<vmem>>) offsets(%dma_start3A_15 : memref<256xi32, #tpu.memory_space<vmem>>) semaphore(%arg13 : memref<!tpu.dma_semaphore, #tpu.memory_space<semaphore_mem>>)
    %dma_start3A_19 = arith.constant 768 : i32
    %dma_start3A_20 = tpu.memref_slice %arg5[%dma_start3A_19] : memref<6400xi32, #tpu.memory_space<vmem>> -> memref<256xi32, #tpu.memory_space<vmem>>
    %dma_start3A_21 = arith.constant 0 : i32
    %dma_start3A_22 = arith.constant 0 : i32
    %dma_start3A_23 = tpu.memref_slice %arg3[%dma_start3A_21, %dma_start3A_22] : memref<100000x64xf32, #tpu.memory_space<hbm>> -> memref<100000x64xf32, #tpu.memory_space<hbm>>
    tpu.enqueue_indirect_dma source(%dma_start3A_23 : memref<100000x64xf32, #tpu.memory_space<hbm>>) target(%arg9 : memref<256x64xf32, #tpu.memory_space<vmem>>) offsets(%dma_start3A_20 : memref<256xi32, #tpu.memory_space<vmem>>) semaphore(%arg14 : memref<!tpu.dma_semaphore, #tpu.memory_space<semaphore_mem>>)
    %dma_start3A_24 = arith.constant 1024 : i32
    %dma_start3A_25 = tpu.memref_slice %arg5[%dma_start3A_24] : memref<6400xi32, #tpu.memory_space<vmem>> -> memref<256xi32, #tpu.memory_space<vmem>>
    %dma_start3A_26 = arith.constant 0 : i32
    %dma_start3A_27 = arith.constant 0 : i32
    %dma_start3A_28 = tpu.memref_slice %arg3[%dma_start3A_26, %dma_start3A_27] : memref<100000x64xf32, #tpu.memory_space<hbm>> -> memref<100000x64xf32, #tpu.memory_space<hbm>>
    tpu.enqueue_indirect_dma source(%dma_start3A_28 : memref<100000x64xf32, #tpu.memory_space<hbm>>) target(%arg10 : memref<256x64xf32, #tpu.memory_space<vmem>>) offsets(%dma_start3A_25 : memref<256xi32, #tpu.memory_space<vmem>>) semaphore(%arg15 : memref<!tpu.dma_semaphore, #tpu.memory_space<semaphore_mem>>)
    %scan3A = arith.constant 0 : i32
    %scan3A_29 = arith.constant 0 : i32
    %scan3A_30 = arith.constant 5 : i32
    %scan3A_31 = arith.addi %scan3A_29, %scan3A_30 : i32
    %scan3A_32 = arith.constant 1 : i32
    scf.for %scan3A_34 = %scan3A_29 to %scan3A_31 step %scan3A_32  : i32 {
      %mul3A_35 = arith.constant 5 : i32
      %mul3A_36 = arith.muli %scan3A_34, %mul3A_35 : i32
      %add3A_37 = arith.constant 0 : i32
      %add3A_38 = arith.addi %mul3A_36, %add3A_37 : i32
      %mul3A_39 = arith.constant 256 : i32
      %mul3A_40 = arith.muli %add3A_38, %mul3A_39 : i32
      %dma_wait3A = tpu.memref_slice %arg5[%mul3A_40] : memref<6400xi32, #tpu.memory_space<vmem>> -> memref<256xi32, #tpu.memory_space<vmem>>
      %dma_wait3A_41 = arith.constant 0 : i32
      %dma_wait3A_42 = arith.constant 0 : i32
      %dma_wait3A_43 = tpu.memref_slice %arg3[%dma_wait3A_41, %dma_wait3A_42] : memref<100000x64xf32, #tpu.memory_space<hbm>> -> memref<100000x64xf32, #tpu.memory_space<hbm>>
      tpu.wait_indirect_dma semaphore(%arg11 : memref<!tpu.dma_semaphore, #tpu.memory_space<semaphore_mem>>) src(%dma_wait3A_43 : memref<100000x64xf32, #tpu.memory_space<hbm>>) dst(%arg6 : memref<256x64xf32, #tpu.memory_space<vmem>>)
      %mul3A_44 = arith.constant 256 : i32
      %mul3A_45 = arith.muli %add3A_38, %mul3A_44 : i32
      %add3A_46 = arith.addi %add3A_4, %mul3A_45 : i32
      %jit3A = arith.constant 4096 : i32
      %div3A = arith.divsi %add3A_46, %jit3A : i32
      %sign3A = arith.constant 0 : i32
      %sign3A_47 = arith.cmpi sgt, %add3A_46, %sign3A : i32
      %sign3A_48 = arith.extui %sign3A_47 : i1 to i32
      %sign3A_49 = arith.constant 0 : i32
      %sign3A_50 = arith.cmpi slt, %add3A_46, %sign3A_49 : i32
      %sign3A_51 = arith.extui %sign3A_50 : i1 to i32
      %sign3A_52 = arith.subi %sign3A_48, %sign3A_51 : i32
      %sign3A_53 = arith.constant 0 : i32
      %sign3A_54 = arith.cmpi sgt, %jit3A, %sign3A_53 : i32
      %sign3A_55 = arith.extui %sign3A_54 : i1 to i32
      %sign3A_56 = arith.constant 0 : i32
      %sign3A_57 = arith.cmpi slt, %jit3A, %sign3A_56 : i32
      %sign3A_58 = arith.extui %sign3A_57 : i1 to i32
      %sign3A_59 = arith.subi %sign3A_55, %sign3A_58 : i32
      %ne3A = arith.cmpi ne, %sign3A_52, %sign3A_59 : i32
      %rem3A = arith.remsi %add3A_46, %jit3A : i32
      %ne3A_60 = arith.constant 0 : i32
      %ne3A_61 = arith.cmpi ne, %rem3A, %ne3A_60 : i32
      %and3A = arith.andi %ne3A, %ne3A_61 : i1
      %sub3A = arith.constant 1 : i32
      %sub3A_62 = arith.subi %div3A, %sub3A : i32
      %select_n3A = arith.select %and3A, %sub3A_62, %div3A : i32
      %sub3A_63 = arith.constant 100 : i32
      %sub3A_64 = arith.subi %select_n3A, %sub3A_63 : i32
      %jit3A_65 = arith.constant 4096 : i32
      %eq3A = arith.constant 0 : i32
      %eq3A_66 = arith.cmpi eq, %jit3A_65, %eq3A : i32
      %jit3A_67 = arith.constant 1 : i32
      %select_n3A_68 = arith.select %eq3A_66, %jit3A_67, %jit3A_65 : i32
      %rem3A_69 = arith.remsi %add3A_46, %select_n3A_68 : i32
      %ne3A_70 = arith.constant 0 : i32
      %ne3A_71 = arith.cmpi ne, %rem3A_69, %ne3A_70 : i32
      %lt3A = arith.constant 0 : i32
      %lt3A_72 = arith.cmpi slt, %rem3A_69, %lt3A : i32
      %lt3A_73 = arith.constant 0 : i32
      %lt3A_74 = arith.cmpi slt, %select_n3A_68, %lt3A_73 : i32
      %ne3A_75 = arith.xori %lt3A_72, %lt3A_74 : i1
      %and3A_76 = arith.andi %ne3A_75, %ne3A_71 : i1
      %add3A_77 = arith.addi %rem3A_69, %select_n3A_68 : i32
      %select_n3A_78 = arith.select %and3A_76, %add3A_77, %rem3A_69 : i32
      %jit3A_79 = arith.constant 2048 : i32
      %div3A_80 = arith.divsi %select_n3A_78, %jit3A_79 : i32
      %sign3A_81 = arith.constant 0 : i32
      %sign3A_82 = arith.cmpi sgt, %select_n3A_78, %sign3A_81 : i32
      %sign3A_83 = arith.extui %sign3A_82 : i1 to i32
      %sign3A_84 = arith.constant 0 : i32
      %sign3A_85 = arith.cmpi slt, %select_n3A_78, %sign3A_84 : i32
      %sign3A_86 = arith.extui %sign3A_85 : i1 to i32
      %sign3A_87 = arith.subi %sign3A_83, %sign3A_86 : i32
      %sign3A_88 = arith.constant 0 : i32
      %sign3A_89 = arith.cmpi sgt, %jit3A_79, %sign3A_88 : i32
      %sign3A_90 = arith.extui %sign3A_89 : i1 to i32
      %sign3A_91 = arith.constant 0 : i32
      %sign3A_92 = arith.cmpi slt, %jit3A_79, %sign3A_91 : i32
      %sign3A_93 = arith.extui %sign3A_92 : i1 to i32
      %sign3A_94 = arith.subi %sign3A_90, %sign3A_93 : i32
      %ne3A_95 = arith.cmpi ne, %sign3A_87, %sign3A_94 : i32
      %rem3A_96 = arith.remsi %select_n3A_78, %jit3A_79 : i32
      %ne3A_97 = arith.constant 0 : i32
      %ne3A_98 = arith.cmpi ne, %rem3A_96, %ne3A_97 : i32
      %and3A_99 = arith.andi %ne3A_95, %ne3A_98 : i1
      %sub3A_100 = arith.constant 1 : i32
      %sub3A_101 = arith.subi %div3A_80, %sub3A_100 : i32
      %select_n3A_102 = arith.select %and3A_99, %sub3A_101, %div3A_80 : i32
      %jit3A_103 = arith.constant 2048 : i32
      %eq3A_104 = arith.constant 0 : i32
      %eq3A_105 = arith.cmpi eq, %jit3A_103, %eq3A_104 : i32
      %jit3A_106 = arith.constant 1 : i32
      %select_n3A_107 = arith.select %eq3A_105, %jit3A_106, %jit3A_103 : i32
      %rem3A_108 = arith.remsi %select_n3A_78, %select_n3A_107 : i32
      %ne3A_109 = arith.constant 0 : i32
      %ne3A_110 = arith.cmpi ne, %rem3A_108, %ne3A_109 : i32
      %lt3A_111 = arith.constant 0 : i32
      %lt3A_112 = arith.cmpi slt, %rem3A_108, %lt3A_111 : i32
      %lt3A_113 = arith.constant 0 : i32
      %lt3A_114 = arith.cmpi slt, %select_n3A_107, %lt3A_113 : i32
      %ne3A_115 = arith.xori %lt3A_112, %lt3A_114 : i1
      %and3A_116 = arith.andi %ne3A_115, %ne3A_110 : i1
      %add3A_117 = arith.addi %rem3A_108, %select_n3A_107 : i32
      %select_n3A_118 = arith.select %and3A_116, %add3A_117, %rem3A_108 : i32
      %mul3A_119 = arith.constant 2048 : i32
      %mul3A_120 = arith.muli %sub3A_64, %mul3A_119 : i32
      %add3A_121 = arith.addi %mul3A_120, %select_n3A_118 : i32
      %multiple_of3A = tpu.assume_multiple %add3A_121, 256 : i32
      %mul3A_122 = arith.constant 64 : i32
      %mul3A_123 = arith.muli %select_n3A_102, %mul3A_122 : i32
      %multiple_of3A_124 = tpu.assume_multiple %mul3A_123, 64 : i32
      %dma_start3A_125 = tpu.memref_slice %arg4[%multiple_of3A, %multiple_of3A_124] : memref<102400x128xf32, #tpu.memory_space<hbm>> -> memref<256x64xf32, #tpu.memory_space<hbm>>
      %dma_start3A_126 = tpu.memref_slice %arg4[%multiple_of3A, %multiple_of3A_124] : memref<102400x128xf32, #tpu.memory_space<hbm>> -> memref<256x64xf32, #tpu.memory_space<hbm>>
      tpu.enqueue_dma source(%arg6 : memref<256x64xf32, #tpu.memory_space<vmem>>) target(%dma_start3A_126 : memref<256x64xf32, #tpu.memory_space<hbm>>) target_semaphore(%arg16 : memref<!tpu.dma_semaphore, #tpu.memory_space<semaphore_mem>>)
      %add3A_127 = arith.constant 1 : i32
      %add3A_128 = arith.addi %mul3A_36, %add3A_127 : i32
      %mul3A_129 = arith.constant 256 : i32
      %mul3A_130 = arith.muli %add3A_128, %mul3A_129 : i32
      %dma_wait3A_131 = tpu.memref_slice %arg5[%mul3A_130] : memref<6400xi32, #tpu.memory_space<vmem>> -> memref<256xi32, #tpu.memory_space<vmem>>
      %dma_wait3A_132 = arith.constant 0 : i32
      %dma_wait3A_133 = arith.constant 0 : i32
      %dma_wait3A_134 = tpu.memref_slice %arg3[%dma_wait3A_132, %dma_wait3A_133] : memref<100000x64xf32, #tpu.memory_space<hbm>> -> memref<100000x64xf32, #tpu.memory_space<hbm>>
      tpu.wait_indirect_dma semaphore(%arg12 : memref<!tpu.dma_semaphore, #tpu.memory_space<semaphore_mem>>) src(%dma_wait3A_134 : memref<100000x64xf32, #tpu.memory_space<hbm>>) dst(%arg7 : memref<256x64xf32, #tpu.memory_space<vmem>>)
      %mul3A_135 = arith.constant 256 : i32
      %mul3A_136 = arith.muli %add3A_128, %mul3A_135 : i32
      %add3A_137 = arith.addi %add3A_4, %mul3A_136 : i32
      %jit3A_138 = arith.constant 4096 : i32
      %div3A_139 = arith.divsi %add3A_137, %jit3A_138 : i32
      %sign3A_140 = arith.constant 0 : i32
      %sign3A_141 = arith.cmpi sgt, %add3A_137, %sign3A_140 : i32
      %sign3A_142 = arith.extui %sign3A_141 : i1 to i32
      %sign3A_143 = arith.constant 0 : i32
      %sign3A_144 = arith.cmpi slt, %add3A_137, %sign3A_143 : i32
      %sign3A_145 = arith.extui %sign3A_144 : i1 to i32
      %sign3A_146 = arith.subi %sign3A_142, %sign3A_145 : i32
      %sign3A_147 = arith.constant 0 : i32
      %sign3A_148 = arith.cmpi sgt, %jit3A_138, %sign3A_147 : i32
      %sign3A_149 = arith.extui %sign3A_148 : i1 to i32
      %sign3A_150 = arith.constant 0 : i32
      %sign3A_151 = arith.cmpi slt, %jit3A_138, %sign3A_150 : i32
      %sign3A_152 = arith.extui %sign3A_151 : i1 to i32
      %sign3A_153 = arith.subi %sign3A_149, %sign3A_152 : i32
      %ne3A_154 = arith.cmpi ne, %sign3A_146, %sign3A_153 : i32
      %rem3A_155 = arith.remsi %add3A_137, %jit3A_138 : i32
      %ne3A_156 = arith.constant 0 : i32
      %ne3A_157 = arith.cmpi ne, %rem3A_155, %ne3A_156 : i32
      %and3A_158 = arith.andi %ne3A_154, %ne3A_157 : i1
      %sub3A_159 = arith.constant 1 : i32
      %sub3A_160 = arith.subi %div3A_139, %sub3A_159 : i32
      %select_n3A_161 = arith.select %and3A_158, %sub3A_160, %div3A_139 : i32
      %sub3A_162 = arith.constant 100 : i32
      %sub3A_163 = arith.subi %select_n3A_161, %sub3A_162 : i32
      %jit3A_164 = arith.constant 4096 : i32
      %eq3A_165 = arith.constant 0 : i32
      %eq3A_166 = arith.cmpi eq, %jit3A_164, %eq3A_165 : i32
      %jit3A_167 = arith.constant 1 : i32
      %select_n3A_168 = arith.select %eq3A_166, %jit3A_167, %jit3A_164 : i32
      %rem3A_169 = arith.remsi %add3A_137, %select_n3A_168 : i32
      %ne3A_170 = arith.constant 0 : i32
      %ne3A_171 = arith.cmpi ne, %rem3A_169, %ne3A_170 : i32
      %lt3A_172 = arith.constant 0 : i32
      %lt3A_173 = arith.cmpi slt, %rem3A_169, %lt3A_172 : i32
      %lt3A_174 = arith.constant 0 : i32
      %lt3A_175 = arith.cmpi slt, %select_n3A_168, %lt3A_174 : i32
      %ne3A_176 = arith.xori %lt3A_173, %lt3A_175 : i1
      %and3A_177 = arith.andi %ne3A_176, %ne3A_171 : i1
      %add3A_178 = arith.addi %rem3A_169, %select_n3A_168 : i32
      %select_n3A_179 = arith.select %and3A_177, %add3A_178, %rem3A_169 : i32
      %jit3A_180 = arith.constant 2048 : i32
      %div3A_181 = arith.divsi %select_n3A_179, %jit3A_180 : i32
      %sign3A_182 = arith.constant 0 : i32
      %sign3A_183 = arith.cmpi sgt, %select_n3A_179, %sign3A_182 : i32
      %sign3A_184 = arith.extui %sign3A_183 : i1 to i32
      %sign3A_185 = arith.constant 0 : i32
      %sign3A_186 = arith.cmpi slt, %select_n3A_179, %sign3A_185 : i32
      %sign3A_187 = arith.extui %sign3A_186 : i1 to i32
      %sign3A_188 = arith.subi %sign3A_184, %sign3A_187 : i32
      %sign3A_189 = arith.constant 0 : i32
      %sign3A_190 = arith.cmpi sgt, %jit3A_180, %sign3A_189 : i32
      %sign3A_191 = arith.extui %sign3A_190 : i1 to i32
      %sign3A_192 = arith.constant 0 : i32
      %sign3A_193 = arith.cmpi slt, %jit3A_180, %sign3A_192 : i32
      %sign3A_194 = arith.extui %sign3A_193 : i1 to i32
      %sign3A_195 = arith.subi %sign3A_191, %sign3A_194 : i32
      %ne3A_196 = arith.cmpi ne, %sign3A_188, %sign3A_195 : i32
      %rem3A_197 = arith.remsi %select_n3A_179, %jit3A_180 : i32
      %ne3A_198 = arith.constant 0 : i32
      %ne3A_199 = arith.cmpi ne, %rem3A_197, %ne3A_198 : i32
      %and3A_200 = arith.andi %ne3A_196, %ne3A_199 : i1
      %sub3A_201 = arith.constant 1 : i32
      %sub3A_202 = arith.subi %div3A_181, %sub3A_201 : i32
      %select_n3A_203 = arith.select %and3A_200, %sub3A_202, %div3A_181 : i32
      %jit3A_204 = arith.constant 2048 : i32
      %eq3A_205 = arith.constant 0 : i32
      %eq3A_206 = arith.cmpi eq, %jit3A_204, %eq3A_205 : i32
      %jit3A_207 = arith.constant 1 : i32
      %select_n3A_208 = arith.select %eq3A_206, %jit3A_207, %jit3A_204 : i32
      %rem3A_209 = arith.remsi %select_n3A_179, %select_n3A_208 : i32
      %ne3A_210 = arith.constant 0 : i32
      %ne3A_211 = arith.cmpi ne, %rem3A_209, %ne3A_210 : i32
      %lt3A_212 = arith.constant 0 : i32
      %lt3A_213 = arith.cmpi slt, %rem3A_209, %lt3A_212 : i32
      %lt3A_214 = arith.constant 0 : i32
      %lt3A_215 = arith.cmpi slt, %select_n3A_208, %lt3A_214 : i32
      %ne3A_216 = arith.xori %lt3A_213, %lt3A_215 : i1
      %and3A_217 = arith.andi %ne3A_216, %ne3A_211 : i1
      %add3A_218 = arith.addi %rem3A_209, %select_n3A_208 : i32
      %select_n3A_219 = arith.select %and3A_217, %add3A_218, %rem3A_209 : i32
      %mul3A_220 = arith.constant 2048 : i32
      %mul3A_221 = arith.muli %sub3A_163, %mul3A_220 : i32
      %add3A_222 = arith.addi %mul3A_221, %select_n3A_219 : i32
      %multiple_of3A_223 = tpu.assume_multiple %add3A_222, 256 : i32
      %mul3A_224 = arith.constant 64 : i32
      %mul3A_225 = arith.muli %select_n3A_203, %mul3A_224 : i32
      %multiple_of3A_226 = tpu.assume_multiple %mul3A_225, 64 : i32
      %dma_start3A_227 = tpu.memref_slice %arg4[%multiple_of3A_223, %multiple_of3A_226] : memref<102400x128xf32, #tpu.memory_space<hbm>> -> memref<256x64xf32, #tpu.memory_space<hbm>>
      %dma_start3A_228 = tpu.memref_slice %arg4[%multiple_of3A_223, %multiple_of3A_226] : memref<102400x128xf32, #tpu.memory_space<hbm>> -> memref<256x64xf32, #tpu.memory_space<hbm>>
      tpu.enqueue_dma source(%arg7 : memref<256x64xf32, #tpu.memory_space<vmem>>) target(%dma_start3A_228 : memref<256x64xf32, #tpu.memory_space<hbm>>) target_semaphore(%arg17 : memref<!tpu.dma_semaphore, #tpu.memory_space<semaphore_mem>>)
      %add3A_229 = arith.constant 2 : i32
      %add3A_230 = arith.addi %mul3A_36, %add3A_229 : i32
      %mul3A_231 = arith.constant 256 : i32
      %mul3A_232 = arith.muli %add3A_230, %mul3A_231 : i32
      %dma_wait3A_233 = tpu.memref_slice %arg5[%mul3A_232] : memref<6400xi32, #tpu.memory_space<vmem>> -> memref<256xi32, #tpu.memory_space<vmem>>
      %dma_wait3A_234 = arith.constant 0 : i32
      %dma_wait3A_235 = arith.constant 0 : i32
      %dma_wait3A_236 = tpu.memref_slice %arg3[%dma_wait3A_234, %dma_wait3A_235] : memref<100000x64xf32, #tpu.memory_space<hbm>> -> memref<100000x64xf32, #tpu.memory_space<hbm>>
      tpu.wait_indirect_dma semaphore(%arg13 : memref<!tpu.dma_semaphore, #tpu.memory_space<semaphore_mem>>) src(%dma_wait3A_236 : memref<100000x64xf32, #tpu.memory_space<hbm>>) dst(%arg8 : memref<256x64xf32, #tpu.memory_space<vmem>>)
      %mul3A_237 = arith.constant 256 : i32
      %mul3A_238 = arith.muli %add3A_230, %mul3A_237 : i32
      %add3A_239 = arith.addi %add3A_4, %mul3A_238 : i32
      %jit3A_240 = arith.constant 4096 : i32
      %div3A_241 = arith.divsi %add3A_239, %jit3A_240 : i32
      %sign3A_242 = arith.constant 0 : i32
      %sign3A_243 = arith.cmpi sgt, %add3A_239, %sign3A_242 : i32
      %sign3A_244 = arith.extui %sign3A_243 : i1 to i32
      %sign3A_245 = arith.constant 0 : i32
      %sign3A_246 = arith.cmpi slt, %add3A_239, %sign3A_245 : i32
      %sign3A_247 = arith.extui %sign3A_246 : i1 to i32
      %sign3A_248 = arith.subi %sign3A_244, %sign3A_247 : i32
      %sign3A_249 = arith.constant 0 : i32
      %sign3A_250 = arith.cmpi sgt, %jit3A_240, %sign3A_249 : i32
      %sign3A_251 = arith.extui %sign3A_250 : i1 to i32
      %sign3A_252 = arith.constant 0 : i32
      %sign3A_253 = arith.cmpi slt, %jit3A_240, %sign3A_252 : i32
      %sign3A_254 = arith.extui %sign3A_253 : i1 to i32
      %sign3A_255 = arith.subi %sign3A_251, %sign3A_254 : i32
      %ne3A_256 = arith.cmpi ne, %sign3A_248, %sign3A_255 : i32
      %rem3A_257 = arith.remsi %add3A_239, %jit3A_240 : i32
      %ne3A_258 = arith.constant 0 : i32
      %ne3A_259 = arith.cmpi ne, %rem3A_257, %ne3A_258 : i32
      %and3A_260 = arith.andi %ne3A_256, %ne3A_259 : i1
      %sub3A_261 = arith.constant 1 : i32
      %sub3A_262 = arith.subi %div3A_241, %sub3A_261 : i32
      %select_n3A_263 = arith.select %and3A_260, %sub3A_262, %div3A_241 : i32
      %sub3A_264 = arith.constant 100 : i32
      %sub3A_265 = arith.subi %select_n3A_263, %sub3A_264 : i32
      %jit3A_266 = arith.constant 4096 : i32
      %eq3A_267 = arith.constant 0 : i32
      %eq3A_268 = arith.cmpi eq, %jit3A_266, %eq3A_267 : i32
      %jit3A_269 = arith.constant 1 : i32
      %select_n3A_270 = arith.select %eq3A_268, %jit3A_269, %jit3A_266 : i32
      %rem3A_271 = arith.remsi %add3A_239, %select_n3A_270 : i32
      %ne3A_272 = arith.constant 0 : i32
      %ne3A_273 = arith.cmpi ne, %rem3A_271, %ne3A_272 : i32
      %lt3A_274 = arith.constant 0 : i32
      %lt3A_275 = arith.cmpi slt, %rem3A_271, %lt3A_274 : i32
      %lt3A_276 = arith.constant 0 : i32
      %lt3A_277 = arith.cmpi slt, %select_n3A_270, %lt3A_276 : i32
      %ne3A_278 = arith.xori %lt3A_275, %lt3A_277 : i1
      %and3A_279 = arith.andi %ne3A_278, %ne3A_273 : i1
      %add3A_280 = arith.addi %rem3A_271, %select_n3A_270 : i32
      %select_n3A_281 = arith.select %and3A_279, %add3A_280, %rem3A_271 : i32
      %jit3A_282 = arith.constant 2048 : i32
      %div3A_283 = arith.divsi %select_n3A_281, %jit3A_282 : i32
      %sign3A_284 = arith.constant 0 : i32
      %sign3A_285 = arith.cmpi sgt, %select_n3A_281, %sign3A_284 : i32
      %sign3A_286 = arith.extui %sign3A_285 : i1 to i32
      %sign3A_287 = arith.constant 0 : i32
      %sign3A_288 = arith.cmpi slt, %select_n3A_281, %sign3A_287 : i32
      %sign3A_289 = arith.extui %sign3A_288 : i1 to i32
      %sign3A_290 = arith.subi %sign3A_286, %sign3A_289 : i32
      %sign3A_291 = arith.constant 0 : i32
      %sign3A_292 = arith.cmpi sgt, %jit3A_282, %sign3A_291 : i32
      %sign3A_293 = arith.extui %sign3A_292 : i1 to i32
      %sign3A_294 = arith.constant 0 : i32
      %sign3A_295 = arith.cmpi slt, %jit3A_282, %sign3A_294 : i32
      %sign3A_296 = arith.extui %sign3A_295 : i1 to i32
      %sign3A_297 = arith.subi %sign3A_293, %sign3A_296 : i32
      %ne3A_298 = arith.cmpi ne, %sign3A_290, %sign3A_297 : i32
      %rem3A_299 = arith.remsi %select_n3A_281, %jit3A_282 : i32
      %ne3A_300 = arith.constant 0 : i32
      %ne3A_301 = arith.cmpi ne, %rem3A_299, %ne3A_300 : i32
      %and3A_302 = arith.andi %ne3A_298, %ne3A_301 : i1
      %sub3A_303 = arith.constant 1 : i32
      %sub3A_304 = arith.subi %div3A_283, %sub3A_303 : i32
      %select_n3A_305 = arith.select %and3A_302, %sub3A_304, %div3A_283 : i32
      %jit3A_306 = arith.constant 2048 : i32
      %eq3A_307 = arith.constant 0 : i32
      %eq3A_308 = arith.cmpi eq, %jit3A_306, %eq3A_307 : i32
      %jit3A_309 = arith.constant 1 : i32
      %select_n3A_310 = arith.select %eq3A_308, %jit3A_309, %jit3A_306 : i32
      %rem3A_311 = arith.remsi %select_n3A_281, %select_n3A_310 : i32
      %ne3A_312 = arith.constant 0 : i32
      %ne3A_313 = arith.cmpi ne, %rem3A_311, %ne3A_312 : i32
      %lt3A_314 = arith.constant 0 : i32
      %lt3A_315 = arith.cmpi slt, %rem3A_311, %lt3A_314 : i32
      %lt3A_316 = arith.constant 0 : i32
      %lt3A_317 = arith.cmpi slt, %select_n3A_310, %lt3A_316 : i32
      %ne3A_318 = arith.xori %lt3A_315, %lt3A_317 : i1
      %and3A_319 = arith.andi %ne3A_318, %ne3A_313 : i1
      %add3A_320 = arith.addi %rem3A_311, %select_n3A_310 : i32
      %select_n3A_321 = arith.select %and3A_319, %add3A_320, %rem3A_311 : i32
      %mul3A_322 = arith.constant 2048 : i32
      %mul3A_323 = arith.muli %sub3A_265, %mul3A_322 : i32
      %add3A_324 = arith.addi %mul3A_323, %select_n3A_321 : i32
      %multiple_of3A_325 = tpu.assume_multiple %add3A_324, 256 : i32
      %mul3A_326 = arith.constant 64 : i32
      %mul3A_327 = arith.muli %select_n3A_305, %mul3A_326 : i32
      %multiple_of3A_328 = tpu.assume_multiple %mul3A_327, 64 : i32
      %dma_start3A_329 = tpu.memref_slice %arg4[%multiple_of3A_325, %multiple_of3A_328] : memref<102400x128xf32, #tpu.memory_space<hbm>> -> memref<256x64xf32, #tpu.memory_space<hbm>>
      %dma_start3A_330 = tpu.memref_slice %arg4[%multiple_of3A_325, %multiple_of3A_328] : memref<102400x128xf32, #tpu.memory_space<hbm>> -> memref<256x64xf32, #tpu.memory_space<hbm>>
      tpu.enqueue_dma source(%arg8 : memref<256x64xf32, #tpu.memory_space<vmem>>) target(%dma_start3A_330 : memref<256x64xf32, #tpu.memory_space<hbm>>) target_semaphore(%arg18 : memref<!tpu.dma_semaphore, #tpu.memory_space<semaphore_mem>>)
      %add3A_331 = arith.constant 3 : i32
      %add3A_332 = arith.addi %mul3A_36, %add3A_331 : i32
      %mul3A_333 = arith.constant 256 : i32
      %mul3A_334 = arith.muli %add3A_332, %mul3A_333 : i32
      %dma_wait3A_335 = tpu.memref_slice %arg5[%mul3A_334] : memref<6400xi32, #tpu.memory_space<vmem>> -> memref<256xi32, #tpu.memory_space<vmem>>
      %dma_wait3A_336 = arith.constant 0 : i32
      %dma_wait3A_337 = arith.constant 0 : i32
      %dma_wait3A_338 = tpu.memref_slice %arg3[%dma_wait3A_336, %dma_wait3A_337] : memref<100000x64xf32, #tpu.memory_space<hbm>> -> memref<100000x64xf32, #tpu.memory_space<hbm>>
      tpu.wait_indirect_dma semaphore(%arg14 : memref<!tpu.dma_semaphore, #tpu.memory_space<semaphore_mem>>) src(%dma_wait3A_338 : memref<100000x64xf32, #tpu.memory_space<hbm>>) dst(%arg9 : memref<256x64xf32, #tpu.memory_space<vmem>>)
      %mul3A_339 = arith.constant 256 : i32
      %mul3A_340 = arith.muli %add3A_332, %mul3A_339 : i32
      %add3A_341 = arith.addi %add3A_4, %mul3A_340 : i32
      %jit3A_342 = arith.constant 4096 : i32
      %div3A_343 = arith.divsi %add3A_341, %jit3A_342 : i32
      %sign3A_344 = arith.constant 0 : i32
      %sign3A_345 = arith.cmpi sgt, %add3A_341, %sign3A_344 : i32
      %sign3A_346 = arith.extui %sign3A_345 : i1 to i32
      %sign3A_347 = arith.constant 0 : i32
      %sign3A_348 = arith.cmpi slt, %add3A_341, %sign3A_347 : i32
      %sign3A_349 = arith.extui %sign3A_348 : i1 to i32
      %sign3A_350 = arith.subi %sign3A_346, %sign3A_349 : i32
      %sign3A_351 = arith.constant 0 : i32
      %sign3A_352 = arith.cmpi sgt, %jit3A_342, %sign3A_351 : i32
      %sign3A_353 = arith.extui %sign3A_352 : i1 to i32
      %sign3A_354 = arith.constant 0 : i32
      %sign3A_355 = arith.cmpi slt, %jit3A_342, %sign3A_354 : i32
      %sign3A_356 = arith.extui %sign3A_355 : i1 to i32
      %sign3A_357 = arith.subi %sign3A_353, %sign3A_356 : i32
      %ne3A_358 = arith.cmpi ne, %sign3A_350, %sign3A_357 : i32
      %rem3A_359 = arith.remsi %add3A_341, %jit3A_342 : i32
      %ne3A_360 = arith.constant 0 : i32
      %ne3A_361 = arith.cmpi ne, %rem3A_359, %ne3A_360 : i32
      %and3A_362 = arith.andi %ne3A_358, %ne3A_361 : i1
      %sub3A_363 = arith.constant 1 : i32
      %sub3A_364 = arith.subi %div3A_343, %sub3A_363 : i32
      %select_n3A_365 = arith.select %and3A_362, %sub3A_364, %div3A_343 : i32
      %sub3A_366 = arith.constant 100 : i32
      %sub3A_367 = arith.subi %select_n3A_365, %sub3A_366 : i32
      %jit3A_368 = arith.constant 4096 : i32
      %eq3A_369 = arith.constant 0 : i32
      %eq3A_370 = arith.cmpi eq, %jit3A_368, %eq3A_369 : i32
      %jit3A_371 = arith.constant 1 : i32
      %select_n3A_372 = arith.select %eq3A_370, %jit3A_371, %jit3A_368 : i32
      %rem3A_373 = arith.remsi %add3A_341, %select_n3A_372 : i32
      %ne3A_374 = arith.constant 0 : i32
      %ne3A_375 = arith.cmpi ne, %rem3A_373, %ne3A_374 : i32
      %lt3A_376 = arith.constant 0 : i32
      %lt3A_377 = arith.cmpi slt, %rem3A_373, %lt3A_376 : i32
      %lt3A_378 = arith.constant 0 : i32
      %lt3A_379 = arith.cmpi slt, %select_n3A_372, %lt3A_378 : i32
      %ne3A_380 = arith.xori %lt3A_377, %lt3A_379 : i1
      %and3A_381 = arith.andi %ne3A_380, %ne3A_375 : i1
      %add3A_382 = arith.addi %rem3A_373, %select_n3A_372 : i32
      %select_n3A_383 = arith.select %and3A_381, %add3A_382, %rem3A_373 : i32
      %jit3A_384 = arith.constant 2048 : i32
      %div3A_385 = arith.divsi %select_n3A_383, %jit3A_384 : i32
      %sign3A_386 = arith.constant 0 : i32
      %sign3A_387 = arith.cmpi sgt, %select_n3A_383, %sign3A_386 : i32
      %sign3A_388 = arith.extui %sign3A_387 : i1 to i32
      %sign3A_389 = arith.constant 0 : i32
      %sign3A_390 = arith.cmpi slt, %select_n3A_383, %sign3A_389 : i32
      %sign3A_391 = arith.extui %sign3A_390 : i1 to i32
      %sign3A_392 = arith.subi %sign3A_388, %sign3A_391 : i32
      %sign3A_393 = arith.constant 0 : i32
      %sign3A_394 = arith.cmpi sgt, %jit3A_384, %sign3A_393 : i32
      %sign3A_395 = arith.extui %sign3A_394 : i1 to i32
      %sign3A_396 = arith.constant 0 : i32
      %sign3A_397 = arith.cmpi slt, %jit3A_384, %sign3A_396 : i32
      %sign3A_398 = arith.extui %sign3A_397 : i1 to i32
      %sign3A_399 = arith.subi %sign3A_395, %sign3A_398 : i32
      %ne3A_400 = arith.cmpi ne, %sign3A_392, %sign3A_399 : i32
      %rem3A_401 = arith.remsi %select_n3A_383, %jit3A_384 : i32
      %ne3A_402 = arith.constant 0 : i32
      %ne3A_403 = arith.cmpi ne, %rem3A_401, %ne3A_402 : i32
      %and3A_404 = arith.andi %ne3A_400, %ne3A_403 : i1
      %sub3A_405 = arith.constant 1 : i32
      %sub3A_406 = arith.subi %div3A_385, %sub3A_405 : i32
      %select_n3A_407 = arith.select %and3A_404, %sub3A_406, %div3A_385 : i32
      %jit3A_408 = arith.constant 2048 : i32
      %eq3A_409 = arith.constant 0 : i32
      %eq3A_410 = arith.cmpi eq, %jit3A_408, %eq3A_409 : i32
      %jit3A_411 = arith.constant 1 : i32
      %select_n3A_412 = arith.select %eq3A_410, %jit3A_411, %jit3A_408 : i32
      %rem3A_413 = arith.remsi %select_n3A_383, %select_n3A_412 : i32
      %ne3A_414 = arith.constant 0 : i32
      %ne3A_415 = arith.cmpi ne, %rem3A_413, %ne3A_414 : i32
      %lt3A_416 = arith.constant 0 : i32
      %lt3A_417 = arith.cmpi slt, %rem3A_413, %lt3A_416 : i32
      %lt3A_418 = arith.constant 0 : i32
      %lt3A_419 = arith.cmpi slt, %select_n3A_412, %lt3A_418 : i32
      %ne3A_420 = arith.xori %lt3A_417, %lt3A_419 : i1
      %and3A_421 = arith.andi %ne3A_420, %ne3A_415 : i1
      %add3A_422 = arith.addi %rem3A_413, %select_n3A_412 : i32
      %select_n3A_423 = arith.select %and3A_421, %add3A_422, %rem3A_413 : i32
      %mul3A_424 = arith.constant 2048 : i32
      %mul3A_425 = arith.muli %sub3A_367, %mul3A_424 : i32
      %add3A_426 = arith.addi %mul3A_425, %select_n3A_423 : i32
      %multiple_of3A_427 = tpu.assume_multiple %add3A_426, 256 : i32
      %mul3A_428 = arith.constant 64 : i32
      %mul3A_429 = arith.muli %select_n3A_407, %mul3A_428 : i32
      %multiple_of3A_430 = tpu.assume_multiple %mul3A_429, 64 : i32
      %dma_start3A_431 = tpu.memref_slice %arg4[%multiple_of3A_427, %multiple_of3A_430] : memref<102400x128xf32, #tpu.memory_space<hbm>> -> memref<256x64xf32, #tpu.memory_space<hbm>>
      %dma_start3A_432 = tpu.memref_slice %arg4[%multiple_of3A_427, %multiple_of3A_430] : memref<102400x128xf32, #tpu.memory_space<hbm>> -> memref<256x64xf32, #tpu.memory_space<hbm>>
      tpu.enqueue_dma source(%arg9 : memref<256x64xf32, #tpu.memory_space<vmem>>) target(%dma_start3A_432 : memref<256x64xf32, #tpu.memory_space<hbm>>) target_semaphore(%arg19 : memref<!tpu.dma_semaphore, #tpu.memory_space<semaphore_mem>>)
      %add3A_433 = arith.constant 4 : i32
      %add3A_434 = arith.addi %mul3A_36, %add3A_433 : i32
      %mul3A_435 = arith.constant 256 : i32
      %mul3A_436 = arith.muli %add3A_434, %mul3A_435 : i32
      %dma_wait3A_437 = tpu.memref_slice %arg5[%mul3A_436] : memref<6400xi32, #tpu.memory_space<vmem>> -> memref<256xi32, #tpu.memory_space<vmem>>
      %dma_wait3A_438 = arith.constant 0 : i32
      %dma_wait3A_439 = arith.constant 0 : i32
      %dma_wait3A_440 = tpu.memref_slice %arg3[%dma_wait3A_438, %dma_wait3A_439] : memref<100000x64xf32, #tpu.memory_space<hbm>> -> memref<100000x64xf32, #tpu.memory_space<hbm>>
      tpu.wait_indirect_dma semaphore(%arg15 : memref<!tpu.dma_semaphore, #tpu.memory_space<semaphore_mem>>) src(%dma_wait3A_440 : memref<100000x64xf32, #tpu.memory_space<hbm>>) dst(%arg10 : memref<256x64xf32, #tpu.memory_space<vmem>>)
      %mul3A_441 = arith.constant 256 : i32
      %mul3A_442 = arith.muli %add3A_434, %mul3A_441 : i32
      %add3A_443 = arith.addi %add3A_4, %mul3A_442 : i32
      %jit3A_444 = arith.constant 4096 : i32
      %div3A_445 = arith.divsi %add3A_443, %jit3A_444 : i32
      %sign3A_446 = arith.constant 0 : i32
      %sign3A_447 = arith.cmpi sgt, %add3A_443, %sign3A_446 : i32
      %sign3A_448 = arith.extui %sign3A_447 : i1 to i32
      %sign3A_449 = arith.constant 0 : i32
      %sign3A_450 = arith.cmpi slt, %add3A_443, %sign3A_449 : i32
      %sign3A_451 = arith.extui %sign3A_450 : i1 to i32
      %sign3A_452 = arith.subi %sign3A_448, %sign3A_451 : i32
      %sign3A_453 = arith.constant 0 : i32
      %sign3A_454 = arith.cmpi sgt, %jit3A_444, %sign3A_453 : i32
      %sign3A_455 = arith.extui %sign3A_454 : i1 to i32
      %sign3A_456 = arith.constant 0 : i32
      %sign3A_457 = arith.cmpi slt, %jit3A_444, %sign3A_456 : i32
      %sign3A_458 = arith.extui %sign3A_457 : i1 to i32
      %sign3A_459 = arith.subi %sign3A_455, %sign3A_458 : i32
      %ne3A_460 = arith.cmpi ne, %sign3A_452, %sign3A_459 : i32
      %rem3A_461 = arith.remsi %add3A_443, %jit3A_444 : i32
      %ne3A_462 = arith.constant 0 : i32
      %ne3A_463 = arith.cmpi ne, %rem3A_461, %ne3A_462 : i32
      %and3A_464 = arith.andi %ne3A_460, %ne3A_463 : i1
      %sub3A_465 = arith.constant 1 : i32
      %sub3A_466 = arith.subi %div3A_445, %sub3A_465 : i32
      %select_n3A_467 = arith.select %and3A_464, %sub3A_466, %div3A_445 : i32
      %sub3A_468 = arith.constant 100 : i32
      %sub3A_469 = arith.subi %select_n3A_467, %sub3A_468 : i32
      %jit3A_470 = arith.constant 4096 : i32
      %eq3A_471 = arith.constant 0 : i32
      %eq3A_472 = arith.cmpi eq, %jit3A_470, %eq3A_471 : i32
      %jit3A_473 = arith.constant 1 : i32
      %select_n3A_474 = arith.select %eq3A_472, %jit3A_473, %jit3A_470 : i32
      %rem3A_475 = arith.remsi %add3A_443, %select_n3A_474 : i32
      %ne3A_476 = arith.constant 0 : i32
      %ne3A_477 = arith.cmpi ne, %rem3A_475, %ne3A_476 : i32
      %lt3A_478 = arith.constant 0 : i32
      %lt3A_479 = arith.cmpi slt, %rem3A_475, %lt3A_478 : i32
      %lt3A_480 = arith.constant 0 : i32
      %lt3A_481 = arith.cmpi slt, %select_n3A_474, %lt3A_480 : i32
      %ne3A_482 = arith.xori %lt3A_479, %lt3A_481 : i1
      %and3A_483 = arith.andi %ne3A_482, %ne3A_477 : i1
      %add3A_484 = arith.addi %rem3A_475, %select_n3A_474 : i32
      %select_n3A_485 = arith.select %and3A_483, %add3A_484, %rem3A_475 : i32
      %jit3A_486 = arith.constant 2048 : i32
      %div3A_487 = arith.divsi %select_n3A_485, %jit3A_486 : i32
      %sign3A_488 = arith.constant 0 : i32
      %sign3A_489 = arith.cmpi sgt, %select_n3A_485, %sign3A_488 : i32
      %sign3A_490 = arith.extui %sign3A_489 : i1 to i32
      %sign3A_491 = arith.constant 0 : i32
      %sign3A_492 = arith.cmpi slt, %select_n3A_485, %sign3A_491 : i32
      %sign3A_493 = arith.extui %sign3A_492 : i1 to i32
      %sign3A_494 = arith.subi %sign3A_490, %sign3A_493 : i32
      %sign3A_495 = arith.constant 0 : i32
      %sign3A_496 = arith.cmpi sgt, %jit3A_486, %sign3A_495 : i32
      %sign3A_497 = arith.extui %sign3A_496 : i1 to i32
      %sign3A_498 = arith.constant 0 : i32
      %sign3A_499 = arith.cmpi slt, %jit3A_486, %sign3A_498 : i32
      %sign3A_500 = arith.extui %sign3A_499 : i1 to i32
      %sign3A_501 = arith.subi %sign3A_497, %sign3A_500 : i32
      %ne3A_502 = arith.cmpi ne, %sign3A_494, %sign3A_501 : i32
      %rem3A_503 = arith.remsi %select_n3A_485, %jit3A_486 : i32
      %ne3A_504 = arith.constant 0 : i32
      %ne3A_505 = arith.cmpi ne, %rem3A_503, %ne3A_504 : i32
      %and3A_506 = arith.andi %ne3A_502, %ne3A_505 : i1
      %sub3A_507 = arith.constant 1 : i32
      %sub3A_508 = arith.subi %div3A_487, %sub3A_507 : i32
      %select_n3A_509 = arith.select %and3A_506, %sub3A_508, %div3A_487 : i32
      %jit3A_510 = arith.constant 2048 : i32
      %eq3A_511 = arith.constant 0 : i32
      %eq3A_512 = arith.cmpi eq, %jit3A_510, %eq3A_511 : i32
      %jit3A_513 = arith.constant 1 : i32
      %select_n3A_514 = arith.select %eq3A_512, %jit3A_513, %jit3A_510 : i32
      %rem3A_515 = arith.remsi %select_n3A_485, %select_n3A_514 : i32
      %ne3A_516 = arith.constant 0 : i32
      %ne3A_517 = arith.cmpi ne, %rem3A_515, %ne3A_516 : i32
      %lt3A_518 = arith.constant 0 : i32
      %lt3A_519 = arith.cmpi slt, %rem3A_515, %lt3A_518 : i32
      %lt3A_520 = arith.constant 0 : i32
      %lt3A_521 = arith.cmpi slt, %select_n3A_514, %lt3A_520 : i32
      %ne3A_522 = arith.xori %lt3A_519, %lt3A_521 : i1
      %and3A_523 = arith.andi %ne3A_522, %ne3A_517 : i1
      %add3A_524 = arith.addi %rem3A_515, %select_n3A_514 : i32
      %select_n3A_525 = arith.select %and3A_523, %add3A_524, %rem3A_515 : i32
      %mul3A_526 = arith.constant 2048 : i32
      %mul3A_527 = arith.muli %sub3A_469, %mul3A_526 : i32
      %add3A_528 = arith.addi %mul3A_527, %select_n3A_525 : i32
      %multiple_of3A_529 = tpu.assume_multiple %add3A_528, 256 : i32
      %mul3A_530 = arith.constant 64 : i32
      %mul3A_531 = arith.muli %select_n3A_509, %mul3A_530 : i32
      %multiple_of3A_532 = tpu.assume_multiple %mul3A_531, 64 : i32
      %dma_start3A_533 = tpu.memref_slice %arg4[%multiple_of3A_529, %multiple_of3A_532] : memref<102400x128xf32, #tpu.memory_space<hbm>> -> memref<256x64xf32, #tpu.memory_space<hbm>>
      %dma_start3A_534 = tpu.memref_slice %arg4[%multiple_of3A_529, %multiple_of3A_532] : memref<102400x128xf32, #tpu.memory_space<hbm>> -> memref<256x64xf32, #tpu.memory_space<hbm>>
      tpu.enqueue_dma source(%arg10 : memref<256x64xf32, #tpu.memory_space<vmem>>) target(%dma_start3A_534 : memref<256x64xf32, #tpu.memory_space<hbm>>) target_semaphore(%arg20 : memref<!tpu.dma_semaphore, #tpu.memory_space<semaphore_mem>>)
      %add3A_535 = arith.constant 0 : i32
      %add3A_536 = arith.addi %mul3A_36, %add3A_535 : i32
      %mul3A_537 = arith.constant 256 : i32
      %mul3A_538 = arith.muli %add3A_536, %mul3A_537 : i32
      %add3A_539 = arith.addi %add3A_4, %mul3A_538 : i32
      %jit3A_540 = arith.constant 4096 : i32
      %div3A_541 = arith.divsi %add3A_539, %jit3A_540 : i32
      %sign3A_542 = arith.constant 0 : i32
      %sign3A_543 = arith.cmpi sgt, %add3A_539, %sign3A_542 : i32
      %sign3A_544 = arith.extui %sign3A_543 : i1 to i32
      %sign3A_545 = arith.constant 0 : i32
      %sign3A_546 = arith.cmpi slt, %add3A_539, %sign3A_545 : i32
      %sign3A_547 = arith.extui %sign3A_546 : i1 to i32
      %sign3A_548 = arith.subi %sign3A_544, %sign3A_547 : i32
      %sign3A_549 = arith.constant 0 : i32
      %sign3A_550 = arith.cmpi sgt, %jit3A_540, %sign3A_549 : i32
      %sign3A_551 = arith.extui %sign3A_550 : i1 to i32
      %sign3A_552 = arith.constant 0 : i32
      %sign3A_553 = arith.cmpi slt, %jit3A_540, %sign3A_552 : i32
      %sign3A_554 = arith.extui %sign3A_553 : i1 to i32
      %sign3A_555 = arith.subi %sign3A_551, %sign3A_554 : i32
      %ne3A_556 = arith.cmpi ne, %sign3A_548, %sign3A_555 : i32
      %rem3A_557 = arith.remsi %add3A_539, %jit3A_540 : i32
      %ne3A_558 = arith.constant 0 : i32
      %ne3A_559 = arith.cmpi ne, %rem3A_557, %ne3A_558 : i32
      %and3A_560 = arith.andi %ne3A_556, %ne3A_559 : i1
      %sub3A_561 = arith.constant 1 : i32
      %sub3A_562 = arith.subi %div3A_541, %sub3A_561 : i32
      %select_n3A_563 = arith.select %and3A_560, %sub3A_562, %div3A_541 : i32
      %sub3A_564 = arith.constant 100 : i32
      %sub3A_565 = arith.subi %select_n3A_563, %sub3A_564 : i32
      %jit3A_566 = arith.constant 4096 : i32
      %eq3A_567 = arith.constant 0 : i32
      %eq3A_568 = arith.cmpi eq, %jit3A_566, %eq3A_567 : i32
      %jit3A_569 = arith.constant 1 : i32
      %select_n3A_570 = arith.select %eq3A_568, %jit3A_569, %jit3A_566 : i32
      %rem3A_571 = arith.remsi %add3A_539, %select_n3A_570 : i32
      %ne3A_572 = arith.constant 0 : i32
      %ne3A_573 = arith.cmpi ne, %rem3A_571, %ne3A_572 : i32
      %lt3A_574 = arith.constant 0 : i32
      %lt3A_575 = arith.cmpi slt, %rem3A_571, %lt3A_574 : i32
      %lt3A_576 = arith.constant 0 : i32
      %lt3A_577 = arith.cmpi slt, %select_n3A_570, %lt3A_576 : i32
      %ne3A_578 = arith.xori %lt3A_575, %lt3A_577 : i1
      %and3A_579 = arith.andi %ne3A_578, %ne3A_573 : i1
      %add3A_580 = arith.addi %rem3A_571, %select_n3A_570 : i32
      %select_n3A_581 = arith.select %and3A_579, %add3A_580, %rem3A_571 : i32
      %jit3A_582 = arith.constant 2048 : i32
      %div3A_583 = arith.divsi %select_n3A_581, %jit3A_582 : i32
      %sign3A_584 = arith.constant 0 : i32
      %sign3A_585 = arith.cmpi sgt, %select_n3A_581, %sign3A_584 : i32
      %sign3A_586 = arith.extui %sign3A_585 : i1 to i32
      %sign3A_587 = arith.constant 0 : i32
      %sign3A_588 = arith.cmpi slt, %select_n3A_581, %sign3A_587 : i32
      %sign3A_589 = arith.extui %sign3A_588 : i1 to i32
      %sign3A_590 = arith.subi %sign3A_586, %sign3A_589 : i32
      %sign3A_591 = arith.constant 0 : i32
      %sign3A_592 = arith.cmpi sgt, %jit3A_582, %sign3A_591 : i32
      %sign3A_593 = arith.extui %sign3A_592 : i1 to i32
      %sign3A_594 = arith.constant 0 : i32
      %sign3A_595 = arith.cmpi slt, %jit3A_582, %sign3A_594 : i32
      %sign3A_596 = arith.extui %sign3A_595 : i1 to i32
      %sign3A_597 = arith.subi %sign3A_593, %sign3A_596 : i32
      %ne3A_598 = arith.cmpi ne, %sign3A_590, %sign3A_597 : i32
      %rem3A_599 = arith.remsi %select_n3A_581, %jit3A_582 : i32
      %ne3A_600 = arith.constant 0 : i32
      %ne3A_601 = arith.cmpi ne, %rem3A_599, %ne3A_600 : i32
      %and3A_602 = arith.andi %ne3A_598, %ne3A_601 : i1
      %sub3A_603 = arith.constant 1 : i32
      %sub3A_604 = arith.subi %div3A_583, %sub3A_603 : i32
      %select_n3A_605 = arith.select %and3A_602, %sub3A_604, %div3A_583 : i32
      %jit3A_606 = arith.constant 2048 : i32
      %eq3A_607 = arith.constant 0 : i32
      %eq3A_608 = arith.cmpi eq, %jit3A_606, %eq3A_607 : i32
      %jit3A_609 = arith.constant 1 : i32
      %select_n3A_610 = arith.select %eq3A_608, %jit3A_609, %jit3A_606 : i32
      %rem3A_611 = arith.remsi %select_n3A_581, %select_n3A_610 : i32
      %ne3A_612 = arith.constant 0 : i32
      %ne3A_613 = arith.cmpi ne, %rem3A_611, %ne3A_612 : i32
      %lt3A_614 = arith.constant 0 : i32
      %lt3A_615 = arith.cmpi slt, %rem3A_611, %lt3A_614 : i32
      %lt3A_616 = arith.constant 0 : i32
      %lt3A_617 = arith.cmpi slt, %select_n3A_610, %lt3A_616 : i32
      %ne3A_618 = arith.xori %lt3A_615, %lt3A_617 : i1
      %and3A_619 = arith.andi %ne3A_618, %ne3A_613 : i1
      %add3A_620 = arith.addi %rem3A_611, %select_n3A_610 : i32
      %select_n3A_621 = arith.select %and3A_619, %add3A_620, %rem3A_611 : i32
      %mul3A_622 = arith.constant 2048 : i32
      %mul3A_623 = arith.muli %sub3A_565, %mul3A_622 : i32
      %add3A_624 = arith.addi %mul3A_623, %select_n3A_621 : i32
      %multiple_of3A_625 = tpu.assume_multiple %add3A_624, 256 : i32
      %mul3A_626 = arith.constant 64 : i32
      %mul3A_627 = arith.muli %select_n3A_605, %mul3A_626 : i32
      %multiple_of3A_628 = tpu.assume_multiple %mul3A_627, 64 : i32
      %dma_wait3A_629 = tpu.memref_slice %arg4[%multiple_of3A_625, %multiple_of3A_628] : memref<102400x128xf32, #tpu.memory_space<hbm>> -> memref<256x64xf32, #tpu.memory_space<hbm>>
      %dma_wait3A_630 = tpu.memref_slice %arg4[%multiple_of3A_625, %multiple_of3A_628] : memref<102400x128xf32, #tpu.memory_space<hbm>> -> memref<256x64xf32, #tpu.memory_space<hbm>>
      tpu.wait_dma2 semaphore(%arg16 : memref<!tpu.dma_semaphore, #tpu.memory_space<semaphore_mem>>) src(%arg6 : memref<256x64xf32, #tpu.memory_space<vmem>>) dst(%dma_wait3A_630 : memref<256x64xf32, #tpu.memory_space<hbm>>)
      %add3A_631 = arith.constant 5 : i32
      %add3A_632 = arith.addi %add3A_536, %add3A_631 : i32
      %lt3A_633 = arith.constant 25 : i32
      %lt3A_634 = arith.cmpi slt, %add3A_632, %lt3A_633 : i32
      %convert_element_type3A = arith.extui %lt3A_634 : i1 to i32
      %cond3A = arith.constant 0 : i32
      %cond3A_635 = arith.cmpi ne, %convert_element_type3A, %cond3A : i32
      scf.if %cond3A_635 {
        %add3A_1048 = arith.constant 5 : i32
        %add3A_1049 = arith.addi %add3A_536, %add3A_1048 : i32
        %mul3A_1050 = arith.constant 256 : i32
        %mul3A_1051 = arith.muli %add3A_1049, %mul3A_1050 : i32
        %dma_start3A_1052 = tpu.memref_slice %arg5[%mul3A_1051] : memref<6400xi32, #tpu.memory_space<vmem>> -> memref<256xi32, #tpu.memory_space<vmem>>
        %dma_start3A_1053 = arith.constant 0 : i32
        %dma_start3A_1054 = arith.constant 0 : i32
        %dma_start3A_1055 = tpu.memref_slice %arg3[%dma_start3A_1053, %dma_start3A_1054] : memref<100000x64xf32, #tpu.memory_space<hbm>> -> memref<100000x64xf32, #tpu.memory_space<hbm>>
        tpu.enqueue_indirect_dma source(%dma_start3A_1055 : memref<100000x64xf32, #tpu.memory_space<hbm>>) target(%arg6 : memref<256x64xf32, #tpu.memory_space<vmem>>) offsets(%dma_start3A_1052 : memref<256xi32, #tpu.memory_space<vmem>>) semaphore(%arg11 : memref<!tpu.dma_semaphore, #tpu.memory_space<semaphore_mem>>)
      } else {
      }
      %add3A_636 = arith.constant 1 : i32
      %add3A_637 = arith.addi %mul3A_36, %add3A_636 : i32
      %mul3A_638 = arith.constant 256 : i32
      %mul3A_639 = arith.muli %add3A_637, %mul3A_638 : i32
      %add3A_640 = arith.addi %add3A_4, %mul3A_639 : i32
      %jit3A_641 = arith.constant 4096 : i32
      %div3A_642 = arith.divsi %add3A_640, %jit3A_641 : i32
      %sign3A_643 = arith.constant 0 : i32
      %sign3A_644 = arith.cmpi sgt, %add3A_640, %sign3A_643 : i32
      %sign3A_645 = arith.extui %sign3A_644 : i1 to i32
      %sign3A_646 = arith.constant 0 : i32
      %sign3A_647 = arith.cmpi slt, %add3A_640, %sign3A_646 : i32
      %sign3A_648 = arith.extui %sign3A_647 : i1 to i32
      %sign3A_649 = arith.subi %sign3A_645, %sign3A_648 : i32
      %sign3A_650 = arith.constant 0 : i32
      %sign3A_651 = arith.cmpi sgt, %jit3A_641, %sign3A_650 : i32
      %sign3A_652 = arith.extui %sign3A_651 : i1 to i32
      %sign3A_653 = arith.constant 0 : i32
      %sign3A_654 = arith.cmpi slt, %jit3A_641, %sign3A_653 : i32
      %sign3A_655 = arith.extui %sign3A_654 : i1 to i32
      %sign3A_656 = arith.subi %sign3A_652, %sign3A_655 : i32
      %ne3A_657 = arith.cmpi ne, %sign3A_649, %sign3A_656 : i32
      %rem3A_658 = arith.remsi %add3A_640, %jit3A_641 : i32
      %ne3A_659 = arith.constant 0 : i32
      %ne3A_660 = arith.cmpi ne, %rem3A_658, %ne3A_659 : i32
      %and3A_661 = arith.andi %ne3A_657, %ne3A_660 : i1
      %sub3A_662 = arith.constant 1 : i32
      %sub3A_663 = arith.subi %div3A_642, %sub3A_662 : i32
      %select_n3A_664 = arith.select %and3A_661, %sub3A_663, %div3A_642 : i32
      %sub3A_665 = arith.constant 100 : i32
      %sub3A_666 = arith.subi %select_n3A_664, %sub3A_665 : i32
      %jit3A_667 = arith.constant 4096 : i32
      %eq3A_668 = arith.constant 0 : i32
      %eq3A_669 = arith.cmpi eq, %jit3A_667, %eq3A_668 : i32
      %jit3A_670 = arith.constant 1 : i32
      %select_n3A_671 = arith.select %eq3A_669, %jit3A_670, %jit3A_667 : i32
      %rem3A_672 = arith.remsi %add3A_640, %select_n3A_671 : i32
      %ne3A_673 = arith.constant 0 : i32
      %ne3A_674 = arith.cmpi ne, %rem3A_672, %ne3A_673 : i32
      %lt3A_675 = arith.constant 0 : i32
      %lt3A_676 = arith.cmpi slt, %rem3A_672, %lt3A_675 : i32
      %lt3A_677 = arith.constant 0 : i32
      %lt3A_678 = arith.cmpi slt, %select_n3A_671, %lt3A_677 : i32
      %ne3A_679 = arith.xori %lt3A_676, %lt3A_678 : i1
      %and3A_680 = arith.andi %ne3A_679, %ne3A_674 : i1
      %add3A_681 = arith.addi %rem3A_672, %select_n3A_671 : i32
      %select_n3A_682 = arith.select %and3A_680, %add3A_681, %rem3A_672 : i32
      %jit3A_683 = arith.constant 2048 : i32
      %div3A_684 = arith.divsi %select_n3A_682, %jit3A_683 : i32
      %sign3A_685 = arith.constant 0 : i32
      %sign3A_686 = arith.cmpi sgt, %select_n3A_682, %sign3A_685 : i32
      %sign3A_687 = arith.extui %sign3A_686 : i1 to i32
      %sign3A_688 = arith.constant 0 : i32
      %sign3A_689 = arith.cmpi slt, %select_n3A_682, %sign3A_688 : i32
      %sign3A_690 = arith.extui %sign3A_689 : i1 to i32
      %sign3A_691 = arith.subi %sign3A_687, %sign3A_690 : i32
      %sign3A_692 = arith.constant 0 : i32
      %sign3A_693 = arith.cmpi sgt, %jit3A_683, %sign3A_692 : i32
      %sign3A_694 = arith.extui %sign3A_693 : i1 to i32
      %sign3A_695 = arith.constant 0 : i32
      %sign3A_696 = arith.cmpi slt, %jit3A_683, %sign3A_695 : i32
      %sign3A_697 = arith.extui %sign3A_696 : i1 to i32
      %sign3A_698 = arith.subi %sign3A_694, %sign3A_697 : i32
      %ne3A_699 = arith.cmpi ne, %sign3A_691, %sign3A_698 : i32
      %rem3A_700 = arith.remsi %select_n3A_682, %jit3A_683 : i32
      %ne3A_701 = arith.constant 0 : i32
      %ne3A_702 = arith.cmpi ne, %rem3A_700, %ne3A_701 : i32
      %and3A_703 = arith.andi %ne3A_699, %ne3A_702 : i1
      %sub3A_704 = arith.constant 1 : i32
      %sub3A_705 = arith.subi %div3A_684, %sub3A_704 : i32
      %select_n3A_706 = arith.select %and3A_703, %sub3A_705, %div3A_684 : i32
      %jit3A_707 = arith.constant 2048 : i32
      %eq3A_708 = arith.constant 0 : i32
      %eq3A_709 = arith.cmpi eq, %jit3A_707, %eq3A_708 : i32
      %jit3A_710 = arith.constant 1 : i32
      %select_n3A_711 = arith.select %eq3A_709, %jit3A_710, %jit3A_707 : i32
      %rem3A_712 = arith.remsi %select_n3A_682, %select_n3A_711 : i32
      %ne3A_713 = arith.constant 0 : i32
      %ne3A_714 = arith.cmpi ne, %rem3A_712, %ne3A_713 : i32
      %lt3A_715 = arith.constant 0 : i32
      %lt3A_716 = arith.cmpi slt, %rem3A_712, %lt3A_715 : i32
      %lt3A_717 = arith.constant 0 : i32
      %lt3A_718 = arith.cmpi slt, %select_n3A_711, %lt3A_717 : i32
      %ne3A_719 = arith.xori %lt3A_716, %lt3A_718 : i1
      %and3A_720 = arith.andi %ne3A_719, %ne3A_714 : i1
      %add3A_721 = arith.addi %rem3A_712, %select_n3A_711 : i32
      %select_n3A_722 = arith.select %and3A_720, %add3A_721, %rem3A_712 : i32
      %mul3A_723 = arith.constant 2048 : i32
      %mul3A_724 = arith.muli %sub3A_666, %mul3A_723 : i32
      %add3A_725 = arith.addi %mul3A_724, %select_n3A_722 : i32
      %multiple_of3A_726 = tpu.assume_multiple %add3A_725, 256 : i32
      %mul3A_727 = arith.constant 64 : i32
      %mul3A_728 = arith.muli %select_n3A_706, %mul3A_727 : i32
      %multiple_of3A_729 = tpu.assume_multiple %mul3A_728, 64 : i32
      %dma_wait3A_730 = tpu.memref_slice %arg4[%multiple_of3A_726, %multiple_of3A_729] : memref<102400x128xf32, #tpu.memory_space<hbm>> -> memref<256x64xf32, #tpu.memory_space<hbm>>
      %dma_wait3A_731 = tpu.memref_slice %arg4[%multiple_of3A_726, %multiple_of3A_729] : memref<102400x128xf32, #tpu.memory_space<hbm>> -> memref<256x64xf32, #tpu.memory_space<hbm>>
      tpu.wait_dma2 semaphore(%arg17 : memref<!tpu.dma_semaphore, #tpu.memory_space<semaphore_mem>>) src(%arg7 : memref<256x64xf32, #tpu.memory_space<vmem>>) dst(%dma_wait3A_731 : memref<256x64xf32, #tpu.memory_space<hbm>>)
      %add3A_732 = arith.constant 5 : i32
      %add3A_733 = arith.addi %add3A_637, %add3A_732 : i32
      %lt3A_734 = arith.constant 25 : i32
      %lt3A_735 = arith.cmpi slt, %add3A_733, %lt3A_734 : i32
      %convert_element_type3A_736 = arith.extui %lt3A_735 : i1 to i32
      %cond3A_737 = arith.constant 0 : i32
      %cond3A_738 = arith.cmpi ne, %convert_element_type3A_736, %cond3A_737 : i32
      scf.if %cond3A_738 {
        %add3A_1048 = arith.constant 5 : i32
        %add3A_1049 = arith.addi %add3A_637, %add3A_1048 : i32
        %mul3A_1050 = arith.constant 256 : i32
        %mul3A_1051 = arith.muli %add3A_1049, %mul3A_1050 : i32
        %dma_start3A_1052 = tpu.memref_slice %arg5[%mul3A_1051] : memref<6400xi32, #tpu.memory_space<vmem>> -> memref<256xi32, #tpu.memory_space<vmem>>
        %dma_start3A_1053 = arith.constant 0 : i32
        %dma_start3A_1054 = arith.constant 0 : i32
        %dma_start3A_1055 = tpu.memref_slice %arg3[%dma_start3A_1053, %dma_start3A_1054] : memref<100000x64xf32, #tpu.memory_space<hbm>> -> memref<100000x64xf32, #tpu.memory_space<hbm>>
        tpu.enqueue_indirect_dma source(%dma_start3A_1055 : memref<100000x64xf32, #tpu.memory_space<hbm>>) target(%arg7 : memref<256x64xf32, #tpu.memory_space<vmem>>) offsets(%dma_start3A_1052 : memref<256xi32, #tpu.memory_space<vmem>>) semaphore(%arg12 : memref<!tpu.dma_semaphore, #tpu.memory_space<semaphore_mem>>)
      } else {
      }
      %add3A_739 = arith.constant 2 : i32
      %add3A_740 = arith.addi %mul3A_36, %add3A_739 : i32
      %mul3A_741 = arith.constant 256 : i32
      %mul3A_742 = arith.muli %add3A_740, %mul3A_741 : i32
      %add3A_743 = arith.addi %add3A_4, %mul3A_742 : i32
      %jit3A_744 = arith.constant 4096 : i32
      %div3A_745 = arith.divsi %add3A_743, %jit3A_744 : i32
      %sign3A_746 = arith.constant 0 : i32
      %sign3A_747 = arith.cmpi sgt, %add3A_743, %sign3A_746 : i32
      %sign3A_748 = arith.extui %sign3A_747 : i1 to i32
      %sign3A_749 = arith.constant 0 : i32
      %sign3A_750 = arith.cmpi slt, %add3A_743, %sign3A_749 : i32
      %sign3A_751 = arith.extui %sign3A_750 : i1 to i32
      %sign3A_752 = arith.subi %sign3A_748, %sign3A_751 : i32
      %sign3A_753 = arith.constant 0 : i32
      %sign3A_754 = arith.cmpi sgt, %jit3A_744, %sign3A_753 : i32
      %sign3A_755 = arith.extui %sign3A_754 : i1 to i32
      %sign3A_756 = arith.constant 0 : i32
      %sign3A_757 = arith.cmpi slt, %jit3A_744, %sign3A_756 : i32
      %sign3A_758 = arith.extui %sign3A_757 : i1 to i32
      %sign3A_759 = arith.subi %sign3A_755, %sign3A_758 : i32
      %ne3A_760 = arith.cmpi ne, %sign3A_752, %sign3A_759 : i32
      %rem3A_761 = arith.remsi %add3A_743, %jit3A_744 : i32
      %ne3A_762 = arith.constant 0 : i32
      %ne3A_763 = arith.cmpi ne, %rem3A_761, %ne3A_762 : i32
      %and3A_764 = arith.andi %ne3A_760, %ne3A_763 : i1
      %sub3A_765 = arith.constant 1 : i32
      %sub3A_766 = arith.subi %div3A_745, %sub3A_765 : i32
      %select_n3A_767 = arith.select %and3A_764, %sub3A_766, %div3A_745 : i32
      %sub3A_768 = arith.constant 100 : i32
      %sub3A_769 = arith.subi %select_n3A_767, %sub3A_768 : i32
      %jit3A_770 = arith.constant 4096 : i32
      %eq3A_771 = arith.constant 0 : i32
      %eq3A_772 = arith.cmpi eq, %jit3A_770, %eq3A_771 : i32
      %jit3A_773 = arith.constant 1 : i32
      %select_n3A_774 = arith.select %eq3A_772, %jit3A_773, %jit3A_770 : i32
      %rem3A_775 = arith.remsi %add3A_743, %select_n3A_774 : i32
      %ne3A_776 = arith.constant 0 : i32
      %ne3A_777 = arith.cmpi ne, %rem3A_775, %ne3A_776 : i32
      %lt3A_778 = arith.constant 0 : i32
      %lt3A_779 = arith.cmpi slt, %rem3A_775, %lt3A_778 : i32
      %lt3A_780 = arith.constant 0 : i32
      %lt3A_781 = arith.cmpi slt, %select_n3A_774, %lt3A_780 : i32
      %ne3A_782 = arith.xori %lt3A_779, %lt3A_781 : i1
      %and3A_783 = arith.andi %ne3A_782, %ne3A_777 : i1
      %add3A_784 = arith.addi %rem3A_775, %select_n3A_774 : i32
      %select_n3A_785 = arith.select %and3A_783, %add3A_784, %rem3A_775 : i32
      %jit3A_786 = arith.constant 2048 : i32
      %div3A_787 = arith.divsi %select_n3A_785, %jit3A_786 : i32
      %sign3A_788 = arith.constant 0 : i32
      %sign3A_789 = arith.cmpi sgt, %select_n3A_785, %sign3A_788 : i32
      %sign3A_790 = arith.extui %sign3A_789 : i1 to i32
      %sign3A_791 = arith.constant 0 : i32
      %sign3A_792 = arith.cmpi slt, %select_n3A_785, %sign3A_791 : i32
      %sign3A_793 = arith.extui %sign3A_792 : i1 to i32
      %sign3A_794 = arith.subi %sign3A_790, %sign3A_793 : i32
      %sign3A_795 = arith.constant 0 : i32
      %sign3A_796 = arith.cmpi sgt, %jit3A_786, %sign3A_795 : i32
      %sign3A_797 = arith.extui %sign3A_796 : i1 to i32
      %sign3A_798 = arith.constant 0 : i32
      %sign3A_799 = arith.cmpi slt, %jit3A_786, %sign3A_798 : i32
      %sign3A_800 = arith.extui %sign3A_799 : i1 to i32
      %sign3A_801 = arith.subi %sign3A_797, %sign3A_800 : i32
      %ne3A_802 = arith.cmpi ne, %sign3A_794, %sign3A_801 : i32
      %rem3A_803 = arith.remsi %select_n3A_785, %jit3A_786 : i32
      %ne3A_804 = arith.constant 0 : i32
      %ne3A_805 = arith.cmpi ne, %rem3A_803, %ne3A_804 : i32
      %and3A_806 = arith.andi %ne3A_802, %ne3A_805 : i1
      %sub3A_807 = arith.constant 1 : i32
      %sub3A_808 = arith.subi %div3A_787, %sub3A_807 : i32
      %select_n3A_809 = arith.select %and3A_806, %sub3A_808, %div3A_787 : i32
      %jit3A_810 = arith.constant 2048 : i32
      %eq3A_811 = arith.constant 0 : i32
      %eq3A_812 = arith.cmpi eq, %jit3A_810, %eq3A_811 : i32
      %jit3A_813 = arith.constant 1 : i32
      %select_n3A_814 = arith.select %eq3A_812, %jit3A_813, %jit3A_810 : i32
      %rem3A_815 = arith.remsi %select_n3A_785, %select_n3A_814 : i32
      %ne3A_816 = arith.constant 0 : i32
      %ne3A_817 = arith.cmpi ne, %rem3A_815, %ne3A_816 : i32
      %lt3A_818 = arith.constant 0 : i32
      %lt3A_819 = arith.cmpi slt, %rem3A_815, %lt3A_818 : i32
      %lt3A_820 = arith.constant 0 : i32
      %lt3A_821 = arith.cmpi slt, %select_n3A_814, %lt3A_820 : i32
      %ne3A_822 = arith.xori %lt3A_819, %lt3A_821 : i1
      %and3A_823 = arith.andi %ne3A_822, %ne3A_817 : i1
      %add3A_824 = arith.addi %rem3A_815, %select_n3A_814 : i32
      %select_n3A_825 = arith.select %and3A_823, %add3A_824, %rem3A_815 : i32
      %mul3A_826 = arith.constant 2048 : i32
      %mul3A_827 = arith.muli %sub3A_769, %mul3A_826 : i32
      %add3A_828 = arith.addi %mul3A_827, %select_n3A_825 : i32
      %multiple_of3A_829 = tpu.assume_multiple %add3A_828, 256 : i32
      %mul3A_830 = arith.constant 64 : i32
      %mul3A_831 = arith.muli %select_n3A_809, %mul3A_830 : i32
      %multiple_of3A_832 = tpu.assume_multiple %mul3A_831, 64 : i32
      %dma_wait3A_833 = tpu.memref_slice %arg4[%multiple_of3A_829, %multiple_of3A_832] : memref<102400x128xf32, #tpu.memory_space<hbm>> -> memref<256x64xf32, #tpu.memory_space<hbm>>
      %dma_wait3A_834 = tpu.memref_slice %arg4[%multiple_of3A_829, %multiple_of3A_832] : memref<102400x128xf32, #tpu.memory_space<hbm>> -> memref<256x64xf32, #tpu.memory_space<hbm>>
      tpu.wait_dma2 semaphore(%arg18 : memref<!tpu.dma_semaphore, #tpu.memory_space<semaphore_mem>>) src(%arg8 : memref<256x64xf32, #tpu.memory_space<vmem>>) dst(%dma_wait3A_834 : memref<256x64xf32, #tpu.memory_space<hbm>>)
      %add3A_835 = arith.constant 5 : i32
      %add3A_836 = arith.addi %add3A_740, %add3A_835 : i32
      %lt3A_837 = arith.constant 25 : i32
      %lt3A_838 = arith.cmpi slt, %add3A_836, %lt3A_837 : i32
      %convert_element_type3A_839 = arith.extui %lt3A_838 : i1 to i32
      %cond3A_840 = arith.constant 0 : i32
      %cond3A_841 = arith.cmpi ne, %convert_element_type3A_839, %cond3A_840 : i32
      scf.if %cond3A_841 {
        %add3A_1048 = arith.constant 5 : i32
        %add3A_1049 = arith.addi %add3A_740, %add3A_1048 : i32
        %mul3A_1050 = arith.constant 256 : i32
        %mul3A_1051 = arith.muli %add3A_1049, %mul3A_1050 : i32
        %dma_start3A_1052 = tpu.memref_slice %arg5[%mul3A_1051] : memref<6400xi32, #tpu.memory_space<vmem>> -> memref<256xi32, #tpu.memory_space<vmem>>
        %dma_start3A_1053 = arith.constant 0 : i32
        %dma_start3A_1054 = arith.constant 0 : i32
        %dma_start3A_1055 = tpu.memref_slice %arg3[%dma_start3A_1053, %dma_start3A_1054] : memref<100000x64xf32, #tpu.memory_space<hbm>> -> memref<100000x64xf32, #tpu.memory_space<hbm>>
        tpu.enqueue_indirect_dma source(%dma_start3A_1055 : memref<100000x64xf32, #tpu.memory_space<hbm>>) target(%arg8 : memref<256x64xf32, #tpu.memory_space<vmem>>) offsets(%dma_start3A_1052 : memref<256xi32, #tpu.memory_space<vmem>>) semaphore(%arg13 : memref<!tpu.dma_semaphore, #tpu.memory_space<semaphore_mem>>)
      } else {
      }
      %add3A_842 = arith.constant 3 : i32
      %add3A_843 = arith.addi %mul3A_36, %add3A_842 : i32
      %mul3A_844 = arith.constant 256 : i32
      %mul3A_845 = arith.muli %add3A_843, %mul3A_844 : i32
      %add3A_846 = arith.addi %add3A_4, %mul3A_845 : i32
      %jit3A_847 = arith.constant 4096 : i32
      %div3A_848 = arith.divsi %add3A_846, %jit3A_847 : i32
      %sign3A_849 = arith.constant 0 : i32
      %sign3A_850 = arith.cmpi sgt, %add3A_846, %sign3A_849 : i32
      %sign3A_851 = arith.extui %sign3A_850 : i1 to i32
      %sign3A_852 = arith.constant 0 : i32
      %sign3A_853 = arith.cmpi slt, %add3A_846, %sign3A_852 : i32
      %sign3A_854 = arith.extui %sign3A_853 : i1 to i32
      %sign3A_855 = arith.subi %sign3A_851, %sign3A_854 : i32
      %sign3A_856 = arith.constant 0 : i32
      %sign3A_857 = arith.cmpi sgt, %jit3A_847, %sign3A_856 : i32
      %sign3A_858 = arith.extui %sign3A_857 : i1 to i32
      %sign3A_859 = arith.constant 0 : i32
      %sign3A_860 = arith.cmpi slt, %jit3A_847, %sign3A_859 : i32
      %sign3A_861 = arith.extui %sign3A_860 : i1 to i32
      %sign3A_862 = arith.subi %sign3A_858, %sign3A_861 : i32
      %ne3A_863 = arith.cmpi ne, %sign3A_855, %sign3A_862 : i32
      %rem3A_864 = arith.remsi %add3A_846, %jit3A_847 : i32
      %ne3A_865 = arith.constant 0 : i32
      %ne3A_866 = arith.cmpi ne, %rem3A_864, %ne3A_865 : i32
      %and3A_867 = arith.andi %ne3A_863, %ne3A_866 : i1
      %sub3A_868 = arith.constant 1 : i32
      %sub3A_869 = arith.subi %div3A_848, %sub3A_868 : i32
      %select_n3A_870 = arith.select %and3A_867, %sub3A_869, %div3A_848 : i32
      %sub3A_871 = arith.constant 100 : i32
      %sub3A_872 = arith.subi %select_n3A_870, %sub3A_871 : i32
      %jit3A_873 = arith.constant 4096 : i32
      %eq3A_874 = arith.constant 0 : i32
      %eq3A_875 = arith.cmpi eq, %jit3A_873, %eq3A_874 : i32
      %jit3A_876 = arith.constant 1 : i32
      %select_n3A_877 = arith.select %eq3A_875, %jit3A_876, %jit3A_873 : i32
      %rem3A_878 = arith.remsi %add3A_846, %select_n3A_877 : i32
      %ne3A_879 = arith.constant 0 : i32
      %ne3A_880 = arith.cmpi ne, %rem3A_878, %ne3A_879 : i32
      %lt3A_881 = arith.constant 0 : i32
      %lt3A_882 = arith.cmpi slt, %rem3A_878, %lt3A_881 : i32
      %lt3A_883 = arith.constant 0 : i32
      %lt3A_884 = arith.cmpi slt, %select_n3A_877, %lt3A_883 : i32
      %ne3A_885 = arith.xori %lt3A_882, %lt3A_884 : i1
      %and3A_886 = arith.andi %ne3A_885, %ne3A_880 : i1
      %add3A_887 = arith.addi %rem3A_878, %select_n3A_877 : i32
      %select_n3A_888 = arith.select %and3A_886, %add3A_887, %rem3A_878 : i32
      %jit3A_889 = arith.constant 2048 : i32
      %div3A_890 = arith.divsi %select_n3A_888, %jit3A_889 : i32
      %sign3A_891 = arith.constant 0 : i32
      %sign3A_892 = arith.cmpi sgt, %select_n3A_888, %sign3A_891 : i32
      %sign3A_893 = arith.extui %sign3A_892 : i1 to i32
      %sign3A_894 = arith.constant 0 : i32
      %sign3A_895 = arith.cmpi slt, %select_n3A_888, %sign3A_894 : i32
      %sign3A_896 = arith.extui %sign3A_895 : i1 to i32
      %sign3A_897 = arith.subi %sign3A_893, %sign3A_896 : i32
      %sign3A_898 = arith.constant 0 : i32
      %sign3A_899 = arith.cmpi sgt, %jit3A_889, %sign3A_898 : i32
      %sign3A_900 = arith.extui %sign3A_899 : i1 to i32
      %sign3A_901 = arith.constant 0 : i32
      %sign3A_902 = arith.cmpi slt, %jit3A_889, %sign3A_901 : i32
      %sign3A_903 = arith.extui %sign3A_902 : i1 to i32
      %sign3A_904 = arith.subi %sign3A_900, %sign3A_903 : i32
      %ne3A_905 = arith.cmpi ne, %sign3A_897, %sign3A_904 : i32
      %rem3A_906 = arith.remsi %select_n3A_888, %jit3A_889 : i32
      %ne3A_907 = arith.constant 0 : i32
      %ne3A_908 = arith.cmpi ne, %rem3A_906, %ne3A_907 : i32
      %and3A_909 = arith.andi %ne3A_905, %ne3A_908 : i1
      %sub3A_910 = arith.constant 1 : i32
      %sub3A_911 = arith.subi %div3A_890, %sub3A_910 : i32
      %select_n3A_912 = arith.select %and3A_909, %sub3A_911, %div3A_890 : i32
      %jit3A_913 = arith.constant 2048 : i32
      %eq3A_914 = arith.constant 0 : i32
      %eq3A_915 = arith.cmpi eq, %jit3A_913, %eq3A_914 : i32
      %jit3A_916 = arith.constant 1 : i32
      %select_n3A_917 = arith.select %eq3A_915, %jit3A_916, %jit3A_913 : i32
      %rem3A_918 = arith.remsi %select_n3A_888, %select_n3A_917 : i32
      %ne3A_919 = arith.constant 0 : i32
      %ne3A_920 = arith.cmpi ne, %rem3A_918, %ne3A_919 : i32
      %lt3A_921 = arith.constant 0 : i32
      %lt3A_922 = arith.cmpi slt, %rem3A_918, %lt3A_921 : i32
      %lt3A_923 = arith.constant 0 : i32
      %lt3A_924 = arith.cmpi slt, %select_n3A_917, %lt3A_923 : i32
      %ne3A_925 = arith.xori %lt3A_922, %lt3A_924 : i1
      %and3A_926 = arith.andi %ne3A_925, %ne3A_920 : i1
      %add3A_927 = arith.addi %rem3A_918, %select_n3A_917 : i32
      %select_n3A_928 = arith.select %and3A_926, %add3A_927, %rem3A_918 : i32
      %mul3A_929 = arith.constant 2048 : i32
      %mul3A_930 = arith.muli %sub3A_872, %mul3A_929 : i32
      %add3A_931 = arith.addi %mul3A_930, %select_n3A_928 : i32
      %multiple_of3A_932 = tpu.assume_multiple %add3A_931, 256 : i32
      %mul3A_933 = arith.constant 64 : i32
      %mul3A_934 = arith.muli %select_n3A_912, %mul3A_933 : i32
      %multiple_of3A_935 = tpu.assume_multiple %mul3A_934, 64 : i32
      %dma_wait3A_936 = tpu.memref_slice %arg4[%multiple_of3A_932, %multiple_of3A_935] : memref<102400x128xf32, #tpu.memory_space<hbm>> -> memref<256x64xf32, #tpu.memory_space<hbm>>
      %dma_wait3A_937 = tpu.memref_slice %arg4[%multiple_of3A_932, %multiple_of3A_935] : memref<102400x128xf32, #tpu.memory_space<hbm>> -> memref<256x64xf32, #tpu.memory_space<hbm>>
      tpu.wait_dma2 semaphore(%arg19 : memref<!tpu.dma_semaphore, #tpu.memory_space<semaphore_mem>>) src(%arg9 : memref<256x64xf32, #tpu.memory_space<vmem>>) dst(%dma_wait3A_937 : memref<256x64xf32, #tpu.memory_space<hbm>>)
      %add3A_938 = arith.constant 5 : i32
      %add3A_939 = arith.addi %add3A_843, %add3A_938 : i32
      %lt3A_940 = arith.constant 25 : i32
      %lt3A_941 = arith.cmpi slt, %add3A_939, %lt3A_940 : i32
      %convert_element_type3A_942 = arith.extui %lt3A_941 : i1 to i32
      %cond3A_943 = arith.constant 0 : i32
      %cond3A_944 = arith.cmpi ne, %convert_element_type3A_942, %cond3A_943 : i32
      scf.if %cond3A_944 {
        %add3A_1048 = arith.constant 5 : i32
        %add3A_1049 = arith.addi %add3A_843, %add3A_1048 : i32
        %mul3A_1050 = arith.constant 256 : i32
        %mul3A_1051 = arith.muli %add3A_1049, %mul3A_1050 : i32
        %dma_start3A_1052 = tpu.memref_slice %arg5[%mul3A_1051] : memref<6400xi32, #tpu.memory_space<vmem>> -> memref<256xi32, #tpu.memory_space<vmem>>
        %dma_start3A_1053 = arith.constant 0 : i32
        %dma_start3A_1054 = arith.constant 0 : i32
        %dma_start3A_1055 = tpu.memref_slice %arg3[%dma_start3A_1053, %dma_start3A_1054] : memref<100000x64xf32, #tpu.memory_space<hbm>> -> memref<100000x64xf32, #tpu.memory_space<hbm>>
        tpu.enqueue_indirect_dma source(%dma_start3A_1055 : memref<100000x64xf32, #tpu.memory_space<hbm>>) target(%arg9 : memref<256x64xf32, #tpu.memory_space<vmem>>) offsets(%dma_start3A_1052 : memref<256xi32, #tpu.memory_space<vmem>>) semaphore(%arg14 : memref<!tpu.dma_semaphore, #tpu.memory_space<semaphore_mem>>)
      } else {
      }
      %add3A_945 = arith.constant 4 : i32
      %add3A_946 = arith.addi %mul3A_36, %add3A_945 : i32
      %mul3A_947 = arith.constant 256 : i32
      %mul3A_948 = arith.muli %add3A_946, %mul3A_947 : i32
      %add3A_949 = arith.addi %add3A_4, %mul3A_948 : i32
      %jit3A_950 = arith.constant 4096 : i32
      %div3A_951 = arith.divsi %add3A_949, %jit3A_950 : i32
      %sign3A_952 = arith.constant 0 : i32
      %sign3A_953 = arith.cmpi sgt, %add3A_949, %sign3A_952 : i32
      %sign3A_954 = arith.extui %sign3A_953 : i1 to i32
      %sign3A_955 = arith.constant 0 : i32
      %sign3A_956 = arith.cmpi slt, %add3A_949, %sign3A_955 : i32
      %sign3A_957 = arith.extui %sign3A_956 : i1 to i32
      %sign3A_958 = arith.subi %sign3A_954, %sign3A_957 : i32
      %sign3A_959 = arith.constant 0 : i32
      %sign3A_960 = arith.cmpi sgt, %jit3A_950, %sign3A_959 : i32
      %sign3A_961 = arith.extui %sign3A_960 : i1 to i32
      %sign3A_962 = arith.constant 0 : i32
      %sign3A_963 = arith.cmpi slt, %jit3A_950, %sign3A_962 : i32
      %sign3A_964 = arith.extui %sign3A_963 : i1 to i32
      %sign3A_965 = arith.subi %sign3A_961, %sign3A_964 : i32
      %ne3A_966 = arith.cmpi ne, %sign3A_958, %sign3A_965 : i32
      %rem3A_967 = arith.remsi %add3A_949, %jit3A_950 : i32
      %ne3A_968 = arith.constant 0 : i32
      %ne3A_969 = arith.cmpi ne, %rem3A_967, %ne3A_968 : i32
      %and3A_970 = arith.andi %ne3A_966, %ne3A_969 : i1
      %sub3A_971 = arith.constant 1 : i32
      %sub3A_972 = arith.subi %div3A_951, %sub3A_971 : i32
      %select_n3A_973 = arith.select %and3A_970, %sub3A_972, %div3A_951 : i32
      %sub3A_974 = arith.constant 100 : i32
      %sub3A_975 = arith.subi %select_n3A_973, %sub3A_974 : i32
      %jit3A_976 = arith.constant 4096 : i32
      %eq3A_977 = arith.constant 0 : i32
      %eq3A_978 = arith.cmpi eq, %jit3A_976, %eq3A_977 : i32
      %jit3A_979 = arith.constant 1 : i32
      %select_n3A_980 = arith.select %eq3A_978, %jit3A_979, %jit3A_976 : i32
      %rem3A_981 = arith.remsi %add3A_949, %select_n3A_980 : i32
      %ne3A_982 = arith.constant 0 : i32
      %ne3A_983 = arith.cmpi ne, %rem3A_981, %ne3A_982 : i32
      %lt3A_984 = arith.constant 0 : i32
      %lt3A_985 = arith.cmpi slt, %rem3A_981, %lt3A_984 : i32
      %lt3A_986 = arith.constant 0 : i32
      %lt3A_987 = arith.cmpi slt, %select_n3A_980, %lt3A_986 : i32
      %ne3A_988 = arith.xori %lt3A_985, %lt3A_987 : i1
      %and3A_989 = arith.andi %ne3A_988, %ne3A_983 : i1
      %add3A_990 = arith.addi %rem3A_981, %select_n3A_980 : i32
      %select_n3A_991 = arith.select %and3A_989, %add3A_990, %rem3A_981 : i32
      %jit3A_992 = arith.constant 2048 : i32
      %div3A_993 = arith.divsi %select_n3A_991, %jit3A_992 : i32
      %sign3A_994 = arith.constant 0 : i32
      %sign3A_995 = arith.cmpi sgt, %select_n3A_991, %sign3A_994 : i32
      %sign3A_996 = arith.extui %sign3A_995 : i1 to i32
      %sign3A_997 = arith.constant 0 : i32
      %sign3A_998 = arith.cmpi slt, %select_n3A_991, %sign3A_997 : i32
      %sign3A_999 = arith.extui %sign3A_998 : i1 to i32
      %sign3A_1000 = arith.subi %sign3A_996, %sign3A_999 : i32
      %sign3A_1001 = arith.constant 0 : i32
      %sign3A_1002 = arith.cmpi sgt, %jit3A_992, %sign3A_1001 : i32
      %sign3A_1003 = arith.extui %sign3A_1002 : i1 to i32
      %sign3A_1004 = arith.constant 0 : i32
      %sign3A_1005 = arith.cmpi slt, %jit3A_992, %sign3A_1004 : i32
      %sign3A_1006 = arith.extui %sign3A_1005 : i1 to i32
      %sign3A_1007 = arith.subi %sign3A_1003, %sign3A_1006 : i32
      %ne3A_1008 = arith.cmpi ne, %sign3A_1000, %sign3A_1007 : i32
      %rem3A_1009 = arith.remsi %select_n3A_991, %jit3A_992 : i32
      %ne3A_1010 = arith.constant 0 : i32
      %ne3A_1011 = arith.cmpi ne, %rem3A_1009, %ne3A_1010 : i32
      %and3A_1012 = arith.andi %ne3A_1008, %ne3A_1011 : i1
      %sub3A_1013 = arith.constant 1 : i32
      %sub3A_1014 = arith.subi %div3A_993, %sub3A_1013 : i32
      %select_n3A_1015 = arith.select %and3A_1012, %sub3A_1014, %div3A_993 : i32
      %jit3A_1016 = arith.constant 2048 : i32
      %eq3A_1017 = arith.constant 0 : i32
      %eq3A_1018 = arith.cmpi eq, %jit3A_1016, %eq3A_1017 : i32
      %jit3A_1019 = arith.constant 1 : i32
      %select_n3A_1020 = arith.select %eq3A_1018, %jit3A_1019, %jit3A_1016 : i32
      %rem3A_1021 = arith.remsi %select_n3A_991, %select_n3A_1020 : i32
      %ne3A_1022 = arith.constant 0 : i32
      %ne3A_1023 = arith.cmpi ne, %rem3A_1021, %ne3A_1022 : i32
      %lt3A_1024 = arith.constant 0 : i32
      %lt3A_1025 = arith.cmpi slt, %rem3A_1021, %lt3A_1024 : i32
      %lt3A_1026 = arith.constant 0 : i32
      %lt3A_1027 = arith.cmpi slt, %select_n3A_1020, %lt3A_1026 : i32
      %ne3A_1028 = arith.xori %lt3A_1025, %lt3A_1027 : i1
      %and3A_1029 = arith.andi %ne3A_1028, %ne3A_1023 : i1
      %add3A_1030 = arith.addi %rem3A_1021, %select_n3A_1020 : i32
      %select_n3A_1031 = arith.select %and3A_1029, %add3A_1030, %rem3A_1021 : i32
      %mul3A_1032 = arith.constant 2048 : i32
      %mul3A_1033 = arith.muli %sub3A_975, %mul3A_1032 : i32
      %add3A_1034 = arith.addi %mul3A_1033, %select_n3A_1031 : i32
      %multiple_of3A_1035 = tpu.assume_multiple %add3A_1034, 256 : i32
      %mul3A_1036 = arith.constant 64 : i32
      %mul3A_1037 = arith.muli %select_n3A_1015, %mul3A_1036 : i32
      %multiple_of3A_1038 = tpu.assume_multiple %mul3A_1037, 64 : i32
      %dma_wait3A_1039 = tpu.memref_slice %arg4[%multiple_of3A_1035, %multiple_of3A_1038] : memref<102400x128xf32, #tpu.memory_space<hbm>> -> memref<256x64xf32, #tpu.memory_space<hbm>>
      %dma_wait3A_1040 = tpu.memref_slice %arg4[%multiple_of3A_1035, %multiple_of3A_1038] : memref<102400x128xf32, #tpu.memory_space<hbm>> -> memref<256x64xf32, #tpu.memory_space<hbm>>
      tpu.wait_dma2 semaphore(%arg20 : memref<!tpu.dma_semaphore, #tpu.memory_space<semaphore_mem>>) src(%arg10 : memref<256x64xf32, #tpu.memory_space<vmem>>) dst(%dma_wait3A_1040 : memref<256x64xf32, #tpu.memory_space<hbm>>)
      %add3A_1041 = arith.constant 5 : i32
      %add3A_1042 = arith.addi %add3A_946, %add3A_1041 : i32
      %lt3A_1043 = arith.constant 25 : i32
      %lt3A_1044 = arith.cmpi slt, %add3A_1042, %lt3A_1043 : i32
      %convert_element_type3A_1045 = arith.extui %lt3A_1044 : i1 to i32
      %cond3A_1046 = arith.constant 0 : i32
      %cond3A_1047 = arith.cmpi ne, %convert_element_type3A_1045, %cond3A_1046 : i32
      scf.if %cond3A_1047 {
        %add3A_1048 = arith.constant 5 : i32
        %add3A_1049 = arith.addi %add3A_946, %add3A_1048 : i32
        %mul3A_1050 = arith.constant 256 : i32
        %mul3A_1051 = arith.muli %add3A_1049, %mul3A_1050 : i32
        %dma_start3A_1052 = tpu.memref_slice %arg5[%mul3A_1051] : memref<6400xi32, #tpu.memory_space<vmem>> -> memref<256xi32, #tpu.memory_space<vmem>>
        %dma_start3A_1053 = arith.constant 0 : i32
        %dma_start3A_1054 = arith.constant 0 : i32
        %dma_start3A_1055 = tpu.memref_slice %arg3[%dma_start3A_1053, %dma_start3A_1054] : memref<100000x64xf32, #tpu.memory_space<hbm>> -> memref<100000x64xf32, #tpu.memory_space<hbm>>
        tpu.enqueue_indirect_dma source(%dma_start3A_1055 : memref<100000x64xf32, #tpu.memory_space<hbm>>) target(%arg10 : memref<256x64xf32, #tpu.memory_space<vmem>>) offsets(%dma_start3A_1052 : memref<256xi32, #tpu.memory_space<vmem>>) semaphore(%arg15 : memref<!tpu.dma_semaphore, #tpu.memory_space<semaphore_mem>>)
      } else {
      }
    }
    %scan3A_33 = arith.constant 5 : i32
    return
  }
}

#map = affine_map<(d0, d1) -> (0)>
#map1 = affine_map<(d0, d1) -> (0, 0)>
module attributes {stable_mosaic.version = 14 : i64} {
  func.func @_sc_gather(%arg0: i32, %arg1: i32, %arg2: memref<819200xi32, #tpu.memory_space<hbm>>, %arg3: memref<100000x64xf32, #tpu.memory_space<hbm>>, %arg4: memref<102400x128xf32, #tpu.memory_space<hbm>>, %arg5: memref<6400xi32, #tpu.memory_space<vmem>>, %arg6: memref<256x64xf32, #tpu.memory_space<vmem>>, %arg7: memref<256x64xf32, #tpu.memory_space<vmem>>, %arg8: memref<256x64xf32, #tpu.memory_space<vmem>>, %arg9: memref<256x64xf32, #tpu.memory_space<vmem>>, %arg10: memref<256x64xf32, #tpu.memory_space<vmem>>, %arg11: memref<!tpu.dma_semaphore, #tpu.memory_space<semaphore_mem>>, %arg12: memref<!tpu.dma_semaphore, #tpu.memory_space<semaphore_mem>>, %arg13: memref<!tpu.dma_semaphore, #tpu.memory_space<semaphore_mem>>, %arg14: memref<!tpu.dma_semaphore, #tpu.memory_space<semaphore_mem>>, %arg15: memref<!tpu.dma_semaphore, #tpu.memory_space<semaphore_mem>>, %arg16: memref<!tpu.dma_semaphore, #tpu.memory_space<semaphore_mem>>, %arg17: memref<!tpu.dma_semaphore, #tpu.memory_space<semaphore_mem>>, %arg18: memref<!tpu.dma_semaphore, #tpu.memory_space<semaphore_mem>>, %arg19: memref<!tpu.dma_semaphore, #tpu.memory_space<semaphore_mem>>, %arg20: memref<!tpu.dma_semaphore, #tpu.memory_space<semaphore_mem>>) attributes {dimension_semantics = [#tpu.dimension_semantics<core_parallel>, #tpu.dimension_semantics<subcore_parallel>], iteration_bounds = array<i64: 2, 16>, scalar_prefetch = 0 : i64, scratch_operands = 16 : i64, tpu.core_type = #tpu.core_type<sc_vector_subcore>, window_params = [{transform_indices = #map}, {transform_indices = #map1}, {transform_indices = #map1}]} {
    %mul3A = arith.constant 2 : i32
    %mul3A_0 = arith.muli %arg1, %mul3A : i32
    %add3A = arith.addi %mul3A_0, %arg0 : i32
    %mul3A_1 = arith.constant 6400 : i32
    %mul3A_2 = arith.muli %add3A, %mul3A_1 : i32
    %add3A_3 = arith.constant 0 : i32
    %add3A_4 = arith.addi %add3A_3, %mul3A_2 : i32
    "tpu.region"() ({
      %run_scoped3A = tpu.sem_alloc : memref<!tpu.dma_semaphore, #tpu.memory_space<semaphore_mem>>
      %dma_start3A_34 = tpu.memref_slice %arg2[%add3A_4] : memref<819200xi32, #tpu.memory_space<hbm>> -> memref<6400xi32, #tpu.memory_space<hbm>>
      %dma_start3A_35 = tpu.memref_slice %arg2[%add3A_4] : memref<819200xi32, #tpu.memory_space<hbm>> -> memref<6400xi32, #tpu.memory_space<hbm>>
      tpu.enqueue_dma source(%dma_start3A_35 : memref<6400xi32, #tpu.memory_space<hbm>>) target(%arg5 : memref<6400xi32, #tpu.memory_space<vmem>>) target_semaphore(%run_scoped3A : memref<!tpu.dma_semaphore, #tpu.memory_space<semaphore_mem>>)
      %dma_wait3A = tpu.memref_slice %arg2[%add3A_4] : memref<819200xi32, #tpu.memory_space<hbm>> -> memref<6400xi32, #tpu.memory_space<hbm>>
      %dma_wait3A_36 = tpu.memref_slice %arg2[%add3A_4] : memref<819200xi32, #tpu.memory_space<hbm>> -> memref<6400xi32, #tpu.memory_space<hbm>>
      tpu.wait_dma2 semaphore(%run_scoped3A : memref<!tpu.dma_semaphore, #tpu.memory_space<semaphore_mem>>) src(%dma_wait3A_36 : memref<6400xi32, #tpu.memory_space<hbm>>) dst(%arg5 : memref<6400xi32, #tpu.memory_space<vmem>>)
      tpu.yield
    }) : () -> ()
    %dma_start3A = arith.constant 0 : i32
    %dma_start3A_5 = tpu.memref_slice %arg5[%dma_start3A] : memref<6400xi32, #tpu.memory_space<vmem>> -> memref<256xi32, #tpu.memory_space<vmem>>
    %dma_start3A_6 = arith.constant 0 : i32
    %dma_start3A_7 = arith.constant 0 : i32
    %dma_start3A_8 = tpu.memref_slice %arg3[%dma_start3A_6, %dma_start3A_7] : memref<100000x64xf32, #tpu.memory_space<hbm>> -> memref<100000x64xf32, #tpu.memory_space<hbm>>
    tpu.enqueue_indirect_dma source(%dma_start3A_8 : memref<100000x64xf32, #tpu.memory_space<hbm>>) target(%arg6 : memref<256x64xf32, #tpu.memory_space<vmem>>) offsets(%dma_start3A_5 : memref<256xi32, #tpu.memory_space<vmem>>) semaphore(%arg11 : memref<!tpu.dma_semaphore, #tpu.memory_space<semaphore_mem>>)
    %dma_start3A_9 = arith.constant 256 : i32
    %dma_start3A_10 = tpu.memref_slice %arg5[%dma_start3A_9] : memref<6400xi32, #tpu.memory_space<vmem>> -> memref<256xi32, #tpu.memory_space<vmem>>
    %dma_start3A_11 = arith.constant 0 : i32
    %dma_start3A_12 = arith.constant 0 : i32
    %dma_start3A_13 = tpu.memref_slice %arg3[%dma_start3A_11, %dma_start3A_12] : memref<100000x64xf32, #tpu.memory_space<hbm>> -> memref<100000x64xf32, #tpu.memory_space<hbm>>
    tpu.enqueue_indirect_dma source(%dma_start3A_13 : memref<100000x64xf32, #tpu.memory_space<hbm>>) target(%arg7 : memref<256x64xf32, #tpu.memory_space<vmem>>) offsets(%dma_start3A_10 : memref<256xi32, #tpu.memory_space<vmem>>) semaphore(%arg12 : memref<!tpu.dma_semaphore, #tpu.memory_space<semaphore_mem>>)
    %dma_start3A_14 = arith.constant 512 : i32
    %dma_start3A_15 = tpu.memref_slice %arg5[%dma_start3A_14] : memref<6400xi32, #tpu.memory_space<vmem>> -> memref<256xi32, #tpu.memory_space<vmem>>
    %dma_start3A_16 = arith.constant 0 : i32
    %dma_start3A_17 = arith.constant 0 : i32
    %dma_start3A_18 = tpu.memref_slice %arg3[%dma_start3A_16, %dma_start3A_17] : memref<100000x64xf32, #tpu.memory_space<hbm>> -> memref<100000x64xf32, #tpu.memory_space<hbm>>
    tpu.enqueue_indirect_dma source(%dma_start3A_18 : memref<100000x64xf32, #tpu.memory_space<hbm>>) target(%arg8 : memref<256x64xf32, #tpu.memory_space<vmem>>) offsets(%dma_start3A_15 : memref<256xi32, #tpu.memory_space<vmem>>) semaphore(%arg13 : memref<!tpu.dma_semaphore, #tpu.memory_space<semaphore_mem>>)
    %dma_start3A_19 = arith.constant 768 : i32
    %dma_start3A_20 = tpu.memref_slice %arg5[%dma_start3A_19] : memref<6400xi32, #tpu.memory_space<vmem>> -> memref<256xi32, #tpu.memory_space<vmem>>
    %dma_start3A_21 = arith.constant 0 : i32
    %dma_start3A_22 = arith.constant 0 : i32
    %dma_start3A_23 = tpu.memref_slice %arg3[%dma_start3A_21, %dma_start3A_22] : memref<100000x64xf32, #tpu.memory_space<hbm>> -> memref<100000x64xf32, #tpu.memory_space<hbm>>
    tpu.enqueue_indirect_dma source(%dma_start3A_23 : memref<100000x64xf32, #tpu.memory_space<hbm>>) target(%arg9 : memref<256x64xf32, #tpu.memory_space<vmem>>) offsets(%dma_start3A_20 : memref<256xi32, #tpu.memory_space<vmem>>) semaphore(%arg14 : memref<!tpu.dma_semaphore, #tpu.memory_space<semaphore_mem>>)
    %dma_start3A_24 = arith.constant 1024 : i32
    %dma_start3A_25 = tpu.memref_slice %arg5[%dma_start3A_24] : memref<6400xi32, #tpu.memory_space<vmem>> -> memref<256xi32, #tpu.memory_space<vmem>>
    %dma_start3A_26 = arith.constant 0 : i32
    %dma_start3A_27 = arith.constant 0 : i32
    %dma_start3A_28 = tpu.memref_slice %arg3[%dma_start3A_26, %dma_start3A_27] : memref<100000x64xf32, #tpu.memory_space<hbm>> -> memref<100000x64xf32, #tpu.memory_space<hbm>>
    tpu.enqueue_indirect_dma source(%dma_start3A_28 : memref<100000x64xf32, #tpu.memory_space<hbm>>) target(%arg10 : memref<256x64xf32, #tpu.memory_space<vmem>>) offsets(%dma_start3A_25 : memref<256xi32, #tpu.memory_space<vmem>>) semaphore(%arg15 : memref<!tpu.dma_semaphore, #tpu.memory_space<semaphore_mem>>)
    %scan3A = arith.constant 0 : i32
    %scan3A_29 = arith.constant 0 : i32
    %scan3A_30 = arith.constant 5 : i32
    %scan3A_31 = arith.addi %scan3A_29, %scan3A_30 : i32
    %scan3A_32 = arith.constant 1 : i32
    scf.for %scan3A_34 = %scan3A_29 to %scan3A_31 step %scan3A_32  : i32 {
      %mul3A_35 = arith.constant 5 : i32
      %mul3A_36 = arith.muli %scan3A_34, %mul3A_35 : i32
      %add3A_37 = arith.constant 0 : i32
      %add3A_38 = arith.addi %mul3A_36, %add3A_37 : i32
      %mul3A_39 = arith.constant 256 : i32
      %mul3A_40 = arith.muli %add3A_38, %mul3A_39 : i32
      %dma_wait3A = tpu.memref_slice %arg5[%mul3A_40] : memref<6400xi32, #tpu.memory_space<vmem>> -> memref<256xi32, #tpu.memory_space<vmem>>
      %dma_wait3A_41 = arith.constant 0 : i32
      %dma_wait3A_42 = arith.constant 0 : i32
      %dma_wait3A_43 = tpu.memref_slice %arg3[%dma_wait3A_41, %dma_wait3A_42] : memref<100000x64xf32, #tpu.memory_space<hbm>> -> memref<100000x64xf32, #tpu.memory_space<hbm>>
      tpu.wait_indirect_dma semaphore(%arg11 : memref<!tpu.dma_semaphore, #tpu.memory_space<semaphore_mem>>) src(%dma_wait3A_43 : memref<100000x64xf32, #tpu.memory_space<hbm>>) dst(%arg6 : memref<256x64xf32, #tpu.memory_space<vmem>>)
      %mul3A_44 = arith.constant 256 : i32
      %mul3A_45 = arith.muli %add3A_38, %mul3A_44 : i32
      %add3A_46 = arith.addi %add3A_4, %mul3A_45 : i32
      %jit3A = arith.constant 4096 : i32
      %div3A = arith.divsi %add3A_46, %jit3A : i32
      %sign3A = arith.constant 0 : i32
      %sign3A_47 = arith.cmpi sgt, %add3A_46, %sign3A : i32
      %sign3A_48 = arith.extui %sign3A_47 : i1 to i32
      %sign3A_49 = arith.constant 0 : i32
      %sign3A_50 = arith.cmpi slt, %add3A_46, %sign3A_49 : i32
      %sign3A_51 = arith.extui %sign3A_50 : i1 to i32
      %sign3A_52 = arith.subi %sign3A_48, %sign3A_51 : i32
      %sign3A_53 = arith.constant 0 : i32
      %sign3A_54 = arith.cmpi sgt, %jit3A, %sign3A_53 : i32
      %sign3A_55 = arith.extui %sign3A_54 : i1 to i32
      %sign3A_56 = arith.constant 0 : i32
      %sign3A_57 = arith.cmpi slt, %jit3A, %sign3A_56 : i32
      %sign3A_58 = arith.extui %sign3A_57 : i1 to i32
      %sign3A_59 = arith.subi %sign3A_55, %sign3A_58 : i32
      %ne3A = arith.cmpi ne, %sign3A_52, %sign3A_59 : i32
      %rem3A = arith.remsi %add3A_46, %jit3A : i32
      %ne3A_60 = arith.constant 0 : i32
      %ne3A_61 = arith.cmpi ne, %rem3A, %ne3A_60 : i32
      %and3A = arith.andi %ne3A, %ne3A_61 : i1
      %sub3A = arith.constant 1 : i32
      %sub3A_62 = arith.subi %div3A, %sub3A : i32
      %select_n3A = arith.select %and3A, %sub3A_62, %div3A : i32
      %sub3A_63 = arith.constant 0 : i32
      %sub3A_64 = arith.subi %select_n3A, %sub3A_63 : i32
      %jit3A_65 = arith.constant 4096 : i32
      %eq3A = arith.constant 0 : i32
      %eq3A_66 = arith.cmpi eq, %jit3A_65, %eq3A : i32
      %jit3A_67 = arith.constant 1 : i32
      %select_n3A_68 = arith.select %eq3A_66, %jit3A_67, %jit3A_65 : i32
      %rem3A_69 = arith.remsi %add3A_46, %select_n3A_68 : i32
      %ne3A_70 = arith.constant 0 : i32
      %ne3A_71 = arith.cmpi ne, %rem3A_69, %ne3A_70 : i32
      %lt3A = arith.constant 0 : i32
      %lt3A_72 = arith.cmpi slt, %rem3A_69, %lt3A : i32
      %lt3A_73 = arith.constant 0 : i32
      %lt3A_74 = arith.cmpi slt, %select_n3A_68, %lt3A_73 : i32
      %ne3A_75 = arith.xori %lt3A_72, %lt3A_74 : i1
      %and3A_76 = arith.andi %ne3A_75, %ne3A_71 : i1
      %add3A_77 = arith.addi %rem3A_69, %select_n3A_68 : i32
      %select_n3A_78 = arith.select %and3A_76, %add3A_77, %rem3A_69 : i32
      %jit3A_79 = arith.constant 2048 : i32
      %div3A_80 = arith.divsi %select_n3A_78, %jit3A_79 : i32
      %sign3A_81 = arith.constant 0 : i32
      %sign3A_82 = arith.cmpi sgt, %select_n3A_78, %sign3A_81 : i32
      %sign3A_83 = arith.extui %sign3A_82 : i1 to i32
      %sign3A_84 = arith.constant 0 : i32
      %sign3A_85 = arith.cmpi slt, %select_n3A_78, %sign3A_84 : i32
      %sign3A_86 = arith.extui %sign3A_85 : i1 to i32
      %sign3A_87 = arith.subi %sign3A_83, %sign3A_86 : i32
      %sign3A_88 = arith.constant 0 : i32
      %sign3A_89 = arith.cmpi sgt, %jit3A_79, %sign3A_88 : i32
      %sign3A_90 = arith.extui %sign3A_89 : i1 to i32
      %sign3A_91 = arith.constant 0 : i32
      %sign3A_92 = arith.cmpi slt, %jit3A_79, %sign3A_91 : i32
      %sign3A_93 = arith.extui %sign3A_92 : i1 to i32
      %sign3A_94 = arith.subi %sign3A_90, %sign3A_93 : i32
      %ne3A_95 = arith.cmpi ne, %sign3A_87, %sign3A_94 : i32
      %rem3A_96 = arith.remsi %select_n3A_78, %jit3A_79 : i32
      %ne3A_97 = arith.constant 0 : i32
      %ne3A_98 = arith.cmpi ne, %rem3A_96, %ne3A_97 : i32
      %and3A_99 = arith.andi %ne3A_95, %ne3A_98 : i1
      %sub3A_100 = arith.constant 1 : i32
      %sub3A_101 = arith.subi %div3A_80, %sub3A_100 : i32
      %select_n3A_102 = arith.select %and3A_99, %sub3A_101, %div3A_80 : i32
      %jit3A_103 = arith.constant 2048 : i32
      %eq3A_104 = arith.constant 0 : i32
      %eq3A_105 = arith.cmpi eq, %jit3A_103, %eq3A_104 : i32
      %jit3A_106 = arith.constant 1 : i32
      %select_n3A_107 = arith.select %eq3A_105, %jit3A_106, %jit3A_103 : i32
      %rem3A_108 = arith.remsi %select_n3A_78, %select_n3A_107 : i32
      %ne3A_109 = arith.constant 0 : i32
      %ne3A_110 = arith.cmpi ne, %rem3A_108, %ne3A_109 : i32
      %lt3A_111 = arith.constant 0 : i32
      %lt3A_112 = arith.cmpi slt, %rem3A_108, %lt3A_111 : i32
      %lt3A_113 = arith.constant 0 : i32
      %lt3A_114 = arith.cmpi slt, %select_n3A_107, %lt3A_113 : i32
      %ne3A_115 = arith.xori %lt3A_112, %lt3A_114 : i1
      %and3A_116 = arith.andi %ne3A_115, %ne3A_110 : i1
      %add3A_117 = arith.addi %rem3A_108, %select_n3A_107 : i32
      %select_n3A_118 = arith.select %and3A_116, %add3A_117, %rem3A_108 : i32
      %mul3A_119 = arith.constant 2048 : i32
      %mul3A_120 = arith.muli %sub3A_64, %mul3A_119 : i32
      %add3A_121 = arith.addi %mul3A_120, %select_n3A_118 : i32
      %multiple_of3A = tpu.assume_multiple %add3A_121, 256 : i32
      %mul3A_122 = arith.constant 64 : i32
      %mul3A_123 = arith.muli %select_n3A_102, %mul3A_122 : i32
      %multiple_of3A_124 = tpu.assume_multiple %mul3A_123, 64 : i32
      %dma_start3A_125 = tpu.memref_slice %arg4[%multiple_of3A, %multiple_of3A_124] : memref<102400x128xf32, #tpu.memory_space<hbm>> -> memref<256x64xf32, #tpu.memory_space<hbm>>
      %dma_start3A_126 = tpu.memref_slice %arg4[%multiple_of3A, %multiple_of3A_124] : memref<102400x128xf32, #tpu.memory_space<hbm>> -> memref<256x64xf32, #tpu.memory_space<hbm>>
      tpu.enqueue_dma source(%arg6 : memref<256x64xf32, #tpu.memory_space<vmem>>) target(%dma_start3A_126 : memref<256x64xf32, #tpu.memory_space<hbm>>) target_semaphore(%arg16 : memref<!tpu.dma_semaphore, #tpu.memory_space<semaphore_mem>>)
      %add3A_127 = arith.constant 1 : i32
      %add3A_128 = arith.addi %mul3A_36, %add3A_127 : i32
      %mul3A_129 = arith.constant 256 : i32
      %mul3A_130 = arith.muli %add3A_128, %mul3A_129 : i32
      %dma_wait3A_131 = tpu.memref_slice %arg5[%mul3A_130] : memref<6400xi32, #tpu.memory_space<vmem>> -> memref<256xi32, #tpu.memory_space<vmem>>
      %dma_wait3A_132 = arith.constant 0 : i32
      %dma_wait3A_133 = arith.constant 0 : i32
      %dma_wait3A_134 = tpu.memref_slice %arg3[%dma_wait3A_132, %dma_wait3A_133] : memref<100000x64xf32, #tpu.memory_space<hbm>> -> memref<100000x64xf32, #tpu.memory_space<hbm>>
      tpu.wait_indirect_dma semaphore(%arg12 : memref<!tpu.dma_semaphore, #tpu.memory_space<semaphore_mem>>) src(%dma_wait3A_134 : memref<100000x64xf32, #tpu.memory_space<hbm>>) dst(%arg7 : memref<256x64xf32, #tpu.memory_space<vmem>>)
      %mul3A_135 = arith.constant 256 : i32
      %mul3A_136 = arith.muli %add3A_128, %mul3A_135 : i32
      %add3A_137 = arith.addi %add3A_4, %mul3A_136 : i32
      %jit3A_138 = arith.constant 4096 : i32
      %div3A_139 = arith.divsi %add3A_137, %jit3A_138 : i32
      %sign3A_140 = arith.constant 0 : i32
      %sign3A_141 = arith.cmpi sgt, %add3A_137, %sign3A_140 : i32
      %sign3A_142 = arith.extui %sign3A_141 : i1 to i32
      %sign3A_143 = arith.constant 0 : i32
      %sign3A_144 = arith.cmpi slt, %add3A_137, %sign3A_143 : i32
      %sign3A_145 = arith.extui %sign3A_144 : i1 to i32
      %sign3A_146 = arith.subi %sign3A_142, %sign3A_145 : i32
      %sign3A_147 = arith.constant 0 : i32
      %sign3A_148 = arith.cmpi sgt, %jit3A_138, %sign3A_147 : i32
      %sign3A_149 = arith.extui %sign3A_148 : i1 to i32
      %sign3A_150 = arith.constant 0 : i32
      %sign3A_151 = arith.cmpi slt, %jit3A_138, %sign3A_150 : i32
      %sign3A_152 = arith.extui %sign3A_151 : i1 to i32
      %sign3A_153 = arith.subi %sign3A_149, %sign3A_152 : i32
      %ne3A_154 = arith.cmpi ne, %sign3A_146, %sign3A_153 : i32
      %rem3A_155 = arith.remsi %add3A_137, %jit3A_138 : i32
      %ne3A_156 = arith.constant 0 : i32
      %ne3A_157 = arith.cmpi ne, %rem3A_155, %ne3A_156 : i32
      %and3A_158 = arith.andi %ne3A_154, %ne3A_157 : i1
      %sub3A_159 = arith.constant 1 : i32
      %sub3A_160 = arith.subi %div3A_139, %sub3A_159 : i32
      %select_n3A_161 = arith.select %and3A_158, %sub3A_160, %div3A_139 : i32
      %sub3A_162 = arith.constant 0 : i32
      %sub3A_163 = arith.subi %select_n3A_161, %sub3A_162 : i32
      %jit3A_164 = arith.constant 4096 : i32
      %eq3A_165 = arith.constant 0 : i32
      %eq3A_166 = arith.cmpi eq, %jit3A_164, %eq3A_165 : i32
      %jit3A_167 = arith.constant 1 : i32
      %select_n3A_168 = arith.select %eq3A_166, %jit3A_167, %jit3A_164 : i32
      %rem3A_169 = arith.remsi %add3A_137, %select_n3A_168 : i32
      %ne3A_170 = arith.constant 0 : i32
      %ne3A_171 = arith.cmpi ne, %rem3A_169, %ne3A_170 : i32
      %lt3A_172 = arith.constant 0 : i32
      %lt3A_173 = arith.cmpi slt, %rem3A_169, %lt3A_172 : i32
      %lt3A_174 = arith.constant 0 : i32
      %lt3A_175 = arith.cmpi slt, %select_n3A_168, %lt3A_174 : i32
      %ne3A_176 = arith.xori %lt3A_173, %lt3A_175 : i1
      %and3A_177 = arith.andi %ne3A_176, %ne3A_171 : i1
      %add3A_178 = arith.addi %rem3A_169, %select_n3A_168 : i32
      %select_n3A_179 = arith.select %and3A_177, %add3A_178, %rem3A_169 : i32
      %jit3A_180 = arith.constant 2048 : i32
      %div3A_181 = arith.divsi %select_n3A_179, %jit3A_180 : i32
      %sign3A_182 = arith.constant 0 : i32
      %sign3A_183 = arith.cmpi sgt, %select_n3A_179, %sign3A_182 : i32
      %sign3A_184 = arith.extui %sign3A_183 : i1 to i32
      %sign3A_185 = arith.constant 0 : i32
      %sign3A_186 = arith.cmpi slt, %select_n3A_179, %sign3A_185 : i32
      %sign3A_187 = arith.extui %sign3A_186 : i1 to i32
      %sign3A_188 = arith.subi %sign3A_184, %sign3A_187 : i32
      %sign3A_189 = arith.constant 0 : i32
      %sign3A_190 = arith.cmpi sgt, %jit3A_180, %sign3A_189 : i32
      %sign3A_191 = arith.extui %sign3A_190 : i1 to i32
      %sign3A_192 = arith.constant 0 : i32
      %sign3A_193 = arith.cmpi slt, %jit3A_180, %sign3A_192 : i32
      %sign3A_194 = arith.extui %sign3A_193 : i1 to i32
      %sign3A_195 = arith.subi %sign3A_191, %sign3A_194 : i32
      %ne3A_196 = arith.cmpi ne, %sign3A_188, %sign3A_195 : i32
      %rem3A_197 = arith.remsi %select_n3A_179, %jit3A_180 : i32
      %ne3A_198 = arith.constant 0 : i32
      %ne3A_199 = arith.cmpi ne, %rem3A_197, %ne3A_198 : i32
      %and3A_200 = arith.andi %ne3A_196, %ne3A_199 : i1
      %sub3A_201 = arith.constant 1 : i32
      %sub3A_202 = arith.subi %div3A_181, %sub3A_201 : i32
      %select_n3A_203 = arith.select %and3A_200, %sub3A_202, %div3A_181 : i32
      %jit3A_204 = arith.constant 2048 : i32
      %eq3A_205 = arith.constant 0 : i32
      %eq3A_206 = arith.cmpi eq, %jit3A_204, %eq3A_205 : i32
      %jit3A_207 = arith.constant 1 : i32
      %select_n3A_208 = arith.select %eq3A_206, %jit3A_207, %jit3A_204 : i32
      %rem3A_209 = arith.remsi %select_n3A_179, %select_n3A_208 : i32
      %ne3A_210 = arith.constant 0 : i32
      %ne3A_211 = arith.cmpi ne, %rem3A_209, %ne3A_210 : i32
      %lt3A_212 = arith.constant 0 : i32
      %lt3A_213 = arith.cmpi slt, %rem3A_209, %lt3A_212 : i32
      %lt3A_214 = arith.constant 0 : i32
      %lt3A_215 = arith.cmpi slt, %select_n3A_208, %lt3A_214 : i32
      %ne3A_216 = arith.xori %lt3A_213, %lt3A_215 : i1
      %and3A_217 = arith.andi %ne3A_216, %ne3A_211 : i1
      %add3A_218 = arith.addi %rem3A_209, %select_n3A_208 : i32
      %select_n3A_219 = arith.select %and3A_217, %add3A_218, %rem3A_209 : i32
      %mul3A_220 = arith.constant 2048 : i32
      %mul3A_221 = arith.muli %sub3A_163, %mul3A_220 : i32
      %add3A_222 = arith.addi %mul3A_221, %select_n3A_219 : i32
      %multiple_of3A_223 = tpu.assume_multiple %add3A_222, 256 : i32
      %mul3A_224 = arith.constant 64 : i32
      %mul3A_225 = arith.muli %select_n3A_203, %mul3A_224 : i32
      %multiple_of3A_226 = tpu.assume_multiple %mul3A_225, 64 : i32
      %dma_start3A_227 = tpu.memref_slice %arg4[%multiple_of3A_223, %multiple_of3A_226] : memref<102400x128xf32, #tpu.memory_space<hbm>> -> memref<256x64xf32, #tpu.memory_space<hbm>>
      %dma_start3A_228 = tpu.memref_slice %arg4[%multiple_of3A_223, %multiple_of3A_226] : memref<102400x128xf32, #tpu.memory_space<hbm>> -> memref<256x64xf32, #tpu.memory_space<hbm>>
      tpu.enqueue_dma source(%arg7 : memref<256x64xf32, #tpu.memory_space<vmem>>) target(%dma_start3A_228 : memref<256x64xf32, #tpu.memory_space<hbm>>) target_semaphore(%arg17 : memref<!tpu.dma_semaphore, #tpu.memory_space<semaphore_mem>>)
      %add3A_229 = arith.constant 2 : i32
      %add3A_230 = arith.addi %mul3A_36, %add3A_229 : i32
      %mul3A_231 = arith.constant 256 : i32
      %mul3A_232 = arith.muli %add3A_230, %mul3A_231 : i32
      %dma_wait3A_233 = tpu.memref_slice %arg5[%mul3A_232] : memref<6400xi32, #tpu.memory_space<vmem>> -> memref<256xi32, #tpu.memory_space<vmem>>
      %dma_wait3A_234 = arith.constant 0 : i32
      %dma_wait3A_235 = arith.constant 0 : i32
      %dma_wait3A_236 = tpu.memref_slice %arg3[%dma_wait3A_234, %dma_wait3A_235] : memref<100000x64xf32, #tpu.memory_space<hbm>> -> memref<100000x64xf32, #tpu.memory_space<hbm>>
      tpu.wait_indirect_dma semaphore(%arg13 : memref<!tpu.dma_semaphore, #tpu.memory_space<semaphore_mem>>) src(%dma_wait3A_236 : memref<100000x64xf32, #tpu.memory_space<hbm>>) dst(%arg8 : memref<256x64xf32, #tpu.memory_space<vmem>>)
      %mul3A_237 = arith.constant 256 : i32
      %mul3A_238 = arith.muli %add3A_230, %mul3A_237 : i32
      %add3A_239 = arith.addi %add3A_4, %mul3A_238 : i32
      %jit3A_240 = arith.constant 4096 : i32
      %div3A_241 = arith.divsi %add3A_239, %jit3A_240 : i32
      %sign3A_242 = arith.constant 0 : i32
      %sign3A_243 = arith.cmpi sgt, %add3A_239, %sign3A_242 : i32
      %sign3A_244 = arith.extui %sign3A_243 : i1 to i32
      %sign3A_245 = arith.constant 0 : i32
      %sign3A_246 = arith.cmpi slt, %add3A_239, %sign3A_245 : i32
      %sign3A_247 = arith.extui %sign3A_246 : i1 to i32
      %sign3A_248 = arith.subi %sign3A_244, %sign3A_247 : i32
      %sign3A_249 = arith.constant 0 : i32
      %sign3A_250 = arith.cmpi sgt, %jit3A_240, %sign3A_249 : i32
      %sign3A_251 = arith.extui %sign3A_250 : i1 to i32
      %sign3A_252 = arith.constant 0 : i32
      %sign3A_253 = arith.cmpi slt, %jit3A_240, %sign3A_252 : i32
      %sign3A_254 = arith.extui %sign3A_253 : i1 to i32
      %sign3A_255 = arith.subi %sign3A_251, %sign3A_254 : i32
      %ne3A_256 = arith.cmpi ne, %sign3A_248, %sign3A_255 : i32
      %rem3A_257 = arith.remsi %add3A_239, %jit3A_240 : i32
      %ne3A_258 = arith.constant 0 : i32
      %ne3A_259 = arith.cmpi ne, %rem3A_257, %ne3A_258 : i32
      %and3A_260 = arith.andi %ne3A_256, %ne3A_259 : i1
      %sub3A_261 = arith.constant 1 : i32
      %sub3A_262 = arith.subi %div3A_241, %sub3A_261 : i32
      %select_n3A_263 = arith.select %and3A_260, %sub3A_262, %div3A_241 : i32
      %sub3A_264 = arith.constant 0 : i32
      %sub3A_265 = arith.subi %select_n3A_263, %sub3A_264 : i32
      %jit3A_266 = arith.constant 4096 : i32
      %eq3A_267 = arith.constant 0 : i32
      %eq3A_268 = arith.cmpi eq, %jit3A_266, %eq3A_267 : i32
      %jit3A_269 = arith.constant 1 : i32
      %select_n3A_270 = arith.select %eq3A_268, %jit3A_269, %jit3A_266 : i32
      %rem3A_271 = arith.remsi %add3A_239, %select_n3A_270 : i32
      %ne3A_272 = arith.constant 0 : i32
      %ne3A_273 = arith.cmpi ne, %rem3A_271, %ne3A_272 : i32
      %lt3A_274 = arith.constant 0 : i32
      %lt3A_275 = arith.cmpi slt, %rem3A_271, %lt3A_274 : i32
      %lt3A_276 = arith.constant 0 : i32
      %lt3A_277 = arith.cmpi slt, %select_n3A_270, %lt3A_276 : i32
      %ne3A_278 = arith.xori %lt3A_275, %lt3A_277 : i1
      %and3A_279 = arith.andi %ne3A_278, %ne3A_273 : i1
      %add3A_280 = arith.addi %rem3A_271, %select_n3A_270 : i32
      %select_n3A_281 = arith.select %and3A_279, %add3A_280, %rem3A_271 : i32
      %jit3A_282 = arith.constant 2048 : i32
      %div3A_283 = arith.divsi %select_n3A_281, %jit3A_282 : i32
      %sign3A_284 = arith.constant 0 : i32
      %sign3A_285 = arith.cmpi sgt, %select_n3A_281, %sign3A_284 : i32
      %sign3A_286 = arith.extui %sign3A_285 : i1 to i32
      %sign3A_287 = arith.constant 0 : i32
      %sign3A_288 = arith.cmpi slt, %select_n3A_281, %sign3A_287 : i32
      %sign3A_289 = arith.extui %sign3A_288 : i1 to i32
      %sign3A_290 = arith.subi %sign3A_286, %sign3A_289 : i32
      %sign3A_291 = arith.constant 0 : i32
      %sign3A_292 = arith.cmpi sgt, %jit3A_282, %sign3A_291 : i32
      %sign3A_293 = arith.extui %sign3A_292 : i1 to i32
      %sign3A_294 = arith.constant 0 : i32
      %sign3A_295 = arith.cmpi slt, %jit3A_282, %sign3A_294 : i32
      %sign3A_296 = arith.extui %sign3A_295 : i1 to i32
      %sign3A_297 = arith.subi %sign3A_293, %sign3A_296 : i32
      %ne3A_298 = arith.cmpi ne, %sign3A_290, %sign3A_297 : i32
      %rem3A_299 = arith.remsi %select_n3A_281, %jit3A_282 : i32
      %ne3A_300 = arith.constant 0 : i32
      %ne3A_301 = arith.cmpi ne, %rem3A_299, %ne3A_300 : i32
      %and3A_302 = arith.andi %ne3A_298, %ne3A_301 : i1
      %sub3A_303 = arith.constant 1 : i32
      %sub3A_304 = arith.subi %div3A_283, %sub3A_303 : i32
      %select_n3A_305 = arith.select %and3A_302, %sub3A_304, %div3A_283 : i32
      %jit3A_306 = arith.constant 2048 : i32
      %eq3A_307 = arith.constant 0 : i32
      %eq3A_308 = arith.cmpi eq, %jit3A_306, %eq3A_307 : i32
      %jit3A_309 = arith.constant 1 : i32
      %select_n3A_310 = arith.select %eq3A_308, %jit3A_309, %jit3A_306 : i32
      %rem3A_311 = arith.remsi %select_n3A_281, %select_n3A_310 : i32
      %ne3A_312 = arith.constant 0 : i32
      %ne3A_313 = arith.cmpi ne, %rem3A_311, %ne3A_312 : i32
      %lt3A_314 = arith.constant 0 : i32
      %lt3A_315 = arith.cmpi slt, %rem3A_311, %lt3A_314 : i32
      %lt3A_316 = arith.constant 0 : i32
      %lt3A_317 = arith.cmpi slt, %select_n3A_310, %lt3A_316 : i32
      %ne3A_318 = arith.xori %lt3A_315, %lt3A_317 : i1
      %and3A_319 = arith.andi %ne3A_318, %ne3A_313 : i1
      %add3A_320 = arith.addi %rem3A_311, %select_n3A_310 : i32
      %select_n3A_321 = arith.select %and3A_319, %add3A_320, %rem3A_311 : i32
      %mul3A_322 = arith.constant 2048 : i32
      %mul3A_323 = arith.muli %sub3A_265, %mul3A_322 : i32
      %add3A_324 = arith.addi %mul3A_323, %select_n3A_321 : i32
      %multiple_of3A_325 = tpu.assume_multiple %add3A_324, 256 : i32
      %mul3A_326 = arith.constant 64 : i32
      %mul3A_327 = arith.muli %select_n3A_305, %mul3A_326 : i32
      %multiple_of3A_328 = tpu.assume_multiple %mul3A_327, 64 : i32
      %dma_start3A_329 = tpu.memref_slice %arg4[%multiple_of3A_325, %multiple_of3A_328] : memref<102400x128xf32, #tpu.memory_space<hbm>> -> memref<256x64xf32, #tpu.memory_space<hbm>>
      %dma_start3A_330 = tpu.memref_slice %arg4[%multiple_of3A_325, %multiple_of3A_328] : memref<102400x128xf32, #tpu.memory_space<hbm>> -> memref<256x64xf32, #tpu.memory_space<hbm>>
      tpu.enqueue_dma source(%arg8 : memref<256x64xf32, #tpu.memory_space<vmem>>) target(%dma_start3A_330 : memref<256x64xf32, #tpu.memory_space<hbm>>) target_semaphore(%arg18 : memref<!tpu.dma_semaphore, #tpu.memory_space<semaphore_mem>>)
      %add3A_331 = arith.constant 3 : i32
      %add3A_332 = arith.addi %mul3A_36, %add3A_331 : i32
      %mul3A_333 = arith.constant 256 : i32
      %mul3A_334 = arith.muli %add3A_332, %mul3A_333 : i32
      %dma_wait3A_335 = tpu.memref_slice %arg5[%mul3A_334] : memref<6400xi32, #tpu.memory_space<vmem>> -> memref<256xi32, #tpu.memory_space<vmem>>
      %dma_wait3A_336 = arith.constant 0 : i32
      %dma_wait3A_337 = arith.constant 0 : i32
      %dma_wait3A_338 = tpu.memref_slice %arg3[%dma_wait3A_336, %dma_wait3A_337] : memref<100000x64xf32, #tpu.memory_space<hbm>> -> memref<100000x64xf32, #tpu.memory_space<hbm>>
      tpu.wait_indirect_dma semaphore(%arg14 : memref<!tpu.dma_semaphore, #tpu.memory_space<semaphore_mem>>) src(%dma_wait3A_338 : memref<100000x64xf32, #tpu.memory_space<hbm>>) dst(%arg9 : memref<256x64xf32, #tpu.memory_space<vmem>>)
      %mul3A_339 = arith.constant 256 : i32
      %mul3A_340 = arith.muli %add3A_332, %mul3A_339 : i32
      %add3A_341 = arith.addi %add3A_4, %mul3A_340 : i32
      %jit3A_342 = arith.constant 4096 : i32
      %div3A_343 = arith.divsi %add3A_341, %jit3A_342 : i32
      %sign3A_344 = arith.constant 0 : i32
      %sign3A_345 = arith.cmpi sgt, %add3A_341, %sign3A_344 : i32
      %sign3A_346 = arith.extui %sign3A_345 : i1 to i32
      %sign3A_347 = arith.constant 0 : i32
      %sign3A_348 = arith.cmpi slt, %add3A_341, %sign3A_347 : i32
      %sign3A_349 = arith.extui %sign3A_348 : i1 to i32
      %sign3A_350 = arith.subi %sign3A_346, %sign3A_349 : i32
      %sign3A_351 = arith.constant 0 : i32
      %sign3A_352 = arith.cmpi sgt, %jit3A_342, %sign3A_351 : i32
      %sign3A_353 = arith.extui %sign3A_352 : i1 to i32
      %sign3A_354 = arith.constant 0 : i32
      %sign3A_355 = arith.cmpi slt, %jit3A_342, %sign3A_354 : i32
      %sign3A_356 = arith.extui %sign3A_355 : i1 to i32
      %sign3A_357 = arith.subi %sign3A_353, %sign3A_356 : i32
      %ne3A_358 = arith.cmpi ne, %sign3A_350, %sign3A_357 : i32
      %rem3A_359 = arith.remsi %add3A_341, %jit3A_342 : i32
      %ne3A_360 = arith.constant 0 : i32
      %ne3A_361 = arith.cmpi ne, %rem3A_359, %ne3A_360 : i32
      %and3A_362 = arith.andi %ne3A_358, %ne3A_361 : i1
      %sub3A_363 = arith.constant 1 : i32
      %sub3A_364 = arith.subi %div3A_343, %sub3A_363 : i32
      %select_n3A_365 = arith.select %and3A_362, %sub3A_364, %div3A_343 : i32
      %sub3A_366 = arith.constant 0 : i32
      %sub3A_367 = arith.subi %select_n3A_365, %sub3A_366 : i32
      %jit3A_368 = arith.constant 4096 : i32
      %eq3A_369 = arith.constant 0 : i32
      %eq3A_370 = arith.cmpi eq, %jit3A_368, %eq3A_369 : i32
      %jit3A_371 = arith.constant 1 : i32
      %select_n3A_372 = arith.select %eq3A_370, %jit3A_371, %jit3A_368 : i32
      %rem3A_373 = arith.remsi %add3A_341, %select_n3A_372 : i32
      %ne3A_374 = arith.constant 0 : i32
      %ne3A_375 = arith.cmpi ne, %rem3A_373, %ne3A_374 : i32
      %lt3A_376 = arith.constant 0 : i32
      %lt3A_377 = arith.cmpi slt, %rem3A_373, %lt3A_376 : i32
      %lt3A_378 = arith.constant 0 : i32
      %lt3A_379 = arith.cmpi slt, %select_n3A_372, %lt3A_378 : i32
      %ne3A_380 = arith.xori %lt3A_377, %lt3A_379 : i1
      %and3A_381 = arith.andi %ne3A_380, %ne3A_375 : i1
      %add3A_382 = arith.addi %rem3A_373, %select_n3A_372 : i32
      %select_n3A_383 = arith.select %and3A_381, %add3A_382, %rem3A_373 : i32
      %jit3A_384 = arith.constant 2048 : i32
      %div3A_385 = arith.divsi %select_n3A_383, %jit3A_384 : i32
      %sign3A_386 = arith.constant 0 : i32
      %sign3A_387 = arith.cmpi sgt, %select_n3A_383, %sign3A_386 : i32
      %sign3A_388 = arith.extui %sign3A_387 : i1 to i32
      %sign3A_389 = arith.constant 0 : i32
      %sign3A_390 = arith.cmpi slt, %select_n3A_383, %sign3A_389 : i32
      %sign3A_391 = arith.extui %sign3A_390 : i1 to i32
      %sign3A_392 = arith.subi %sign3A_388, %sign3A_391 : i32
      %sign3A_393 = arith.constant 0 : i32
      %sign3A_394 = arith.cmpi sgt, %jit3A_384, %sign3A_393 : i32
      %sign3A_395 = arith.extui %sign3A_394 : i1 to i32
      %sign3A_396 = arith.constant 0 : i32
      %sign3A_397 = arith.cmpi slt, %jit3A_384, %sign3A_396 : i32
      %sign3A_398 = arith.extui %sign3A_397 : i1 to i32
      %sign3A_399 = arith.subi %sign3A_395, %sign3A_398 : i32
      %ne3A_400 = arith.cmpi ne, %sign3A_392, %sign3A_399 : i32
      %rem3A_401 = arith.remsi %select_n3A_383, %jit3A_384 : i32
      %ne3A_402 = arith.constant 0 : i32
      %ne3A_403 = arith.cmpi ne, %rem3A_401, %ne3A_402 : i32
      %and3A_404 = arith.andi %ne3A_400, %ne3A_403 : i1
      %sub3A_405 = arith.constant 1 : i32
      %sub3A_406 = arith.subi %div3A_385, %sub3A_405 : i32
      %select_n3A_407 = arith.select %and3A_404, %sub3A_406, %div3A_385 : i32
      %jit3A_408 = arith.constant 2048 : i32
      %eq3A_409 = arith.constant 0 : i32
      %eq3A_410 = arith.cmpi eq, %jit3A_408, %eq3A_409 : i32
      %jit3A_411 = arith.constant 1 : i32
      %select_n3A_412 = arith.select %eq3A_410, %jit3A_411, %jit3A_408 : i32
      %rem3A_413 = arith.remsi %select_n3A_383, %select_n3A_412 : i32
      %ne3A_414 = arith.constant 0 : i32
      %ne3A_415 = arith.cmpi ne, %rem3A_413, %ne3A_414 : i32
      %lt3A_416 = arith.constant 0 : i32
      %lt3A_417 = arith.cmpi slt, %rem3A_413, %lt3A_416 : i32
      %lt3A_418 = arith.constant 0 : i32
      %lt3A_419 = arith.cmpi slt, %select_n3A_412, %lt3A_418 : i32
      %ne3A_420 = arith.xori %lt3A_417, %lt3A_419 : i1
      %and3A_421 = arith.andi %ne3A_420, %ne3A_415 : i1
      %add3A_422 = arith.addi %rem3A_413, %select_n3A_412 : i32
      %select_n3A_423 = arith.select %and3A_421, %add3A_422, %rem3A_413 : i32
      %mul3A_424 = arith.constant 2048 : i32
      %mul3A_425 = arith.muli %sub3A_367, %mul3A_424 : i32
      %add3A_426 = arith.addi %mul3A_425, %select_n3A_423 : i32
      %multiple_of3A_427 = tpu.assume_multiple %add3A_426, 256 : i32
      %mul3A_428 = arith.constant 64 : i32
      %mul3A_429 = arith.muli %select_n3A_407, %mul3A_428 : i32
      %multiple_of3A_430 = tpu.assume_multiple %mul3A_429, 64 : i32
      %dma_start3A_431 = tpu.memref_slice %arg4[%multiple_of3A_427, %multiple_of3A_430] : memref<102400x128xf32, #tpu.memory_space<hbm>> -> memref<256x64xf32, #tpu.memory_space<hbm>>
      %dma_start3A_432 = tpu.memref_slice %arg4[%multiple_of3A_427, %multiple_of3A_430] : memref<102400x128xf32, #tpu.memory_space<hbm>> -> memref<256x64xf32, #tpu.memory_space<hbm>>
      tpu.enqueue_dma source(%arg9 : memref<256x64xf32, #tpu.memory_space<vmem>>) target(%dma_start3A_432 : memref<256x64xf32, #tpu.memory_space<hbm>>) target_semaphore(%arg19 : memref<!tpu.dma_semaphore, #tpu.memory_space<semaphore_mem>>)
      %add3A_433 = arith.constant 4 : i32
      %add3A_434 = arith.addi %mul3A_36, %add3A_433 : i32
      %mul3A_435 = arith.constant 256 : i32
      %mul3A_436 = arith.muli %add3A_434, %mul3A_435 : i32
      %dma_wait3A_437 = tpu.memref_slice %arg5[%mul3A_436] : memref<6400xi32, #tpu.memory_space<vmem>> -> memref<256xi32, #tpu.memory_space<vmem>>
      %dma_wait3A_438 = arith.constant 0 : i32
      %dma_wait3A_439 = arith.constant 0 : i32
      %dma_wait3A_440 = tpu.memref_slice %arg3[%dma_wait3A_438, %dma_wait3A_439] : memref<100000x64xf32, #tpu.memory_space<hbm>> -> memref<100000x64xf32, #tpu.memory_space<hbm>>
      tpu.wait_indirect_dma semaphore(%arg15 : memref<!tpu.dma_semaphore, #tpu.memory_space<semaphore_mem>>) src(%dma_wait3A_440 : memref<100000x64xf32, #tpu.memory_space<hbm>>) dst(%arg10 : memref<256x64xf32, #tpu.memory_space<vmem>>)
      %mul3A_441 = arith.constant 256 : i32
      %mul3A_442 = arith.muli %add3A_434, %mul3A_441 : i32
      %add3A_443 = arith.addi %add3A_4, %mul3A_442 : i32
      %jit3A_444 = arith.constant 4096 : i32
      %div3A_445 = arith.divsi %add3A_443, %jit3A_444 : i32
      %sign3A_446 = arith.constant 0 : i32
      %sign3A_447 = arith.cmpi sgt, %add3A_443, %sign3A_446 : i32
      %sign3A_448 = arith.extui %sign3A_447 : i1 to i32
      %sign3A_449 = arith.constant 0 : i32
      %sign3A_450 = arith.cmpi slt, %add3A_443, %sign3A_449 : i32
      %sign3A_451 = arith.extui %sign3A_450 : i1 to i32
      %sign3A_452 = arith.subi %sign3A_448, %sign3A_451 : i32
      %sign3A_453 = arith.constant 0 : i32
      %sign3A_454 = arith.cmpi sgt, %jit3A_444, %sign3A_453 : i32
      %sign3A_455 = arith.extui %sign3A_454 : i1 to i32
      %sign3A_456 = arith.constant 0 : i32
      %sign3A_457 = arith.cmpi slt, %jit3A_444, %sign3A_456 : i32
      %sign3A_458 = arith.extui %sign3A_457 : i1 to i32
      %sign3A_459 = arith.subi %sign3A_455, %sign3A_458 : i32
      %ne3A_460 = arith.cmpi ne, %sign3A_452, %sign3A_459 : i32
      %rem3A_461 = arith.remsi %add3A_443, %jit3A_444 : i32
      %ne3A_462 = arith.constant 0 : i32
      %ne3A_463 = arith.cmpi ne, %rem3A_461, %ne3A_462 : i32
      %and3A_464 = arith.andi %ne3A_460, %ne3A_463 : i1
      %sub3A_465 = arith.constant 1 : i32
      %sub3A_466 = arith.subi %div3A_445, %sub3A_465 : i32
      %select_n3A_467 = arith.select %and3A_464, %sub3A_466, %div3A_445 : i32
      %sub3A_468 = arith.constant 0 : i32
      %sub3A_469 = arith.subi %select_n3A_467, %sub3A_468 : i32
      %jit3A_470 = arith.constant 4096 : i32
      %eq3A_471 = arith.constant 0 : i32
      %eq3A_472 = arith.cmpi eq, %jit3A_470, %eq3A_471 : i32
      %jit3A_473 = arith.constant 1 : i32
      %select_n3A_474 = arith.select %eq3A_472, %jit3A_473, %jit3A_470 : i32
      %rem3A_475 = arith.remsi %add3A_443, %select_n3A_474 : i32
      %ne3A_476 = arith.constant 0 : i32
      %ne3A_477 = arith.cmpi ne, %rem3A_475, %ne3A_476 : i32
      %lt3A_478 = arith.constant 0 : i32
      %lt3A_479 = arith.cmpi slt, %rem3A_475, %lt3A_478 : i32
      %lt3A_480 = arith.constant 0 : i32
      %lt3A_481 = arith.cmpi slt, %select_n3A_474, %lt3A_480 : i32
      %ne3A_482 = arith.xori %lt3A_479, %lt3A_481 : i1
      %and3A_483 = arith.andi %ne3A_482, %ne3A_477 : i1
      %add3A_484 = arith.addi %rem3A_475, %select_n3A_474 : i32
      %select_n3A_485 = arith.select %and3A_483, %add3A_484, %rem3A_475 : i32
      %jit3A_486 = arith.constant 2048 : i32
      %div3A_487 = arith.divsi %select_n3A_485, %jit3A_486 : i32
      %sign3A_488 = arith.constant 0 : i32
      %sign3A_489 = arith.cmpi sgt, %select_n3A_485, %sign3A_488 : i32
      %sign3A_490 = arith.extui %sign3A_489 : i1 to i32
      %sign3A_491 = arith.constant 0 : i32
      %sign3A_492 = arith.cmpi slt, %select_n3A_485, %sign3A_491 : i32
      %sign3A_493 = arith.extui %sign3A_492 : i1 to i32
      %sign3A_494 = arith.subi %sign3A_490, %sign3A_493 : i32
      %sign3A_495 = arith.constant 0 : i32
      %sign3A_496 = arith.cmpi sgt, %jit3A_486, %sign3A_495 : i32
      %sign3A_497 = arith.extui %sign3A_496 : i1 to i32
      %sign3A_498 = arith.constant 0 : i32
      %sign3A_499 = arith.cmpi slt, %jit3A_486, %sign3A_498 : i32
      %sign3A_500 = arith.extui %sign3A_499 : i1 to i32
      %sign3A_501 = arith.subi %sign3A_497, %sign3A_500 : i32
      %ne3A_502 = arith.cmpi ne, %sign3A_494, %sign3A_501 : i32
      %rem3A_503 = arith.remsi %select_n3A_485, %jit3A_486 : i32
      %ne3A_504 = arith.constant 0 : i32
      %ne3A_505 = arith.cmpi ne, %rem3A_503, %ne3A_504 : i32
      %and3A_506 = arith.andi %ne3A_502, %ne3A_505 : i1
      %sub3A_507 = arith.constant 1 : i32
      %sub3A_508 = arith.subi %div3A_487, %sub3A_507 : i32
      %select_n3A_509 = arith.select %and3A_506, %sub3A_508, %div3A_487 : i32
      %jit3A_510 = arith.constant 2048 : i32
      %eq3A_511 = arith.constant 0 : i32
      %eq3A_512 = arith.cmpi eq, %jit3A_510, %eq3A_511 : i32
      %jit3A_513 = arith.constant 1 : i32
      %select_n3A_514 = arith.select %eq3A_512, %jit3A_513, %jit3A_510 : i32
      %rem3A_515 = arith.remsi %select_n3A_485, %select_n3A_514 : i32
      %ne3A_516 = arith.constant 0 : i32
      %ne3A_517 = arith.cmpi ne, %rem3A_515, %ne3A_516 : i32
      %lt3A_518 = arith.constant 0 : i32
      %lt3A_519 = arith.cmpi slt, %rem3A_515, %lt3A_518 : i32
      %lt3A_520 = arith.constant 0 : i32
      %lt3A_521 = arith.cmpi slt, %select_n3A_514, %lt3A_520 : i32
      %ne3A_522 = arith.xori %lt3A_519, %lt3A_521 : i1
      %and3A_523 = arith.andi %ne3A_522, %ne3A_517 : i1
      %add3A_524 = arith.addi %rem3A_515, %select_n3A_514 : i32
      %select_n3A_525 = arith.select %and3A_523, %add3A_524, %rem3A_515 : i32
      %mul3A_526 = arith.constant 2048 : i32
      %mul3A_527 = arith.muli %sub3A_469, %mul3A_526 : i32
      %add3A_528 = arith.addi %mul3A_527, %select_n3A_525 : i32
      %multiple_of3A_529 = tpu.assume_multiple %add3A_528, 256 : i32
      %mul3A_530 = arith.constant 64 : i32
      %mul3A_531 = arith.muli %select_n3A_509, %mul3A_530 : i32
      %multiple_of3A_532 = tpu.assume_multiple %mul3A_531, 64 : i32
      %dma_start3A_533 = tpu.memref_slice %arg4[%multiple_of3A_529, %multiple_of3A_532] : memref<102400x128xf32, #tpu.memory_space<hbm>> -> memref<256x64xf32, #tpu.memory_space<hbm>>
      %dma_start3A_534 = tpu.memref_slice %arg4[%multiple_of3A_529, %multiple_of3A_532] : memref<102400x128xf32, #tpu.memory_space<hbm>> -> memref<256x64xf32, #tpu.memory_space<hbm>>
      tpu.enqueue_dma source(%arg10 : memref<256x64xf32, #tpu.memory_space<vmem>>) target(%dma_start3A_534 : memref<256x64xf32, #tpu.memory_space<hbm>>) target_semaphore(%arg20 : memref<!tpu.dma_semaphore, #tpu.memory_space<semaphore_mem>>)
      %add3A_535 = arith.constant 0 : i32
      %add3A_536 = arith.addi %mul3A_36, %add3A_535 : i32
      %mul3A_537 = arith.constant 256 : i32
      %mul3A_538 = arith.muli %add3A_536, %mul3A_537 : i32
      %add3A_539 = arith.addi %add3A_4, %mul3A_538 : i32
      %jit3A_540 = arith.constant 4096 : i32
      %div3A_541 = arith.divsi %add3A_539, %jit3A_540 : i32
      %sign3A_542 = arith.constant 0 : i32
      %sign3A_543 = arith.cmpi sgt, %add3A_539, %sign3A_542 : i32
      %sign3A_544 = arith.extui %sign3A_543 : i1 to i32
      %sign3A_545 = arith.constant 0 : i32
      %sign3A_546 = arith.cmpi slt, %add3A_539, %sign3A_545 : i32
      %sign3A_547 = arith.extui %sign3A_546 : i1 to i32
      %sign3A_548 = arith.subi %sign3A_544, %sign3A_547 : i32
      %sign3A_549 = arith.constant 0 : i32
      %sign3A_550 = arith.cmpi sgt, %jit3A_540, %sign3A_549 : i32
      %sign3A_551 = arith.extui %sign3A_550 : i1 to i32
      %sign3A_552 = arith.constant 0 : i32
      %sign3A_553 = arith.cmpi slt, %jit3A_540, %sign3A_552 : i32
      %sign3A_554 = arith.extui %sign3A_553 : i1 to i32
      %sign3A_555 = arith.subi %sign3A_551, %sign3A_554 : i32
      %ne3A_556 = arith.cmpi ne, %sign3A_548, %sign3A_555 : i32
      %rem3A_557 = arith.remsi %add3A_539, %jit3A_540 : i32
      %ne3A_558 = arith.constant 0 : i32
      %ne3A_559 = arith.cmpi ne, %rem3A_557, %ne3A_558 : i32
      %and3A_560 = arith.andi %ne3A_556, %ne3A_559 : i1
      %sub3A_561 = arith.constant 1 : i32
      %sub3A_562 = arith.subi %div3A_541, %sub3A_561 : i32
      %select_n3A_563 = arith.select %and3A_560, %sub3A_562, %div3A_541 : i32
      %sub3A_564 = arith.constant 0 : i32
      %sub3A_565 = arith.subi %select_n3A_563, %sub3A_564 : i32
      %jit3A_566 = arith.constant 4096 : i32
      %eq3A_567 = arith.constant 0 : i32
      %eq3A_568 = arith.cmpi eq, %jit3A_566, %eq3A_567 : i32
      %jit3A_569 = arith.constant 1 : i32
      %select_n3A_570 = arith.select %eq3A_568, %jit3A_569, %jit3A_566 : i32
      %rem3A_571 = arith.remsi %add3A_539, %select_n3A_570 : i32
      %ne3A_572 = arith.constant 0 : i32
      %ne3A_573 = arith.cmpi ne, %rem3A_571, %ne3A_572 : i32
      %lt3A_574 = arith.constant 0 : i32
      %lt3A_575 = arith.cmpi slt, %rem3A_571, %lt3A_574 : i32
      %lt3A_576 = arith.constant 0 : i32
      %lt3A_577 = arith.cmpi slt, %select_n3A_570, %lt3A_576 : i32
      %ne3A_578 = arith.xori %lt3A_575, %lt3A_577 : i1
      %and3A_579 = arith.andi %ne3A_578, %ne3A_573 : i1
      %add3A_580 = arith.addi %rem3A_571, %select_n3A_570 : i32
      %select_n3A_581 = arith.select %and3A_579, %add3A_580, %rem3A_571 : i32
      %jit3A_582 = arith.constant 2048 : i32
      %div3A_583 = arith.divsi %select_n3A_581, %jit3A_582 : i32
      %sign3A_584 = arith.constant 0 : i32
      %sign3A_585 = arith.cmpi sgt, %select_n3A_581, %sign3A_584 : i32
      %sign3A_586 = arith.extui %sign3A_585 : i1 to i32
      %sign3A_587 = arith.constant 0 : i32
      %sign3A_588 = arith.cmpi slt, %select_n3A_581, %sign3A_587 : i32
      %sign3A_589 = arith.extui %sign3A_588 : i1 to i32
      %sign3A_590 = arith.subi %sign3A_586, %sign3A_589 : i32
      %sign3A_591 = arith.constant 0 : i32
      %sign3A_592 = arith.cmpi sgt, %jit3A_582, %sign3A_591 : i32
      %sign3A_593 = arith.extui %sign3A_592 : i1 to i32
      %sign3A_594 = arith.constant 0 : i32
      %sign3A_595 = arith.cmpi slt, %jit3A_582, %sign3A_594 : i32
      %sign3A_596 = arith.extui %sign3A_595 : i1 to i32
      %sign3A_597 = arith.subi %sign3A_593, %sign3A_596 : i32
      %ne3A_598 = arith.cmpi ne, %sign3A_590, %sign3A_597 : i32
      %rem3A_599 = arith.remsi %select_n3A_581, %jit3A_582 : i32
      %ne3A_600 = arith.constant 0 : i32
      %ne3A_601 = arith.cmpi ne, %rem3A_599, %ne3A_600 : i32
      %and3A_602 = arith.andi %ne3A_598, %ne3A_601 : i1
      %sub3A_603 = arith.constant 1 : i32
      %sub3A_604 = arith.subi %div3A_583, %sub3A_603 : i32
      %select_n3A_605 = arith.select %and3A_602, %sub3A_604, %div3A_583 : i32
      %jit3A_606 = arith.constant 2048 : i32
      %eq3A_607 = arith.constant 0 : i32
      %eq3A_608 = arith.cmpi eq, %jit3A_606, %eq3A_607 : i32
      %jit3A_609 = arith.constant 1 : i32
      %select_n3A_610 = arith.select %eq3A_608, %jit3A_609, %jit3A_606 : i32
      %rem3A_611 = arith.remsi %select_n3A_581, %select_n3A_610 : i32
      %ne3A_612 = arith.constant 0 : i32
      %ne3A_613 = arith.cmpi ne, %rem3A_611, %ne3A_612 : i32
      %lt3A_614 = arith.constant 0 : i32
      %lt3A_615 = arith.cmpi slt, %rem3A_611, %lt3A_614 : i32
      %lt3A_616 = arith.constant 0 : i32
      %lt3A_617 = arith.cmpi slt, %select_n3A_610, %lt3A_616 : i32
      %ne3A_618 = arith.xori %lt3A_615, %lt3A_617 : i1
      %and3A_619 = arith.andi %ne3A_618, %ne3A_613 : i1
      %add3A_620 = arith.addi %rem3A_611, %select_n3A_610 : i32
      %select_n3A_621 = arith.select %and3A_619, %add3A_620, %rem3A_611 : i32
      %mul3A_622 = arith.constant 2048 : i32
      %mul3A_623 = arith.muli %sub3A_565, %mul3A_622 : i32
      %add3A_624 = arith.addi %mul3A_623, %select_n3A_621 : i32
      %multiple_of3A_625 = tpu.assume_multiple %add3A_624, 256 : i32
      %mul3A_626 = arith.constant 64 : i32
      %mul3A_627 = arith.muli %select_n3A_605, %mul3A_626 : i32
      %multiple_of3A_628 = tpu.assume_multiple %mul3A_627, 64 : i32
      %dma_wait3A_629 = tpu.memref_slice %arg4[%multiple_of3A_625, %multiple_of3A_628] : memref<102400x128xf32, #tpu.memory_space<hbm>> -> memref<256x64xf32, #tpu.memory_space<hbm>>
      %dma_wait3A_630 = tpu.memref_slice %arg4[%multiple_of3A_625, %multiple_of3A_628] : memref<102400x128xf32, #tpu.memory_space<hbm>> -> memref<256x64xf32, #tpu.memory_space<hbm>>
      tpu.wait_dma2 semaphore(%arg16 : memref<!tpu.dma_semaphore, #tpu.memory_space<semaphore_mem>>) src(%arg6 : memref<256x64xf32, #tpu.memory_space<vmem>>) dst(%dma_wait3A_630 : memref<256x64xf32, #tpu.memory_space<hbm>>)
      %add3A_631 = arith.constant 5 : i32
      %add3A_632 = arith.addi %add3A_536, %add3A_631 : i32
      %lt3A_633 = arith.constant 25 : i32
      %lt3A_634 = arith.cmpi slt, %add3A_632, %lt3A_633 : i32
      %convert_element_type3A = arith.extui %lt3A_634 : i1 to i32
      %cond3A = arith.constant 0 : i32
      %cond3A_635 = arith.cmpi ne, %convert_element_type3A, %cond3A : i32
      scf.if %cond3A_635 {
        %add3A_1048 = arith.constant 5 : i32
        %add3A_1049 = arith.addi %add3A_536, %add3A_1048 : i32
        %mul3A_1050 = arith.constant 256 : i32
        %mul3A_1051 = arith.muli %add3A_1049, %mul3A_1050 : i32
        %dma_start3A_1052 = tpu.memref_slice %arg5[%mul3A_1051] : memref<6400xi32, #tpu.memory_space<vmem>> -> memref<256xi32, #tpu.memory_space<vmem>>
        %dma_start3A_1053 = arith.constant 0 : i32
        %dma_start3A_1054 = arith.constant 0 : i32
        %dma_start3A_1055 = tpu.memref_slice %arg3[%dma_start3A_1053, %dma_start3A_1054] : memref<100000x64xf32, #tpu.memory_space<hbm>> -> memref<100000x64xf32, #tpu.memory_space<hbm>>
        tpu.enqueue_indirect_dma source(%dma_start3A_1055 : memref<100000x64xf32, #tpu.memory_space<hbm>>) target(%arg6 : memref<256x64xf32, #tpu.memory_space<vmem>>) offsets(%dma_start3A_1052 : memref<256xi32, #tpu.memory_space<vmem>>) semaphore(%arg11 : memref<!tpu.dma_semaphore, #tpu.memory_space<semaphore_mem>>)
      } else {
      }
      %add3A_636 = arith.constant 1 : i32
      %add3A_637 = arith.addi %mul3A_36, %add3A_636 : i32
      %mul3A_638 = arith.constant 256 : i32
      %mul3A_639 = arith.muli %add3A_637, %mul3A_638 : i32
      %add3A_640 = arith.addi %add3A_4, %mul3A_639 : i32
      %jit3A_641 = arith.constant 4096 : i32
      %div3A_642 = arith.divsi %add3A_640, %jit3A_641 : i32
      %sign3A_643 = arith.constant 0 : i32
      %sign3A_644 = arith.cmpi sgt, %add3A_640, %sign3A_643 : i32
      %sign3A_645 = arith.extui %sign3A_644 : i1 to i32
      %sign3A_646 = arith.constant 0 : i32
      %sign3A_647 = arith.cmpi slt, %add3A_640, %sign3A_646 : i32
      %sign3A_648 = arith.extui %sign3A_647 : i1 to i32
      %sign3A_649 = arith.subi %sign3A_645, %sign3A_648 : i32
      %sign3A_650 = arith.constant 0 : i32
      %sign3A_651 = arith.cmpi sgt, %jit3A_641, %sign3A_650 : i32
      %sign3A_652 = arith.extui %sign3A_651 : i1 to i32
      %sign3A_653 = arith.constant 0 : i32
      %sign3A_654 = arith.cmpi slt, %jit3A_641, %sign3A_653 : i32
      %sign3A_655 = arith.extui %sign3A_654 : i1 to i32
      %sign3A_656 = arith.subi %sign3A_652, %sign3A_655 : i32
      %ne3A_657 = arith.cmpi ne, %sign3A_649, %sign3A_656 : i32
      %rem3A_658 = arith.remsi %add3A_640, %jit3A_641 : i32
      %ne3A_659 = arith.constant 0 : i32
      %ne3A_660 = arith.cmpi ne, %rem3A_658, %ne3A_659 : i32
      %and3A_661 = arith.andi %ne3A_657, %ne3A_660 : i1
      %sub3A_662 = arith.constant 1 : i32
      %sub3A_663 = arith.subi %div3A_642, %sub3A_662 : i32
      %select_n3A_664 = arith.select %and3A_661, %sub3A_663, %div3A_642 : i32
      %sub3A_665 = arith.constant 0 : i32
      %sub3A_666 = arith.subi %select_n3A_664, %sub3A_665 : i32
      %jit3A_667 = arith.constant 4096 : i32
      %eq3A_668 = arith.constant 0 : i32
      %eq3A_669 = arith.cmpi eq, %jit3A_667, %eq3A_668 : i32
      %jit3A_670 = arith.constant 1 : i32
      %select_n3A_671 = arith.select %eq3A_669, %jit3A_670, %jit3A_667 : i32
      %rem3A_672 = arith.remsi %add3A_640, %select_n3A_671 : i32
      %ne3A_673 = arith.constant 0 : i32
      %ne3A_674 = arith.cmpi ne, %rem3A_672, %ne3A_673 : i32
      %lt3A_675 = arith.constant 0 : i32
      %lt3A_676 = arith.cmpi slt, %rem3A_672, %lt3A_675 : i32
      %lt3A_677 = arith.constant 0 : i32
      %lt3A_678 = arith.cmpi slt, %select_n3A_671, %lt3A_677 : i32
      %ne3A_679 = arith.xori %lt3A_676, %lt3A_678 : i1
      %and3A_680 = arith.andi %ne3A_679, %ne3A_674 : i1
      %add3A_681 = arith.addi %rem3A_672, %select_n3A_671 : i32
      %select_n3A_682 = arith.select %and3A_680, %add3A_681, %rem3A_672 : i32
      %jit3A_683 = arith.constant 2048 : i32
      %div3A_684 = arith.divsi %select_n3A_682, %jit3A_683 : i32
      %sign3A_685 = arith.constant 0 : i32
      %sign3A_686 = arith.cmpi sgt, %select_n3A_682, %sign3A_685 : i32
      %sign3A_687 = arith.extui %sign3A_686 : i1 to i32
      %sign3A_688 = arith.constant 0 : i32
      %sign3A_689 = arith.cmpi slt, %select_n3A_682, %sign3A_688 : i32
      %sign3A_690 = arith.extui %sign3A_689 : i1 to i32
      %sign3A_691 = arith.subi %sign3A_687, %sign3A_690 : i32
      %sign3A_692 = arith.constant 0 : i32
      %sign3A_693 = arith.cmpi sgt, %jit3A_683, %sign3A_692 : i32
      %sign3A_694 = arith.extui %sign3A_693 : i1 to i32
      %sign3A_695 = arith.constant 0 : i32
      %sign3A_696 = arith.cmpi slt, %jit3A_683, %sign3A_695 : i32
      %sign3A_697 = arith.extui %sign3A_696 : i1 to i32
      %sign3A_698 = arith.subi %sign3A_694, %sign3A_697 : i32
      %ne3A_699 = arith.cmpi ne, %sign3A_691, %sign3A_698 : i32
      %rem3A_700 = arith.remsi %select_n3A_682, %jit3A_683 : i32
      %ne3A_701 = arith.constant 0 : i32
      %ne3A_702 = arith.cmpi ne, %rem3A_700, %ne3A_701 : i32
      %and3A_703 = arith.andi %ne3A_699, %ne3A_702 : i1
      %sub3A_704 = arith.constant 1 : i32
      %sub3A_705 = arith.subi %div3A_684, %sub3A_704 : i32
      %select_n3A_706 = arith.select %and3A_703, %sub3A_705, %div3A_684 : i32
      %jit3A_707 = arith.constant 2048 : i32
      %eq3A_708 = arith.constant 0 : i32
      %eq3A_709 = arith.cmpi eq, %jit3A_707, %eq3A_708 : i32
      %jit3A_710 = arith.constant 1 : i32
      %select_n3A_711 = arith.select %eq3A_709, %jit3A_710, %jit3A_707 : i32
      %rem3A_712 = arith.remsi %select_n3A_682, %select_n3A_711 : i32
      %ne3A_713 = arith.constant 0 : i32
      %ne3A_714 = arith.cmpi ne, %rem3A_712, %ne3A_713 : i32
      %lt3A_715 = arith.constant 0 : i32
      %lt3A_716 = arith.cmpi slt, %rem3A_712, %lt3A_715 : i32
      %lt3A_717 = arith.constant 0 : i32
      %lt3A_718 = arith.cmpi slt, %select_n3A_711, %lt3A_717 : i32
      %ne3A_719 = arith.xori %lt3A_716, %lt3A_718 : i1
      %and3A_720 = arith.andi %ne3A_719, %ne3A_714 : i1
      %add3A_721 = arith.addi %rem3A_712, %select_n3A_711 : i32
      %select_n3A_722 = arith.select %and3A_720, %add3A_721, %rem3A_712 : i32
      %mul3A_723 = arith.constant 2048 : i32
      %mul3A_724 = arith.muli %sub3A_666, %mul3A_723 : i32
      %add3A_725 = arith.addi %mul3A_724, %select_n3A_722 : i32
      %multiple_of3A_726 = tpu.assume_multiple %add3A_725, 256 : i32
      %mul3A_727 = arith.constant 64 : i32
      %mul3A_728 = arith.muli %select_n3A_706, %mul3A_727 : i32
      %multiple_of3A_729 = tpu.assume_multiple %mul3A_728, 64 : i32
      %dma_wait3A_730 = tpu.memref_slice %arg4[%multiple_of3A_726, %multiple_of3A_729] : memref<102400x128xf32, #tpu.memory_space<hbm>> -> memref<256x64xf32, #tpu.memory_space<hbm>>
      %dma_wait3A_731 = tpu.memref_slice %arg4[%multiple_of3A_726, %multiple_of3A_729] : memref<102400x128xf32, #tpu.memory_space<hbm>> -> memref<256x64xf32, #tpu.memory_space<hbm>>
      tpu.wait_dma2 semaphore(%arg17 : memref<!tpu.dma_semaphore, #tpu.memory_space<semaphore_mem>>) src(%arg7 : memref<256x64xf32, #tpu.memory_space<vmem>>) dst(%dma_wait3A_731 : memref<256x64xf32, #tpu.memory_space<hbm>>)
      %add3A_732 = arith.constant 5 : i32
      %add3A_733 = arith.addi %add3A_637, %add3A_732 : i32
      %lt3A_734 = arith.constant 25 : i32
      %lt3A_735 = arith.cmpi slt, %add3A_733, %lt3A_734 : i32
      %convert_element_type3A_736 = arith.extui %lt3A_735 : i1 to i32
      %cond3A_737 = arith.constant 0 : i32
      %cond3A_738 = arith.cmpi ne, %convert_element_type3A_736, %cond3A_737 : i32
      scf.if %cond3A_738 {
        %add3A_1048 = arith.constant 5 : i32
        %add3A_1049 = arith.addi %add3A_637, %add3A_1048 : i32
        %mul3A_1050 = arith.constant 256 : i32
        %mul3A_1051 = arith.muli %add3A_1049, %mul3A_1050 : i32
        %dma_start3A_1052 = tpu.memref_slice %arg5[%mul3A_1051] : memref<6400xi32, #tpu.memory_space<vmem>> -> memref<256xi32, #tpu.memory_space<vmem>>
        %dma_start3A_1053 = arith.constant 0 : i32
        %dma_start3A_1054 = arith.constant 0 : i32
        %dma_start3A_1055 = tpu.memref_slice %arg3[%dma_start3A_1053, %dma_start3A_1054] : memref<100000x64xf32, #tpu.memory_space<hbm>> -> memref<100000x64xf32, #tpu.memory_space<hbm>>
        tpu.enqueue_indirect_dma source(%dma_start3A_1055 : memref<100000x64xf32, #tpu.memory_space<hbm>>) target(%arg7 : memref<256x64xf32, #tpu.memory_space<vmem>>) offsets(%dma_start3A_1052 : memref<256xi32, #tpu.memory_space<vmem>>) semaphore(%arg12 : memref<!tpu.dma_semaphore, #tpu.memory_space<semaphore_mem>>)
      } else {
      }
      %add3A_739 = arith.constant 2 : i32
      %add3A_740 = arith.addi %mul3A_36, %add3A_739 : i32
      %mul3A_741 = arith.constant 256 : i32
      %mul3A_742 = arith.muli %add3A_740, %mul3A_741 : i32
      %add3A_743 = arith.addi %add3A_4, %mul3A_742 : i32
      %jit3A_744 = arith.constant 4096 : i32
      %div3A_745 = arith.divsi %add3A_743, %jit3A_744 : i32
      %sign3A_746 = arith.constant 0 : i32
      %sign3A_747 = arith.cmpi sgt, %add3A_743, %sign3A_746 : i32
      %sign3A_748 = arith.extui %sign3A_747 : i1 to i32
      %sign3A_749 = arith.constant 0 : i32
      %sign3A_750 = arith.cmpi slt, %add3A_743, %sign3A_749 : i32
      %sign3A_751 = arith.extui %sign3A_750 : i1 to i32
      %sign3A_752 = arith.subi %sign3A_748, %sign3A_751 : i32
      %sign3A_753 = arith.constant 0 : i32
      %sign3A_754 = arith.cmpi sgt, %jit3A_744, %sign3A_753 : i32
      %sign3A_755 = arith.extui %sign3A_754 : i1 to i32
      %sign3A_756 = arith.constant 0 : i32
      %sign3A_757 = arith.cmpi slt, %jit3A_744, %sign3A_756 : i32
      %sign3A_758 = arith.extui %sign3A_757 : i1 to i32
      %sign3A_759 = arith.subi %sign3A_755, %sign3A_758 : i32
      %ne3A_760 = arith.cmpi ne, %sign3A_752, %sign3A_759 : i32
      %rem3A_761 = arith.remsi %add3A_743, %jit3A_744 : i32
      %ne3A_762 = arith.constant 0 : i32
      %ne3A_763 = arith.cmpi ne, %rem3A_761, %ne3A_762 : i32
      %and3A_764 = arith.andi %ne3A_760, %ne3A_763 : i1
      %sub3A_765 = arith.constant 1 : i32
      %sub3A_766 = arith.subi %div3A_745, %sub3A_765 : i32
      %select_n3A_767 = arith.select %and3A_764, %sub3A_766, %div3A_745 : i32
      %sub3A_768 = arith.constant 0 : i32
      %sub3A_769 = arith.subi %select_n3A_767, %sub3A_768 : i32
      %jit3A_770 = arith.constant 4096 : i32
      %eq3A_771 = arith.constant 0 : i32
      %eq3A_772 = arith.cmpi eq, %jit3A_770, %eq3A_771 : i32
      %jit3A_773 = arith.constant 1 : i32
      %select_n3A_774 = arith.select %eq3A_772, %jit3A_773, %jit3A_770 : i32
      %rem3A_775 = arith.remsi %add3A_743, %select_n3A_774 : i32
      %ne3A_776 = arith.constant 0 : i32
      %ne3A_777 = arith.cmpi ne, %rem3A_775, %ne3A_776 : i32
      %lt3A_778 = arith.constant 0 : i32
      %lt3A_779 = arith.cmpi slt, %rem3A_775, %lt3A_778 : i32
      %lt3A_780 = arith.constant 0 : i32
      %lt3A_781 = arith.cmpi slt, %select_n3A_774, %lt3A_780 : i32
      %ne3A_782 = arith.xori %lt3A_779, %lt3A_781 : i1
      %and3A_783 = arith.andi %ne3A_782, %ne3A_777 : i1
      %add3A_784 = arith.addi %rem3A_775, %select_n3A_774 : i32
      %select_n3A_785 = arith.select %and3A_783, %add3A_784, %rem3A_775 : i32
      %jit3A_786 = arith.constant 2048 : i32
      %div3A_787 = arith.divsi %select_n3A_785, %jit3A_786 : i32
      %sign3A_788 = arith.constant 0 : i32
      %sign3A_789 = arith.cmpi sgt, %select_n3A_785, %sign3A_788 : i32
      %sign3A_790 = arith.extui %sign3A_789 : i1 to i32
      %sign3A_791 = arith.constant 0 : i32
      %sign3A_792 = arith.cmpi slt, %select_n3A_785, %sign3A_791 : i32
      %sign3A_793 = arith.extui %sign3A_792 : i1 to i32
      %sign3A_794 = arith.subi %sign3A_790, %sign3A_793 : i32
      %sign3A_795 = arith.constant 0 : i32
      %sign3A_796 = arith.cmpi sgt, %jit3A_786, %sign3A_795 : i32
      %sign3A_797 = arith.extui %sign3A_796 : i1 to i32
      %sign3A_798 = arith.constant 0 : i32
      %sign3A_799 = arith.cmpi slt, %jit3A_786, %sign3A_798 : i32
      %sign3A_800 = arith.extui %sign3A_799 : i1 to i32
      %sign3A_801 = arith.subi %sign3A_797, %sign3A_800 : i32
      %ne3A_802 = arith.cmpi ne, %sign3A_794, %sign3A_801 : i32
      %rem3A_803 = arith.remsi %select_n3A_785, %jit3A_786 : i32
      %ne3A_804 = arith.constant 0 : i32
      %ne3A_805 = arith.cmpi ne, %rem3A_803, %ne3A_804 : i32
      %and3A_806 = arith.andi %ne3A_802, %ne3A_805 : i1
      %sub3A_807 = arith.constant 1 : i32
      %sub3A_808 = arith.subi %div3A_787, %sub3A_807 : i32
      %select_n3A_809 = arith.select %and3A_806, %sub3A_808, %div3A_787 : i32
      %jit3A_810 = arith.constant 2048 : i32
      %eq3A_811 = arith.constant 0 : i32
      %eq3A_812 = arith.cmpi eq, %jit3A_810, %eq3A_811 : i32
      %jit3A_813 = arith.constant 1 : i32
      %select_n3A_814 = arith.select %eq3A_812, %jit3A_813, %jit3A_810 : i32
      %rem3A_815 = arith.remsi %select_n3A_785, %select_n3A_814 : i32
      %ne3A_816 = arith.constant 0 : i32
      %ne3A_817 = arith.cmpi ne, %rem3A_815, %ne3A_816 : i32
      %lt3A_818 = arith.constant 0 : i32
      %lt3A_819 = arith.cmpi slt, %rem3A_815, %lt3A_818 : i32
      %lt3A_820 = arith.constant 0 : i32
      %lt3A_821 = arith.cmpi slt, %select_n3A_814, %lt3A_820 : i32
      %ne3A_822 = arith.xori %lt3A_819, %lt3A_821 : i1
      %and3A_823 = arith.andi %ne3A_822, %ne3A_817 : i1
      %add3A_824 = arith.addi %rem3A_815, %select_n3A_814 : i32
      %select_n3A_825 = arith.select %and3A_823, %add3A_824, %rem3A_815 : i32
      %mul3A_826 = arith.constant 2048 : i32
      %mul3A_827 = arith.muli %sub3A_769, %mul3A_826 : i32
      %add3A_828 = arith.addi %mul3A_827, %select_n3A_825 : i32
      %multiple_of3A_829 = tpu.assume_multiple %add3A_828, 256 : i32
      %mul3A_830 = arith.constant 64 : i32
      %mul3A_831 = arith.muli %select_n3A_809, %mul3A_830 : i32
      %multiple_of3A_832 = tpu.assume_multiple %mul3A_831, 64 : i32
      %dma_wait3A_833 = tpu.memref_slice %arg4[%multiple_of3A_829, %multiple_of3A_832] : memref<102400x128xf32, #tpu.memory_space<hbm>> -> memref<256x64xf32, #tpu.memory_space<hbm>>
      %dma_wait3A_834 = tpu.memref_slice %arg4[%multiple_of3A_829, %multiple_of3A_832] : memref<102400x128xf32, #tpu.memory_space<hbm>> -> memref<256x64xf32, #tpu.memory_space<hbm>>
      tpu.wait_dma2 semaphore(%arg18 : memref<!tpu.dma_semaphore, #tpu.memory_space<semaphore_mem>>) src(%arg8 : memref<256x64xf32, #tpu.memory_space<vmem>>) dst(%dma_wait3A_834 : memref<256x64xf32, #tpu.memory_space<hbm>>)
      %add3A_835 = arith.constant 5 : i32
      %add3A_836 = arith.addi %add3A_740, %add3A_835 : i32
      %lt3A_837 = arith.constant 25 : i32
      %lt3A_838 = arith.cmpi slt, %add3A_836, %lt3A_837 : i32
      %convert_element_type3A_839 = arith.extui %lt3A_838 : i1 to i32
      %cond3A_840 = arith.constant 0 : i32
      %cond3A_841 = arith.cmpi ne, %convert_element_type3A_839, %cond3A_840 : i32
      scf.if %cond3A_841 {
        %add3A_1048 = arith.constant 5 : i32
        %add3A_1049 = arith.addi %add3A_740, %add3A_1048 : i32
        %mul3A_1050 = arith.constant 256 : i32
        %mul3A_1051 = arith.muli %add3A_1049, %mul3A_1050 : i32
        %dma_start3A_1052 = tpu.memref_slice %arg5[%mul3A_1051] : memref<6400xi32, #tpu.memory_space<vmem>> -> memref<256xi32, #tpu.memory_space<vmem>>
        %dma_start3A_1053 = arith.constant 0 : i32
        %dma_start3A_1054 = arith.constant 0 : i32
        %dma_start3A_1055 = tpu.memref_slice %arg3[%dma_start3A_1053, %dma_start3A_1054] : memref<100000x64xf32, #tpu.memory_space<hbm>> -> memref<100000x64xf32, #tpu.memory_space<hbm>>
        tpu.enqueue_indirect_dma source(%dma_start3A_1055 : memref<100000x64xf32, #tpu.memory_space<hbm>>) target(%arg8 : memref<256x64xf32, #tpu.memory_space<vmem>>) offsets(%dma_start3A_1052 : memref<256xi32, #tpu.memory_space<vmem>>) semaphore(%arg13 : memref<!tpu.dma_semaphore, #tpu.memory_space<semaphore_mem>>)
      } else {
      }
      %add3A_842 = arith.constant 3 : i32
      %add3A_843 = arith.addi %mul3A_36, %add3A_842 : i32
      %mul3A_844 = arith.constant 256 : i32
      %mul3A_845 = arith.muli %add3A_843, %mul3A_844 : i32
      %add3A_846 = arith.addi %add3A_4, %mul3A_845 : i32
      %jit3A_847 = arith.constant 4096 : i32
      %div3A_848 = arith.divsi %add3A_846, %jit3A_847 : i32
      %sign3A_849 = arith.constant 0 : i32
      %sign3A_850 = arith.cmpi sgt, %add3A_846, %sign3A_849 : i32
      %sign3A_851 = arith.extui %sign3A_850 : i1 to i32
      %sign3A_852 = arith.constant 0 : i32
      %sign3A_853 = arith.cmpi slt, %add3A_846, %sign3A_852 : i32
      %sign3A_854 = arith.extui %sign3A_853 : i1 to i32
      %sign3A_855 = arith.subi %sign3A_851, %sign3A_854 : i32
      %sign3A_856 = arith.constant 0 : i32
      %sign3A_857 = arith.cmpi sgt, %jit3A_847, %sign3A_856 : i32
      %sign3A_858 = arith.extui %sign3A_857 : i1 to i32
      %sign3A_859 = arith.constant 0 : i32
      %sign3A_860 = arith.cmpi slt, %jit3A_847, %sign3A_859 : i32
      %sign3A_861 = arith.extui %sign3A_860 : i1 to i32
      %sign3A_862 = arith.subi %sign3A_858, %sign3A_861 : i32
      %ne3A_863 = arith.cmpi ne, %sign3A_855, %sign3A_862 : i32
      %rem3A_864 = arith.remsi %add3A_846, %jit3A_847 : i32
      %ne3A_865 = arith.constant 0 : i32
      %ne3A_866 = arith.cmpi ne, %rem3A_864, %ne3A_865 : i32
      %and3A_867 = arith.andi %ne3A_863, %ne3A_866 : i1
      %sub3A_868 = arith.constant 1 : i32
      %sub3A_869 = arith.subi %div3A_848, %sub3A_868 : i32
      %select_n3A_870 = arith.select %and3A_867, %sub3A_869, %div3A_848 : i32
      %sub3A_871 = arith.constant 0 : i32
      %sub3A_872 = arith.subi %select_n3A_870, %sub3A_871 : i32
      %jit3A_873 = arith.constant 4096 : i32
      %eq3A_874 = arith.constant 0 : i32
      %eq3A_875 = arith.cmpi eq, %jit3A_873, %eq3A_874 : i32
      %jit3A_876 = arith.constant 1 : i32
      %select_n3A_877 = arith.select %eq3A_875, %jit3A_876, %jit3A_873 : i32
      %rem3A_878 = arith.remsi %add3A_846, %select_n3A_877 : i32
      %ne3A_879 = arith.constant 0 : i32
      %ne3A_880 = arith.cmpi ne, %rem3A_878, %ne3A_879 : i32
      %lt3A_881 = arith.constant 0 : i32
      %lt3A_882 = arith.cmpi slt, %rem3A_878, %lt3A_881 : i32
      %lt3A_883 = arith.constant 0 : i32
      %lt3A_884 = arith.cmpi slt, %select_n3A_877, %lt3A_883 : i32
      %ne3A_885 = arith.xori %lt3A_882, %lt3A_884 : i1
      %and3A_886 = arith.andi %ne3A_885, %ne3A_880 : i1
      %add3A_887 = arith.addi %rem3A_878, %select_n3A_877 : i32
      %select_n3A_888 = arith.select %and3A_886, %add3A_887, %rem3A_878 : i32
      %jit3A_889 = arith.constant 2048 : i32
      %div3A_890 = arith.divsi %select_n3A_888, %jit3A_889 : i32
      %sign3A_891 = arith.constant 0 : i32
      %sign3A_892 = arith.cmpi sgt, %select_n3A_888, %sign3A_891 : i32
      %sign3A_893 = arith.extui %sign3A_892 : i1 to i32
      %sign3A_894 = arith.constant 0 : i32
      %sign3A_895 = arith.cmpi slt, %select_n3A_888, %sign3A_894 : i32
      %sign3A_896 = arith.extui %sign3A_895 : i1 to i32
      %sign3A_897 = arith.subi %sign3A_893, %sign3A_896 : i32
      %sign3A_898 = arith.constant 0 : i32
      %sign3A_899 = arith.cmpi sgt, %jit3A_889, %sign3A_898 : i32
      %sign3A_900 = arith.extui %sign3A_899 : i1 to i32
      %sign3A_901 = arith.constant 0 : i32
      %sign3A_902 = arith.cmpi slt, %jit3A_889, %sign3A_901 : i32
      %sign3A_903 = arith.extui %sign3A_902 : i1 to i32
      %sign3A_904 = arith.subi %sign3A_900, %sign3A_903 : i32
      %ne3A_905 = arith.cmpi ne, %sign3A_897, %sign3A_904 : i32
      %rem3A_906 = arith.remsi %select_n3A_888, %jit3A_889 : i32
      %ne3A_907 = arith.constant 0 : i32
      %ne3A_908 = arith.cmpi ne, %rem3A_906, %ne3A_907 : i32
      %and3A_909 = arith.andi %ne3A_905, %ne3A_908 : i1
      %sub3A_910 = arith.constant 1 : i32
      %sub3A_911 = arith.subi %div3A_890, %sub3A_910 : i32
      %select_n3A_912 = arith.select %and3A_909, %sub3A_911, %div3A_890 : i32
      %jit3A_913 = arith.constant 2048 : i32
      %eq3A_914 = arith.constant 0 : i32
      %eq3A_915 = arith.cmpi eq, %jit3A_913, %eq3A_914 : i32
      %jit3A_916 = arith.constant 1 : i32
      %select_n3A_917 = arith.select %eq3A_915, %jit3A_916, %jit3A_913 : i32
      %rem3A_918 = arith.remsi %select_n3A_888, %select_n3A_917 : i32
      %ne3A_919 = arith.constant 0 : i32
      %ne3A_920 = arith.cmpi ne, %rem3A_918, %ne3A_919 : i32
      %lt3A_921 = arith.constant 0 : i32
      %lt3A_922 = arith.cmpi slt, %rem3A_918, %lt3A_921 : i32
      %lt3A_923 = arith.constant 0 : i32
      %lt3A_924 = arith.cmpi slt, %select_n3A_917, %lt3A_923 : i32
      %ne3A_925 = arith.xori %lt3A_922, %lt3A_924 : i1
      %and3A_926 = arith.andi %ne3A_925, %ne3A_920 : i1
      %add3A_927 = arith.addi %rem3A_918, %select_n3A_917 : i32
      %select_n3A_928 = arith.select %and3A_926, %add3A_927, %rem3A_918 : i32
      %mul3A_929 = arith.constant 2048 : i32
      %mul3A_930 = arith.muli %sub3A_872, %mul3A_929 : i32
      %add3A_931 = arith.addi %mul3A_930, %select_n3A_928 : i32
      %multiple_of3A_932 = tpu.assume_multiple %add3A_931, 256 : i32
      %mul3A_933 = arith.constant 64 : i32
      %mul3A_934 = arith.muli %select_n3A_912, %mul3A_933 : i32
      %multiple_of3A_935 = tpu.assume_multiple %mul3A_934, 64 : i32
      %dma_wait3A_936 = tpu.memref_slice %arg4[%multiple_of3A_932, %multiple_of3A_935] : memref<102400x128xf32, #tpu.memory_space<hbm>> -> memref<256x64xf32, #tpu.memory_space<hbm>>
      %dma_wait3A_937 = tpu.memref_slice %arg4[%multiple_of3A_932, %multiple_of3A_935] : memref<102400x128xf32, #tpu.memory_space<hbm>> -> memref<256x64xf32, #tpu.memory_space<hbm>>
      tpu.wait_dma2 semaphore(%arg19 : memref<!tpu.dma_semaphore, #tpu.memory_space<semaphore_mem>>) src(%arg9 : memref<256x64xf32, #tpu.memory_space<vmem>>) dst(%dma_wait3A_937 : memref<256x64xf32, #tpu.memory_space<hbm>>)
      %add3A_938 = arith.constant 5 : i32
      %add3A_939 = arith.addi %add3A_843, %add3A_938 : i32
      %lt3A_940 = arith.constant 25 : i32
      %lt3A_941 = arith.cmpi slt, %add3A_939, %lt3A_940 : i32
      %convert_element_type3A_942 = arith.extui %lt3A_941 : i1 to i32
      %cond3A_943 = arith.constant 0 : i32
      %cond3A_944 = arith.cmpi ne, %convert_element_type3A_942, %cond3A_943 : i32
      scf.if %cond3A_944 {
        %add3A_1048 = arith.constant 5 : i32
        %add3A_1049 = arith.addi %add3A_843, %add3A_1048 : i32
        %mul3A_1050 = arith.constant 256 : i32
        %mul3A_1051 = arith.muli %add3A_1049, %mul3A_1050 : i32
        %dma_start3A_1052 = tpu.memref_slice %arg5[%mul3A_1051] : memref<6400xi32, #tpu.memory_space<vmem>> -> memref<256xi32, #tpu.memory_space<vmem>>
        %dma_start3A_1053 = arith.constant 0 : i32
        %dma_start3A_1054 = arith.constant 0 : i32
        %dma_start3A_1055 = tpu.memref_slice %arg3[%dma_start3A_1053, %dma_start3A_1054] : memref<100000x64xf32, #tpu.memory_space<hbm>> -> memref<100000x64xf32, #tpu.memory_space<hbm>>
        tpu.enqueue_indirect_dma source(%dma_start3A_1055 : memref<100000x64xf32, #tpu.memory_space<hbm>>) target(%arg9 : memref<256x64xf32, #tpu.memory_space<vmem>>) offsets(%dma_start3A_1052 : memref<256xi32, #tpu.memory_space<vmem>>) semaphore(%arg14 : memref<!tpu.dma_semaphore, #tpu.memory_space<semaphore_mem>>)
      } else {
      }
      %add3A_945 = arith.constant 4 : i32
      %add3A_946 = arith.addi %mul3A_36, %add3A_945 : i32
      %mul3A_947 = arith.constant 256 : i32
      %mul3A_948 = arith.muli %add3A_946, %mul3A_947 : i32
      %add3A_949 = arith.addi %add3A_4, %mul3A_948 : i32
      %jit3A_950 = arith.constant 4096 : i32
      %div3A_951 = arith.divsi %add3A_949, %jit3A_950 : i32
      %sign3A_952 = arith.constant 0 : i32
      %sign3A_953 = arith.cmpi sgt, %add3A_949, %sign3A_952 : i32
      %sign3A_954 = arith.extui %sign3A_953 : i1 to i32
      %sign3A_955 = arith.constant 0 : i32
      %sign3A_956 = arith.cmpi slt, %add3A_949, %sign3A_955 : i32
      %sign3A_957 = arith.extui %sign3A_956 : i1 to i32
      %sign3A_958 = arith.subi %sign3A_954, %sign3A_957 : i32
      %sign3A_959 = arith.constant 0 : i32
      %sign3A_960 = arith.cmpi sgt, %jit3A_950, %sign3A_959 : i32
      %sign3A_961 = arith.extui %sign3A_960 : i1 to i32
      %sign3A_962 = arith.constant 0 : i32
      %sign3A_963 = arith.cmpi slt, %jit3A_950, %sign3A_962 : i32
      %sign3A_964 = arith.extui %sign3A_963 : i1 to i32
      %sign3A_965 = arith.subi %sign3A_961, %sign3A_964 : i32
      %ne3A_966 = arith.cmpi ne, %sign3A_958, %sign3A_965 : i32
      %rem3A_967 = arith.remsi %add3A_949, %jit3A_950 : i32
      %ne3A_968 = arith.constant 0 : i32
      %ne3A_969 = arith.cmpi ne, %rem3A_967, %ne3A_968 : i32
      %and3A_970 = arith.andi %ne3A_966, %ne3A_969 : i1
      %sub3A_971 = arith.constant 1 : i32
      %sub3A_972 = arith.subi %div3A_951, %sub3A_971 : i32
      %select_n3A_973 = arith.select %and3A_970, %sub3A_972, %div3A_951 : i32
      %sub3A_974 = arith.constant 0 : i32
      %sub3A_975 = arith.subi %select_n3A_973, %sub3A_974 : i32
      %jit3A_976 = arith.constant 4096 : i32
      %eq3A_977 = arith.constant 0 : i32
      %eq3A_978 = arith.cmpi eq, %jit3A_976, %eq3A_977 : i32
      %jit3A_979 = arith.constant 1 : i32
      %select_n3A_980 = arith.select %eq3A_978, %jit3A_979, %jit3A_976 : i32
      %rem3A_981 = arith.remsi %add3A_949, %select_n3A_980 : i32
      %ne3A_982 = arith.constant 0 : i32
      %ne3A_983 = arith.cmpi ne, %rem3A_981, %ne3A_982 : i32
      %lt3A_984 = arith.constant 0 : i32
      %lt3A_985 = arith.cmpi slt, %rem3A_981, %lt3A_984 : i32
      %lt3A_986 = arith.constant 0 : i32
      %lt3A_987 = arith.cmpi slt, %select_n3A_980, %lt3A_986 : i32
      %ne3A_988 = arith.xori %lt3A_985, %lt3A_987 : i1
      %and3A_989 = arith.andi %ne3A_988, %ne3A_983 : i1
      %add3A_990 = arith.addi %rem3A_981, %select_n3A_980 : i32
      %select_n3A_991 = arith.select %and3A_989, %add3A_990, %rem3A_981 : i32
      %jit3A_992 = arith.constant 2048 : i32
      %div3A_993 = arith.divsi %select_n3A_991, %jit3A_992 : i32
      %sign3A_994 = arith.constant 0 : i32
      %sign3A_995 = arith.cmpi sgt, %select_n3A_991, %sign3A_994 : i32
      %sign3A_996 = arith.extui %sign3A_995 : i1 to i32
      %sign3A_997 = arith.constant 0 : i32
      %sign3A_998 = arith.cmpi slt, %select_n3A_991, %sign3A_997 : i32
      %sign3A_999 = arith.extui %sign3A_998 : i1 to i32
      %sign3A_1000 = arith.subi %sign3A_996, %sign3A_999 : i32
      %sign3A_1001 = arith.constant 0 : i32
      %sign3A_1002 = arith.cmpi sgt, %jit3A_992, %sign3A_1001 : i32
      %sign3A_1003 = arith.extui %sign3A_1002 : i1 to i32
      %sign3A_1004 = arith.constant 0 : i32
      %sign3A_1005 = arith.cmpi slt, %jit3A_992, %sign3A_1004 : i32
      %sign3A_1006 = arith.extui %sign3A_1005 : i1 to i32
      %sign3A_1007 = arith.subi %sign3A_1003, %sign3A_1006 : i32
      %ne3A_1008 = arith.cmpi ne, %sign3A_1000, %sign3A_1007 : i32
      %rem3A_1009 = arith.remsi %select_n3A_991, %jit3A_992 : i32
      %ne3A_1010 = arith.constant 0 : i32
      %ne3A_1011 = arith.cmpi ne, %rem3A_1009, %ne3A_1010 : i32
      %and3A_1012 = arith.andi %ne3A_1008, %ne3A_1011 : i1
      %sub3A_1013 = arith.constant 1 : i32
      %sub3A_1014 = arith.subi %div3A_993, %sub3A_1013 : i32
      %select_n3A_1015 = arith.select %and3A_1012, %sub3A_1014, %div3A_993 : i32
      %jit3A_1016 = arith.constant 2048 : i32
      %eq3A_1017 = arith.constant 0 : i32
      %eq3A_1018 = arith.cmpi eq, %jit3A_1016, %eq3A_1017 : i32
      %jit3A_1019 = arith.constant 1 : i32
      %select_n3A_1020 = arith.select %eq3A_1018, %jit3A_1019, %jit3A_1016 : i32
      %rem3A_1021 = arith.remsi %select_n3A_991, %select_n3A_1020 : i32
      %ne3A_1022 = arith.constant 0 : i32
      %ne3A_1023 = arith.cmpi ne, %rem3A_1021, %ne3A_1022 : i32
      %lt3A_1024 = arith.constant 0 : i32
      %lt3A_1025 = arith.cmpi slt, %rem3A_1021, %lt3A_1024 : i32
      %lt3A_1026 = arith.constant 0 : i32
      %lt3A_1027 = arith.cmpi slt, %select_n3A_1020, %lt3A_1026 : i32
      %ne3A_1028 = arith.xori %lt3A_1025, %lt3A_1027 : i1
      %and3A_1029 = arith.andi %ne3A_1028, %ne3A_1023 : i1
      %add3A_1030 = arith.addi %rem3A_1021, %select_n3A_1020 : i32
      %select_n3A_1031 = arith.select %and3A_1029, %add3A_1030, %rem3A_1021 : i32
      %mul3A_1032 = arith.constant 2048 : i32
      %mul3A_1033 = arith.muli %sub3A_975, %mul3A_1032 : i32
      %add3A_1034 = arith.addi %mul3A_1033, %select_n3A_1031 : i32
      %multiple_of3A_1035 = tpu.assume_multiple %add3A_1034, 256 : i32
      %mul3A_1036 = arith.constant 64 : i32
      %mul3A_1037 = arith.muli %select_n3A_1015, %mul3A_1036 : i32
      %multiple_of3A_1038 = tpu.assume_multiple %mul3A_1037, 64 : i32
      %dma_wait3A_1039 = tpu.memref_slice %arg4[%multiple_of3A_1035, %multiple_of3A_1038] : memref<102400x128xf32, #tpu.memory_space<hbm>> -> memref<256x64xf32, #tpu.memory_space<hbm>>
      %dma_wait3A_1040 = tpu.memref_slice %arg4[%multiple_of3A_1035, %multiple_of3A_1038] : memref<102400x128xf32, #tpu.memory_space<hbm>> -> memref<256x64xf32, #tpu.memory_space<hbm>>
      tpu.wait_dma2 semaphore(%arg20 : memref<!tpu.dma_semaphore, #tpu.memory_space<semaphore_mem>>) src(%arg10 : memref<256x64xf32, #tpu.memory_space<vmem>>) dst(%dma_wait3A_1040 : memref<256x64xf32, #tpu.memory_space<hbm>>)
      %add3A_1041 = arith.constant 5 : i32
      %add3A_1042 = arith.addi %add3A_946, %add3A_1041 : i32
      %lt3A_1043 = arith.constant 25 : i32
      %lt3A_1044 = arith.cmpi slt, %add3A_1042, %lt3A_1043 : i32
      %convert_element_type3A_1045 = arith.extui %lt3A_1044 : i1 to i32
      %cond3A_1046 = arith.constant 0 : i32
      %cond3A_1047 = arith.cmpi ne, %convert_element_type3A_1045, %cond3A_1046 : i32
      scf.if %cond3A_1047 {
        %add3A_1048 = arith.constant 5 : i32
        %add3A_1049 = arith.addi %add3A_946, %add3A_1048 : i32
        %mul3A_1050 = arith.constant 256 : i32
        %mul3A_1051 = arith.muli %add3A_1049, %mul3A_1050 : i32
        %dma_start3A_1052 = tpu.memref_slice %arg5[%mul3A_1051] : memref<6400xi32, #tpu.memory_space<vmem>> -> memref<256xi32, #tpu.memory_space<vmem>>
        %dma_start3A_1053 = arith.constant 0 : i32
        %dma_start3A_1054 = arith.constant 0 : i32
        %dma_start3A_1055 = tpu.memref_slice %arg3[%dma_start3A_1053, %dma_start3A_1054] : memref<100000x64xf32, #tpu.memory_space<hbm>> -> memref<100000x64xf32, #tpu.memory_space<hbm>>
        tpu.enqueue_indirect_dma source(%dma_start3A_1055 : memref<100000x64xf32, #tpu.memory_space<hbm>>) target(%arg10 : memref<256x64xf32, #tpu.memory_space<vmem>>) offsets(%dma_start3A_1052 : memref<256xi32, #tpu.memory_space<vmem>>) semaphore(%arg15 : memref<!tpu.dma_semaphore, #tpu.memory_space<semaphore_mem>>)
      } else {
      }
    }
    %scan3A_33 = arith.constant 5 : i32
    return
  }
}

module attributes {stable_mosaic.version = 14 : i64} {
  func.func @_tc_transpose_body_first(%arg0: i32, %arg1: memref<4096x128xf32, #tpu.memory_space<vmem>>, %arg2: memref<2x64x4096xf32, #tpu.memory_space<vmem>>) attributes {dimension_semantics = [#tpu.dimension_semantics<arbitrary>], iteration_bounds = array<i64: 25>, scalar_prefetch = 0 : i64, scratch_operands = 0 : i64, tpu.core_type = #tpu.core_type<tc>, window_params = [{transform_indices = @transform_0, window_bounds = array<i64: 4096, 128>}, {transform_indices = @transform_1, window_bounds = array<i64: 2, 64, 4096>}]} {
    %get3A = arith.constant 0 : index
    %get3A_0 = arith.constant 0 : index
    %get3A_1 = vector.load %arg1[%get3A, %get3A_0] : memref<4096x128xf32, #tpu.memory_space<vmem>>, vector<4096x128xf32>
    %transpose3A = tpu.transpose %get3A_1, [1, 0] : vector<4096x128xf32> -> vector<128x4096xf32>
    %slice3A = vector.extract_strided_slice %transpose3A {offsets = [0, 0], sizes = [64, 2048], strides = [1, 1]} : vector<128x4096xf32> to vector<64x2048xf32>
    %swap3A = arith.constant 0 : index
    %swap3A_2 = arith.constant 0 : index
    %swap3A_3 = arith.constant 0 : index
    %swap3A_4 = vector.load %arg2[%swap3A, %swap3A_2, %swap3A_3] : memref<2x64x4096xf32, #tpu.memory_space<vmem>>, vector<1x64x2048xf32>
    %swap3A_5 = vector.shape_cast %swap3A_4 : vector<1x64x2048xf32> to vector<64x2048xf32>
    %swap3A_6 = vector.shape_cast %slice3A : vector<64x2048xf32> to vector<1x64x2048xf32>
    tpu.vector_store %arg2[%swap3A, %swap3A_2, %swap3A_3], %swap3A_6 {strides = array<i32>} : memref<2x64x4096xf32, #tpu.memory_space<vmem>>, vector<1x64x2048xf32>,
    %slice3A_7 = vector.extract_strided_slice %transpose3A {offsets = [64, 0], sizes = [64, 2048], strides = [1, 1]} : vector<128x4096xf32> to vector<64x2048xf32>
    %swap3A_8 = arith.constant 0 : index
    %swap3A_9 = arith.constant 0 : index
    %swap3A_10 = arith.constant 2048 : index
    %swap3A_11 = vector.load %arg2[%swap3A_8, %swap3A_9, %swap3A_10] : memref<2x64x4096xf32, #tpu.memory_space<vmem>>, vector<1x64x2048xf32>
    %swap3A_12 = vector.shape_cast %swap3A_11 : vector<1x64x2048xf32> to vector<64x2048xf32>
    %swap3A_13 = vector.shape_cast %slice3A_7 : vector<64x2048xf32> to vector<1x64x2048xf32>
    tpu.vector_store %arg2[%swap3A_8, %swap3A_9, %swap3A_10], %swap3A_13 {strides = array<i32>} : memref<2x64x4096xf32, #tpu.memory_space<vmem>>, vector<1x64x2048xf32>,
    %slice3A_14 = vector.extract_strided_slice %transpose3A {offsets = [0, 2048], sizes = [64, 2048], strides = [1, 1]} : vector<128x4096xf32> to vector<64x2048xf32>
    %swap3A_15 = arith.constant 1 : index
    %swap3A_16 = arith.constant 0 : index
    %swap3A_17 = arith.constant 0 : index
    %swap3A_18 = vector.load %arg2[%swap3A_15, %swap3A_16, %swap3A_17] : memref<2x64x4096xf32, #tpu.memory_space<vmem>>, vector<1x64x2048xf32>
    %swap3A_19 = vector.shape_cast %swap3A_18 : vector<1x64x2048xf32> to vector<64x2048xf32>
    %swap3A_20 = vector.shape_cast %slice3A_14 : vector<64x2048xf32> to vector<1x64x2048xf32>
    tpu.vector_store %arg2[%swap3A_15, %swap3A_16, %swap3A_17], %swap3A_20 {strides = array<i32>} : memref<2x64x4096xf32, #tpu.memory_space<vmem>>, vector<1x64x2048xf32>,
    %slice3A_21 = vector.extract_strided_slice %transpose3A {offsets = [64, 2048], sizes = [64, 2048], strides = [1, 1]} : vector<128x4096xf32> to vector<64x2048xf32>
    %swap3A_22 = arith.constant 1 : index
    %swap3A_23 = arith.constant 0 : index
    %swap3A_24 = arith.constant 2048 : index
    %swap3A_25 = vector.load %arg2[%swap3A_22, %swap3A_23, %swap3A_24] : memref<2x64x4096xf32, #tpu.memory_space<vmem>>, vector<1x64x2048xf32>
    %swap3A_26 = vector.shape_cast %swap3A_25 : vector<1x64x2048xf32> to vector<64x2048xf32>
    %swap3A_27 = vector.shape_cast %slice3A_21 : vector<64x2048xf32> to vector<1x64x2048xf32>
    tpu.vector_store %arg2[%swap3A_22, %swap3A_23, %swap3A_24], %swap3A_27 {strides = array<i32>} : memref<2x64x4096xf32, #tpu.memory_space<vmem>>, vector<1x64x2048xf32>,
    return
  }
  func.func @transform_0(%arg0: i32) -> (i32, i32) {
    %c0_i32 = arith.constant 0 : i32
    %c0_i32_0 = arith.constant 0 : i32
    return %arg0, %c0_i32 : i32, i32
  }
  func.func @transform_1(%arg0: i32) -> (i32, i32, i32) {
    %add3A = arith.constant 0 : i32
    %add3A_0 = arith.addi %arg0, %add3A : i32
    %c0_i32 = arith.constant 0 : i32
    %c0_i32_1 = arith.constant 0 : i32
    %c0_i32_2 = arith.constant 0 : i32
    return %add3A_0, %c0_i32, %c0_i32_1 : i32, i32, i32
  }
}

module attributes {stable_mosaic.version = 14 : i64} {
  func.func @_tc_transpose_body_rest(%arg0: i32, %arg1: memref<4096x128xf32, #tpu.memory_space<vmem>>, %arg2: memref<200x64x4096xf32, #tpu.memory_space<any>>, %arg3: memref<2x64x4096xf32, #tpu.memory_space<vmem>>) attributes {dimension_semantics = [#tpu.dimension_semantics<arbitrary>], iteration_bounds = array<i64: 25>, scalar_prefetch = 0 : i64, scratch_operands = 0 : i64, tpu.core_type = #tpu.core_type<tc>, window_params = [{transform_indices = @transform_0, window_bounds = array<i64: 4096, 128>}, {}, {transform_indices = @transform_2, window_bounds = array<i64: 2, 64, 4096>}]} {
    %get3A = arith.constant 0 : index
    %get3A_0 = arith.constant 0 : index
    %get3A_1 = vector.load %arg1[%get3A, %get3A_0] : memref<4096x128xf32, #tpu.memory_space<vmem>>, vector<4096x128xf32>
    %transpose3A = tpu.transpose %get3A_1, [1, 0] : vector<4096x128xf32> -> vector<128x4096xf32>
    %slice3A = vector.extract_strided_slice %transpose3A {offsets = [0, 0], sizes = [64, 2048], strides = [1, 1]} : vector<128x4096xf32> to vector<64x2048xf32>
    %swap3A = arith.constant 0 : index
    %swap3A_2 = arith.constant 0 : index
    %swap3A_3 = arith.constant 0 : index
    %swap3A_4 = vector.load %arg3[%swap3A, %swap3A_2, %swap3A_3] : memref<2x64x4096xf32, #tpu.memory_space<vmem>>, vector<1x64x2048xf32>
    %swap3A_5 = vector.shape_cast %swap3A_4 : vector<1x64x2048xf32> to vector<64x2048xf32>
    %swap3A_6 = vector.shape_cast %slice3A : vector<64x2048xf32> to vector<1x64x2048xf32>
    tpu.vector_store %arg3[%swap3A, %swap3A_2, %swap3A_3], %swap3A_6 {strides = array<i32>} : memref<2x64x4096xf32, #tpu.memory_space<vmem>>, vector<1x64x2048xf32>,
    %slice3A_7 = vector.extract_strided_slice %transpose3A {offsets = [64, 0], sizes = [64, 2048], strides = [1, 1]} : vector<128x4096xf32> to vector<64x2048xf32>
    %swap3A_8 = arith.constant 0 : index
    %swap3A_9 = arith.constant 0 : index
    %swap3A_10 = arith.constant 2048 : index
    %swap3A_11 = vector.load %arg3[%swap3A_8, %swap3A_9, %swap3A_10] : memref<2x64x4096xf32, #tpu.memory_space<vmem>>, vector<1x64x2048xf32>
    %swap3A_12 = vector.shape_cast %swap3A_11 : vector<1x64x2048xf32> to vector<64x2048xf32>
    %swap3A_13 = vector.shape_cast %slice3A_7 : vector<64x2048xf32> to vector<1x64x2048xf32>
    tpu.vector_store %arg3[%swap3A_8, %swap3A_9, %swap3A_10], %swap3A_13 {strides = array<i32>} : memref<2x64x4096xf32, #tpu.memory_space<vmem>>, vector<1x64x2048xf32>,
    %slice3A_14 = vector.extract_strided_slice %transpose3A {offsets = [0, 2048], sizes = [64, 2048], strides = [1, 1]} : vector<128x4096xf32> to vector<64x2048xf32>
    %swap3A_15 = arith.constant 1 : index
    %swap3A_16 = arith.constant 0 : index
    %swap3A_17 = arith.constant 0 : index
    %swap3A_18 = vector.load %arg3[%swap3A_15, %swap3A_16, %swap3A_17] : memref<2x64x4096xf32, #tpu.memory_space<vmem>>, vector<1x64x2048xf32>
    %swap3A_19 = vector.shape_cast %swap3A_18 : vector<1x64x2048xf32> to vector<64x2048xf32>
    %swap3A_20 = vector.shape_cast %slice3A_14 : vector<64x2048xf32> to vector<1x64x2048xf32>
    tpu.vector_store %arg3[%swap3A_15, %swap3A_16, %swap3A_17], %swap3A_20 {strides = array<i32>} : memref<2x64x4096xf32, #tpu.memory_space<vmem>>, vector<1x64x2048xf32>,
    %slice3A_21 = vector.extract_strided_slice %transpose3A {offsets = [64, 2048], sizes = [64, 2048], strides = [1, 1]} : vector<128x4096xf32> to vector<64x2048xf32>
    %swap3A_22 = arith.constant 1 : index
    %swap3A_23 = arith.constant 0 : index
    %swap3A_24 = arith.constant 2048 : index
    %swap3A_25 = vector.load %arg3[%swap3A_22, %swap3A_23, %swap3A_24] : memref<2x64x4096xf32, #tpu.memory_space<vmem>>, vector<1x64x2048xf32>
    %swap3A_26 = vector.shape_cast %swap3A_25 : vector<1x64x2048xf32> to vector<64x2048xf32>
    %swap3A_27 = vector.shape_cast %slice3A_21 : vector<64x2048xf32> to vector<1x64x2048xf32>
    tpu.vector_store %arg3[%swap3A_22, %swap3A_23, %swap3A_24], %swap3A_27 {strides = array<i32>} : memref<2x64x4096xf32, #tpu.memory_space<vmem>>, vector<1x64x2048xf32>,
    return
  }
  func.func @transform_0(%arg0: i32) -> (i32, i32) {
    %c0_i32 = arith.constant 0 : i32
    %c0_i32_0 = arith.constant 0 : i32
    return %arg0, %c0_i32 : i32, i32
  }
  func.func @transform_2(%arg0: i32) -> (i32, i32, i32) {
    %add3A = arith.constant 25 : i32
    %add3A_0 = arith.addi %arg0, %add3A : i32
    %c0_i32 = arith.constant 0 : i32
    %c0_i32_1 = arith.constant 0 : i32
    %c0_i32_2 = arith.constant 0 : i32
    return %add3A_0, %c0_i32, %c0_i32_1 : i32, i32, i32
  }
}

module attributes {stable_mosaic.version = 14 : i64} {
  func.func @_tc_transpose_body_rest(%arg0: i32, %arg1: memref<4096x128xf32, #tpu.memory_space<vmem>>, %arg2: memref<200x64x4096xf32, #tpu.memory_space<any>>, %arg3: memref<2x64x4096xf32, #tpu.memory_space<vmem>>) attributes {dimension_semantics = [#tpu.dimension_semantics<arbitrary>], iteration_bounds = array<i64: 25>, scalar_prefetch = 0 : i64, scratch_operands = 0 : i64, tpu.core_type = #tpu.core_type<tc>, window_params = [{transform_indices = @transform_0, window_bounds = array<i64: 4096, 128>}, {}, {transform_indices = @transform_2, window_bounds = array<i64: 2, 64, 4096>}]} {
    %get3A = arith.constant 0 : index
    %get3A_0 = arith.constant 0 : index
    %get3A_1 = vector.load %arg1[%get3A, %get3A_0] : memref<4096x128xf32, #tpu.memory_space<vmem>>, vector<4096x128xf32>
    %transpose3A = tpu.transpose %get3A_1, [1, 0] : vector<4096x128xf32> -> vector<128x4096xf32>
    %slice3A = vector.extract_strided_slice %transpose3A {offsets = [0, 0], sizes = [64, 2048], strides = [1, 1]} : vector<128x4096xf32> to vector<64x2048xf32>
    %swap3A = arith.constant 0 : index
    %swap3A_2 = arith.constant 0 : index
    %swap3A_3 = arith.constant 0 : index
    %swap3A_4 = vector.load %arg3[%swap3A, %swap3A_2, %swap3A_3] : memref<2x64x4096xf32, #tpu.memory_space<vmem>>, vector<1x64x2048xf32>
    %swap3A_5 = vector.shape_cast %swap3A_4 : vector<1x64x2048xf32> to vector<64x2048xf32>
    %swap3A_6 = vector.shape_cast %slice3A : vector<64x2048xf32> to vector<1x64x2048xf32>
    tpu.vector_store %arg3[%swap3A, %swap3A_2, %swap3A_3], %swap3A_6 {strides = array<i32>} : memref<2x64x4096xf32, #tpu.memory_space<vmem>>, vector<1x64x2048xf32>,
    %slice3A_7 = vector.extract_strided_slice %transpose3A {offsets = [64, 0], sizes = [64, 2048], strides = [1, 1]} : vector<128x4096xf32> to vector<64x2048xf32>
    %swap3A_8 = arith.constant 0 : index
    %swap3A_9 = arith.constant 0 : index
    %swap3A_10 = arith.constant 2048 : index
    %swap3A_11 = vector.load %arg3[%swap3A_8, %swap3A_9, %swap3A_10] : memref<2x64x4096xf32, #tpu.memory_space<vmem>>, vector<1x64x2048xf32>
    %swap3A_12 = vector.shape_cast %swap3A_11 : vector<1x64x2048xf32> to vector<64x2048xf32>
    %swap3A_13 = vector.shape_cast %slice3A_7 : vector<64x2048xf32> to vector<1x64x2048xf32>
    tpu.vector_store %arg3[%swap3A_8, %swap3A_9, %swap3A_10], %swap3A_13 {strides = array<i32>} : memref<2x64x4096xf32, #tpu.memory_space<vmem>>, vector<1x64x2048xf32>,
    %slice3A_14 = vector.extract_strided_slice %transpose3A {offsets = [0, 2048], sizes = [64, 2048], strides = [1, 1]} : vector<128x4096xf32> to vector<64x2048xf32>
    %swap3A_15 = arith.constant 1 : index
    %swap3A_16 = arith.constant 0 : index
    %swap3A_17 = arith.constant 0 : index
    %swap3A_18 = vector.load %arg3[%swap3A_15, %swap3A_16, %swap3A_17] : memref<2x64x4096xf32, #tpu.memory_space<vmem>>, vector<1x64x2048xf32>
    %swap3A_19 = vector.shape_cast %swap3A_18 : vector<1x64x2048xf32> to vector<64x2048xf32>
    %swap3A_20 = vector.shape_cast %slice3A_14 : vector<64x2048xf32> to vector<1x64x2048xf32>
    tpu.vector_store %arg3[%swap3A_15, %swap3A_16, %swap3A_17], %swap3A_20 {strides = array<i32>} : memref<2x64x4096xf32, #tpu.memory_space<vmem>>, vector<1x64x2048xf32>,
    %slice3A_21 = vector.extract_strided_slice %transpose3A {offsets = [64, 2048], sizes = [64, 2048], strides = [1, 1]} : vector<128x4096xf32> to vector<64x2048xf32>
    %swap3A_22 = arith.constant 1 : index
    %swap3A_23 = arith.constant 0 : index
    %swap3A_24 = arith.constant 2048 : index
    %swap3A_25 = vector.load %arg3[%swap3A_22, %swap3A_23, %swap3A_24] : memref<2x64x4096xf32, #tpu.memory_space<vmem>>, vector<1x64x2048xf32>
    %swap3A_26 = vector.shape_cast %swap3A_25 : vector<1x64x2048xf32> to vector<64x2048xf32>
    %swap3A_27 = vector.shape_cast %slice3A_21 : vector<64x2048xf32> to vector<1x64x2048xf32>
    tpu.vector_store %arg3[%swap3A_22, %swap3A_23, %swap3A_24], %swap3A_27 {strides = array<i32>} : memref<2x64x4096xf32, #tpu.memory_space<vmem>>, vector<1x64x2048xf32>,
    return
  }
  func.func @transform_0(%arg0: i32) -> (i32, i32) {
    %c0_i32 = arith.constant 0 : i32
    %c0_i32_0 = arith.constant 0 : i32
    return %arg0, %c0_i32 : i32, i32
  }
  func.func @transform_2(%arg0: i32) -> (i32, i32, i32) {
    %add3A = arith.constant 50 : i32
    %add3A_0 = arith.addi %arg0, %add3A : i32
    %c0_i32 = arith.constant 0 : i32
    %c0_i32_1 = arith.constant 0 : i32
    %c0_i32_2 = arith.constant 0 : i32
    return %add3A_0, %c0_i32, %c0_i32_1 : i32, i32, i32
  }
}

module attributes {stable_mosaic.version = 14 : i64} {
  func.func @_tc_transpose_body_rest(%arg0: i32, %arg1: memref<4096x128xf32, #tpu.memory_space<vmem>>, %arg2: memref<200x64x4096xf32, #tpu.memory_space<any>>, %arg3: memref<2x64x4096xf32, #tpu.memory_space<vmem>>) attributes {dimension_semantics = [#tpu.dimension_semantics<arbitrary>], iteration_bounds = array<i64: 25>, scalar_prefetch = 0 : i64, scratch_operands = 0 : i64, tpu.core_type = #tpu.core_type<tc>, window_params = [{transform_indices = @transform_0, window_bounds = array<i64: 4096, 128>}, {}, {transform_indices = @transform_2, window_bounds = array<i64: 2, 64, 4096>}]} {
    %get3A = arith.constant 0 : index
    %get3A_0 = arith.constant 0 : index
    %get3A_1 = vector.load %arg1[%get3A, %get3A_0] : memref<4096x128xf32, #tpu.memory_space<vmem>>, vector<4096x128xf32>
    %transpose3A = tpu.transpose %get3A_1, [1, 0] : vector<4096x128xf32> -> vector<128x4096xf32>
    %slice3A = vector.extract_strided_slice %transpose3A {offsets = [0, 0], sizes = [64, 2048], strides = [1, 1]} : vector<128x4096xf32> to vector<64x2048xf32>
    %swap3A = arith.constant 0 : index
    %swap3A_2 = arith.constant 0 : index
    %swap3A_3 = arith.constant 0 : index
    %swap3A_4 = vector.load %arg3[%swap3A, %swap3A_2, %swap3A_3] : memref<2x64x4096xf32, #tpu.memory_space<vmem>>, vector<1x64x2048xf32>
    %swap3A_5 = vector.shape_cast %swap3A_4 : vector<1x64x2048xf32> to vector<64x2048xf32>
    %swap3A_6 = vector.shape_cast %slice3A : vector<64x2048xf32> to vector<1x64x2048xf32>
    tpu.vector_store %arg3[%swap3A, %swap3A_2, %swap3A_3], %swap3A_6 {strides = array<i32>} : memref<2x64x4096xf32, #tpu.memory_space<vmem>>, vector<1x64x2048xf32>,
    %slice3A_7 = vector.extract_strided_slice %transpose3A {offsets = [64, 0], sizes = [64, 2048], strides = [1, 1]} : vector<128x4096xf32> to vector<64x2048xf32>
    %swap3A_8 = arith.constant 0 : index
    %swap3A_9 = arith.constant 0 : index
    %swap3A_10 = arith.constant 2048 : index
    %swap3A_11 = vector.load %arg3[%swap3A_8, %swap3A_9, %swap3A_10] : memref<2x64x4096xf32, #tpu.memory_space<vmem>>, vector<1x64x2048xf32>
    %swap3A_12 = vector.shape_cast %swap3A_11 : vector<1x64x2048xf32> to vector<64x2048xf32>
    %swap3A_13 = vector.shape_cast %slice3A_7 : vector<64x2048xf32> to vector<1x64x2048xf32>
    tpu.vector_store %arg3[%swap3A_8, %swap3A_9, %swap3A_10], %swap3A_13 {strides = array<i32>} : memref<2x64x4096xf32, #tpu.memory_space<vmem>>, vector<1x64x2048xf32>,
    %slice3A_14 = vector.extract_strided_slice %transpose3A {offsets = [0, 2048], sizes = [64, 2048], strides = [1, 1]} : vector<128x4096xf32> to vector<64x2048xf32>
    %swap3A_15 = arith.constant 1 : index
    %swap3A_16 = arith.constant 0 : index
    %swap3A_17 = arith.constant 0 : index
    %swap3A_18 = vector.load %arg3[%swap3A_15, %swap3A_16, %swap3A_17] : memref<2x64x4096xf32, #tpu.memory_space<vmem>>, vector<1x64x2048xf32>
    %swap3A_19 = vector.shape_cast %swap3A_18 : vector<1x64x2048xf32> to vector<64x2048xf32>
    %swap3A_20 = vector.shape_cast %slice3A_14 : vector<64x2048xf32> to vector<1x64x2048xf32>
    tpu.vector_store %arg3[%swap3A_15, %swap3A_16, %swap3A_17], %swap3A_20 {strides = array<i32>} : memref<2x64x4096xf32, #tpu.memory_space<vmem>>, vector<1x64x2048xf32>,
    %slice3A_21 = vector.extract_strided_slice %transpose3A {offsets = [64, 2048], sizes = [64, 2048], strides = [1, 1]} : vector<128x4096xf32> to vector<64x2048xf32>
    %swap3A_22 = arith.constant 1 : index
    %swap3A_23 = arith.constant 0 : index
    %swap3A_24 = arith.constant 2048 : index
    %swap3A_25 = vector.load %arg3[%swap3A_22, %swap3A_23, %swap3A_24] : memref<2x64x4096xf32, #tpu.memory_space<vmem>>, vector<1x64x2048xf32>
    %swap3A_26 = vector.shape_cast %swap3A_25 : vector<1x64x2048xf32> to vector<64x2048xf32>
    %swap3A_27 = vector.shape_cast %slice3A_21 : vector<64x2048xf32> to vector<1x64x2048xf32>
    tpu.vector_store %arg3[%swap3A_22, %swap3A_23, %swap3A_24], %swap3A_27 {strides = array<i32>} : memref<2x64x4096xf32, #tpu.memory_space<vmem>>, vector<1x64x2048xf32>,
    return
  }
  func.func @transform_0(%arg0: i32) -> (i32, i32) {
    %c0_i32 = arith.constant 0 : i32
    %c0_i32_0 = arith.constant 0 : i32
    return %arg0, %c0_i32 : i32, i32
  }
  func.func @transform_2(%arg0: i32) -> (i32, i32, i32) {
    %add3A = arith.constant 75 : i32
    %add3A_0 = arith.addi %arg0, %add3A : i32
    %c0_i32 = arith.constant 0 : i32
    %c0_i32_1 = arith.constant 0 : i32
    %c0_i32_2 = arith.constant 0 : i32
    return %add3A_0, %c0_i32, %c0_i32_1 : i32, i32, i32
  }
}

</mosaic_0001>

<sc_bundles>
// kernel: kernel.10.cloned.1.call-start
scs
__scs_entry_jumppad:
0x0: {  	(pc) =	sbr.rel $0x88, $3  }
0x1: {  	(tag) =	ssettag $0x0;
	lr =	simm.s32 $0x1  }
0x2: {  	[smem:$0x3F9F] =	sst lr;
	_ =	strace $0xD0000000  }
0x3: {  	_ = 	snop  }
0x4: {  	_ = 	snop  }
0x5: {  	_ = 	snop  }
0x6: {  	_ = 	snop  }
0x7: {  	_ = 	snop  }
__scs_overlays_trampoline_lowered:
0x8: {  	[smem:$0x3FAE] =	sst s0  }
0x9: {  	[smem:$0x3FAF] =	sst s1  }
0xa: {  	[smem:$0x3FB0] =	sst s2  }
0xb: {  	[smem:$0x3FB1] =	sst s3  }
0xc: {  	[smem:$0x3FB2] =	sst s4  }
0xd: {  	[smem:$0x3FB3] =	sst s5  }
0xe: {  	[smem:$0x3FB4] =	sst s6  }
0xf: {  	[smem:$0x3FB5] =	sst s7  }
0x10: {  	[smem:$0x3FB6] =	sst s8  }
0x11: {  	[smem:$0x3FB7] =	sst s9;
	s0 =	simm.s32 @!p0 $0x0  }
0x12: {  	s1 =	sld [smem:$0x3F9D];
	s0 =	simm.s32 @p0 $0x1  }
0x13: {  	[smem:$0x3FB8] =	sst s0;
	s0 =	simm.s32 @!p1 $0x0  }
0x14: {  	s2 =	sld [smem:$0x3F9C];
	s0 =	simm.s32 @p1 $0x1  }
0x15: {  	[smem:$0x3FB9] =	sst s0;
	s0 =	simm.s32 @!p2 $0x0  }
0x16: {  	s3 =	sld [smem:$0x3FDB];
	s0 =	simm.s32 @p2 $0x1  }
0x17: {  	s4 =	simm.s32 $0x1BF5;
	[smem:$0x3FBB] =	sst s0  }
0x18: {  	s0 =	sld [smem:$0x3F9E];
	_ =	swait.ge [sflag:s4], $0x0  }
0x19: {  	s7 =	sld [smem:$0x3F9F]  }
0x1a: {  	s8 =	sadd.s32 $0xFFFFE003, lr  }
0x1b: {  	s9 =	sadd.s32 $0xFFFFFEF7, lr;
	s5 =	simm.s32 $0xFFFFFFFF;
	p2 =	slt.u32 s8, $0xFFFFF086  }
0x1c: {  	p1 =	slt.u32 s9, $0xF7A;
	s5 =	simm.s32 @!p2 $0x0  }
0x1d: {  	s5 =	simm.s32 @p1 $0x1;
	p0 =	seq.s32 s7, s2  }
0x1e: {  	s7 =	smul.u32 @!p0 $0xF7A, s2;
	p2 =	seq.s32 @!p0 s5, $0x0  }
0x1f: {  	s9 =	smul.u32 $0xF7A, s1;
	s8 =	simm.s32 @!p0 $0x1BF5;
	p2 =	por !p2, p0  }
0x20: {  	[sflag:s8] =	ssyncset.s32 @!p0 $0xFFFFF086;
	s6 =	sadd.s32 @!p0 s3, s7;
	s7 =	simm.s32 @!p0 $0x108  }
0x21: {  	s3 =	sadd.s32 s3, s9;
	s6 =	sadd.s32 @!p0 $0x88, s6;
	s7 =	simm.s32 @p2 $0x1082  }
0x22: {  	[simem:s7], [sflag:s8] =	dma.local @!p0 [hbm:s6], $0xF7A  }
0x23: {  	s9 =	sor.u32 $0xD0000000, s2;
	s6 =	simm.s32 $0x108;
	_ =	swait.ge @!p0 [sflag:s8], $0x0  }
0x24: {  	s3 =	sadd.s32 $0x88, s3;
	s6 =	simm.s32 @!p1 $0x1082;
	[sflag:s4] =	ssyncset.s32 $0xFFFFF086  }
0x25: {  	[simem:s6], [sflag:s4] =	dma.local [hbm:s3], $0xF7A  }
0x26: {  	[smem:$0x3F9F] =	sst s1;
	(tag) =	ssettag s2;
	_ =	strace s9  }
0x27: {  	s1 =	sld [smem:$0x3FAF]  }
0x28: {  	s2 =	sld [smem:$0x3FB0]  }
0x29: {  	s4 =	sld [smem:$0x3FB2]  }
0x2a: {  	p0 =	seq.s32 s5, $0x0;
	s5 =	sld [smem:$0x3FB3]  }
0x2b: {  	s6 =	sld [smem:$0x3FB4]  }
0x2c: {  	s7 =	sld [smem:$0x3FB5]  }
0x2d: {  	s3 =	simm.s32 $0x108;
	s8 =	sld [smem:$0x3FB6]  }
0x2e: {  	s3 =	simm.s32 @!p0 $0x1082;
	s9 =	sld [smem:$0x3FB7]  }
0x2f: {  	lr =	sadd.s32 s0, s3;
	s0 =	sld [smem:$0x3FAE]  }
0x30: {  	s3 =	sld [smem:$0x3FB1]  }
0x31: {  	[smem:$0x3FBA] =	sst s10  }
0x32: {  	s10 =	sld [smem:$0x3FB8];
	_ =	sdelay $0x3  }
0x33: {  	p0 =	seq.s32 s10, $0x1;
	s10 =	sld [smem:$0x3FBA];
	_ =	sdelay $0x3  }
0x34: {  	[smem:$0x3FBA] =	sst s10  }
0x35: {  	s10 =	sld [smem:$0x3FB9];
	_ =	sdelay $0x3  }
0x36: {  	p1 =	seq.s32 s10, $0x1;
	s10 =	sld [smem:$0x3FBA];
	_ =	sdelay $0x3  }
0x37: {  	[smem:$0x3FBA] =	sst s10  }
0x38: {  	s10 =	sld [smem:$0x3FBB]  }
0x39: {  	_ = 	snop;
	(pc) =	sbr.ind lr, $3  }
0x3a: {  	_ = 	snop  }
0x3b: {  	_ = 	snop  }
0x3c: {  	p2 =	seq.s32 s10, $0x1;
	s10 =	sld [smem:$0x3FBA]  }
0x3d: {  	_ =	shalt  }
0x3e: {  	_ =	shalt  }
0x3f: {  	_ =	shalt  }
0x40: {  	_ =	shalt  }
0x41: {  	_ =	shalt  }
0x42: {  	_ =	shalt  }
0x43: {  	_ =	shalt  }
0x44: {  	_ =	shalt  }
0x45: {  	_ =	shalt  }
0x46: {  	_ =	shalt  }
0x47: {  	_ =	shalt  }
0x48: {  	_ =	shalt  }
0x49: {  	_ =	shalt  }
0x4a: {  	_ =	shalt  }
0x4b: {  	_ =	shalt  }
0x4c: {  	_ =	shalt  }
0x4d: {  	_ =	shalt  }
0x4e: {  	_ =	shalt  }
0x4f: {  	_ =	shalt  }
0x50: {  	_ =	shalt  }
0x51: {  	_ =	shalt  }
0x52: {  	_ =	shalt  }
0x53: {  	_ =	shalt  }
0x54: {  	_ =	shalt  }
0x55: {  	_ =	shalt  }
0x56: {  	_ =	shalt  }
0x57: {  	_ =	shalt  }
0x58: {  	_ =	shalt  }
0x59: {  	_ =	shalt  }
0x5a: {  	_ =	shalt  }
0x5b: {  	_ =	shalt  }
0x5c: {  	_ =	shalt  }
0x5d: {  	_ =	shalt  }
0x5e: {  	_ =	shalt  }
0x5f: {  	_ =	shalt  }
0x60: {  	_ =	shalt  }
0x61: {  	_ =	shalt  }
0x62: {  	_ =	shalt  }
0x63: {  	_ =	shalt  }
0x64: {  	_ =	shalt  }
0x65: {  	_ =	shalt  }
0x66: {  	_ =	shalt  }
0x67: {  	_ =	shalt  }
0x68: {  	_ =	shalt  }
0x69: {  	_ =	shalt  }
0x6a: {  	_ =	shalt  }
0x6b: {  	_ =	shalt  }
0x6c: {  	_ =	shalt  }
0x6d: {  	_ =	shalt  }
0x6e: {  	_ =	shalt  }
0x6f: {  	_ =	shalt  }
0x70: {  	_ =	shalt  }
0x71: {  	_ =	shalt  }
0x72: {  	_ =	shalt  }
0x73: {  	_ =	shalt  }
0x74: {  	_ =	shalt  }
0x75: {  	_ =	shalt  }
0x76: {  	_ =	shalt  }
0x77: {  	_ =	shalt  }
0x78: {  	_ =	shalt  }
0x79: {  	_ =	shalt  }
0x7a: {  	_ =	shalt  }
0x7b: {  	_ =	shalt  }
0x7c: {  	_ =	shalt  }
0x7d: {  	_ =	shalt  }
0x7e: {  	_ =	shalt  }
0x7f: {  	_ =	shalt  }
0x80: {  	_ =	shalt  }
0x81: {  	_ =	shalt  }
0x82: {  	_ =	shalt  }
0x83: {  	_ =	shalt  }
0x84: {  	_ =	shalt  }
0x85: {  	_ =	shalt  }
0x86: {  	_ =	shalt  }
0x87: {  	_ =	shalt  }
.Lfunc_end0:
.L_simem_size_0:
called_computation_lowered:
.L_overlay_start_0:
0x88: {  	s2 =	sld [smem:$0x3FD9]  }
0x89: {  	s3 =	sld [smem:$0x3FFE];
	_ =	sdelay $0x1  }
0x8a: {  	s1 =	srdreg.scid  }
0x8b: {  	s0 =	sand.u32 $0x1, s1  }
0x8c: {  	s16 =	sshll.u32 s0, $0xA;
	s2 =	sadd.s32 s3, s2  }
0x8d: {  	s2 =	sadd.s32 s2, s16  }
0x8e: {  	[smem:$0x3FC6] =	sst s2  }
0x8f: {  	_ = 	snop  }
0x90: {  	(tm) =	ssettm $0x1  }
0x91: {  	s17 =	sld [smem:$0x3FFB];
	_ =	sdelay $0x3  }
0x92: {  	_ =	strace s17  }
0x93: {  	s2 =	sld [smem:$0x3FFC];
	_ =	sdelay $0x3  }
0x94: {  	_ =	strace s2  }
0x95: {  	s2 =	sld [smem:$0x3FFD];
	_ =	sdelay $0x3  }
0x96: {  	_ =	strace s2  }
0x97: {  	_ =	strace $0x8FFFFFFF  }
0x98: {  	s18 =	sld [smem:$0x3FDB];
	_ =	sdelay $0x1  }
0x99: {  	s19 =	simm.s32 $_scs_section_size  }
0x9a: {  	s4 =	simm.s32 $_size__tile_overlayer_lowered;
	s5 =	simm.s32 $_tile_overlayer_lowered  }
0x9b: {  	s22 =	simm.s32 $0x1BFF;
	s21 =	sshll.u32 s5, $0x1;
	s2 =	sadd.s32 s19, s18  }
0x9c: {  	s6 =	simm.s32 $0x0;
	s20 =	sshll.u32 s4, $0x1;
	s4 =	sadd.s32 s21, s2  }
0x9d: {  	[timem:s6], [sflag:s22] =	dma.local [hbm:s4], s20  }
0x9e: {  	_ =	swait.ge [sflag:s22], s20  }
0x9f: {  	s3 =	ssub.s32 $0x0, s20;
	[sflag:s22] =	ssyncset.done $0x0  }
0xa0: {  	[sflag:s22] =	ssyncadd.s32 s3;
	_ =	sdelay $0x1  }
0xa1: {  	s23 =	simm.s32 $0x1B8B  }
0xa2: {  	_ =	swait.ge [sflag:s23], $0x1  }
0xa3: {  	[sflag:s23] =	ssyncset.done $0x0  }
0xa4: {  	s25 =	simm.s32 $0x1B8E;
	s24 =	sld [smem:$0x3FFE];
	[sflag:s23] =	ssyncadd.s32 $0xFFFFFFFF  }
0xa5: {  	s26 =	simm.s32 $execute0_lowered;
	[smem:$0x3FD2] =	sst s25  }
0xa6: {  	s4 =	sshll.u32 s26, $0x1;
	_ =	strace $0x80000046;
	[dreg:$0x1] =	wrdreg $0xFFFFFFFF  }
0xa7: {  	s28 =	simm.s32 $_size_execute0_lowered;
	s2 =	sadd.s32 s2, s4;
	[dreg:$0x0] =	wrdreg $0x0  }
0xa8: {  	s4 =	sshll.u32 s28, $0x1;
	[dreg:$0x2] =	wrdreg s2  }
0xa9: {  	[dreg:$0x3] =	wrdreg s4  }
0xaa: {  	[dreg:$0x4] =	wrdreg $0xC0  }
0xab: {  	_ =	task [dreg:s6], $0x5FFFF  }
0xac: {  	[dreg:$0x1] =	wrdreg $0xFFFFFFFF  }
0xad: {  	[dreg:$0x0] =	wrdreg $0x60  }
0xae: {  	[dreg:$0x2] =	wrdreg s24  }
0xaf: {  	[dreg:$0x3] =	wrdreg $0x9  }
0xb0: {  	_ =	task.clear_ibuf [dreg:s6], $0x4FFFF;
	_ =	strace $0x90000046  }
0xb1: {  	s29 =	simm.s32 $0x9;
	_ =	strace $0x80000048  }
0xb2: {  	_ =	swait.ge [sflag:s29], $0x1  }
0xb3: {  	[sflag:s29] =	ssyncadd.s32 $0xFFFFFFFF  }
0xb4: {  	_ =	strace $0x90000048  }
0xb5: {  	_ =	sfence  }
0xb6: {  	s30 =	sld [smem:$0x0];
	_ =	sdelay $0x2  }
0xb7: {  	s31 =	sshll.u32 s1, $0xD;
	s1 =	sshrl.u32 s1, $0x2  }
0xb8: {  	s3 =	sand.u32 $0x4000, s31;
	s1 =	sadd.s32 s1, s30  }
0xb9: {  	s0 =	sor.u32 s3, s0;
	s1 =	sshll.u32 s1, $0x11  }
0xba: {  	s0 =	sor.u32 s1, s0  }
0xbb: {  	s0 =	sadd.s32 $0x8F2B, s0  }
0xbc: {  	[sflag:s0] =	ssyncadd.remote.s32 $0x1  }
0xbd: {  	_ =	sfence.sel $0xFFFF  }
0xbe: {  	[dreg:$0x0] =	wrdreg $0xFFFFFFFF;
	(pc) =	sbr.abs _section_cstart, $3  }
0xbf: {  	[dreg:$0x1] =	wrdreg $0xFFFFFFFF  }
0xc0: {  	_ =	task.clear_ibuf [dreg:s6], $0x2FFFF;
	_ =	strace $0x9FFFFFFF  }
0xc1: {  	(tm) =	ssettm $0x7FFFFFFF  }
tec
execute0_lowered:
.L_overlay_start_1:
0x0: {  	(tag) =	ssettag $0x1  }
0x1: {  	s0 =	srdreg.scid  }
0x2: {  	s10 =	stileid.u32;
	s2 =	rddreg [dreg:$0x0]  }
0x3: {  	s3 =	simm.s32 $0x0;
	s15 =	simm.s32 $0x100;
	s5 =	smul.u32 $0x190000, s10  }
0x4: {  	s28 =	simm.s32 $0x2;
	s29 =	simm.s32 $0x3;
	s7 =	smul.u32 $0x3200, s10  }
0x5: {  	s0 =	sand.u32 $0x1, s0;
	s1 =	sshll.u32 s10, $0x1;
	s10 =	smul.u32 $0xC8000, s10  }
0x6: {  	s30 =	simm.s32 $0x4;
	s31 =	simm.s32 $0x5;
	s6 =	smul.u32 $0xC8000, s0  }
0x7: {  	[smem:$0x7FF] =	sst s3;
	s3 =	sadd.s32 $0x1200, s2;
	s9 =	smul.u32 $0x1900, s0  }
0x8: {  	s1 =	sor.u32 s0, s1;
	s8 =	ssub.s32 $0x2, s0;
	s0 =	smul.u32 $0x64000, s0  }
0x9: {  	s4 =	sadd.s32 $0xDD800, s2;
	_ =	strace $0x80000047;
	s1 =	smul.u32 $0x1900, s1  }
0xa: {  	s16 =	sshrl.u32 s8, $0x1;
	s7 =	sadd.s32 s9, s7;
	s19 =	sadd.s32 s6, s5  }
0xb: {  	s0 =	sadd.s32 s0, s10;
	s1 =	sshrl.u32 s1, $0x3;
	[dreg:$0x4] =	wrdreg s19  }
0xc: {  	s18 =	sadd.s32 $0x400, s7;
	[dreg:$0x5] =	wrdreg s0;
	s21 =	sadd.s32 $0x300, s7  }
0xd: {  	s22 =	sadd.s32 $0x200, s7;
	s23 =	sadd.s32 $0x100, s7;
	s26 =	sshrl.u32 s7, $0x5  }
0xe: {  	s19 =	simm.s32 $0x9900;
	s1 =	sadd.s32 s1, s2;
	s2 =	ssub.s32 s8, s16  }
0xf: {  	s20 =	sshrl.u32 s18, $0x5;
	s0 =	sshrl.u32 s21, $0x5;
	s24 =	sshrl.u32 s22, $0x5  }
0x10: {  	s25 =	sshrl.u32 s23, $0x5;
	[dreg:$0xa] =	wrdreg s26;
	s16 =	simm.s32 $0x1900  }
0x11: {  	s21 =	simm.s32 $0xD900;
	s23 =	simm.s32 $0x11900;
	[dreg:$0x6] =	wrdreg s20  }
0x12: {  	s26 =	simm.s32 $0x80;
	s18 =	simm.s32 $0x8;
	[dreg:$0x7] =	wrdreg s0  }
.Ltmp0:
0x13: {  	s22 =	simm.s32 $0xA;
	[dreg:$0x8] =	wrdreg s24;
	(pc) =	sbr.rel .LBB2_1-.Ltmp0, $4  }
0x14: {  	s1 =	sadd.s32 $0xC4800, s1;
	s17 =	smax.u32 s2, $0x1;
	[dreg:$0x9] =	wrdreg s25  }
0x15: {  	s24 =	simm.s32 $0x1;
	s25 =	simm.s32 $0x40;
	s0 =	simm.s32 $0x7  }
0x16: {  	s20 =	simm.s32 $0x9;
	s2 =	simm.s32 $0x0;
	[dreg:$0x2] =	wrdreg s1  }
0x17: {  	[dreg:$0x3] =	wrdreg s17;
	s17 =	simm.s32 $0x5900;
	s1 =	simm.s32 $0x6  }
.LBB2_4:
0x18: {  	_ =	swait.ge [sflag:s0], $0x4000  }
0x19: {  	[sflag:s0] =	ssyncset.done $0x0  }
0x1a: {  	[sflag:s0] =	ssyncadd.s32 $0xFFFFC000  }
0x1b: {  	_ =	swait.ge [sflag:s18], $0x4000  }
0x1c: {  	[sflag:s18] =	ssyncset.done $0x0  }
0x1d: {  	[sflag:s18] =	ssyncadd.s32 $0xFFFFC000  }
0x1e: {  	_ =	swait.ge [sflag:s20], $0x4000  }
0x1f: {  	[sflag:s20] =	ssyncset.done $0x0  }
0x20: {  	[sflag:s20] =	ssyncadd.s32 $0xFFFFC000  }
0x21: {  	_ =	swait.ge [sflag:s22], $0x4000  }
0x22: {  	s2 =	sadd.s32 $0x1, s2;
	s5 =	rddreg [dreg:$0x3]  }
0x23: {  	p0 =	sne.s32 s2, s5  }
.Ltmp1:
0x24: {  	_ = 	snop;
	(pc) =	sbr.rel @!p0 .LBB2_5-.Ltmp1, $3  }
0x25: {  	_ =	sdelay $0x1  }
0x26: {  	[sflag:s22] =	ssyncset.done $0x0  }
0x27: {  	[sflag:s22] =	ssyncadd.s32 $0xFFFFC000  }
.LBB2_1:
0x28: {  	s5 =	simm.s32 $0x0;
	s6 =	rddreg [dreg:$0x2];
	s11 =	simm.s32 $0xB  }
0x29: {  	[tilespmem:s5], [sflag:$0xB] =	stream.linear.gather [hbm4b:s6+s5], $0x1900, $0x38;
	[tilespmem:$0x15900] =	vst v63  }
0x2a: {  	_ =	swait.ge [sflag:s11], $0x1900  }
0x2b: {  	s10 =	rddreg [dreg:$0x7]  }
0x2c: {  	[sflag:s11] =	ssyncset.done $0x0;
	s9 =	rddreg [dreg:$0x6]  }
0x2d: {  	s8 =	rddreg [dreg:$0x5];
	[sflag:s11] =	ssyncadd.s32 $0xFFFFE700  }
0x2e: {  	[tilespmem:s16], [sflag:$0x1] =	stream.indirect.gather [hbm4b:s3+s15], $0x40, s5, s15, $0xb8;
	[tilespmem:$0x15900] =	vst v63  }
0x2f: {  	s7 =	rddreg [dreg:$0x4]  }
0x30: {  	[tilespmem:s17], [sflag:$0x2] =	stream.indirect.gather [hbm4b:s3+s15], $0x40, s15, s15, $0xb8;
	[tilespmem:$0x15900] =	vst v63  }
0x31: {  	s12 =	simm.s32 $0x200;
	s11 =	rddreg [dreg:$0x8]  }
0x32: {  	[tilespmem:s19], [sflag:$0x3] =	stream.indirect.gather [hbm4b:s3+s15], $0x40, s12, s15, $0xb8;
	[tilespmem:$0x15900] =	vst v63  }
0x33: {  	s13 =	simm.s32 $0x300;
	s12 =	rddreg [dreg:$0x9]  }
0x34: {  	[tilespmem:s21], [sflag:$0x4] =	stream.indirect.gather [hbm4b:s3+s15], $0x40, s13, s15, $0xb8;
	[tilespmem:$0x15900] =	vst v63  }
0x35: {  	s14 =	simm.s32 $0x400;
	s6 =	simm.s32 $0x0;
	s13 =	rddreg [dreg:$0xa]  }
0x36: {  	[tilespmem:s23], [sflag:$0x5] =	stream.indirect.gather [hbm4b:s3+s15], $0x40, s14, s15, $0xb8;
	[tilespmem:$0x15900] =	vst v63  }
.LBB2_2:
0x37: {  	s5 =	sand.u32 $0x7FFC0000, s8;
	s14 =	sand.u32 $0x38000, s7  }
0x38: {  	s5 =	sor.u32 s14, s5;
	s14 =	sand.u32 $0x40, s13  }
0x39: {  	_ =	swait.ge [sflag:s24], $0x4000;
	s5 =	sor.u32 s14, s5  }
0x3a: {  	[sflag:s24] =	ssyncset.done $0x0;
	s5 =	sshrl.u32 s5, $0x3  }
0x3b: {  	[sflag:s24] =	ssyncadd.s32 $0xFFFFC000;
	s5 =	sadd.s32 s4, s5  }
0x3c: {  	[hbm4b:s5+s25] =	stream.strided.scatter [tilespmem:s16], [sflag:$0x6], $0x4000, s26, s25, $0x38;
	[tilespmem:$0x15900] =	vst v63  }
0x3d: {  	s14 =	sadd.s32 $0x8000, s7;
	s5 =	sadd.s32 $0x4000, s8  }
0x3e: {  	s14 =	sand.u32 $0x38000, s14;
	s5 =	sand.u32 $0x7FFC0000, s5  }
0x3f: {  	s5 =	sor.u32 s14, s5;
	s14 =	sand.u32 $0x40, s12  }
0x40: {  	_ =	swait.ge [sflag:s28], $0x4000;
	s5 =	sor.u32 s14, s5  }
0x41: {  	[sflag:s28] =	ssyncset.done $0x0;
	s5 =	sshrl.u32 s5, $0x3  }
0x42: {  	[sflag:s28] =	ssyncadd.s32 $0xFFFFC000;
	s5 =	sadd.s32 s4, s5  }
0x43: {  	[hbm4b:s5+s25] =	stream.strided.scatter [tilespmem:s17], [sflag:$0x7], $0x4000, s26, s25, $0x38;
	[tilespmem:$0x15900] =	vst v63  }
0x44: {  	s14 =	sadd.s32 $0x10000, s7;
	s5 =	sadd.s32 $0x8000, s8  }
0x45: {  	s14 =	sand.u32 $0x38000, s14;
	s5 =	sand.u32 $0x7FFC0000, s5  }
0x46: {  	s5 =	sor.u32 s14, s5;
	s14 =	sand.u32 $0x40, s11  }
0x47: {  	_ =	swait.ge [sflag:s29], $0x4000;
	s5 =	sor.u32 s14, s5  }
0x48: {  	[sflag:s29] =	ssyncset.done $0x0;
	s5 =	sshrl.u32 s5, $0x3  }
0x49: {  	[sflag:s29] =	ssyncadd.s32 $0xFFFFC000;
	s5 =	sadd.s32 s4, s5  }
0x4a: {  	[hbm4b:s5+s25] =	stream.strided.scatter [tilespmem:s19], [sflag:$0x8], $0x4000, s26, s25, $0x38;
	[tilespmem:$0x15900] =	vst v63  }
0x4b: {  	s14 =	sadd.s32 $0x18000, s7;
	s5 =	sadd.s32 $0xC000, s8  }
0x4c: {  	s14 =	sand.u32 $0x38000, s14;
	s5 =	sand.u32 $0x7FFC0000, s5  }
0x4d: {  	s5 =	sor.u32 s14, s5;
	s14 =	sand.u32 $0x40, s10  }
0x4e: {  	_ =	swait.ge [sflag:s30], $0x4000;
	s5 =	sor.u32 s14, s5  }
0x4f: {  	[sflag:s30] =	ssyncset.done $0x0;
	s5 =	sshrl.u32 s5, $0x3  }
0x50: {  	[sflag:s30] =	ssyncadd.s32 $0xFFFFC000;
	s5 =	sadd.s32 s4, s5  }
0x51: {  	[hbm4b:s5+s25] =	stream.strided.scatter [tilespmem:s21], [sflag:$0x9], $0x4000, s26, s25, $0x38;
	[tilespmem:$0x15900] =	vst v63  }
0x52: {  	s14 =	sadd.s32 $0x20000, s7;
	s5 =	sadd.s32 $0x10000, s8  }
0x53: {  	s14 =	sand.u32 $0x38000, s14;
	s5 =	sand.u32 $0x7FFC0000, s5  }
0x54: {  	s5 =	sor.u32 s14, s5;
	s14 =	sand.u32 $0x40, s9  }
0x55: {  	_ =	swait.ge [sflag:s31], $0x4000;
	s5 =	sor.u32 s14, s5  }
0x56: {  	p0 =	seq.s32 s6, $0x5000;
	[sflag:s31] =	ssyncset.done $0x0;
	s5 =	sshrl.u32 s5, $0x3  }
.Ltmp2:
0x57: {  	[sflag:s31] =	ssyncadd.s32 $0xFFFFC000;
	s5 =	sadd.s32 s4, s5;
	(pc) =	sbr.rel @p0 .LBB2_4-.Ltmp2, $4  }
0x58: {  	[hbm4b:s5+s25] =	stream.strided.scatter [tilespmem:s23], [sflag:$0xA], $0x4000, s26, s25, $0x38;
	[tilespmem:$0x15900] =	vst v63  }
0x59: {  	_ =	swait.ge [sflag:s1], $0x4000  }
0x5a: {  	[sflag:s1] =	ssyncset.done $0x0  }
0x5b: {  	[sflag:s1] =	ssyncadd.s32 $0xFFFFC000  }
0x5c: {  	s5 =	sshra.s32 s6, $0x2  }
0x5d: {  	s14 =	sadd.s32 $0x500, s5  }
0x5e: {  	[tilespmem:s16], [sflag:$0x1] =	stream.indirect.gather [hbm4b:s3+s15], $0x40, s14, s15, $0xb8;
	[tilespmem:$0x15900] =	vst v63  }
0x5f: {  	_ =	swait.ge [sflag:s0], $0x4000  }
0x60: {  	[sflag:s0] =	ssyncset.done $0x0  }
0x61: {  	s14 =	sadd.s32 $0x600, s5;
	[sflag:s0] =	ssyncadd.s32 $0xFFFFC000  }
0x62: {  	[tilespmem:s17], [sflag:$0x2] =	stream.indirect.gather [hbm4b:s3+s15], $0x40, s14, s15, $0xb8;
	[tilespmem:$0x15900] =	vst v63  }
0x63: {  	_ =	swait.ge [sflag:s18], $0x4000  }
0x64: {  	[sflag:s18] =	ssyncset.done $0x0  }
0x65: {  	s14 =	sadd.s32 $0x700, s5;
	[sflag:s18] =	ssyncadd.s32 $0xFFFFC000  }
0x66: {  	[tilespmem:s19], [sflag:$0x3] =	stream.indirect.gather [hbm4b:s3+s15], $0x40, s14, s15, $0xb8;
	[tilespmem:$0x15900] =	vst v63  }
0x67: {  	_ =	swait.ge [sflag:s20], $0x4000  }
0x68: {  	[sflag:s20] =	ssyncset.done $0x0  }
0x69: {  	s6 =	sadd.s32 $0x1400, s6;
	s14 =	sadd.s32 $0x800, s5;
	[sflag:s20] =	ssyncadd.s32 $0xFFFFC000  }
0x6a: {  	[tilespmem:s21], [sflag:$0x4] =	stream.indirect.gather [hbm4b:s3+s15], $0x40, s14, s15, $0xb8;
	[tilespmem:$0x15900] =	vst v63  }
.Ltmp3:
0x6b: {  	s7 =	sadd.s32 $0x28000, s7;
	s8 =	sadd.s32 $0x14000, s8;
	(pc) =	sbr.rel .LBB2_2-.Ltmp3, $4  }
0x6c: {  	s9 =	sadd.s32 $0x28, s9;
	s10 =	sadd.s32 $0x28, s10;
	_ =	swait.ge [sflag:s22], $0x4000  }
0x6d: {  	s11 =	sadd.s32 $0x28, s11;
	s12 =	sadd.s32 $0x28, s12;
	[sflag:s22] =	ssyncset.done $0x0  }
0x6e: {  	s13 =	sadd.s32 $0x28, s13;
	s5 =	sadd.s32 $0x900, s5;
	[sflag:s22] =	ssyncadd.s32 $0xFFFFC000  }
0x6f: {  	[tilespmem:s23], [sflag:$0x5] =	stream.indirect.gather [hbm4b:s3+s15], $0x40, s5, s15, $0xb8;
	[tilespmem:$0x15900] =	vst v63  }
.LBB2_5:
0x70: {  	_ =	sfence.sel $0x180000  }
0x71: {  	[bflag:$0x0] =	sbarrier.arrive $0xFFFF  }
0x72: {  	_ =	strace $0x90000047  }
0x73: {  	s0 =	stileid.u32;
	[bflag:$0x2] =	sbarrier.arrive $0xFFFF  }
0x74: {  	p0 =	sne.s32 s0, $0x0;
	s0 =	rddreg [dreg:$0x1]  }
0x75: {  	s0 =	sadd.s32 @!p0 $0x100000, s0  }
0x76: {  	[sflag:s0] =	ssyncadd.tile.s32 @!p0 $0x1;
	_ =	shalt  }
.Lfunc_end2:
_tile_overlayer_lowered:
.L_overlay_start_2:
0x77: {  	(tag) =	ssettag $0x2  }
0x78: {  	s0 =	rddreg [dreg:$0x0];
	s2 =	stileid.u32  }
0x79: {  	s1 =	rddreg [dreg:$0x1];
	p0 =	sne.s32 s2, $0x0  }
0x7a: {  	s3 =	rddreg [dreg:$0x2];
	[bflag:$0x3] =	sbarrier.arrive $0xFFFF;
	s2 =	simm.s32 @!p0 $0x1C0B  }
0x7b: {  	[timem:s3], [sflag:s2] =	dma.local @!p0 [hbm:s0], s1  }
0x7c: {  	s0 =	simm.s32 @!p0 $0xB  }
0x7d: {  	_ =	swait.ge @!p0 [sflag:s0], s1  }
0x7e: {  	s1 =	ssub.s32 @!p0 $0x0, s1;
	[sflag:s0] =	ssyncset.done @!p0 $0x0  }
0x7f: {  	[sflag:s0] =	ssyncadd.s32 @!p0 s1  }
0x80: {  	[bflag:$0x3] =	sbarrier.arrive $0xFFFF  }
0x81: {  	_ =	shalt  }

// kernel: kernel.13.cloned.1.call-start
scs
__scs_entry_jumppad:
0x0: {  	(pc) =	sbr.rel $0x88, $3  }
0x1: {  	(tag) =	ssettag $0x0;
	lr =	simm.s32 $0x1  }
0x2: {  	[smem:$0x3F9F] =	sst lr;
	_ =	strace $0xD0000000  }
0x3: {  	_ = 	snop  }
0x4: {  	_ = 	snop  }
0x5: {  	_ = 	snop  }
0x6: {  	_ = 	snop  }
0x7: {  	_ = 	snop  }
__scs_overlays_trampoline_lowered:
0x8: {  	[smem:$0x3FAE] =	sst s0  }
0x9: {  	[smem:$0x3FAF] =	sst s1  }
0xa: {  	[smem:$0x3FB0] =	sst s2  }
0xb: {  	[smem:$0x3FB1] =	sst s3  }
0xc: {  	[smem:$0x3FB2] =	sst s4  }
0xd: {  	[smem:$0x3FB3] =	sst s5  }
0xe: {  	[smem:$0x3FB4] =	sst s6  }
0xf: {  	[smem:$0x3FB5] =	sst s7  }
0x10: {  	[smem:$0x3FB6] =	sst s8  }
0x11: {  	[smem:$0x3FB7] =	sst s9;
	s0 =	simm.s32 @!p0 $0x0  }
0x12: {  	s1 =	sld [smem:$0x3F9D];
	s0 =	simm.s32 @p0 $0x1  }
0x13: {  	[smem:$0x3FB8] =	sst s0;
	s0 =	simm.s32 @!p1 $0x0  }
0x14: {  	s2 =	sld [smem:$0x3F9C];
	s0 =	simm.s32 @p1 $0x1  }
0x15: {  	[smem:$0x3FB9] =	sst s0;
	s0 =	simm.s32 @!p2 $0x0  }
0x16: {  	s3 =	sld [smem:$0x3FDB];
	s0 =	simm.s32 @p2 $0x1  }
0x17: {  	s4 =	simm.s32 $0x1BF5;
	[smem:$0x3FBB] =	sst s0  }
0x18: {  	s0 =	sld [smem:$0x3F9E];
	_ =	swait.ge [sflag:s4], $0x0  }
0x19: {  	s7 =	sld [smem:$0x3F9F]  }
0x1a: {  	s8 =	sadd.s32 $0xFFFFE003, lr  }
0x1b: {  	s9 =	sadd.s32 $0xFFFFFEF7, lr;
	s5 =	simm.s32 $0xFFFFFFFF;
	p2 =	slt.u32 s8, $0xFFFFF086  }
0x1c: {  	p1 =	slt.u32 s9, $0xF7A;
	s5 =	simm.s32 @!p2 $0x0  }
0x1d: {  	s5 =	simm.s32 @p1 $0x1;
	p0 =	seq.s32 s7, s2  }
0x1e: {  	s7 =	smul.u32 @!p0 $0xF7A, s2;
	p2 =	seq.s32 @!p0 s5, $0x0  }
0x1f: {  	s9 =	smul.u32 $0xF7A, s1;
	s8 =	simm.s32 @!p0 $0x1BF5;
	p2 =	por !p2, p0  }
0x20: {  	[sflag:s8] =	ssyncset.s32 @!p0 $0xFFFFF086;
	s6 =	sadd.s32 @!p0 s3, s7;
	s7 =	simm.s32 @!p0 $0x108  }
0x21: {  	s3 =	sadd.s32 s3, s9;
	s6 =	sadd.s32 @!p0 $0x88, s6;
	s7 =	simm.s32 @p2 $0x1082  }
0x22: {  	[simem:s7], [sflag:s8] =	dma.local @!p0 [hbm:s6], $0xF7A  }
0x23: {  	s9 =	sor.u32 $0xD0000000, s2;
	s6 =	simm.s32 $0x108;
	_ =	swait.ge @!p0 [sflag:s8], $0x0  }
0x24: {  	s3 =	sadd.s32 $0x88, s3;
	s6 =	simm.s32 @!p1 $0x1082;
	[sflag:s4] =	ssyncset.s32 $0xFFFFF086  }
0x25: {  	[simem:s6], [sflag:s4] =	dma.local [hbm:s3], $0xF7A  }
0x26: {  	[smem:$0x3F9F] =	sst s1;
	(tag) =	ssettag s2;
	_ =	strace s9  }
0x27: {  	s1 =	sld [smem:$0x3FAF]  }
0x28: {  	s2 =	sld [smem:$0x3FB0]  }
0x29: {  	s4 =	sld [smem:$0x3FB2]  }
0x2a: {  	p0 =	seq.s32 s5, $0x0;
	s5 =	sld [smem:$0x3FB3]  }
0x2b: {  	s6 =	sld [smem:$0x3FB4]  }
0x2c: {  	s7 =	sld [smem:$0x3FB5]  }
0x2d: {  	s3 =	simm.s32 $0x108;
	s8 =	sld [smem:$0x3FB6]  }
0x2e: {  	s3 =	simm.s32 @!p0 $0x1082;
	s9 =	sld [smem:$0x3FB7]  }
0x2f: {  	lr =	sadd.s32 s0, s3;
	s0 =	sld [smem:$0x3FAE]  }
0x30: {  	s3 =	sld [smem:$0x3FB1]  }
0x31: {  	[smem:$0x3FBA] =	sst s10  }
0x32: {  	s10 =	sld [smem:$0x3FB8];
	_ =	sdelay $0x3  }
0x33: {  	p0 =	seq.s32 s10, $0x1;
	s10 =	sld [smem:$0x3FBA];
	_ =	sdelay $0x3  }
0x34: {  	[smem:$0x3FBA] =	sst s10  }
0x35: {  	s10 =	sld [smem:$0x3FB9];
	_ =	sdelay $0x3  }
0x36: {  	p1 =	seq.s32 s10, $0x1;
	s10 =	sld [smem:$0x3FBA];
	_ =	sdelay $0x3  }
0x37: {  	[smem:$0x3FBA] =	sst s10  }
0x38: {  	s10 =	sld [smem:$0x3FBB]  }
0x39: {  	_ = 	snop;
	(pc) =	sbr.ind lr, $3  }
0x3a: {  	_ = 	snop  }
0x3b: {  	_ = 	snop  }
0x3c: {  	p2 =	seq.s32 s10, $0x1;
	s10 =	sld [smem:$0x3FBA]  }
0x3d: {  	_ =	shalt  }
0x3e: {  	_ =	shalt  }
0x3f: {  	_ =	shalt  }
0x40: {  	_ =	shalt  }
0x41: {  	_ =	shalt  }
0x42: {  	_ =	shalt  }
0x43: {  	_ =	shalt  }
0x44: {  	_ =	shalt  }
0x45: {  	_ =	shalt  }
0x46: {  	_ =	shalt  }
0x47: {  	_ =	shalt  }
0x48: {  	_ =	shalt  }
0x49: {  	_ =	shalt  }
0x4a: {  	_ =	shalt  }
0x4b: {  	_ =	shalt  }
0x4c: {  	_ =	shalt  }
0x4d: {  	_ =	shalt  }
0x4e: {  	_ =	shalt  }
0x4f: {  	_ =	shalt  }
0x50: {  	_ =	shalt  }
0x51: {  	_ =	shalt  }
0x52: {  	_ =	shalt  }
0x53: {  	_ =	shalt  }
0x54: {  	_ =	shalt  }
0x55: {  	_ =	shalt  }
0x56: {  	_ =	shalt  }
0x57: {  	_ =	shalt  }
0x58: {  	_ =	shalt  }
0x59: {  	_ =	shalt  }
0x5a: {  	_ =	shalt  }
0x5b: {  	_ =	shalt  }
0x5c: {  	_ =	shalt  }
0x5d: {  	_ =	shalt  }
0x5e: {  	_ =	shalt  }
0x5f: {  	_ =	shalt  }
0x60: {  	_ =	shalt  }
0x61: {  	_ =	shalt  }
0x62: {  	_ =	shalt  }
0x63: {  	_ =	shalt  }
0x64: {  	_ =	shalt  }
0x65: {  	_ =	shalt  }
0x66: {  	_ =	shalt  }
0x67: {  	_ =	shalt  }
0x68: {  	_ =	shalt  }
0x69: {  	_ =	shalt  }
0x6a: {  	_ =	shalt  }
0x6b: {  	_ =	shalt  }
0x6c: {  	_ =	shalt  }
0x6d: {  	_ =	shalt  }
0x6e: {  	_ =	shalt  }
0x6f: {  	_ =	shalt  }
0x70: {  	_ =	shalt  }
0x71: {  	_ =	shalt  }
0x72: {  	_ =	shalt  }
0x73: {  	_ =	shalt  }
0x74: {  	_ =	shalt  }
0x75: {  	_ =	shalt  }
0x76: {  	_ =	shalt  }
0x77: {  	_ =	shalt  }
0x78: {  	_ =	shalt  }
0x79: {  	_ =	shalt  }
0x7a: {  	_ =	shalt  }
0x7b: {  	_ =	shalt  }
0x7c: {  	_ =	shalt  }
0x7d: {  	_ =	shalt  }
0x7e: {  	_ =	shalt  }
0x7f: {  	_ =	shalt  }
0x80: {  	_ =	shalt  }
0x81: {  	_ =	shalt  }
0x82: {  	_ =	shalt  }
0x83: {  	_ =	shalt  }
0x84: {  	_ =	shalt  }
0x85: {  	_ =	shalt  }
0x86: {  	_ =	shalt  }
0x87: {  	_ =	shalt  }
.Lfunc_end0:
.L_simem_size_0:
called_computation.1_lowered:
.L_overlay_start_0:
0x88: {  	s2 =	sld [smem:$0x3FD9]  }
0x89: {  	s3 =	sld [smem:$0x3FFE];
	_ =	sdelay $0x1  }
0x8a: {  	s1 =	srdreg.scid  }
0x8b: {  	s0 =	sand.u32 $0x1, s1  }
0x8c: {  	s17 =	sshll.u32 s0, $0xA;
	s2 =	sadd.s32 s3, s2  }
0x8d: {  	s2 =	sadd.s32 s2, s17  }
0x8e: {  	[smem:$0x3FC6] =	sst s2  }
0x8f: {  	_ = 	snop  }
0x90: {  	(tm) =	ssettm $0x1  }
0x91: {  	s18 =	sld [smem:$0x3FFB];
	_ =	sdelay $0x3  }
0x92: {  	_ =	strace s18  }
0x93: {  	s2 =	sld [smem:$0x3FFC];
	_ =	sdelay $0x3  }
0x94: {  	_ =	strace s2  }
0x95: {  	s2 =	sld [smem:$0x3FFD];
	_ =	sdelay $0x3  }
0x96: {  	_ =	strace s2  }
0x97: {  	_ =	strace $0x8FFFFFFF  }
0x98: {  	s19 =	sld [smem:$0x3FDB];
	_ =	sdelay $0x1  }
0x99: {  	s20 =	simm.s32 $_scs_section_size  }
0x9a: {  	s4 =	simm.s32 $_size__tile_overlayer_lowered;
	s5 =	simm.s32 $_tile_overlayer_lowered  }
0x9b: {  	s6 =	simm.s32 $0x1BFF;
	s21 =	sshll.u32 s5, $0x1;
	s3 =	sadd.s32 s20, s19  }
0x9c: {  	s22 =	simm.s32 $0x0;
	s4 =	sshll.u32 s4, $0x1;
	s5 =	sadd.s32 s21, s3  }
0x9d: {  	[timem:s22], [sflag:s6] =	dma.local [hbm:s5], s4  }
0x9e: {  	_ =	swait.ge [sflag:s6], s4  }
0x9f: {  	s4 =	ssub.s32 $0x0, s4;
	[sflag:s6] =	ssyncset.done $0x0  }
0xa0: {  	[sflag:s6] =	ssyncadd.s32 s4;
	_ =	sdelay $0x1  }
0xa1: {  	s23 =	simm.s32 $0x1B8B  }
0xa2: {  	_ =	swait.ge [sflag:s23], $0x1  }
0xa3: {  	[sflag:s23] =	ssyncset.done $0x0  }
0xa4: {  	[sflag:s23] =	ssyncadd.s32 $0xFFFFFFFF  }
0xa5: {  	s4 =	sld [smem:$0x0]  }
0xa6: {  	s5 =	sand.u32 $0xFFFFFFFE, s1  }
0xa7: {  	p0 =	sne.s32 s1, s5  }
0xa8: {  	s5 =	sshll.u32 @p0 s5, $0xE  }
0xa9: {  	s5 =	sadd.s32 @p0 $0x11B8D, s5;
	s6 =	sshll.u32 @p0 s4, $0x11  }
0xaa: {  	s5 =	sor.u32 @p0 s6, s5  }
0xab: {  	[sflag:s5] =	ssyncadd.remote.s32 @p0 $0x1;
	_ =	sdelay $0x1  }
0xac: {  	s5 =	simm.s32 @p0 $0x1B8D  }
0xad: {  	_ =	swait.eq @p0 [sflag:s5], $0x1  }
0xae: {  	[sflag:s5] =	ssyncadd.s32 @p0 $0xFFFFFFFF  }
0xaf: {  	s6 =	sshll.u32 @!p0 s1, $0xE  }
0xb0: {  	s6 =	sor.u32 @!p0 $0x4000, s6;
	s5 =	simm.s32 @!p0 $0x1B8D  }
0xb1: {  	s4 =	sshll.u32 @!p0 s4, $0x11;
	s6 =	sadd.s32 @!p0 $0x11B8D, s6;
	_ =	swait.eq @!p0 [sflag:s5], $0x1  }
0xb2: {  	s4 =	sor.u32 @!p0 s4, s6;
	[sflag:s5] =	ssyncadd.s32 @!p0 $0xFFFFFFFF  }
0xb3: {  	s25 =	simm.s32 $0x1B8E;
	s24 =	sld [smem:$0x3FFE];
	[sflag:s4] =	ssyncadd.remote.s32 @!p0 $0x1  }
0xb4: {  	s26 =	simm.s32 $execute0_lowered;
	[smem:$0x3FD2] =	sst s25  }
0xb5: {  	s5 =	sshll.u32 s26, $0x1;
	_ =	strace $0x80000049;
	[dreg:$0x1] =	wrdreg $0xFFFFFFFF  }
0xb6: {  	s28 =	simm.s32 $_size_execute0_lowered;
	s3 =	sadd.s32 s3, s5;
	[dreg:$0x0] =	wrdreg $0x0  }
0xb7: {  	s5 =	sshll.u32 s28, $0x1;
	[dreg:$0x2] =	wrdreg s3  }
0xb8: {  	[dreg:$0x3] =	wrdreg s5  }
0xb9: {  	[dreg:$0x4] =	wrdreg $0xC0  }
0xba: {  	_ =	task [dreg:s22], $0x5FFFF  }
0xbb: {  	[dreg:$0x1] =	wrdreg $0xFFFFFFFF  }
0xbc: {  	[dreg:$0x0] =	wrdreg $0x60  }
0xbd: {  	[dreg:$0x2] =	wrdreg s24  }
0xbe: {  	[dreg:$0x3] =	wrdreg $0xA  }
0xbf: {  	_ =	task.clear_ibuf [dreg:s22], $0x4FFFF;
	_ =	strace $0x90000049  }
0xc0: {  	s29 =	simm.s32 $0xA;
	_ =	strace $0x8000004B  }
0xc1: {  	_ =	swait.ge [sflag:s29], $0x1  }
0xc2: {  	[sflag:s29] =	ssyncadd.s32 $0xFFFFFFFF  }
0xc3: {  	_ =	strace $0x9000004B  }
0xc4: {  	_ =	sfence  }
0xc5: {  	s30 =	sld [smem:$0x0];
	_ =	sdelay $0x2  }
0xc6: {  	s31 =	sshll.u32 s1, $0xD;
	s1 =	sshrl.u32 s1, $0x2  }
0xc7: {  	s4 =	sand.u32 $0x4000, s31;
	s1 =	sadd.s32 s1, s30  }
0xc8: {  	s0 =	sor.u32 s4, s0;
	s1 =	sshll.u32 s1, $0x11  }
0xc9: {  	s0 =	sor.u32 s1, s0  }
0xca: {  	s0 =	sadd.s32 $0x8F2B, s0  }
0xcb: {  	[sflag:s0] =	ssyncadd.remote.s32 $0x1  }
0xcc: {  	_ =	sfence.sel $0xFFFF  }
0xcd: {  	[dreg:$0x0] =	wrdreg $0xFFFFFFFF;
	(pc) =	sbr.abs _section_cstart, $3  }
0xce: {  	[dreg:$0x1] =	wrdreg $0xFFFFFFFF  }
0xcf: {  	_ =	task.clear_ibuf [dreg:s22], $0x2FFFF;
	_ =	strace $0x9FFFFFFF  }
0xd0: {  	(tm) =	ssettm $0x7FFFFFFF  }
0xd1: {  	_ =	shalt  }
tec
execute0_lowered:
.L_overlay_start_1:
0x0: {  	(tag) =	ssettag $0x1  }
0x1: {  	s0 =	srdreg.scid  }
0x2: {  	s3 =	stileid.u32;
	s2 =	rddreg [dreg:$0x0]  }
0x3: {  	s4 =	simm.s32 $0x0;
	s10 =	simm.s32 $0x1900;
	s11 =	simm.s32 $0x5900  }
0x4: {  	s12 =	simm.s32 $0x9900;
	s13 =	simm.s32 $0xD900;
	s30 =	simm.s32 $0x40  }
0x5: {  	s31 =	simm.s32 $0x80;
	s8 =	simm.s32 $0xA;
	s9 =	simm.s32 $0x0  }
0x6: {  	s0 =	sand.u32 $0x1, s0;
	s1 =	sshll.u32 s3, $0x1;
	[smem:$0x7FF] =	sst s4  }
0x7: {  	s5 =	smul.u32 $0x3200, s3;
	s3 =	sadd.s32 $0x1200, s2;
	s4 =	sadd.s32 $0x26D800, s2  }
0x8: {  	s1 =	sor.u32 s0, s1;
	s6 =	smul.u32 $0x1900, s0;
	s0 =	ssub.s32 $0x2, s0  }
0x9: {  	_ =	strace $0x8000004A;
	s1 =	smul.u32 $0x1900, s1;
	s7 =	sshrl.u32 s0, $0x1  }
0xa: {  	s5 =	sadd.s32 s6, s5;
	s0 =	ssub.s32 s0, s7;
	s6 =	simm.s32 $0x8  }
0xb: {  	s7 =	simm.s32 $0x9;
	s1 =	sshrl.u32 s1, $0x3;
	s0 =	smax.u32 s0, $0x1  }
0xc: {  	s16 =	sadd.s32 $0x32400, s5;
	s19 =	sadd.s32 $0x32300, s5;
	[dreg:$0x4] =	wrdreg s0  }
0xd: {  	s20 =	sadd.s32 $0x32200, s5;
	s17 =	sshrl.u32 s16, $0x5;
	[dreg:$0x2] =	wrdreg s16  }
0xe: {  	s24 =	sadd.s32 $0x32100, s5;
	s18 =	sshrl.u32 s16, $0x1;
	[dreg:$0x5] =	wrdreg s17  }
0xf: {  	s25 =	sadd.s32 $0x32000, s5;
	s21 =	sshrl.u32 s19, $0x5;
	[dreg:$0x6] =	wrdreg s18  }
0x10: {  	s1 =	sadd.s32 s2, s1;
	s0 =	sshrl.u32 s19, $0x1;
	[dreg:$0x7] =	wrdreg s21  }
0x11: {  	s22 =	sshrl.u32 s20, $0x5;
	s23 =	sshrl.u32 s20, $0x1;
	[dreg:$0x8] =	wrdreg s0  }
0x12: {  	s26 =	sshrl.u32 s24, $0x5;
	s28 =	sshrl.u32 s25, $0x5;
	[dreg:$0x9] =	wrdreg s22  }
0x13: {  	s29 =	sshrl.u32 s25, $0x1;
	s19 =	simm.s32 $0x100;
	[dreg:$0xa] =	wrdreg s23  }
.Ltmp0:
0x14: {  	s2 =	simm.s32 $0x7;
	[dreg:$0xb] =	wrdreg s26;
	(pc) =	sbr.rel .LBB2_1-.Ltmp0, $4  }
0x15: {  	s1 =	sadd.s32 $0xCAC00, s1;
	s0 =	sshrl.u32 s24, $0x1;
	[dreg:$0xd] =	wrdreg s28  }
0x16: {  	[dreg:$0xe] =	wrdreg s29;
	s21 =	simm.s32 $0x11900;
	s22 =	simm.s32 $0x4  }
0x17: {  	s24 =	simm.s32 $0x5;
	s26 =	simm.s32 $0x6;
	[dreg:$0x3] =	wrdreg s1  }
0x18: {  	[dreg:$0xc] =	wrdreg s0;
	s1 =	simm.s32 $0x2;
	s0 =	simm.s32 $0x3  }
.LBB2_4:
0x19: {  	_ =	swait.ge [sflag:s2], $0x4000  }
0x1a: {  	[sflag:s2] =	ssyncset.done $0x0  }
0x1b: {  	[sflag:s2] =	ssyncadd.s32 $0xFFFFC000  }
0x1c: {  	_ =	swait.ge [sflag:s6], $0x4000  }
0x1d: {  	[sflag:s6] =	ssyncset.done $0x0  }
0x1e: {  	[sflag:s6] =	ssyncadd.s32 $0xFFFFC000  }
0x1f: {  	_ =	swait.ge [sflag:s7], $0x4000  }
0x20: {  	[sflag:s7] =	ssyncset.done $0x0  }
0x21: {  	[sflag:s7] =	ssyncadd.s32 $0xFFFFC000  }
0x22: {  	_ =	swait.ge [sflag:s8], $0x4000  }
0x23: {  	s9 =	rddreg [dreg:$0xf]  }
0x24: {  	s5 =	rddreg [dreg:$0x4];
	s9 =	sadd.s32 $0x1, s9  }
0x25: {  	p0 =	sne.s32 s9, s5  }
.Ltmp1:
0x26: {  	_ = 	snop;
	(pc) =	sbr.rel @!p0 .LBB2_5-.Ltmp1, $3  }
0x27: {  	_ =	sdelay $0x1  }
0x28: {  	s10 =	simm.s32 $0x1900;
	s11 =	simm.s32 $0x5900;
	[sflag:s8] =	ssyncset.done $0x0  }
0x29: {  	s12 =	simm.s32 $0x9900;
	s13 =	simm.s32 $0xD900;
	[sflag:s8] =	ssyncadd.s32 $0xFFFFC000  }
.LBB2_1:
0x2a: {  	[dreg:$0xf] =	wrdreg s9  }
0x2b: {  	s5 =	simm.s32 $0x0;
	s17 =	rddreg [dreg:$0x3];
	s18 =	simm.s32 $0xB  }
0x2c: {  	[tilespmem:s5], [sflag:$0xB] =	stream.linear.gather [hbm4b:s17+s5], $0x1900, $0x38;
	[tilespmem:$0x15900] =	vst v63  }
0x2d: {  	_ =	swait.ge [sflag:s18], $0x1900  }
0x2e: {  	s17 =	rddreg [dreg:$0xe]  }
0x2f: {  	s16 =	rddreg [dreg:$0xd]  }
0x30: {  	s15 =	rddreg [dreg:$0xc]  }
0x31: {  	s14 =	rddreg [dreg:$0xb]  }
0x32: {  	[sflag:s18] =	ssyncset.done $0x0;
	s9 =	rddreg [dreg:$0x5]  }
0x33: {  	[sflag:s18] =	ssyncadd.s32 $0xFFFFE700;
	s18 =	rddreg [dreg:$0x6]  }
0x34: {  	[tilespmem:s10], [sflag:$0x1] =	stream.indirect.gather [hbm4b:s3+s19], $0x40, s5, s19, $0xb8;
	[tilespmem:$0x15900] =	vst v63  }
0x35: {  	s5 =	rddreg [dreg:$0xa]  }
0x36: {  	[tilespmem:s11], [sflag:$0x2] =	stream.indirect.gather [hbm4b:s3+s19], $0x40, s19, s19, $0xb8;
	[tilespmem:$0x15900] =	vst v63  }
0x37: {  	s20 =	simm.s32 $0x200;
	s10 =	rddreg [dreg:$0x2]  }
0x38: {  	[tilespmem:s12], [sflag:$0x3] =	stream.indirect.gather [hbm4b:s3+s19], $0x40, s20, s19, $0xb8;
	[tilespmem:$0x15900] =	vst v63  }
0x39: {  	s23 =	simm.s32 $0x300;
	s25 =	simm.s32 $0x400;
	s11 =	rddreg [dreg:$0x7]  }
0x3a: {  	[tilespmem:s13], [sflag:$0x4] =	stream.indirect.gather [hbm4b:s3+s19], $0x40, s23, s19, $0xb8;
	[tilespmem:$0x15900] =	vst v63  }
0x3b: {  	s29 =	simm.s32 $0x1900;
	s28 =	simm.s32 $0x11900;
	s12 =	rddreg [dreg:$0x8]  }
0x3c: {  	[tilespmem:s21], [sflag:$0x5] =	stream.indirect.gather [hbm4b:s3+s19], $0x40, s25, s19, $0xb8;
	[tilespmem:$0x15900] =	vst v63  }
0x3d: {  	s20 =	simm.s32 $0x0;
	s13 =	rddreg [dreg:$0x9];
	s25 =	simm.s32 $0x9900  }
.LBB2_2:
0x3e: {  	s21 =	sadd.s32 $0xFFFFFC00, s10  }
0x3f: {  	s23 =	sand.u32 $0x1FFF800, s17;
	s21 =	sand.u32 $0x700, s21  }
0x40: {  	s21 =	sor.u32 s21, s23  }
0x41: {  	s23 =	sand.u32 $0x40, s16;
	s21 =	sshll.u32 s21, $0x7  }
0x42: {  	s21 =	sor.u32 s23, s21;
	s23 =	simm.s32 $0x1  }
0x43: {  	_ =	swait.ge [sflag:s23], $0x4000;
	s21 =	sadd.s32 $0xFF380000, s21  }
0x44: {  	[sflag:s23] =	ssyncset.done $0x0;
	s21 =	sshrl.u32 s21, $0x3  }
0x45: {  	[sflag:s23] =	ssyncadd.s32 $0xFFFFC000;
	s21 =	sadd.s32 s4, s21  }
0x46: {  	[hbm4b:s21+s30] =	stream.strided.scatter [tilespmem:s29], [sflag:$0x6], $0x4000, s31, s30, $0x38;
	[tilespmem:$0x15900] =	vst v63  }
0x47: {  	s21 =	sadd.s32 $0xFFFFFD00, s10  }
0x48: {  	s23 =	sand.u32 $0x1FFF800, s15;
	s21 =	sand.u32 $0x700, s21  }
0x49: {  	s21 =	sor.u32 s21, s23  }
0x4a: {  	s23 =	sand.u32 $0x40, s14;
	s21 =	sshll.u32 s21, $0x7  }
0x4b: {  	s21 =	sor.u32 s23, s21  }
0x4c: {  	_ =	swait.ge [sflag:s1], $0x4000;
	s21 =	sadd.s32 $0xFF380000, s21  }
0x4d: {  	[sflag:s1] =	ssyncset.done $0x0;
	s21 =	sshrl.u32 s21, $0x3  }
0x4e: {  	[sflag:s1] =	ssyncadd.s32 $0xFFFFC000;
	s23 =	simm.s32 $0x5900;
	s21 =	sadd.s32 s4, s21  }
0x4f: {  	[hbm4b:s21+s30] =	stream.strided.scatter [tilespmem:s23], [sflag:$0x7], $0x4000, s31, s30, $0x38;
	[tilespmem:$0x15900] =	vst v63  }
0x50: {  	s21 =	sadd.s32 $0xFFFFFE00, s10  }
0x51: {  	s23 =	sand.u32 $0x1FFF800, s5;
	s21 =	sand.u32 $0x700, s21  }
0x52: {  	s21 =	sor.u32 s21, s23  }
0x53: {  	s23 =	sand.u32 $0x40, s13;
	s21 =	sshll.u32 s21, $0x7  }
0x54: {  	s21 =	sor.u32 s23, s21  }
0x55: {  	_ =	swait.ge [sflag:s0], $0x4000;
	s21 =	sadd.s32 $0xFF380000, s21  }
0x56: {  	[sflag:s0] =	ssyncset.done $0x0;
	s21 =	sshrl.u32 s21, $0x3  }
0x57: {  	[sflag:s0] =	ssyncadd.s32 $0xFFFFC000;
	s21 =	sadd.s32 s4, s21  }
0x58: {  	[hbm4b:s21+s30] =	stream.strided.scatter [tilespmem:s25], [sflag:$0x8], $0x4000, s31, s30, $0x38;
	[tilespmem:$0x15900] =	vst v63  }
0x59: {  	s21 =	sadd.s32 $0xFFFFFF00, s10  }
0x5a: {  	s23 =	sand.u32 $0x1FFF800, s12;
	s21 =	sand.u32 $0x700, s21  }
0x5b: {  	s21 =	sor.u32 s21, s23  }
0x5c: {  	s23 =	sand.u32 $0x40, s11;
	s21 =	sshll.u32 s21, $0x7  }
0x5d: {  	s21 =	sor.u32 s23, s21  }
0x5e: {  	_ =	swait.ge [sflag:s22], $0x4000;
	s21 =	sadd.s32 $0xFF380000, s21  }
0x5f: {  	[sflag:s22] =	ssyncset.done $0x0;
	s21 =	sshrl.u32 s21, $0x3  }
0x60: {  	[sflag:s22] =	ssyncadd.s32 $0xFFFFC000;
	s23 =	simm.s32 $0xD900;
	s21 =	sadd.s32 s4, s21  }
0x61: {  	[hbm4b:s21+s30] =	stream.strided.scatter [tilespmem:s23], [sflag:$0x9], $0x4000, s31, s30, $0x38;
	[tilespmem:$0x15900] =	vst v63  }
0x62: {  	s21 =	sand.u32 $0x1FFF800, s18;
	s23 =	sand.u32 $0x700, s10  }
0x63: {  	s21 =	sor.u32 s23, s21  }
0x64: {  	s23 =	sand.u32 $0x40, s9;
	s21 =	sshll.u32 s21, $0x7  }
0x65: {  	s21 =	sor.u32 s23, s21  }
0x66: {  	_ =	swait.ge [sflag:s24], $0x4000;
	s21 =	sadd.s32 $0xFF380000, s21  }
0x67: {  	p0 =	seq.s32 s20, $0x5000;
	[sflag:s24] =	ssyncset.done $0x0;
	s21 =	sshrl.u32 s21, $0x3  }
.Ltmp2:
0x68: {  	[sflag:s24] =	ssyncadd.s32 $0xFFFFC000;
	s21 =	sadd.s32 s4, s21;
	(pc) =	sbr.rel @p0 .LBB2_4-.Ltmp2, $4  }
0x69: {  	[hbm4b:s21+s30] =	stream.strided.scatter [tilespmem:s28], [sflag:$0xA], $0x4000, s31, s30, $0x38;
	[tilespmem:$0x15900] =	vst v63  }
0x6a: {  	_ =	swait.ge [sflag:s26], $0x4000  }
0x6b: {  	[sflag:s26] =	ssyncset.done $0x0  }
0x6c: {  	s21 =	simm.s32 $0x11900;
	[sflag:s26] =	ssyncadd.s32 $0xFFFFC000  }
0x6d: {  	s21 =	sshra.s32 s20, $0x2  }
0x6e: {  	s23 =	sadd.s32 $0x500, s21  }
0x6f: {  	[tilespmem:s29], [sflag:$0x1] =	stream.indirect.gather [hbm4b:s3+s19], $0x40, s23, s19, $0xb8;
	[tilespmem:$0x15900] =	vst v63  }
0x70: {  	_ =	swait.ge [sflag:s2], $0x4000  }
0x71: {  	[sflag:s2] =	ssyncset.done $0x0  }
0x72: {  	s23 =	sadd.s32 $0x600, s21;
	s29 =	simm.s32 $0x5900;
	[sflag:s2] =	ssyncadd.s32 $0xFFFFC000  }
0x73: {  	[tilespmem:s29], [sflag:$0x2] =	stream.indirect.gather [hbm4b:s3+s19], $0x40, s23, s19, $0xb8;
	[tilespmem:$0x15900] =	vst v63  }
0x74: {  	s28 =	simm.s32 $0x11900;
	_ =	swait.ge [sflag:s6], $0x4000  }
0x75: {  	s20 =	sadd.s32 $0x1400, s20;
	s9 =	sadd.s32 $0x28, s9;
	[sflag:s6] =	ssyncset.done $0x0  }
0x76: {  	s18 =	sadd.s32 $0x280, s18;
	s23 =	sadd.s32 $0x700, s21;
	[sflag:s6] =	ssyncadd.s32 $0xFFFFC000  }
0x77: {  	[tilespmem:s25], [sflag:$0x3] =	stream.indirect.gather [hbm4b:s3+s19], $0x40, s23, s19, $0xb8;
	[tilespmem:$0x15900] =	vst v63  }
0x78: {  	s10 =	sadd.s32 $0x500, s10;
	s11 =	sadd.s32 $0x28, s11;
	_ =	swait.ge [sflag:s7], $0x4000  }
0x79: {  	s12 =	sadd.s32 $0x280, s12;
	s13 =	sadd.s32 $0x28, s13;
	[sflag:s7] =	ssyncset.done $0x0  }
0x7a: {  	s23 =	sadd.s32 $0x800, s21;
	s25 =	simm.s32 $0xD900;
	[sflag:s7] =	ssyncadd.s32 $0xFFFFC000  }
0x7b: {  	[tilespmem:s25], [sflag:$0x4] =	stream.indirect.gather [hbm4b:s3+s19], $0x40, s23, s19, $0xb8;
	[tilespmem:$0x15900] =	vst v63  }
.Ltmp3:
0x7c: {  	s5 =	sadd.s32 $0x280, s5;
	s14 =	sadd.s32 $0x28, s14;
	(pc) =	sbr.rel .LBB2_2-.Ltmp3, $4  }
0x7d: {  	s15 =	sadd.s32 $0x280, s15;
	s16 =	sadd.s32 $0x28, s16;
	_ =	swait.ge [sflag:s8], $0x4000  }
0x7e: {  	s17 =	sadd.s32 $0x280, s17;
	s29 =	simm.s32 $0x1900;
	[sflag:s8] =	ssyncset.done $0x0  }
0x7f: {  	s21 =	sadd.s32 $0x900, s21;
	s25 =	simm.s32 $0x9900;
	[sflag:s8] =	ssyncadd.s32 $0xFFFFC000  }
0x80: {  	[tilespmem:s28], [sflag:$0x5] =	stream.indirect.gather [hbm4b:s3+s19], $0x40, s21, s19, $0xb8;
	[tilespmem:$0x15900] =	vst v63  }
.LBB2_5:
0x81: {  	_ =	sfence.sel $0x180000  }
0x82: {  	[bflag:$0x0] =	sbarrier.arrive $0xFFFF  }
0x83: {  	_ =	strace $0x9000004A  }
0x84: {  	s0 =	stileid.u32;
	[bflag:$0x2] =	sbarrier.arrive $0xFFFF  }
0x85: {  	p0 =	sne.s32 s0, $0x0;
	s0 =	rddreg [dreg:$0x1]  }
0x86: {  	s0 =	sadd.s32 @!p0 $0x100000, s0  }
0x87: {  	[sflag:s0] =	ssyncadd.tile.s32 @!p0 $0x1;
	_ =	shalt  }
.Lfunc_end2:
_tile_overlayer_lowered:
.L_overlay_start_2:
0x88: {  	(tag) =	ssettag $0x2  }
0x89: {  	s0 =	rddreg [dreg:$0x0];
	s2 =	stileid.u32  }
0x8a: {  	s1 =	rddreg [dreg:$0x1];
	p0 =	sne.s32 s2, $0x0  }
0x8b: {  	s3 =	rddreg [dreg:$0x2];
	[bflag:$0x3] =	sbarrier.arrive $0xFFFF;
	s2 =	simm.s32 @!p0 $0x1C0B  }
0x8c: {  	[timem:s3], [sflag:s2] =	dma.local @!p0 [hbm:s0], s1  }
0x8d: {  	s0 =	simm.s32 @!p0 $0xB  }
0x8e: {  	_ =	swait.ge @!p0 [sflag:s0], s1  }
0x8f: {  	s1 =	ssub.s32 @!p0 $0x0, s1;
	[sflag:s0] =	ssyncset.done @!p0 $0x0  }
0x90: {  	[sflag:s0] =	ssyncadd.s32 @!p0 s1  }
0x91: {  	[bflag:$0x3] =	sbarrier.arrive $0xFFFF  }
0x92: {  	_ =	shalt  }

// kernel: kernel.16.cloned.1.call-start
scs
__scs_entry_jumppad:
0x0: {  	(pc) =	sbr.rel $0x88, $3  }
0x1: {  	(tag) =	ssettag $0x0;
	lr =	simm.s32 $0x1  }
0x2: {  	[smem:$0x3F9F] =	sst lr;
	_ =	strace $0xD0000000  }
0x3: {  	_ = 	snop  }
0x4: {  	_ = 	snop  }
0x5: {  	_ = 	snop  }
0x6: {  	_ = 	snop  }
0x7: {  	_ = 	snop  }
__scs_overlays_trampoline_lowered:
0x8: {  	[smem:$0x3FAE] =	sst s0  }
0x9: {  	[smem:$0x3FAF] =	sst s1  }
0xa: {  	[smem:$0x3FB0] =	sst s2  }
0xb: {  	[smem:$0x3FB1] =	sst s3  }
0xc: {  	[smem:$0x3FB2] =	sst s4  }
0xd: {  	[smem:$0x3FB3] =	sst s5  }
0xe: {  	[smem:$0x3FB4] =	sst s6  }
0xf: {  	[smem:$0x3FB5] =	sst s7  }
0x10: {  	[smem:$0x3FB6] =	sst s8  }
0x11: {  	[smem:$0x3FB7] =	sst s9;
	s0 =	simm.s32 @!p0 $0x0  }
0x12: {  	s1 =	sld [smem:$0x3F9D];
	s0 =	simm.s32 @p0 $0x1  }
0x13: {  	[smem:$0x3FB8] =	sst s0;
	s0 =	simm.s32 @!p1 $0x0  }
0x14: {  	s2 =	sld [smem:$0x3F9C];
	s0 =	simm.s32 @p1 $0x1  }
0x15: {  	[smem:$0x3FB9] =	sst s0;
	s0 =	simm.s32 @!p2 $0x0  }
0x16: {  	s3 =	sld [smem:$0x3FDB];
	s0 =	simm.s32 @p2 $0x1  }
0x17: {  	s4 =	simm.s32 $0x1BF5;
	[smem:$0x3FBB] =	sst s0  }
0x18: {  	s0 =	sld [smem:$0x3F9E];
	_ =	swait.ge [sflag:s4], $0x0  }
0x19: {  	s7 =	sld [smem:$0x3F9F]  }
0x1a: {  	s8 =	sadd.s32 $0xFFFFE003, lr  }
0x1b: {  	s9 =	sadd.s32 $0xFFFFFEF7, lr;
	s5 =	simm.s32 $0xFFFFFFFF;
	p2 =	slt.u32 s8, $0xFFFFF086  }
0x1c: {  	p1 =	slt.u32 s9, $0xF7A;
	s5 =	simm.s32 @!p2 $0x0  }
0x1d: {  	s5 =	simm.s32 @p1 $0x1;
	p0 =	seq.s32 s7, s2  }
0x1e: {  	s7 =	smul.u32 @!p0 $0xF7A, s2;
	p2 =	seq.s32 @!p0 s5, $0x0  }
0x1f: {  	s9 =	smul.u32 $0xF7A, s1;
	s8 =	simm.s32 @!p0 $0x1BF5;
	p2 =	por !p2, p0  }
0x20: {  	[sflag:s8] =	ssyncset.s32 @!p0 $0xFFFFF086;
	s6 =	sadd.s32 @!p0 s3, s7;
	s7 =	simm.s32 @!p0 $0x108  }
0x21: {  	s3 =	sadd.s32 s3, s9;
	s6 =	sadd.s32 @!p0 $0x88, s6;
	s7 =	simm.s32 @p2 $0x1082  }
0x22: {  	[simem:s7], [sflag:s8] =	dma.local @!p0 [hbm:s6], $0xF7A  }
0x23: {  	s9 =	sor.u32 $0xD0000000, s2;
	s6 =	simm.s32 $0x108;
	_ =	swait.ge @!p0 [sflag:s8], $0x0  }
0x24: {  	s3 =	sadd.s32 $0x88, s3;
	s6 =	simm.s32 @!p1 $0x1082;
	[sflag:s4] =	ssyncset.s32 $0xFFFFF086  }
0x25: {  	[simem:s6], [sflag:s4] =	dma.local [hbm:s3], $0xF7A  }
0x26: {  	[smem:$0x3F9F] =	sst s1;
	(tag) =	ssettag s2;
	_ =	strace s9  }
0x27: {  	s1 =	sld [smem:$0x3FAF]  }
0x28: {  	s2 =	sld [smem:$0x3FB0]  }
0x29: {  	s4 =	sld [smem:$0x3FB2]  }
0x2a: {  	p0 =	seq.s32 s5, $0x0;
	s5 =	sld [smem:$0x3FB3]  }
0x2b: {  	s6 =	sld [smem:$0x3FB4]  }
0x2c: {  	s7 =	sld [smem:$0x3FB5]  }
0x2d: {  	s3 =	simm.s32 $0x108;
	s8 =	sld [smem:$0x3FB6]  }
0x2e: {  	s3 =	simm.s32 @!p0 $0x1082;
	s9 =	sld [smem:$0x3FB7]  }
0x2f: {  	lr =	sadd.s32 s0, s3;
	s0 =	sld [smem:$0x3FAE]  }
0x30: {  	s3 =	sld [smem:$0x3FB1]  }
0x31: {  	[smem:$0x3FBA] =	sst s10  }
0x32: {  	s10 =	sld [smem:$0x3FB8];
	_ =	sdelay $0x3  }
0x33: {  	p0 =	seq.s32 s10, $0x1;
	s10 =	sld [smem:$0x3FBA];
	_ =	sdelay $0x3  }
0x34: {  	[smem:$0x3FBA] =	sst s10  }
0x35: {  	s10 =	sld [smem:$0x3FB9];
	_ =	sdelay $0x3  }
0x36: {  	p1 =	seq.s32 s10, $0x1;
	s10 =	sld [smem:$0x3FBA];
	_ =	sdelay $0x3  }
0x37: {  	[smem:$0x3FBA] =	sst s10  }
0x38: {  	s10 =	sld [smem:$0x3FBB]  }
0x39: {  	_ = 	snop;
	(pc) =	sbr.ind lr, $3  }
0x3a: {  	_ = 	snop  }
0x3b: {  	_ = 	snop  }
0x3c: {  	p2 =	seq.s32 s10, $0x1;
	s10 =	sld [smem:$0x3FBA]  }
0x3d: {  	_ =	shalt  }
0x3e: {  	_ =	shalt  }
0x3f: {  	_ =	shalt  }
0x40: {  	_ =	shalt  }
0x41: {  	_ =	shalt  }
0x42: {  	_ =	shalt  }
0x43: {  	_ =	shalt  }
0x44: {  	_ =	shalt  }
0x45: {  	_ =	shalt  }
0x46: {  	_ =	shalt  }
0x47: {  	_ =	shalt  }
0x48: {  	_ =	shalt  }
0x49: {  	_ =	shalt  }
0x4a: {  	_ =	shalt  }
0x4b: {  	_ =	shalt  }
0x4c: {  	_ =	shalt  }
0x4d: {  	_ =	shalt  }
0x4e: {  	_ =	shalt  }
0x4f: {  	_ =	shalt  }
0x50: {  	_ =	shalt  }
0x51: {  	_ =	shalt  }
0x52: {  	_ =	shalt  }
0x53: {  	_ =	shalt  }
0x54: {  	_ =	shalt  }
0x55: {  	_ =	shalt  }
0x56: {  	_ =	shalt  }
0x57: {  	_ =	shalt  }
0x58: {  	_ =	shalt  }
0x59: {  	_ =	shalt  }
0x5a: {  	_ =	shalt  }
0x5b: {  	_ =	shalt  }
0x5c: {  	_ =	shalt  }
0x5d: {  	_ =	shalt  }
0x5e: {  	_ =	shalt  }
0x5f: {  	_ =	shalt  }
0x60: {  	_ =	shalt  }
0x61: {  	_ =	shalt  }
0x62: {  	_ =	shalt  }
0x63: {  	_ =	shalt  }
0x64: {  	_ =	shalt  }
0x65: {  	_ =	shalt  }
0x66: {  	_ =	shalt  }
0x67: {  	_ =	shalt  }
0x68: {  	_ =	shalt  }
0x69: {  	_ =	shalt  }
0x6a: {  	_ =	shalt  }
0x6b: {  	_ =	shalt  }
0x6c: {  	_ =	shalt  }
0x6d: {  	_ =	shalt  }
0x6e: {  	_ =	shalt  }
0x6f: {  	_ =	shalt  }
0x70: {  	_ =	shalt  }
0x71: {  	_ =	shalt  }
0x72: {  	_ =	shalt  }
0x73: {  	_ =	shalt  }
0x74: {  	_ =	shalt  }
0x75: {  	_ =	shalt  }
0x76: {  	_ =	shalt  }
0x77: {  	_ =	shalt  }
0x78: {  	_ =	shalt  }
0x79: {  	_ =	shalt  }
0x7a: {  	_ =	shalt  }
0x7b: {  	_ =	shalt  }
0x7c: {  	_ =	shalt  }
0x7d: {  	_ =	shalt  }
0x7e: {  	_ =	shalt  }
0x7f: {  	_ =	shalt  }
0x80: {  	_ =	shalt  }
0x81: {  	_ =	shalt  }
0x82: {  	_ =	shalt  }
0x83: {  	_ =	shalt  }
0x84: {  	_ =	shalt  }
0x85: {  	_ =	shalt  }
0x86: {  	_ =	shalt  }
0x87: {  	_ =	shalt  }
.Lfunc_end0:
.L_simem_size_0:
called_computation.2_lowered:
.L_overlay_start_0:
0x88: {  	s2 =	sld [smem:$0x3FD9]  }
0x89: {  	s3 =	sld [smem:$0x3FFE];
	_ =	sdelay $0x1  }
0x8a: {  	s1 =	srdreg.scid  }
0x8b: {  	s0 =	sand.u32 $0x1, s1  }
0x8c: {  	s17 =	sshll.u32 s0, $0xA;
	s2 =	sadd.s32 s3, s2  }
0x8d: {  	s2 =	sadd.s32 s2, s17  }
0x8e: {  	[smem:$0x3FC6] =	sst s2  }
0x8f: {  	_ = 	snop  }
0x90: {  	(tm) =	ssettm $0x1  }
0x91: {  	s18 =	sld [smem:$0x3FFB];
	_ =	sdelay $0x3  }
0x92: {  	_ =	strace s18  }
0x93: {  	s2 =	sld [smem:$0x3FFC];
	_ =	sdelay $0x3  }
0x94: {  	_ =	strace s2  }
0x95: {  	s2 =	sld [smem:$0x3FFD];
	_ =	sdelay $0x3  }
0x96: {  	_ =	strace s2  }
0x97: {  	_ =	strace $0x8FFFFFFF  }
0x98: {  	s19 =	sld [smem:$0x3FDB];
	_ =	sdelay $0x1  }
0x99: {  	s20 =	simm.s32 $_scs_section_size  }
0x9a: {  	s4 =	simm.s32 $_size__tile_overlayer_lowered;
	s5 =	simm.s32 $_tile_overlayer_lowered  }
0x9b: {  	s6 =	simm.s32 $0x1BFF;
	s21 =	sshll.u32 s5, $0x1;
	s3 =	sadd.s32 s20, s19  }
0x9c: {  	s22 =	simm.s32 $0x0;
	s4 =	sshll.u32 s4, $0x1;
	s5 =	sadd.s32 s21, s3  }
0x9d: {  	[timem:s22], [sflag:s6] =	dma.local [hbm:s5], s4  }
0x9e: {  	_ =	swait.ge [sflag:s6], s4  }
0x9f: {  	s4 =	ssub.s32 $0x0, s4;
	[sflag:s6] =	ssyncset.done $0x0  }
0xa0: {  	[sflag:s6] =	ssyncadd.s32 s4;
	_ =	sdelay $0x1  }
0xa1: {  	s23 =	simm.s32 $0x1B8B  }
0xa2: {  	_ =	swait.ge [sflag:s23], $0x1  }
0xa3: {  	[sflag:s23] =	ssyncset.done $0x0  }
0xa4: {  	[sflag:s23] =	ssyncadd.s32 $0xFFFFFFFF  }
0xa5: {  	s4 =	sld [smem:$0x0]  }
0xa6: {  	s5 =	sand.u32 $0xFFFFFFFE, s1  }
0xa7: {  	p0 =	sne.s32 s1, s5  }
0xa8: {  	s5 =	sshll.u32 @p0 s5, $0xE  }
0xa9: {  	s5 =	sadd.s32 @p0 $0x11B8D, s5;
	s6 =	sshll.u32 @p0 s4, $0x11  }
0xaa: {  	s5 =	sor.u32 @p0 s6, s5  }
0xab: {  	[sflag:s5] =	ssyncadd.remote.s32 @p0 $0x1;
	_ =	sdelay $0x1  }
0xac: {  	s5 =	simm.s32 @p0 $0x1B8D  }
0xad: {  	_ =	swait.eq @p0 [sflag:s5], $0x1  }
0xae: {  	[sflag:s5] =	ssyncadd.s32 @p0 $0xFFFFFFFF  }
0xaf: {  	s6 =	sshll.u32 @!p0 s1, $0xE  }
0xb0: {  	s6 =	sor.u32 @!p0 $0x4000, s6;
	s5 =	simm.s32 @!p0 $0x1B8D  }
0xb1: {  	s4 =	sshll.u32 @!p0 s4, $0x11;
	s6 =	sadd.s32 @!p0 $0x11B8D, s6;
	_ =	swait.eq @!p0 [sflag:s5], $0x1  }
0xb2: {  	s4 =	sor.u32 @!p0 s4, s6;
	[sflag:s5] =	ssyncadd.s32 @!p0 $0xFFFFFFFF  }
0xb3: {  	s25 =	simm.s32 $0x1B8E;
	s24 =	sld [smem:$0x3FFE];
	[sflag:s4] =	ssyncadd.remote.s32 @!p0 $0x1  }
0xb4: {  	s26 =	simm.s32 $execute0_lowered;
	[smem:$0x3FD2] =	sst s25  }
0xb5: {  	s5 =	sshll.u32 s26, $0x1;
	_ =	strace $0x8000004C;
	[dreg:$0x1] =	wrdreg $0xFFFFFFFF  }
0xb6: {  	s28 =	simm.s32 $_size_execute0_lowered;
	s3 =	sadd.s32 s3, s5;
	[dreg:$0x0] =	wrdreg $0x0  }
0xb7: {  	s5 =	sshll.u32 s28, $0x1;
	[dreg:$0x2] =	wrdreg s3  }
0xb8: {  	[dreg:$0x3] =	wrdreg s5  }
0xb9: {  	[dreg:$0x4] =	wrdreg $0xC0  }
0xba: {  	_ =	task [dreg:s22], $0x5FFFF  }
0xbb: {  	[dreg:$0x1] =	wrdreg $0xFFFFFFFF  }
0xbc: {  	[dreg:$0x0] =	wrdreg $0x60  }
0xbd: {  	[dreg:$0x2] =	wrdreg s24  }
0xbe: {  	[dreg:$0x3] =	wrdreg $0xB  }
0xbf: {  	_ =	task.clear_ibuf [dreg:s22], $0x4FFFF;
	_ =	strace $0x9000004C  }
0xc0: {  	s29 =	simm.s32 $0xB;
	_ =	strace $0x8000004E  }
0xc1: {  	_ =	swait.ge [sflag:s29], $0x1  }
0xc2: {  	[sflag:s29] =	ssyncadd.s32 $0xFFFFFFFF  }
0xc3: {  	_ =	strace $0x9000004E  }
0xc4: {  	_ =	sfence  }
0xc5: {  	s30 =	sld [smem:$0x0];
	_ =	sdelay $0x2  }
0xc6: {  	s31 =	sshll.u32 s1, $0xD;
	s1 =	sshrl.u32 s1, $0x2  }
0xc7: {  	s4 =	sand.u32 $0x4000, s31;
	s1 =	sadd.s32 s1, s30  }
0xc8: {  	s0 =	sor.u32 s4, s0;
	s1 =	sshll.u32 s1, $0x11  }
0xc9: {  	s0 =	sor.u32 s1, s0  }
0xca: {  	s0 =	sadd.s32 $0x8F2B, s0  }
0xcb: {  	[sflag:s0] =	ssyncadd.remote.s32 $0x1  }
0xcc: {  	_ =	sfence.sel $0xFFFF  }
0xcd: {  	[dreg:$0x0] =	wrdreg $0xFFFFFFFF;
	(pc) =	sbr.abs _section_cstart, $3  }
0xce: {  	[dreg:$0x1] =	wrdreg $0xFFFFFFFF  }
0xcf: {  	_ =	task.clear_ibuf [dreg:s22], $0x2FFFF;
	_ =	strace $0x9FFFFFFF  }
0xd0: {  	(tm) =	ssettm $0x7FFFFFFF  }
0xd1: {  	_ =	shalt  }
tec
execute0_lowered:
.L_overlay_start_1:
0x0: {  	(tag) =	ssettag $0x1  }
0x1: {  	s0 =	srdreg.scid  }
0x2: {  	s3 =	stileid.u32;
	s2 =	rddreg [dreg:$0x0]  }
0x3: {  	s4 =	simm.s32 $0x0;
	s10 =	simm.s32 $0x1900;
	s11 =	simm.s32 $0x5900  }
0x4: {  	s12 =	simm.s32 $0x9900;
	s13 =	simm.s32 $0xD900;
	s30 =	simm.s32 $0x40  }
0x5: {  	s31 =	simm.s32 $0x80;
	s8 =	simm.s32 $0xA;
	s9 =	simm.s32 $0x0  }
0x6: {  	s0 =	sand.u32 $0x1, s0;
	s1 =	sshll.u32 s3, $0x1;
	[smem:$0x7FF] =	sst s4  }
0x7: {  	s5 =	smul.u32 $0x3200, s3;
	s3 =	sadd.s32 $0x1200, s2;
	s4 =	sadd.s32 $0x3FD800, s2  }
0x8: {  	s1 =	sor.u32 s0, s1;
	s6 =	smul.u32 $0x1900, s0;
	s0 =	ssub.s32 $0x2, s0  }
0x9: {  	_ =	strace $0x8000004D;
	s1 =	smul.u32 $0x1900, s1;
	s7 =	sshrl.u32 s0, $0x1  }
0xa: {  	s5 =	sadd.s32 s6, s5;
	s0 =	ssub.s32 s0, s7;
	s6 =	simm.s32 $0x8  }
0xb: {  	s7 =	simm.s32 $0x9;
	s1 =	sshrl.u32 s1, $0x3;
	s0 =	smax.u32 s0, $0x1  }
0xc: {  	s16 =	sadd.s32 $0x64400, s5;
	s19 =	sadd.s32 $0x64300, s5;
	[dreg:$0x4] =	wrdreg s0  }
0xd: {  	s20 =	sadd.s32 $0x64200, s5;
	s17 =	sshrl.u32 s16, $0x5;
	[dreg:$0x2] =	wrdreg s16  }
0xe: {  	s24 =	sadd.s32 $0x64100, s5;
	s18 =	sshrl.u32 s16, $0x1;
	[dreg:$0x5] =	wrdreg s17  }
0xf: {  	s25 =	sadd.s32 $0x64000, s5;
	s21 =	sshrl.u32 s19, $0x5;
	[dreg:$0x6] =	wrdreg s18  }
0x10: {  	s1 =	sadd.s32 s2, s1;
	s0 =	sshrl.u32 s19, $0x1;
	[dreg:$0x7] =	wrdreg s21  }
0x11: {  	s22 =	sshrl.u32 s20, $0x5;
	s23 =	sshrl.u32 s20, $0x1;
	[dreg:$0x8] =	wrdreg s0  }
0x12: {  	s26 =	sshrl.u32 s24, $0x5;
	s28 =	sshrl.u32 s25, $0x5;
	[dreg:$0x9] =	wrdreg s22  }
0x13: {  	s29 =	sshrl.u32 s25, $0x1;
	s19 =	simm.s32 $0x100;
	[dreg:$0xa] =	wrdreg s23  }
.Ltmp0:
0x14: {  	s2 =	simm.s32 $0x7;
	[dreg:$0xb] =	wrdreg s26;
	(pc) =	sbr.rel .LBB2_1-.Ltmp0, $4  }
0x15: {  	s1 =	sadd.s32 $0xD1000, s1;
	s0 =	sshrl.u32 s24, $0x1;
	[dreg:$0xd] =	wrdreg s28  }
0x16: {  	[dreg:$0xe] =	wrdreg s29;
	s21 =	simm.s32 $0x11900;
	s22 =	simm.s32 $0x4  }
0x17: {  	s24 =	simm.s32 $0x5;
	s26 =	simm.s32 $0x6;
	[dreg:$0x3] =	wrdreg s1  }
0x18: {  	[dreg:$0xc] =	wrdreg s0;
	s1 =	simm.s32 $0x2;
	s0 =	simm.s32 $0x3  }
.LBB2_4:
0x19: {  	_ =	swait.ge [sflag:s2], $0x4000  }
0x1a: {  	[sflag:s2] =	ssyncset.done $0x0  }
0x1b: {  	[sflag:s2] =	ssyncadd.s32 $0xFFFFC000  }
0x1c: {  	_ =	swait.ge [sflag:s6], $0x4000  }
0x1d: {  	[sflag:s6] =	ssyncset.done $0x0  }
0x1e: {  	[sflag:s6] =	ssyncadd.s32 $0xFFFFC000  }
0x1f: {  	_ =	swait.ge [sflag:s7], $0x4000  }
0x20: {  	[sflag:s7] =	ssyncset.done $0x0  }
0x21: {  	[sflag:s7] =	ssyncadd.s32 $0xFFFFC000  }
0x22: {  	_ =	swait.ge [sflag:s8], $0x4000  }
0x23: {  	s9 =	rddreg [dreg:$0xf]  }
0x24: {  	s5 =	rddreg [dreg:$0x4];
	s9 =	sadd.s32 $0x1, s9  }
0x25: {  	p0 =	sne.s32 s9, s5  }
.Ltmp1:
0x26: {  	_ = 	snop;
	(pc) =	sbr.rel @!p0 .LBB2_5-.Ltmp1, $3  }
0x27: {  	_ =	sdelay $0x1  }
0x28: {  	s10 =	simm.s32 $0x1900;
	s11 =	simm.s32 $0x5900;
	[sflag:s8] =	ssyncset.done $0x0  }
0x29: {  	s12 =	simm.s32 $0x9900;
	s13 =	simm.s32 $0xD900;
	[sflag:s8] =	ssyncadd.s32 $0xFFFFC000  }
.LBB2_1:
0x2a: {  	[dreg:$0xf] =	wrdreg s9  }
0x2b: {  	s5 =	simm.s32 $0x0;
	s17 =	rddreg [dreg:$0x3];
	s18 =	simm.s32 $0xB  }
0x2c: {  	[tilespmem:s5], [sflag:$0xB] =	stream.linear.gather [hbm4b:s17+s5], $0x1900, $0x38;
	[tilespmem:$0x15900] =	vst v63  }
0x2d: {  	_ =	swait.ge [sflag:s18], $0x1900  }
0x2e: {  	s17 =	rddreg [dreg:$0xe]  }
0x2f: {  	s16 =	rddreg [dreg:$0xd]  }
0x30: {  	s15 =	rddreg [dreg:$0xc]  }
0x31: {  	s14 =	rddreg [dreg:$0xb]  }
0x32: {  	[sflag:s18] =	ssyncset.done $0x0;
	s9 =	rddreg [dreg:$0x5]  }
0x33: {  	[sflag:s18] =	ssyncadd.s32 $0xFFFFE700;
	s18 =	rddreg [dreg:$0x6]  }
0x34: {  	[tilespmem:s10], [sflag:$0x1] =	stream.indirect.gather [hbm4b:s3+s19], $0x40, s5, s19, $0xb8;
	[tilespmem:$0x15900] =	vst v63  }
0x35: {  	s5 =	rddreg [dreg:$0xa]  }
0x36: {  	[tilespmem:s11], [sflag:$0x2] =	stream.indirect.gather [hbm4b:s3+s19], $0x40, s19, s19, $0xb8;
	[tilespmem:$0x15900] =	vst v63  }
0x37: {  	s20 =	simm.s32 $0x200;
	s10 =	rddreg [dreg:$0x2]  }
0x38: {  	[tilespmem:s12], [sflag:$0x3] =	stream.indirect.gather [hbm4b:s3+s19], $0x40, s20, s19, $0xb8;
	[tilespmem:$0x15900] =	vst v63  }
0x39: {  	s23 =	simm.s32 $0x300;
	s25 =	simm.s32 $0x400;
	s11 =	rddreg [dreg:$0x7]  }
0x3a: {  	[tilespmem:s13], [sflag:$0x4] =	stream.indirect.gather [hbm4b:s3+s19], $0x40, s23, s19, $0xb8;
	[tilespmem:$0x15900] =	vst v63  }
0x3b: {  	s29 =	simm.s32 $0x1900;
	s28 =	simm.s32 $0x11900;
	s12 =	rddreg [dreg:$0x8]  }
0x3c: {  	[tilespmem:s21], [sflag:$0x5] =	stream.indirect.gather [hbm4b:s3+s19], $0x40, s25, s19, $0xb8;
	[tilespmem:$0x15900] =	vst v63  }
0x3d: {  	s20 =	simm.s32 $0x0;
	s13 =	rddreg [dreg:$0x9];
	s25 =	simm.s32 $0x9900  }
.LBB2_2:
0x3e: {  	s21 =	sadd.s32 $0xFFFFFC00, s10  }
0x3f: {  	s23 =	sand.u32 $0x1FFF800, s17;
	s21 =	sand.u32 $0x700, s21  }
0x40: {  	s21 =	sor.u32 s21, s23  }
0x41: {  	s23 =	sand.u32 $0x40, s16;
	s21 =	sshll.u32 s21, $0x7  }
0x42: {  	s21 =	sor.u32 s23, s21;
	s23 =	simm.s32 $0x1  }
0x43: {  	_ =	swait.ge [sflag:s23], $0x4000;
	s21 =	sadd.s32 $0xFE700000, s21  }
0x44: {  	[sflag:s23] =	ssyncset.done $0x0;
	s21 =	sshrl.u32 s21, $0x3  }
0x45: {  	[sflag:s23] =	ssyncadd.s32 $0xFFFFC000;
	s21 =	sadd.s32 s4, s21  }
0x46: {  	[hbm4b:s21+s30] =	stream.strided.scatter [tilespmem:s29], [sflag:$0x6], $0x4000, s31, s30, $0x38;
	[tilespmem:$0x15900] =	vst v63  }
0x47: {  	s21 =	sadd.s32 $0xFFFFFD00, s10  }
0x48: {  	s23 =	sand.u32 $0x1FFF800, s15;
	s21 =	sand.u32 $0x700, s21  }
0x49: {  	s21 =	sor.u32 s21, s23  }
0x4a: {  	s23 =	sand.u32 $0x40, s14;
	s21 =	sshll.u32 s21, $0x7  }
0x4b: {  	s21 =	sor.u32 s23, s21  }
0x4c: {  	_ =	swait.ge [sflag:s1], $0x4000;
	s21 =	sadd.s32 $0xFE700000, s21  }
0x4d: {  	[sflag:s1] =	ssyncset.done $0x0;
	s21 =	sshrl.u32 s21, $0x3  }
0x4e: {  	[sflag:s1] =	ssyncadd.s32 $0xFFFFC000;
	s23 =	simm.s32 $0x5900;
	s21 =	sadd.s32 s4, s21  }
0x4f: {  	[hbm4b:s21+s30] =	stream.strided.scatter [tilespmem:s23], [sflag:$0x7], $0x4000, s31, s30, $0x38;
	[tilespmem:$0x15900] =	vst v63  }
0x50: {  	s21 =	sadd.s32 $0xFFFFFE00, s10  }
0x51: {  	s23 =	sand.u32 $0x1FFF800, s5;
	s21 =	sand.u32 $0x700, s21  }
0x52: {  	s21 =	sor.u32 s21, s23  }
0x53: {  	s23 =	sand.u32 $0x40, s13;
	s21 =	sshll.u32 s21, $0x7  }
0x54: {  	s21 =	sor.u32 s23, s21  }
0x55: {  	_ =	swait.ge [sflag:s0], $0x4000;
	s21 =	sadd.s32 $0xFE700000, s21  }
0x56: {  	[sflag:s0] =	ssyncset.done $0x0;
	s21 =	sshrl.u32 s21, $0x3  }
0x57: {  	[sflag:s0] =	ssyncadd.s32 $0xFFFFC000;
	s21 =	sadd.s32 s4, s21  }
0x58: {  	[hbm4b:s21+s30] =	stream.strided.scatter [tilespmem:s25], [sflag:$0x8], $0x4000, s31, s30, $0x38;
	[tilespmem:$0x15900] =	vst v63  }
0x59: {  	s21 =	sadd.s32 $0xFFFFFF00, s10  }
0x5a: {  	s23 =	sand.u32 $0x1FFF800, s12;
	s21 =	sand.u32 $0x700, s21  }
0x5b: {  	s21 =	sor.u32 s21, s23  }
0x5c: {  	s23 =	sand.u32 $0x40, s11;
	s21 =	sshll.u32 s21, $0x7  }
0x5d: {  	s21 =	sor.u32 s23, s21  }
0x5e: {  	_ =	swait.ge [sflag:s22], $0x4000;
	s21 =	sadd.s32 $0xFE700000, s21  }
0x5f: {  	[sflag:s22] =	ssyncset.done $0x0;
	s21 =	sshrl.u32 s21, $0x3  }
0x60: {  	[sflag:s22] =	ssyncadd.s32 $0xFFFFC000;
	s23 =	simm.s32 $0xD900;
	s21 =	sadd.s32 s4, s21  }
0x61: {  	[hbm4b:s21+s30] =	stream.strided.scatter [tilespmem:s23], [sflag:$0x9], $0x4000, s31, s30, $0x38;
	[tilespmem:$0x15900] =	vst v63  }
0x62: {  	s21 =	sand.u32 $0x1FFF800, s18;
	s23 =	sand.u32 $0x700, s10  }
0x63: {  	s21 =	sor.u32 s23, s21  }
0x64: {  	s23 =	sand.u32 $0x40, s9;
	s21 =	sshll.u32 s21, $0x7  }
0x65: {  	s21 =	sor.u32 s23, s21  }
0x66: {  	_ =	swait.ge [sflag:s24], $0x4000;
	s21 =	sadd.s32 $0xFE700000, s21  }
0x67: {  	p0 =	seq.s32 s20, $0x5000;
	[sflag:s24] =	ssyncset.done $0x0;
	s21 =	sshrl.u32 s21, $0x3  }
.Ltmp2:
0x68: {  	[sflag:s24] =	ssyncadd.s32 $0xFFFFC000;
	s21 =	sadd.s32 s4, s21;
	(pc) =	sbr.rel @p0 .LBB2_4-.Ltmp2, $4  }
0x69: {  	[hbm4b:s21+s30] =	stream.strided.scatter [tilespmem:s28], [sflag:$0xA], $0x4000, s31, s30, $0x38;
	[tilespmem:$0x15900] =	vst v63  }
0x6a: {  	_ =	swait.ge [sflag:s26], $0x4000  }
0x6b: {  	[sflag:s26] =	ssyncset.done $0x0  }
0x6c: {  	s21 =	simm.s32 $0x11900;
	[sflag:s26] =	ssyncadd.s32 $0xFFFFC000  }
0x6d: {  	s21 =	sshra.s32 s20, $0x2  }
0x6e: {  	s23 =	sadd.s32 $0x500, s21  }
0x6f: {  	[tilespmem:s29], [sflag:$0x1] =	stream.indirect.gather [hbm4b:s3+s19], $0x40, s23, s19, $0xb8;
	[tilespmem:$0x15900] =	vst v63  }
0x70: {  	_ =	swait.ge [sflag:s2], $0x4000  }
0x71: {  	[sflag:s2] =	ssyncset.done $0x0  }
0x72: {  	s23 =	sadd.s32 $0x600, s21;
	s29 =	simm.s32 $0x5900;
	[sflag:s2] =	ssyncadd.s32 $0xFFFFC000  }
0x73: {  	[tilespmem:s29], [sflag:$0x2] =	stream.indirect.gather [hbm4b:s3+s19], $0x40, s23, s19, $0xb8;
	[tilespmem:$0x15900] =	vst v63  }
0x74: {  	s28 =	simm.s32 $0x11900;
	_ =	swait.ge [sflag:s6], $0x4000  }
0x75: {  	s20 =	sadd.s32 $0x1400, s20;
	s9 =	sadd.s32 $0x28, s9;
	[sflag:s6] =	ssyncset.done $0x0  }
0x76: {  	s18 =	sadd.s32 $0x280, s18;
	s23 =	sadd.s32 $0x700, s21;
	[sflag:s6] =	ssyncadd.s32 $0xFFFFC000  }
0x77: {  	[tilespmem:s25], [sflag:$0x3] =	stream.indirect.gather [hbm4b:s3+s19], $0x40, s23, s19, $0xb8;
	[tilespmem:$0x15900] =	vst v63  }
0x78: {  	s10 =	sadd.s32 $0x500, s10;
	s11 =	sadd.s32 $0x28, s11;
	_ =	swait.ge [sflag:s7], $0x4000  }
0x79: {  	s12 =	sadd.s32 $0x280, s12;
	s13 =	sadd.s32 $0x28, s13;
	[sflag:s7] =	ssyncset.done $0x0  }
0x7a: {  	s23 =	sadd.s32 $0x800, s21;
	s25 =	simm.s32 $0xD900;
	[sflag:s7] =	ssyncadd.s32 $0xFFFFC000  }
0x7b: {  	[tilespmem:s25], [sflag:$0x4] =	stream.indirect.gather [hbm4b:s3+s19], $0x40, s23, s19, $0xb8;
	[tilespmem:$0x15900] =	vst v63  }
.Ltmp3:
0x7c: {  	s5 =	sadd.s32 $0x280, s5;
	s14 =	sadd.s32 $0x28, s14;
	(pc) =	sbr.rel .LBB2_2-.Ltmp3, $4  }
0x7d: {  	s15 =	sadd.s32 $0x280, s15;
	s16 =	sadd.s32 $0x28, s16;
	_ =	swait.ge [sflag:s8], $0x4000  }
0x7e: {  	s17 =	sadd.s32 $0x280, s17;
	s29 =	simm.s32 $0x1900;
	[sflag:s8] =	ssyncset.done $0x0  }
0x7f: {  	s21 =	sadd.s32 $0x900, s21;
	s25 =	simm.s32 $0x9900;
	[sflag:s8] =	ssyncadd.s32 $0xFFFFC000  }
0x80: {  	[tilespmem:s28], [sflag:$0x5] =	stream.indirect.gather [hbm4b:s3+s19], $0x40, s21, s19, $0xb8;
	[tilespmem:$0x15900] =	vst v63  }
.LBB2_5:
0x81: {  	_ =	sfence.sel $0x180000  }
0x82: {  	[bflag:$0x0] =	sbarrier.arrive $0xFFFF  }
0x83: {  	_ =	strace $0x9000004D  }
0x84: {  	s0 =	stileid.u32;
	[bflag:$0x2] =	sbarrier.arrive $0xFFFF  }
0x85: {  	p0 =	sne.s32 s0, $0x0;
	s0 =	rddreg [dreg:$0x1]  }
0x86: {  	s0 =	sadd.s32 @!p0 $0x100000, s0  }
0x87: {  	[sflag:s0] =	ssyncadd.tile.s32 @!p0 $0x1;
	_ =	shalt  }
.Lfunc_end2:
_tile_overlayer_lowered:
.L_overlay_start_2:
0x88: {  	(tag) =	ssettag $0x2  }
0x89: {  	s0 =	rddreg [dreg:$0x0];
	s2 =	stileid.u32  }
0x8a: {  	s1 =	rddreg [dreg:$0x1];
	p0 =	sne.s32 s2, $0x0  }
0x8b: {  	s3 =	rddreg [dreg:$0x2];
	[bflag:$0x3] =	sbarrier.arrive $0xFFFF;
	s2 =	simm.s32 @!p0 $0x1C0B  }
0x8c: {  	[timem:s3], [sflag:s2] =	dma.local @!p0 [hbm:s0], s1  }
0x8d: {  	s0 =	simm.s32 @!p0 $0xB  }
0x8e: {  	_ =	swait.ge @!p0 [sflag:s0], s1  }
0x8f: {  	s1 =	ssub.s32 @!p0 $0x0, s1;
	[sflag:s0] =	ssyncset.done @!p0 $0x0  }
0x90: {  	[sflag:s0] =	ssyncadd.s32 @!p0 s1  }
0x91: {  	[bflag:$0x3] =	sbarrier.arrive $0xFFFF  }
0x92: {  	_ =	shalt  }

// kernel: kernel.19.cloned.1.call-start
scs
__scs_entry_jumppad:
0x0: {  	(pc) =	sbr.rel $0x88, $3  }
0x1: {  	(tag) =	ssettag $0x0;
	lr =	simm.s32 $0x1  }
0x2: {  	[smem:$0x3F9F] =	sst lr;
	_ =	strace $0xD0000000  }
0x3: {  	_ = 	snop  }
0x4: {  	_ = 	snop  }
0x5: {  	_ = 	snop  }
0x6: {  	_ = 	snop  }
0x7: {  	_ = 	snop  }
__scs_overlays_trampoline_lowered:
0x8: {  	[smem:$0x3FAE] =	sst s0  }
0x9: {  	[smem:$0x3FAF] =	sst s1  }
0xa: {  	[smem:$0x3FB0] =	sst s2  }
0xb: {  	[smem:$0x3FB1] =	sst s3  }
0xc: {  	[smem:$0x3FB2] =	sst s4  }
0xd: {  	[smem:$0x3FB3] =	sst s5  }
0xe: {  	[smem:$0x3FB4] =	sst s6  }
0xf: {  	[smem:$0x3FB5] =	sst s7  }
0x10: {  	[smem:$0x3FB6] =	sst s8  }
0x11: {  	[smem:$0x3FB7] =	sst s9;
	s0 =	simm.s32 @!p0 $0x0  }
0x12: {  	s1 =	sld [smem:$0x3F9D];
	s0 =	simm.s32 @p0 $0x1  }
0x13: {  	[smem:$0x3FB8] =	sst s0;
	s0 =	simm.s32 @!p1 $0x0  }
0x14: {  	s2 =	sld [smem:$0x3F9C];
	s0 =	simm.s32 @p1 $0x1  }
0x15: {  	[smem:$0x3FB9] =	sst s0;
	s0 =	simm.s32 @!p2 $0x0  }
0x16: {  	s3 =	sld [smem:$0x3FDB];
	s0 =	simm.s32 @p2 $0x1  }
0x17: {  	s4 =	simm.s32 $0x1BF5;
	[smem:$0x3FBB] =	sst s0  }
0x18: {  	s0 =	sld [smem:$0x3F9E];
	_ =	swait.ge [sflag:s4], $0x0  }
0x19: {  	s7 =	sld [smem:$0x3F9F]  }
0x1a: {  	s8 =	sadd.s32 $0xFFFFE003, lr  }
0x1b: {  	s9 =	sadd.s32 $0xFFFFFEF7, lr;
	s5 =	simm.s32 $0xFFFFFFFF;
	p2 =	slt.u32 s8, $0xFFFFF086  }
0x1c: {  	p1 =	slt.u32 s9, $0xF7A;
	s5 =	simm.s32 @!p2 $0x0  }
0x1d: {  	s5 =	simm.s32 @p1 $0x1;
	p0 =	seq.s32 s7, s2  }
0x1e: {  	s7 =	smul.u32 @!p0 $0xF7A, s2;
	p2 =	seq.s32 @!p0 s5, $0x0  }
0x1f: {  	s9 =	smul.u32 $0xF7A, s1;
	s8 =	simm.s32 @!p0 $0x1BF5;
	p2 =	por !p2, p0  }
0x20: {  	[sflag:s8] =	ssyncset.s32 @!p0 $0xFFFFF086;
	s6 =	sadd.s32 @!p0 s3, s7;
	s7 =	simm.s32 @!p0 $0x108  }
0x21: {  	s3 =	sadd.s32 s3, s9;
	s6 =	sadd.s32 @!p0 $0x88, s6;
	s7 =	simm.s32 @p2 $0x1082  }
0x22: {  	[simem:s7], [sflag:s8] =	dma.local @!p0 [hbm:s6], $0xF7A  }
0x23: {  	s9 =	sor.u32 $0xD0000000, s2;
	s6 =	simm.s32 $0x108;
	_ =	swait.ge @!p0 [sflag:s8], $0x0  }
0x24: {  	s3 =	sadd.s32 $0x88, s3;
	s6 =	simm.s32 @!p1 $0x1082;
	[sflag:s4] =	ssyncset.s32 $0xFFFFF086  }
0x25: {  	[simem:s6], [sflag:s4] =	dma.local [hbm:s3], $0xF7A  }
0x26: {  	[smem:$0x3F9F] =	sst s1;
	(tag) =	ssettag s2;
	_ =	strace s9  }
0x27: {  	s1 =	sld [smem:$0x3FAF]  }
0x28: {  	s2 =	sld [smem:$0x3FB0]  }
0x29: {  	s4 =	sld [smem:$0x3FB2]  }
0x2a: {  	p0 =	seq.s32 s5, $0x0;
	s5 =	sld [smem:$0x3FB3]  }
0x2b: {  	s6 =	sld [smem:$0x3FB4]  }
0x2c: {  	s7 =	sld [smem:$0x3FB5]  }
0x2d: {  	s3 =	simm.s32 $0x108;
	s8 =	sld [smem:$0x3FB6]  }
0x2e: {  	s3 =	simm.s32 @!p0 $0x1082;
	s9 =	sld [smem:$0x3FB7]  }
0x2f: {  	lr =	sadd.s32 s0, s3;
	s0 =	sld [smem:$0x3FAE]  }
0x30: {  	s3 =	sld [smem:$0x3FB1]  }
0x31: {  	[smem:$0x3FBA] =	sst s10  }
0x32: {  	s10 =	sld [smem:$0x3FB8];
	_ =	sdelay $0x3  }
0x33: {  	p0 =	seq.s32 s10, $0x1;
	s10 =	sld [smem:$0x3FBA];
	_ =	sdelay $0x3  }
0x34: {  	[smem:$0x3FBA] =	sst s10  }
0x35: {  	s10 =	sld [smem:$0x3FB9];
	_ =	sdelay $0x3  }
0x36: {  	p1 =	seq.s32 s10, $0x1;
	s10 =	sld [smem:$0x3FBA];
	_ =	sdelay $0x3  }
0x37: {  	[smem:$0x3FBA] =	sst s10  }
0x38: {  	s10 =	sld [smem:$0x3FBB]  }
0x39: {  	_ = 	snop;
	(pc) =	sbr.ind lr, $3  }
0x3a: {  	_ = 	snop  }
0x3b: {  	_ = 	snop  }
0x3c: {  	p2 =	seq.s32 s10, $0x1;
	s10 =	sld [smem:$0x3FBA]  }
0x3d: {  	_ =	shalt  }
0x3e: {  	_ =	shalt  }
0x3f: {  	_ =	shalt  }
0x40: {  	_ =	shalt  }
0x41: {  	_ =	shalt  }
0x42: {  	_ =	shalt  }
0x43: {  	_ =	shalt  }
0x44: {  	_ =	shalt  }
0x45: {  	_ =	shalt  }
0x46: {  	_ =	shalt  }
0x47: {  	_ =	shalt  }
0x48: {  	_ =	shalt  }
0x49: {  	_ =	shalt  }
0x4a: {  	_ =	shalt  }
0x4b: {  	_ =	shalt  }
0x4c: {  	_ =	shalt  }
0x4d: {  	_ =	shalt  }
0x4e: {  	_ =	shalt  }
0x4f: {  	_ =	shalt  }
0x50: {  	_ =	shalt  }
0x51: {  	_ =	shalt  }
0x52: {  	_ =	shalt  }
0x53: {  	_ =	shalt  }
0x54: {  	_ =	shalt  }
0x55: {  	_ =	shalt  }
0x56: {  	_ =	shalt  }
0x57: {  	_ =	shalt  }
0x58: {  	_ =	shalt  }
0x59: {  	_ =	shalt  }
0x5a: {  	_ =	shalt  }
0x5b: {  	_ =	shalt  }
0x5c: {  	_ =	shalt  }
0x5d: {  	_ =	shalt  }
0x5e: {  	_ =	shalt  }
0x5f: {  	_ =	shalt  }
0x60: {  	_ =	shalt  }
0x61: {  	_ =	shalt  }
0x62: {  	_ =	shalt  }
0x63: {  	_ =	shalt  }
0x64: {  	_ =	shalt  }
0x65: {  	_ =	shalt  }
0x66: {  	_ =	shalt  }
0x67: {  	_ =	shalt  }
0x68: {  	_ =	shalt  }
0x69: {  	_ =	shalt  }
0x6a: {  	_ =	shalt  }
0x6b: {  	_ =	shalt  }
0x6c: {  	_ =	shalt  }
0x6d: {  	_ =	shalt  }
0x6e: {  	_ =	shalt  }
0x6f: {  	_ =	shalt  }
0x70: {  	_ =	shalt  }
0x71: {  	_ =	shalt  }
0x72: {  	_ =	shalt  }
0x73: {  	_ =	shalt  }
0x74: {  	_ =	shalt  }
0x75: {  	_ =	shalt  }
0x76: {  	_ =	shalt  }
0x77: {  	_ =	shalt  }
0x78: {  	_ =	shalt  }
0x79: {  	_ =	shalt  }
0x7a: {  	_ =	shalt  }
0x7b: {  	_ =	shalt  }
0x7c: {  	_ =	shalt  }
0x7d: {  	_ =	shalt  }
0x7e: {  	_ =	shalt  }
0x7f: {  	_ =	shalt  }
0x80: {  	_ =	shalt  }
0x81: {  	_ =	shalt  }
0x82: {  	_ =	shalt  }
0x83: {  	_ =	shalt  }
0x84: {  	_ =	shalt  }
0x85: {  	_ =	shalt  }
0x86: {  	_ =	shalt  }
0x87: {  	_ =	shalt  }
.Lfunc_end0:
.L_simem_size_0:
called_computation.3_lowered:
.L_overlay_start_0:
0x88: {  	s2 =	sld [smem:$0x3FD9]  }
0x89: {  	s3 =	sld [smem:$0x3FFE];
	_ =	sdelay $0x1  }
0x8a: {  	s1 =	srdreg.scid  }
0x8b: {  	s0 =	sand.u32 $0x1, s1  }
0x8c: {  	s17 =	sshll.u32 s0, $0xA;
	s2 =	sadd.s32 s3, s2  }
0x8d: {  	s2 =	sadd.s32 s2, s17  }
0x8e: {  	[smem:$0x3FC6] =	sst s2  }
0x8f: {  	_ = 	snop  }
0x90: {  	(tm) =	ssettm $0x1  }
0x91: {  	s18 =	sld [smem:$0x3FFB];
	_ =	sdelay $0x3  }
0x92: {  	_ =	strace s18  }
0x93: {  	s2 =	sld [smem:$0x3FFC];
	_ =	sdelay $0x3  }
0x94: {  	_ =	strace s2  }
0x95: {  	s2 =	sld [smem:$0x3FFD];
	_ =	sdelay $0x3  }
0x96: {  	_ =	strace s2  }
0x97: {  	_ =	strace $0x8FFFFFFF  }
0x98: {  	s19 =	sld [smem:$0x3FDB];
	_ =	sdelay $0x1  }
0x99: {  	s20 =	simm.s32 $_scs_section_size  }
0x9a: {  	s4 =	simm.s32 $_size__tile_overlayer_lowered;
	s5 =	simm.s32 $_tile_overlayer_lowered  }
0x9b: {  	s6 =	simm.s32 $0x1BFF;
	s21 =	sshll.u32 s5, $0x1;
	s3 =	sadd.s32 s20, s19  }
0x9c: {  	s22 =	simm.s32 $0x0;
	s4 =	sshll.u32 s4, $0x1;
	s5 =	sadd.s32 s21, s3  }
0x9d: {  	[timem:s22], [sflag:s6] =	dma.local [hbm:s5], s4  }
0x9e: {  	_ =	swait.ge [sflag:s6], s4  }
0x9f: {  	s4 =	ssub.s32 $0x0, s4;
	[sflag:s6] =	ssyncset.done $0x0  }
0xa0: {  	[sflag:s6] =	ssyncadd.s32 s4;
	_ =	sdelay $0x1  }
0xa1: {  	s23 =	simm.s32 $0x1B8B  }
0xa2: {  	_ =	swait.ge [sflag:s23], $0x1  }
0xa3: {  	[sflag:s23] =	ssyncset.done $0x0  }
0xa4: {  	[sflag:s23] =	ssyncadd.s32 $0xFFFFFFFF  }
0xa5: {  	s4 =	sld [smem:$0x0]  }
0xa6: {  	s5 =	sand.u32 $0xFFFFFFFE, s1  }
0xa7: {  	p0 =	sne.s32 s1, s5  }
0xa8: {  	s5 =	sshll.u32 @p0 s5, $0xE  }
0xa9: {  	s5 =	sadd.s32 @p0 $0x11B8D, s5;
	s6 =	sshll.u32 @p0 s4, $0x11  }
0xaa: {  	s5 =	sor.u32 @p0 s6, s5  }
0xab: {  	[sflag:s5] =	ssyncadd.remote.s32 @p0 $0x1;
	_ =	sdelay $0x1  }
0xac: {  	s5 =	simm.s32 @p0 $0x1B8D  }
0xad: {  	_ =	swait.eq @p0 [sflag:s5], $0x1  }
0xae: {  	[sflag:s5] =	ssyncadd.s32 @p0 $0xFFFFFFFF  }
0xaf: {  	s6 =	sshll.u32 @!p0 s1, $0xE  }
0xb0: {  	s6 =	sor.u32 @!p0 $0x4000, s6;
	s5 =	simm.s32 @!p0 $0x1B8D  }
0xb1: {  	s4 =	sshll.u32 @!p0 s4, $0x11;
	s6 =	sadd.s32 @!p0 $0x11B8D, s6;
	_ =	swait.eq @!p0 [sflag:s5], $0x1  }
0xb2: {  	s4 =	sor.u32 @!p0 s4, s6;
	[sflag:s5] =	ssyncadd.s32 @!p0 $0xFFFFFFFF  }
0xb3: {  	s25 =	simm.s32 $0x1B8E;
	s24 =	sld [smem:$0x3FFE];
	[sflag:s4] =	ssyncadd.remote.s32 @!p0 $0x1  }
0xb4: {  	s26 =	simm.s32 $execute0_lowered;
	[smem:$0x3FD2] =	sst s25  }
0xb5: {  	s5 =	sshll.u32 s26, $0x1;
	_ =	strace $0x8000004F;
	[dreg:$0x1] =	wrdreg $0xFFFFFFFF  }
0xb6: {  	s28 =	simm.s32 $_size_execute0_lowered;
	s3 =	sadd.s32 s3, s5;
	[dreg:$0x0] =	wrdreg $0x0  }
0xb7: {  	s5 =	sshll.u32 s28, $0x1;
	[dreg:$0x2] =	wrdreg s3  }
0xb8: {  	[dreg:$0x3] =	wrdreg s5  }
0xb9: {  	[dreg:$0x4] =	wrdreg $0xC0  }
0xba: {  	_ =	task [dreg:s22], $0x5FFFF  }
0xbb: {  	[dreg:$0x1] =	wrdreg $0xFFFFFFFF  }
0xbc: {  	[dreg:$0x0] =	wrdreg $0x60  }
0xbd: {  	[dreg:$0x2] =	wrdreg s24  }
0xbe: {  	[dreg:$0x3] =	wrdreg $0xC  }
0xbf: {  	_ =	task.clear_ibuf [dreg:s22], $0x4FFFF;
	_ =	strace $0x9000004F  }
0xc0: {  	s29 =	simm.s32 $0xC;
	_ =	strace $0x80000051  }
0xc1: {  	_ =	swait.ge [sflag:s29], $0x1  }
0xc2: {  	[sflag:s29] =	ssyncadd.s32 $0xFFFFFFFF  }
0xc3: {  	_ =	strace $0x90000051  }
0xc4: {  	_ =	sfence  }
0xc5: {  	s30 =	sld [smem:$0x0];
	_ =	sdelay $0x2  }
0xc6: {  	s31 =	sshll.u32 s1, $0xD;
	s1 =	sshrl.u32 s1, $0x2  }
0xc7: {  	s4 =	sand.u32 $0x4000, s31;
	s1 =	sadd.s32 s1, s30  }
0xc8: {  	s0 =	sor.u32 s4, s0;
	s1 =	sshll.u32 s1, $0x11  }
0xc9: {  	s0 =	sor.u32 s1, s0  }
0xca: {  	s0 =	sadd.s32 $0x8F2B, s0  }
0xcb: {  	[sflag:s0] =	ssyncadd.remote.s32 $0x1  }
0xcc: {  	_ =	sfence.sel $0xFFFF  }
0xcd: {  	[dreg:$0x0] =	wrdreg $0xFFFFFFFF;
	(pc) =	sbr.abs _section_cstart, $3  }
0xce: {  	[dreg:$0x1] =	wrdreg $0xFFFFFFFF  }
0xcf: {  	_ =	task.clear_ibuf [dreg:s22], $0x2FFFF;
	_ =	strace $0x9FFFFFFF  }
0xd0: {  	(tm) =	ssettm $0x7FFFFFFF  }
0xd1: {  	_ =	shalt  }
tec
execute0_lowered:
.L_overlay_start_1:
0x0: {  	(tag) =	ssettag $0x1  }
0x1: {  	s0 =	srdreg.scid  }
0x2: {  	s3 =	stileid.u32;
	s2 =	rddreg [dreg:$0x0]  }
0x3: {  	s4 =	simm.s32 $0x0;
	s10 =	simm.s32 $0x1900;
	s11 =	simm.s32 $0x5900  }
0x4: {  	s12 =	simm.s32 $0x9900;
	s13 =	simm.s32 $0xD900;
	s30 =	simm.s32 $0x40  }
0x5: {  	s31 =	simm.s32 $0x80;
	s8 =	simm.s32 $0xA;
	s9 =	simm.s32 $0x0  }
0x6: {  	s0 =	sand.u32 $0x1, s0;
	s1 =	sshll.u32 s3, $0x1;
	[smem:$0x7FF] =	sst s4  }
0x7: {  	s5 =	smul.u32 $0x3200, s3;
	s3 =	sadd.s32 $0x1200, s2;
	s4 =	sadd.s32 $0x58D800, s2  }
0x8: {  	s1 =	sor.u32 s0, s1;
	s6 =	smul.u32 $0x1900, s0;
	s0 =	ssub.s32 $0x2, s0  }
0x9: {  	_ =	strace $0x80000050;
	s1 =	smul.u32 $0x1900, s1;
	s7 =	sshrl.u32 s0, $0x1  }
0xa: {  	s5 =	sadd.s32 s6, s5;
	s0 =	ssub.s32 s0, s7;
	s6 =	simm.s32 $0x8  }
0xb: {  	s7 =	simm.s32 $0x9;
	s1 =	sshrl.u32 s1, $0x3;
	s0 =	smax.u32 s0, $0x1  }
0xc: {  	s16 =	sadd.s32 $0x96400, s5;
	s19 =	sadd.s32 $0x96300, s5;
	[dreg:$0x4] =	wrdreg s0  }
0xd: {  	s20 =	sadd.s32 $0x96200, s5;
	s17 =	sshrl.u32 s16, $0x5;
	[dreg:$0x2] =	wrdreg s16  }
0xe: {  	s24 =	sadd.s32 $0x96100, s5;
	s18 =	sshrl.u32 s16, $0x1;
	[dreg:$0x5] =	wrdreg s17  }
0xf: {  	s25 =	sadd.s32 $0x96000, s5;
	s21 =	sshrl.u32 s19, $0x5;
	[dreg:$0x6] =	wrdreg s18  }
0x10: {  	s1 =	sadd.s32 s2, s1;
	s0 =	sshrl.u32 s19, $0x1;
	[dreg:$0x7] =	wrdreg s21  }
0x11: {  	s22 =	sshrl.u32 s20, $0x5;
	s23 =	sshrl.u32 s20, $0x1;
	[dreg:$0x8] =	wrdreg s0  }
0x12: {  	s26 =	sshrl.u32 s24, $0x5;
	s28 =	sshrl.u32 s25, $0x5;
	[dreg:$0x9] =	wrdreg s22  }
0x13: {  	s29 =	sshrl.u32 s25, $0x1;
	s19 =	simm.s32 $0x100;
	[dreg:$0xa] =	wrdreg s23  }
.Ltmp0:
0x14: {  	s2 =	simm.s32 $0x7;
	[dreg:$0xb] =	wrdreg s26;
	(pc) =	sbr.rel .LBB2_1-.Ltmp0, $4  }
0x15: {  	s1 =	sadd.s32 $0xD7400, s1;
	s0 =	sshrl.u32 s24, $0x1;
	[dreg:$0xd] =	wrdreg s28  }
0x16: {  	[dreg:$0xe] =	wrdreg s29;
	s21 =	simm.s32 $0x11900;
	s22 =	simm.s32 $0x4  }
0x17: {  	s24 =	simm.s32 $0x5;
	s26 =	simm.s32 $0x6;
	[dreg:$0x3] =	wrdreg s1  }
0x18: {  	[dreg:$0xc] =	wrdreg s0;
	s1 =	simm.s32 $0x2;
	s0 =	simm.s32 $0x3  }
.LBB2_4:
0x19: {  	_ =	swait.ge [sflag:s2], $0x4000  }
0x1a: {  	[sflag:s2] =	ssyncset.done $0x0  }
0x1b: {  	[sflag:s2] =	ssyncadd.s32 $0xFFFFC000  }
0x1c: {  	_ =	swait.ge [sflag:s6], $0x4000  }
0x1d: {  	[sflag:s6] =	ssyncset.done $0x0  }
0x1e: {  	[sflag:s6] =	ssyncadd.s32 $0xFFFFC000  }
0x1f: {  	_ =	swait.ge [sflag:s7], $0x4000  }
0x20: {  	[sflag:s7] =	ssyncset.done $0x0  }
0x21: {  	[sflag:s7] =	ssyncadd.s32 $0xFFFFC000  }
0x22: {  	_ =	swait.ge [sflag:s8], $0x4000  }
0x23: {  	s9 =	rddreg [dreg:$0xf]  }
0x24: {  	s5 =	rddreg [dreg:$0x4];
	s9 =	sadd.s32 $0x1, s9  }
0x25: {  	p0 =	sne.s32 s9, s5  }
.Ltmp1:
0x26: {  	_ = 	snop;
	(pc) =	sbr.rel @!p0 .LBB2_5-.Ltmp1, $3  }
0x27: {  	_ =	sdelay $0x1  }
0x28: {  	s10 =	simm.s32 $0x1900;
	s11 =	simm.s32 $0x5900;
	[sflag:s8] =	ssyncset.done $0x0  }
0x29: {  	s12 =	simm.s32 $0x9900;
	s13 =	simm.s32 $0xD900;
	[sflag:s8] =	ssyncadd.s32 $0xFFFFC000  }
.LBB2_1:
0x2a: {  	[dreg:$0xf] =	wrdreg s9  }
0x2b: {  	s5 =	simm.s32 $0x0;
	s17 =	rddreg [dreg:$0x3];
	s18 =	simm.s32 $0xB  }
0x2c: {  	[tilespmem:s5], [sflag:$0xB] =	stream.linear.gather [hbm4b:s17+s5], $0x1900, $0x38;
	[tilespmem:$0x15900] =	vst v63  }
0x2d: {  	_ =	swait.ge [sflag:s18], $0x1900  }
0x2e: {  	s17 =	rddreg [dreg:$0xe]  }
0x2f: {  	s16 =	rddreg [dreg:$0xd]  }
0x30: {  	s15 =	rddreg [dreg:$0xc]  }
0x31: {  	s14 =	rddreg [dreg:$0xb]  }
0x32: {  	[sflag:s18] =	ssyncset.done $0x0;
	s9 =	rddreg [dreg:$0x5]  }
0x33: {  	[sflag:s18] =	ssyncadd.s32 $0xFFFFE700;
	s18 =	rddreg [dreg:$0x6]  }
0x34: {  	[tilespmem:s10], [sflag:$0x1] =	stream.indirect.gather [hbm4b:s3+s19], $0x40, s5, s19, $0xb8;
	[tilespmem:$0x15900] =	vst v63  }
0x35: {  	s5 =	rddreg [dreg:$0xa]  }
0x36: {  	[tilespmem:s11], [sflag:$0x2] =	stream.indirect.gather [hbm4b:s3+s19], $0x40, s19, s19, $0xb8;
	[tilespmem:$0x15900] =	vst v63  }
0x37: {  	s20 =	simm.s32 $0x200;
	s10 =	rddreg [dreg:$0x2]  }
0x38: {  	[tilespmem:s12], [sflag:$0x3] =	stream.indirect.gather [hbm4b:s3+s19], $0x40, s20, s19, $0xb8;
	[tilespmem:$0x15900] =	vst v63  }
0x39: {  	s23 =	simm.s32 $0x300;
	s25 =	simm.s32 $0x400;
	s11 =	rddreg [dreg:$0x7]  }
0x3a: {  	[tilespmem:s13], [sflag:$0x4] =	stream.indirect.gather [hbm4b:s3+s19], $0x40, s23, s19, $0xb8;
	[tilespmem:$0x15900] =	vst v63  }
0x3b: {  	s29 =	simm.s32 $0x1900;
	s28 =	simm.s32 $0x11900;
	s12 =	rddreg [dreg:$0x8]  }
0x3c: {  	[tilespmem:s21], [sflag:$0x5] =	stream.indirect.gather [hbm4b:s3+s19], $0x40, s25, s19, $0xb8;
	[tilespmem:$0x15900] =	vst v63  }
0x3d: {  	s20 =	simm.s32 $0x0;
	s13 =	rddreg [dreg:$0x9];
	s25 =	simm.s32 $0x9900  }
.LBB2_2:
0x3e: {  	s21 =	sadd.s32 $0xFFFFFC00, s10  }
0x3f: {  	s23 =	sand.u32 $0x1FFF800, s17;
	s21 =	sand.u32 $0x700, s21  }
0x40: {  	s21 =	sor.u32 s21, s23  }
0x41: {  	s23 =	sand.u32 $0x40, s16;
	s21 =	sshll.u32 s21, $0x7  }
0x42: {  	s21 =	sor.u32 s23, s21;
	s23 =	simm.s32 $0x1  }
0x43: {  	_ =	swait.ge [sflag:s23], $0x4000;
	s21 =	sadd.s32 $0xFDA80000, s21  }
0x44: {  	[sflag:s23] =	ssyncset.done $0x0;
	s21 =	sshrl.u32 s21, $0x3  }
0x45: {  	[sflag:s23] =	ssyncadd.s32 $0xFFFFC000;
	s21 =	sadd.s32 s4, s21  }
0x46: {  	[hbm4b:s21+s30] =	stream.strided.scatter [tilespmem:s29], [sflag:$0x6], $0x4000, s31, s30, $0x38;
	[tilespmem:$0x15900] =	vst v63  }
0x47: {  	s21 =	sadd.s32 $0xFFFFFD00, s10  }
0x48: {  	s23 =	sand.u32 $0x1FFF800, s15;
	s21 =	sand.u32 $0x700, s21  }
0x49: {  	s21 =	sor.u32 s21, s23  }
0x4a: {  	s23 =	sand.u32 $0x40, s14;
	s21 =	sshll.u32 s21, $0x7  }
0x4b: {  	s21 =	sor.u32 s23, s21  }
0x4c: {  	_ =	swait.ge [sflag:s1], $0x4000;
	s21 =	sadd.s32 $0xFDA80000, s21  }
0x4d: {  	[sflag:s1] =	ssyncset.done $0x0;
	s21 =	sshrl.u32 s21, $0x3  }
0x4e: {  	[sflag:s1] =	ssyncadd.s32 $0xFFFFC000;
	s23 =	simm.s32 $0x5900;
	s21 =	sadd.s32 s4, s21  }
0x4f: {  	[hbm4b:s21+s30] =	stream.strided.scatter [tilespmem:s23], [sflag:$0x7], $0x4000, s31, s30, $0x38;
	[tilespmem:$0x15900] =	vst v63  }
0x50: {  	s21 =	sadd.s32 $0xFFFFFE00, s10  }
0x51: {  	s23 =	sand.u32 $0x1FFF800, s5;
	s21 =	sand.u32 $0x700, s21  }
0x52: {  	s21 =	sor.u32 s21, s23  }
0x53: {  	s23 =	sand.u32 $0x40, s13;
	s21 =	sshll.u32 s21, $0x7  }
0x54: {  	s21 =	sor.u32 s23, s21  }
0x55: {  	_ =	swait.ge [sflag:s0], $0x4000;
	s21 =	sadd.s32 $0xFDA80000, s21  }
0x56: {  	[sflag:s0] =	ssyncset.done $0x0;
	s21 =	sshrl.u32 s21, $0x3  }
0x57: {  	[sflag:s0] =	ssyncadd.s32 $0xFFFFC000;
	s21 =	sadd.s32 s4, s21  }
0x58: {  	[hbm4b:s21+s30] =	stream.strided.scatter [tilespmem:s25], [sflag:$0x8], $0x4000, s31, s30, $0x38;
	[tilespmem:$0x15900] =	vst v63  }
0x59: {  	s21 =	sadd.s32 $0xFFFFFF00, s10  }
0x5a: {  	s23 =	sand.u32 $0x1FFF800, s12;
	s21 =	sand.u32 $0x700, s21  }
0x5b: {  	s21 =	sor.u32 s21, s23  }
0x5c: {  	s23 =	sand.u32 $0x40, s11;
	s21 =	sshll.u32 s21, $0x7  }
0x5d: {  	s21 =	sor.u32 s23, s21  }
0x5e: {  	_ =	swait.ge [sflag:s22], $0x4000;
	s21 =	sadd.s32 $0xFDA80000, s21  }
0x5f: {  	[sflag:s22] =	ssyncset.done $0x0;
	s21 =	sshrl.u32 s21, $0x3  }
0x60: {  	[sflag:s22] =	ssyncadd.s32 $0xFFFFC000;
	s23 =	simm.s32 $0xD900;
	s21 =	sadd.s32 s4, s21  }
0x61: {  	[hbm4b:s21+s30] =	stream.strided.scatter [tilespmem:s23], [sflag:$0x9], $0x4000, s31, s30, $0x38;
	[tilespmem:$0x15900] =	vst v63  }
0x62: {  	s21 =	sand.u32 $0x1FFF800, s18;
	s23 =	sand.u32 $0x700, s10  }
0x63: {  	s21 =	sor.u32 s23, s21  }
0x64: {  	s23 =	sand.u32 $0x40, s9;
	s21 =	sshll.u32 s21, $0x7  }
0x65: {  	s21 =	sor.u32 s23, s21  }
0x66: {  	_ =	swait.ge [sflag:s24], $0x4000;
	s21 =	sadd.s32 $0xFDA80000, s21  }
0x67: {  	p0 =	seq.s32 s20, $0x5000;
	[sflag:s24] =	ssyncset.done $0x0;
	s21 =	sshrl.u32 s21, $0x3  }
.Ltmp2:
0x68: {  	[sflag:s24] =	ssyncadd.s32 $0xFFFFC000;
	s21 =	sadd.s32 s4, s21;
	(pc) =	sbr.rel @p0 .LBB2_4-.Ltmp2, $4  }
0x69: {  	[hbm4b:s21+s30] =	stream.strided.scatter [tilespmem:s28], [sflag:$0xA], $0x4000, s31, s30, $0x38;
	[tilespmem:$0x15900] =	vst v63  }
0x6a: {  	_ =	swait.ge [sflag:s26], $0x4000  }
0x6b: {  	[sflag:s26] =	ssyncset.done $0x0  }
0x6c: {  	s21 =	simm.s32 $0x11900;
	[sflag:s26] =	ssyncadd.s32 $0xFFFFC000  }
0x6d: {  	s21 =	sshra.s32 s20, $0x2  }
0x6e: {  	s23 =	sadd.s32 $0x500, s21  }
0x6f: {  	[tilespmem:s29], [sflag:$0x1] =	stream.indirect.gather [hbm4b:s3+s19], $0x40, s23, s19, $0xb8;
	[tilespmem:$0x15900] =	vst v63  }
0x70: {  	_ =	swait.ge [sflag:s2], $0x4000  }
0x71: {  	[sflag:s2] =	ssyncset.done $0x0  }
0x72: {  	s23 =	sadd.s32 $0x600, s21;
	s29 =	simm.s32 $0x5900;
	[sflag:s2] =	ssyncadd.s32 $0xFFFFC000  }
0x73: {  	[tilespmem:s29], [sflag:$0x2] =	stream.indirect.gather [hbm4b:s3+s19], $0x40, s23, s19, $0xb8;
	[tilespmem:$0x15900] =	vst v63  }
0x74: {  	s28 =	simm.s32 $0x11900;
	_ =	swait.ge [sflag:s6], $0x4000  }
0x75: {  	s20 =	sadd.s32 $0x1400, s20;
	s9 =	sadd.s32 $0x28, s9;
	[sflag:s6] =	ssyncset.done $0x0  }
0x76: {  	s18 =	sadd.s32 $0x280, s18;
	s23 =	sadd.s32 $0x700, s21;
	[sflag:s6] =	ssyncadd.s32 $0xFFFFC000  }
0x77: {  	[tilespmem:s25], [sflag:$0x3] =	stream.indirect.gather [hbm4b:s3+s19], $0x40, s23, s19, $0xb8;
	[tilespmem:$0x15900] =	vst v63  }
0x78: {  	s10 =	sadd.s32 $0x500, s10;
	s11 =	sadd.s32 $0x28, s11;
	_ =	swait.ge [sflag:s7], $0x4000  }
0x79: {  	s12 =	sadd.s32 $0x280, s12;
	s13 =	sadd.s32 $0x28, s13;
	[sflag:s7] =	ssyncset.done $0x0  }
0x7a: {  	s23 =	sadd.s32 $0x800, s21;
	s25 =	simm.s32 $0xD900;
	[sflag:s7] =	ssyncadd.s32 $0xFFFFC000  }
0x7b: {  	[tilespmem:s25], [sflag:$0x4] =	stream.indirect.gather [hbm4b:s3+s19], $0x40, s23, s19, $0xb8;
	[tilespmem:$0x15900] =	vst v63  }
.Ltmp3:
0x7c: {  	s5 =	sadd.s32 $0x280, s5;
	s14 =	sadd.s32 $0x28, s14;
	(pc) =	sbr.rel .LBB2_2-.Ltmp3, $4  }
0x7d: {  	s15 =	sadd.s32 $0x280, s15;
	s16 =	sadd.s32 $0x28, s16;
	_ =	swait.ge [sflag:s8], $0x4000  }
0x7e: {  	s17 =	sadd.s32 $0x280, s17;
	s29 =	simm.s32 $0x1900;
	[sflag:s8] =	ssyncset.done $0x0  }
0x7f: {  	s21 =	sadd.s32 $0x900, s21;
	s25 =	simm.s32 $0x9900;
	[sflag:s8] =	ssyncadd.s32 $0xFFFFC000  }
0x80: {  	[tilespmem:s28], [sflag:$0x5] =	stream.indirect.gather [hbm4b:s3+s19], $0x40, s21, s19, $0xb8;
	[tilespmem:$0x15900] =	vst v63  }
.LBB2_5:
0x81: {  	_ =	sfence.sel $0x180000  }
0x82: {  	[bflag:$0x0] =	sbarrier.arrive $0xFFFF  }
0x83: {  	_ =	strace $0x90000050  }
0x84: {  	s0 =	stileid.u32;
	[bflag:$0x2] =	sbarrier.arrive $0xFFFF  }
0x85: {  	p0 =	sne.s32 s0, $0x0;
	s0 =	rddreg [dreg:$0x1]  }
0x86: {  	s0 =	sadd.s32 @!p0 $0x100000, s0  }
0x87: {  	[sflag:s0] =	ssyncadd.tile.s32 @!p0 $0x1;
	_ =	shalt  }
.Lfunc_end2:
_tile_overlayer_lowered:
.L_overlay_start_2:
0x88: {  	(tag) =	ssettag $0x2  }
0x89: {  	s0 =	rddreg [dreg:$0x0];
	s2 =	stileid.u32  }
0x8a: {  	s1 =	rddreg [dreg:$0x1];
	p0 =	sne.s32 s2, $0x0  }
0x8b: {  	s3 =	rddreg [dreg:$0x2];
	[bflag:$0x3] =	sbarrier.arrive $0xFFFF;
	s2 =	simm.s32 @!p0 $0x1C0B  }
0x8c: {  	[timem:s3], [sflag:s2] =	dma.local @!p0 [hbm:s0], s1  }
0x8d: {  	s0 =	simm.s32 @!p0 $0xB  }
0x8e: {  	_ =	swait.ge @!p0 [sflag:s0], s1  }
0x8f: {  	s1 =	ssub.s32 @!p0 $0x0, s1;
	[sflag:s0] =	ssyncset.done @!p0 $0x0  }
0x90: {  	[sflag:s0] =	ssyncadd.s32 @!p0 s1  }
0x91: {  	[bflag:$0x3] =	sbarrier.arrive $0xFFFF  }
0x92: {  	_ =	shalt  }

</sc_bundles>
